<compile_context>
chip_gen: v7x
topology: tpu7x:2x2x1
jax: 0.10.2.dev20260603
libtpu: 0.0.44.dev20260713+nightly
codegen_flags: <defaults>
</compile_context>

<pallas_src>
import functools

import jax
import jax.numpy as jnp
from jax import lax
from jax.experimental import pallas as pl
from jax.experimental.pallas import tpu as pltpu
from jax.experimental.pallas import tpu_sc as plsc

L = 32768
H = 1024
K = 4
EPS = 1e-12

NC = 2
NS = 16
LANES = 16
NW = NC * NS
RPW = L // NW
RB = 16
NCHUNK = RPW // RB
NV = H // LANES

_GDN = lax.GatherDimensionNumbers(
    offset_dims=(), collapsed_slice_dims=(0,), start_index_map=(0,))


def _perm(v, idx):
    return lax.gather(v, idx[:, None], dimension_numbers=_GDN,
                      slice_sizes=(1,),
                      mode=lax.GatherScatterMode.PROMISE_IN_BOUNDS)


def _hsum16(v, lanes):
    for d in (8, 4, 2, 1):
        v = v + _perm(v, lanes ^ d)
    return v


def _rsqrt_vec(x):
    i = plsc.bitcast(x, jnp.int32)
    i = jnp.full((LANES,), 0x5F3759DF, jnp.int32) - (i >> 1)
    y = plsc.bitcast(i, jnp.float32)
    for _ in range(3):
        y = y * (1.5 - 0.5 * x * y * y)
    return y


def _sc_body(in_hbm, tab_hbm, gam_hbm, bet_hbm, idx_hbm, out_hbm,
             idx_all, in_b, pos_b, gam_v, bet_v, sem_in, sem_pos, sem_out):
    wid = lax.axis_index("s") * NC + lax.axis_index("c")
    base = wid * RPW
    pltpu.sync_copy(gam_hbm, gam_v)
    pltpu.sync_copy(bet_hbm, bet_v)
    pltpu.sync_copy(idx_hbm.at[pl.ds(base, RPW)], idx_all)

    def fill(b, c):
        r0 = base + c * RB
        pltpu.async_copy(in_hbm.at[pl.ds(r0, RB)], in_b[b], sem_in[b])
        pltpu.async_copy(tab_hbm.at[idx_all.at[pl.ds(c * RB, RB)]],
                         pos_b[b], sem_pos[b])

    def compute(b):
        iv = in_b[b]
        pv = pos_b[b]
        lanes = lax.iota(jnp.int32, LANES)

        def row_body(r, carry):
            acc = [jnp.zeros((LANES,), jnp.float32) for _ in range(4)]
            acc2 = [jnp.zeros((LANES,), jnp.float32) for _ in range(4)]
            for j in range(NV):
                sl = pl.ds(j * LANES, LANES)
                v = iv[r, sl] + pv[r, sl]
                iv[r, sl] = v
                acc[j % 4] = acc[j % 4] + v
                acc2[j % 4] = acc2[j % 4] + v * v
            s = (acc[0] + acc[1]) + (acc[2] + acc[3])
            s2 = (acc2[0] + acc2[1]) + (acc2[2] + acc2[3])
            mu = _hsum16(s, lanes) * (1.0 / H)
            var = _hsum16(s2, lanes) * (1.0 / H) - mu * mu
            rs = _rsqrt_vec(var + EPS)
            for j in range(NV):
                sl = pl.ds(j * LANES, LANES)
                iv[r, sl] = (iv[r, sl] - mu) * rs * gam_v[sl] + bet_v[sl]
            return carry
        lax.fori_loop(0, RB, row_body, 0)

    fill(0, 0)

    def outer(c2, carry):
        for b in (0, 1):
            c = 2 * c2 + b
            r0 = base + c * RB
            nb = 1 - b

            @pl.when(c + 1 < NCHUNK)
            def _prefetch():
                @pl.when(c >= 1)
                def _drain_out():
                    pltpu.make_async_copy(
                        in_b[nb], out_hbm.at[pl.ds(r0, RB)], sem_out[nb]
                    ).wait()
                fill(nb, c + 1)

            pltpu.make_async_copy(
                in_hbm.at[pl.ds(r0, RB)], in_b[b], sem_in[b]).wait()
            pltpu.make_async_copy(
                tab_hbm.at[idx_all.at[pl.ds(c * RB, RB)]], pos_b[b],
                sem_pos[b]).wait()
            compute(b)
            pltpu.async_copy(in_b[b], out_hbm.at[pl.ds(r0, RB)], sem_out[b])
        return carry

    lax.fori_loop(0, NCHUNK // 2, outer, 0)
    for b in (0, 1):
        pltpu.make_async_copy(
            in_b[b], out_hbm.at[pl.ds(base, RB)], sem_out[b]).wait()


def _sc_entry(body):
    return pl.kernel(
        body,
        mesh=plsc.VectorSubcoreMesh(core_axis_name="c", subcore_axis_name="s"),
        out_type=jax.ShapeDtypeStruct((L, H), jnp.float32),
        compiler_params=pltpu.CompilerParams(needs_layout_passes=False),
        scratch_types=[
            pltpu.VMEM((RPW,), jnp.int32),
            [pltpu.VMEM((RB, H), jnp.float32) for _ in range(2)],
            [pltpu.VMEM((RB, H), jnp.float32) for _ in range(2)],
            pltpu.VMEM((H,), jnp.float32),
            pltpu.VMEM((H,), jnp.float32),
            [pltpu.SemaphoreType.DMA for _ in range(2)],
            [pltpu.SemaphoreType.DMA for _ in range(2)],
            [pltpu.SemaphoreType.DMA for _ in range(2)],
        ],
    )


_sc_kernel = _sc_entry(_sc_body)


@jax.jit
def kernel(input_enc, emb_table, ln_gamma, ln_beta, embedding_index):
    return _sc_kernel(input_enc, emb_table, ln_gamma, ln_beta,
                      embedding_index.astype(jnp.int32))

# --- scband reference (transcript-rebuilt; emitter-appended) ---
"""Pipeline reference for scband-inputsquence-embedding-27075473834758 (READ-ONLY COPY).

The authoritative reference and input builder live on the scoring server;
editing this copy changes nothing except your own understanding.
"""

import jax, jax.numpy as jnp
import numpy as np

L = 32768
H = 1024
K = 4
EPS = 1e-12

def setup_inputs(seed: int = 0) -> dict:
    key = jax.random.key(seed)
    k1, k2, k3 = jax.random.split(key, 3)
    embedding_index = jax.random.randint(k1, (L,), 0, K)
    input_enc = jax.random.normal(k2, (L, H), dtype=jnp.float32)
    emb_table = jax.random.normal(k3, (K, H), dtype=jnp.float32) * 0.02
    ln_gamma = jnp.ones((H,), dtype=jnp.float32)
    ln_beta = jnp.zeros((H,), dtype=jnp.float32)
    return {"input_enc": input_enc, "emb_table": emb_table, "ln_gamma": ln_gamma, "ln_beta": ln_beta, "embedding_index": embedding_index}

def reference(input_enc, emb_table, ln_gamma, ln_beta, embedding_index):
    # position embedding lookup: self.embedding(input_embeddings)
    pos = jnp.take(emb_table, embedding_index, axis=0)
    # input_enc is already sliced to the last input_len tokens (L here)
    x = input_enc + pos
    # LayerNorm(hidden_size, eps=1e-12)
    mu = jnp.mean(x, axis=-1, keepdims=True)
    var = jnp.mean(jnp.square(x - mu), axis=-1, keepdims=True)
    y = (x - mu) / jnp.sqrt(var + EPS)
    out = y * ln_gamma + ln_beta
    # dropout is identity in eval mode
    return out

if __name__ == "__main__":
    import jax
    _d = setup_inputs()
    print(jax.jit(kernel)(*tuple(_d.values())))

</pallas_src>

<mosaic_0001>
#map = affine_map<(d0, d1) -> (0, 0)>
#map1 = affine_map<(d0, d1) -> (0)>
module attributes {stable_mosaic.version = 14 : i64} {
  func.func @_sc_body(%arg0: i32, %arg1: i32, %arg2: memref<32768x1024xf32, #tpu.memory_space<hbm>>, %arg3: memref<4x1024xf32, #tpu.memory_space<hbm>>, %arg4: memref<1024xf32, #tpu.memory_space<hbm>>, %arg5: memref<1024xf32, #tpu.memory_space<hbm>>, %arg6: memref<32768xi32, #tpu.memory_space<hbm>>, %arg7: memref<32768x1024xf32, #tpu.memory_space<hbm>>, %arg8: memref<1024xi32, #tpu.memory_space<vmem>>, %arg9: memref<16x1024xf32, #tpu.memory_space<vmem>>, %arg10: memref<16x1024xf32, #tpu.memory_space<vmem>>, %arg11: memref<16x1024xf32, #tpu.memory_space<vmem>>, %arg12: memref<16x1024xf32, #tpu.memory_space<vmem>>, %arg13: memref<1024xf32, #tpu.memory_space<vmem>>, %arg14: memref<1024xf32, #tpu.memory_space<vmem>>, %arg15: memref<!tpu.dma_semaphore, #tpu.memory_space<semaphore_mem>>, %arg16: memref<!tpu.dma_semaphore, #tpu.memory_space<semaphore_mem>>, %arg17: memref<!tpu.dma_semaphore, #tpu.memory_space<semaphore_mem>>, %arg18: memref<!tpu.dma_semaphore, #tpu.memory_space<semaphore_mem>>, %arg19: memref<!tpu.dma_semaphore, #tpu.memory_space<semaphore_mem>>, %arg20: memref<!tpu.dma_semaphore, #tpu.memory_space<semaphore_mem>>) attributes {dimension_semantics = [#tpu.dimension_semantics<core_parallel>, #tpu.dimension_semantics<subcore_parallel>], iteration_bounds = array<i64: 2, 16>, scalar_prefetch = 0 : i64, scratch_operands = 13 : i64, tpu.core_type = #tpu.core_type<sc_vector_subcore>, window_params = [{transform_indices = #map}, {transform_indices = #map}, {transform_indices = #map1}, {transform_indices = #map1}, {transform_indices = #map1}, {transform_indices = #map}]} {
    %mul3A = arith.constant 2 : i32
    %mul3A_0 = arith.muli %arg1, %mul3A : i32
    %add3A = arith.addi %mul3A_0, %arg0 : i32
    %mul3A_1 = arith.constant 1024 : i32
    %mul3A_2 = arith.muli %add3A, %mul3A_1 : i32
    "tpu.region"() ({
      %run_scoped3A = tpu.sem_alloc : memref<!tpu.dma_semaphore, #tpu.memory_space<semaphore_mem>>
      tpu.enqueue_dma source(%arg4 : memref<1024xf32, #tpu.memory_space<hbm>>) target(%arg13 : memref<1024xf32, #tpu.memory_space<vmem>>) target_semaphore(%run_scoped3A : memref<!tpu.dma_semaphore, #tpu.memory_space<semaphore_mem>>)
      tpu.wait_dma2 semaphore(%run_scoped3A : memref<!tpu.dma_semaphore, #tpu.memory_space<semaphore_mem>>) src(%arg4 : memref<1024xf32, #tpu.memory_space<hbm>>) dst(%arg13 : memref<1024xf32, #tpu.memory_space<vmem>>)
      tpu.yield
    }) : () -> ()
    "tpu.region"() ({
      %run_scoped3A = tpu.sem_alloc : memref<!tpu.dma_semaphore, #tpu.memory_space<semaphore_mem>>
      tpu.enqueue_dma source(%arg5 : memref<1024xf32, #tpu.memory_space<hbm>>) target(%arg14 : memref<1024xf32, #tpu.memory_space<vmem>>) target_semaphore(%run_scoped3A : memref<!tpu.dma_semaphore, #tpu.memory_space<semaphore_mem>>)
      tpu.wait_dma2 semaphore(%run_scoped3A : memref<!tpu.dma_semaphore, #tpu.memory_space<semaphore_mem>>) src(%arg5 : memref<1024xf32, #tpu.memory_space<hbm>>) dst(%arg14 : memref<1024xf32, #tpu.memory_space<vmem>>)
      tpu.yield
    }) : () -> ()
    "tpu.region"() ({
      %run_scoped3A = tpu.sem_alloc : memref<!tpu.dma_semaphore, #tpu.memory_space<semaphore_mem>>
      %dma_start3A_25 = tpu.memref_slice %arg6[%mul3A_2] : memref<32768xi32, #tpu.memory_space<hbm>> -> memref<1024xi32, #tpu.memory_space<hbm>>
      %dma_start3A_26 = tpu.memref_slice %arg6[%mul3A_2] : memref<32768xi32, #tpu.memory_space<hbm>> -> memref<1024xi32, #tpu.memory_space<hbm>>
      tpu.enqueue_dma source(%dma_start3A_26 : memref<1024xi32, #tpu.memory_space<hbm>>) target(%arg8 : memref<1024xi32, #tpu.memory_space<vmem>>) target_semaphore(%run_scoped3A : memref<!tpu.dma_semaphore, #tpu.memory_space<semaphore_mem>>)
      %dma_wait3A_27 = tpu.memref_slice %arg6[%mul3A_2] : memref<32768xi32, #tpu.memory_space<hbm>> -> memref<1024xi32, #tpu.memory_space<hbm>>
      %dma_wait3A_28 = tpu.memref_slice %arg6[%mul3A_2] : memref<32768xi32, #tpu.memory_space<hbm>> -> memref<1024xi32, #tpu.memory_space<hbm>>
      tpu.wait_dma2 semaphore(%run_scoped3A : memref<!tpu.dma_semaphore, #tpu.memory_space<semaphore_mem>>) src(%dma_wait3A_28 : memref<1024xi32, #tpu.memory_space<hbm>>) dst(%arg8 : memref<1024xi32, #tpu.memory_space<vmem>>)
      tpu.yield
    }) : () -> ()
    %add3A_3 = arith.constant 0 : i32
    %add3A_4 = arith.addi %mul3A_2, %add3A_3 : i32
    %dma_start3A = arith.constant 0 : i32
    %dma_start3A_5 = tpu.memref_slice %arg2[%add3A_4, %dma_start3A] : memref<32768x1024xf32, #tpu.memory_space<hbm>> -> memref<16x1024xf32, #tpu.memory_space<hbm>>
    %dma_start3A_6 = arith.constant 0 : i32
    %dma_start3A_7 = tpu.memref_slice %arg2[%add3A_4, %dma_start3A_6] : memref<32768x1024xf32, #tpu.memory_space<hbm>> -> memref<16x1024xf32, #tpu.memory_space<hbm>>
    tpu.enqueue_dma source(%dma_start3A_7 : memref<16x1024xf32, #tpu.memory_space<hbm>>) target(%arg9 : memref<16x1024xf32, #tpu.memory_space<vmem>>) target_semaphore(%arg15 : memref<!tpu.dma_semaphore, #tpu.memory_space<semaphore_mem>>)
    %dma_start3A_8 = arith.constant 0 : i32
    %dma_start3A_9 = tpu.memref_slice %arg8[%dma_start3A_8] : memref<1024xi32, #tpu.memory_space<vmem>> -> memref<16xi32, #tpu.memory_space<vmem>>
    %dma_start3A_10 = arith.constant 0 : i32
    %dma_start3A_11 = arith.constant 0 : i32
    %dma_start3A_12 = tpu.memref_slice %arg3[%dma_start3A_10, %dma_start3A_11] : memref<4x1024xf32, #tpu.memory_space<hbm>> -> memref<4x1024xf32, #tpu.memory_space<hbm>>
    tpu.enqueue_indirect_dma source(%dma_start3A_12 : memref<4x1024xf32, #tpu.memory_space<hbm>>) target(%arg11 : memref<16x1024xf32, #tpu.memory_space<vmem>>) offsets(%dma_start3A_9 : memref<16xi32, #tpu.memory_space<vmem>>) semaphore(%arg17 : memref<!tpu.dma_semaphore, #tpu.memory_space<semaphore_mem>>)
    %scan3A = arith.constant 0 : i32
    %scan3A_13 = arith.constant 0 : i32
    %scan3A_14 = arith.constant 32 : i32
    %scan3A_15 = arith.addi %scan3A_13, %scan3A_14 : i32
    %scan3A_16 = arith.constant 1 : i32
    scf.for %scan3A_25 = %scan3A_13 to %scan3A_15 step %scan3A_16  : i32 {
      %mul3A_26 = arith.constant 2 : i32
      %mul3A_27 = arith.muli %mul3A_26, %scan3A_25 : i32
      %add3A_28 = arith.constant 0 : i32
      %add3A_29 = arith.addi %mul3A_27, %add3A_28 : i32
      %mul3A_30 = arith.constant 16 : i32
      %mul3A_31 = arith.muli %add3A_29, %mul3A_30 : i32
      %add3A_32 = arith.addi %mul3A_2, %mul3A_31 : i32
      %add3A_33 = arith.constant 1 : i32
      %add3A_34 = arith.addi %add3A_29, %add3A_33 : i32
      %lt3A = arith.constant 64 : i32
      %lt3A_35 = arith.cmpi slt, %add3A_34, %lt3A : i32
      %convert_element_type3A = arith.extui %lt3A_35 : i1 to i32
      %cond3A = arith.constant 0 : i32
      %cond3A_36 = arith.cmpi ne, %convert_element_type3A, %cond3A : i32
      scf.if %cond3A_36 {
        %ge3A = arith.constant 1 : i32
        %ge3A_92 = arith.cmpi sge, %add3A_29, %ge3A : i32
        %convert_element_type3A_93 = arith.extui %ge3A_92 : i1 to i32
        %cond3A_94 = arith.constant 0 : i32
        %cond3A_95 = arith.cmpi ne, %convert_element_type3A_93, %cond3A_94 : i32
        scf.if %cond3A_95 {
          %dma_wait3A_111 = arith.constant 0 : i32
          %dma_wait3A_112 = tpu.memref_slice %arg7[%add3A_32, %dma_wait3A_111] : memref<32768x1024xf32, #tpu.memory_space<hbm>> -> memref<16x1024xf32, #tpu.memory_space<hbm>>
          %dma_wait3A_113 = arith.constant 0 : i32
          %dma_wait3A_114 = tpu.memref_slice %arg7[%add3A_32, %dma_wait3A_113] : memref<32768x1024xf32, #tpu.memory_space<hbm>> -> memref<16x1024xf32, #tpu.memory_space<hbm>>
          tpu.wait_dma2 semaphore(%arg20 : memref<!tpu.dma_semaphore, #tpu.memory_space<semaphore_mem>>) src(%arg10 : memref<16x1024xf32, #tpu.memory_space<vmem>>) dst(%dma_wait3A_114 : memref<16x1024xf32, #tpu.memory_space<hbm>>)
        } else {
        }
        %add3A_96 = arith.constant 1 : i32
        %add3A_97 = arith.addi %add3A_29, %add3A_96 : i32
        %mul3A_98 = arith.constant 16 : i32
        %mul3A_99 = arith.muli %add3A_97, %mul3A_98 : i32
        %add3A_100 = arith.addi %mul3A_2, %mul3A_99 : i32
        %dma_start3A_101 = arith.constant 0 : i32
        %dma_start3A_102 = tpu.memref_slice %arg2[%add3A_100, %dma_start3A_101] : memref<32768x1024xf32, #tpu.memory_space<hbm>> -> memref<16x1024xf32, #tpu.memory_space<hbm>>
        %dma_start3A_103 = arith.constant 0 : i32
        %dma_start3A_104 = tpu.memref_slice %arg2[%add3A_100, %dma_start3A_103] : memref<32768x1024xf32, #tpu.memory_space<hbm>> -> memref<16x1024xf32, #tpu.memory_space<hbm>>
        tpu.enqueue_dma source(%dma_start3A_104 : memref<16x1024xf32, #tpu.memory_space<hbm>>) target(%arg10 : memref<16x1024xf32, #tpu.memory_space<vmem>>) target_semaphore(%arg16 : memref<!tpu.dma_semaphore, #tpu.memory_space<semaphore_mem>>)
        %mul3A_105 = arith.constant 16 : i32
        %mul3A_106 = arith.muli %add3A_97, %mul3A_105 : i32
        %dma_start3A_107 = tpu.memref_slice %arg8[%mul3A_106] : memref<1024xi32, #tpu.memory_space<vmem>> -> memref<16xi32, #tpu.memory_space<vmem>>
        %dma_start3A_108 = arith.constant 0 : i32
        %dma_start3A_109 = arith.constant 0 : i32
        %dma_start3A_110 = tpu.memref_slice %arg3[%dma_start3A_108, %dma_start3A_109] : memref<4x1024xf32, #tpu.memory_space<hbm>> -> memref<4x1024xf32, #tpu.memory_space<hbm>>
        tpu.enqueue_indirect_dma source(%dma_start3A_110 : memref<4x1024xf32, #tpu.memory_space<hbm>>) target(%arg12 : memref<16x1024xf32, #tpu.memory_space<vmem>>) offsets(%dma_start3A_107 : memref<16xi32, #tpu.memory_space<vmem>>) semaphore(%arg18 : memref<!tpu.dma_semaphore, #tpu.memory_space<semaphore_mem>>)
      } else {
      }
      %dma_wait3A_37 = arith.constant 0 : i32
      %dma_wait3A_38 = tpu.memref_slice %arg2[%add3A_32, %dma_wait3A_37] : memref<32768x1024xf32, #tpu.memory_space<hbm>> -> memref<16x1024xf32, #tpu.memory_space<hbm>>
      %dma_wait3A_39 = arith.constant 0 : i32
      %dma_wait3A_40 = tpu.memref_slice %arg2[%add3A_32, %dma_wait3A_39] : memref<32768x1024xf32, #tpu.memory_space<hbm>> -> memref<16x1024xf32, #tpu.memory_space<hbm>>
      tpu.wait_dma2 semaphore(%arg15 : memref<!tpu.dma_semaphore, #tpu.memory_space<semaphore_mem>>) src(%dma_wait3A_40 : memref<16x1024xf32, #tpu.memory_space<hbm>>) dst(%arg9 : memref<16x1024xf32, #tpu.memory_space<vmem>>)
      %mul3A_41 = arith.constant 16 : i32
      %mul3A_42 = arith.muli %add3A_29, %mul3A_41 : i32
      %dma_wait3A_43 = tpu.memref_slice %arg8[%mul3A_42] : memref<1024xi32, #tpu.memory_space<vmem>> -> memref<16xi32, #tpu.memory_space<vmem>>
      %dma_wait3A_44 = arith.constant 0 : i32
      %dma_wait3A_45 = arith.constant 0 : i32
      %dma_wait3A_46 = tpu.memref_slice %arg3[%dma_wait3A_44, %dma_wait3A_45] : memref<4x1024xf32, #tpu.memory_space<hbm>> -> memref<4x1024xf32, #tpu.memory_space<hbm>>
      tpu.wait_indirect_dma semaphore(%arg17 : memref<!tpu.dma_semaphore, #tpu.memory_space<semaphore_mem>>) src(%dma_wait3A_46 : memref<4x1024xf32, #tpu.memory_space<hbm>>) dst(%arg11 : memref<16x1024xf32, #tpu.memory_space<vmem>>)
      %iota3A = tpu.iota {dimensions = array<i32: 0>} : vector<16xi32>
      %scan3A_47 = arith.constant 0 : i32
      %scan3A_48 = arith.constant 0 : i32
      %scan3A_49 = arith.constant 16 : i32
      %scan3A_50 = arith.addi %scan3A_48, %scan3A_49 : i32
      %scan3A_51 = arith.constant 1 : i32
      scf.for %scan3A_92 = %scan3A_48 to %scan3A_50 step %scan3A_51  : i32 {
        %broadcast_in_dim3A = arith.constant 0.000000e+00 : f32
        %broadcast_in_dim3A_93 = vector.broadcast %broadcast_in_dim3A : f32 to vector<16xf32>
        %broadcast_in_dim3A_94 = arith.constant 0.000000e+00 : f32
        %broadcast_in_dim3A_95 = vector.broadcast %broadcast_in_dim3A_94 : f32 to vector<16xf32>
        %broadcast_in_dim3A_96 = arith.constant 0.000000e+00 : f32
        %broadcast_in_dim3A_97 = vector.broadcast %broadcast_in_dim3A_96 : f32 to vector<16xf32>
        %broadcast_in_dim3A_98 = arith.constant 0.000000e+00 : f32
        %broadcast_in_dim3A_99 = vector.broadcast %broadcast_in_dim3A_98 : f32 to vector<16xf32>
        %broadcast_in_dim3A_100 = arith.constant 0.000000e+00 : f32
        %broadcast_in_dim3A_101 = vector.broadcast %broadcast_in_dim3A_100 : f32 to vector<16xf32>
        %broadcast_in_dim3A_102 = arith.constant 0.000000e+00 : f32
        %broadcast_in_dim3A_103 = vector.broadcast %broadcast_in_dim3A_102 : f32 to vector<16xf32>
        %broadcast_in_dim3A_104 = arith.constant 0.000000e+00 : f32
        %broadcast_in_dim3A_105 = vector.broadcast %broadcast_in_dim3A_104 : f32 to vector<16xf32>
        %broadcast_in_dim3A_106 = arith.constant 0.000000e+00 : f32
        %broadcast_in_dim3A_107 = vector.broadcast %broadcast_in_dim3A_106 : f32 to vector<16xf32>
        %get3A = arith.index_cast %scan3A_92 : i32 to index
        %get3A_108 = arith.constant 0 : index
        %get3A_109 = tpu.vector_load %arg9[%get3A, %get3A_108] {strides = array<i32>} : memref<16x1024xf32, #tpu.memory_space<vmem>>, vector<16xf32>,
        %get3A_110 = arith.index_cast %scan3A_92 : i32 to index
        %get3A_111 = arith.constant 0 : index
        %get3A_112 = tpu.vector_load %arg11[%get3A_110, %get3A_111] {strides = array<i32>} : memref<16x1024xf32, #tpu.memory_space<vmem>>, vector<16xf32>,
        %add3A_113 = arith.addf %get3A_109, %get3A_112 : vector<16xf32>
        %swap3A = arith.index_cast %scan3A_92 : i32 to index
        %swap3A_114 = arith.constant 0 : index
        %swap3A_115 = tpu.vector_load %arg9[%swap3A, %swap3A_114] {strides = array<i32>} : memref<16x1024xf32, #tpu.memory_space<vmem>>, vector<16xf32>,
        tpu.vector_store %arg9[%swap3A, %swap3A_114], %add3A_113 {strides = array<i32>} : memref<16x1024xf32, #tpu.memory_space<vmem>>, vector<16xf32>,
        %add3A_116 = arith.addf %broadcast_in_dim3A_93, %add3A_113 : vector<16xf32>
        %mul3A_117 = arith.mulf %add3A_113, %add3A_113 : vector<16xf32>
        %add3A_118 = arith.addf %broadcast_in_dim3A_101, %mul3A_117 : vector<16xf32>
        %get3A_119 = arith.index_cast %scan3A_92 : i32 to index
        %get3A_120 = arith.constant 16 : index
        %get3A_121 = tpu.vector_load %arg9[%get3A_119, %get3A_120] {strides = array<i32>} : memref<16x1024xf32, #tpu.memory_space<vmem>>, vector<16xf32>,
        %get3A_122 = arith.index_cast %scan3A_92 : i32 to index
        %get3A_123 = arith.constant 16 : index
        %get3A_124 = tpu.vector_load %arg11[%get3A_122, %get3A_123] {strides = array<i32>} : memref<16x1024xf32, #tpu.memory_space<vmem>>, vector<16xf32>,
        %add3A_125 = arith.addf %get3A_121, %get3A_124 : vector<16xf32>
        %swap3A_126 = arith.index_cast %scan3A_92 : i32 to index
        %swap3A_127 = arith.constant 16 : index
        %swap3A_128 = tpu.vector_load %arg9[%swap3A_126, %swap3A_127] {strides = array<i32>} : memref<16x1024xf32, #tpu.memory_space<vmem>>, vector<16xf32>,
        tpu.vector_store %arg9[%swap3A_126, %swap3A_127], %add3A_125 {strides = array<i32>} : memref<16x1024xf32, #tpu.memory_space<vmem>>, vector<16xf32>,
        %add3A_129 = arith.addf %broadcast_in_dim3A_95, %add3A_125 : vector<16xf32>
        %mul3A_130 = arith.mulf %add3A_125, %add3A_125 : vector<16xf32>
        %add3A_131 = arith.addf %broadcast_in_dim3A_103, %mul3A_130 : vector<16xf32>
        %get3A_132 = arith.index_cast %scan3A_92 : i32 to index
        %get3A_133 = arith.constant 32 : index
        %get3A_134 = tpu.vector_load %arg9[%get3A_132, %get3A_133] {strides = array<i32>} : memref<16x1024xf32, #tpu.memory_space<vmem>>, vector<16xf32>,
        %get3A_135 = arith.index_cast %scan3A_92 : i32 to index
        %get3A_136 = arith.constant 32 : index
        %get3A_137 = tpu.vector_load %arg11[%get3A_135, %get3A_136] {strides = array<i32>} : memref<16x1024xf32, #tpu.memory_space<vmem>>, vector<16xf32>,
        %add3A_138 = arith.addf %get3A_134, %get3A_137 : vector<16xf32>
        %swap3A_139 = arith.index_cast %scan3A_92 : i32 to index
        %swap3A_140 = arith.constant 32 : index
        %swap3A_141 = tpu.vector_load %arg9[%swap3A_139, %swap3A_140] {strides = array<i32>} : memref<16x1024xf32, #tpu.memory_space<vmem>>, vector<16xf32>,
        tpu.vector_store %arg9[%swap3A_139, %swap3A_140], %add3A_138 {strides = array<i32>} : memref<16x1024xf32, #tpu.memory_space<vmem>>, vector<16xf32>,
        %add3A_142 = arith.addf %broadcast_in_dim3A_97, %add3A_138 : vector<16xf32>
        %mul3A_143 = arith.mulf %add3A_138, %add3A_138 : vector<16xf32>
        %add3A_144 = arith.addf %broadcast_in_dim3A_105, %mul3A_143 : vector<16xf32>
        %get3A_145 = arith.index_cast %scan3A_92 : i32 to index
        %get3A_146 = arith.constant 48 : index
        %get3A_147 = tpu.vector_load %arg9[%get3A_145, %get3A_146] {strides = array<i32>} : memref<16x1024xf32, #tpu.memory_space<vmem>>, vector<16xf32>,
        %get3A_148 = arith.index_cast %scan3A_92 : i32 to index
        %get3A_149 = arith.constant 48 : index
        %get3A_150 = tpu.vector_load %arg11[%get3A_148, %get3A_149] {strides = array<i32>} : memref<16x1024xf32, #tpu.memory_space<vmem>>, vector<16xf32>,
        %add3A_151 = arith.addf %get3A_147, %get3A_150 : vector<16xf32>
        %swap3A_152 = arith.index_cast %scan3A_92 : i32 to index
        %swap3A_153 = arith.constant 48 : index
        %swap3A_154 = tpu.vector_load %arg9[%swap3A_152, %swap3A_153] {strides = array<i32>} : memref<16x1024xf32, #tpu.memory_space<vmem>>, vector<16xf32>,
        tpu.vector_store %arg9[%swap3A_152, %swap3A_153], %add3A_151 {strides = array<i32>} : memref<16x1024xf32, #tpu.memory_space<vmem>>, vector<16xf32>,
        %add3A_155 = arith.addf %broadcast_in_dim3A_99, %add3A_151 : vector<16xf32>
        %mul3A_156 = arith.mulf %add3A_151, %add3A_151 : vector<16xf32>
        %add3A_157 = arith.addf %broadcast_in_dim3A_107, %mul3A_156 : vector<16xf32>
        %get3A_158 = arith.index_cast %scan3A_92 : i32 to index
        %get3A_159 = arith.constant 64 : index
        %get3A_160 = tpu.vector_load %arg9[%get3A_158, %get3A_159] {strides = array<i32>} : memref<16x1024xf32, #tpu.memory_space<vmem>>, vector<16xf32>,
        %get3A_161 = arith.index_cast %scan3A_92 : i32 to index
        %get3A_162 = arith.constant 64 : index
        %get3A_163 = tpu.vector_load %arg11[%get3A_161, %get3A_162] {strides = array<i32>} : memref<16x1024xf32, #tpu.memory_space<vmem>>, vector<16xf32>,
        %add3A_164 = arith.addf %get3A_160, %get3A_163 : vector<16xf32>
        %swap3A_165 = arith.index_cast %scan3A_92 : i32 to index
        %swap3A_166 = arith.constant 64 : index
        %swap3A_167 = tpu.vector_load %arg9[%swap3A_165, %swap3A_166] {strides = array<i32>} : memref<16x1024xf32, #tpu.memory_space<vmem>>, vector<16xf32>,
        tpu.vector_store %arg9[%swap3A_165, %swap3A_166], %add3A_164 {strides = array<i32>} : memref<16x1024xf32, #tpu.memory_space<vmem>>, vector<16xf32>,
        %add3A_168 = arith.addf %add3A_116, %add3A_164 : vector<16xf32>
        %mul3A_169 = arith.mulf %add3A_164, %add3A_164 : vector<16xf32>
        %add3A_170 = arith.addf %add3A_118, %mul3A_169 : vector<16xf32>
        %get3A_171 = arith.index_cast %scan3A_92 : i32 to index
        %get3A_172 = arith.constant 80 : index
        %get3A_173 = tpu.vector_load %arg9[%get3A_171, %get3A_172] {strides = array<i32>} : memref<16x1024xf32, #tpu.memory_space<vmem>>, vector<16xf32>,
        %get3A_174 = arith.index_cast %scan3A_92 : i32 to index
        %get3A_175 = arith.constant 80 : index
        %get3A_176 = tpu.vector_load %arg11[%get3A_174, %get3A_175] {strides = array<i32>} : memref<16x1024xf32, #tpu.memory_space<vmem>>, vector<16xf32>,
        %add3A_177 = arith.addf %get3A_173, %get3A_176 : vector<16xf32>
        %swap3A_178 = arith.index_cast %scan3A_92 : i32 to index
        %swap3A_179 = arith.constant 80 : index
        %swap3A_180 = tpu.vector_load %arg9[%swap3A_178, %swap3A_179] {strides = array<i32>} : memref<16x1024xf32, #tpu.memory_space<vmem>>, vector<16xf32>,
        tpu.vector_store %arg9[%swap3A_178, %swap3A_179], %add3A_177 {strides = array<i32>} : memref<16x1024xf32, #tpu.memory_space<vmem>>, vector<16xf32>,
        %add3A_181 = arith.addf %add3A_129, %add3A_177 : vector<16xf32>
        %mul3A_182 = arith.mulf %add3A_177, %add3A_177 : vector<16xf32>
        %add3A_183 = arith.addf %add3A_131, %mul3A_182 : vector<16xf32>
        %get3A_184 = arith.index_cast %scan3A_92 : i32 to index
        %get3A_185 = arith.constant 96 : index
        %get3A_186 = tpu.vector_load %arg9[%get3A_184, %get3A_185] {strides = array<i32>} : memref<16x1024xf32, #tpu.memory_space<vmem>>, vector<16xf32>,
        %get3A_187 = arith.index_cast %scan3A_92 : i32 to index
        %get3A_188 = arith.constant 96 : index
        %get3A_189 = tpu.vector_load %arg11[%get3A_187, %get3A_188] {strides = array<i32>} : memref<16x1024xf32, #tpu.memory_space<vmem>>, vector<16xf32>,
        %add3A_190 = arith.addf %get3A_186, %get3A_189 : vector<16xf32>
        %swap3A_191 = arith.index_cast %scan3A_92 : i32 to index
        %swap3A_192 = arith.constant 96 : index
        %swap3A_193 = tpu.vector_load %arg9[%swap3A_191, %swap3A_192] {strides = array<i32>} : memref<16x1024xf32, #tpu.memory_space<vmem>>, vector<16xf32>,
        tpu.vector_store %arg9[%swap3A_191, %swap3A_192], %add3A_190 {strides = array<i32>} : memref<16x1024xf32, #tpu.memory_space<vmem>>, vector<16xf32>,
        %add3A_194 = arith.addf %add3A_142, %add3A_190 : vector<16xf32>
        %mul3A_195 = arith.mulf %add3A_190, %add3A_190 : vector<16xf32>
        %add3A_196 = arith.addf %add3A_144, %mul3A_195 : vector<16xf32>
        %get3A_197 = arith.index_cast %scan3A_92 : i32 to index
        %get3A_198 = arith.constant 112 : index
        %get3A_199 = tpu.vector_load %arg9[%get3A_197, %get3A_198] {strides = array<i32>} : memref<16x1024xf32, #tpu.memory_space<vmem>>, vector<16xf32>,
        %get3A_200 = arith.index_cast %scan3A_92 : i32 to index
        %get3A_201 = arith.constant 112 : index
        %get3A_202 = tpu.vector_load %arg11[%get3A_200, %get3A_201] {strides = array<i32>} : memref<16x1024xf32, #tpu.memory_space<vmem>>, vector<16xf32>,
        %add3A_203 = arith.addf %get3A_199, %get3A_202 : vector<16xf32>
        %swap3A_204 = arith.index_cast %scan3A_92 : i32 to index
        %swap3A_205 = arith.constant 112 : index
        %swap3A_206 = tpu.vector_load %arg9[%swap3A_204, %swap3A_205] {strides = array<i32>} : memref<16x1024xf32, #tpu.memory_space<vmem>>, vector<16xf32>,
        tpu.vector_store %arg9[%swap3A_204, %swap3A_205], %add3A_203 {strides = array<i32>} : memref<16x1024xf32, #tpu.memory_space<vmem>>, vector<16xf32>,
        %add3A_207 = arith.addf %add3A_155, %add3A_203 : vector<16xf32>
        %mul3A_208 = arith.mulf %add3A_203, %add3A_203 : vector<16xf32>
        %add3A_209 = arith.addf %add3A_157, %mul3A_208 : vector<16xf32>
        %get3A_210 = arith.index_cast %scan3A_92 : i32 to index
        %get3A_211 = arith.constant 128 : index
        %get3A_212 = tpu.vector_load %arg9[%get3A_210, %get3A_211] {strides = array<i32>} : memref<16x1024xf32, #tpu.memory_space<vmem>>, vector<16xf32>,
        %get3A_213 = arith.index_cast %scan3A_92 : i32 to index
        %get3A_214 = arith.constant 128 : index
        %get3A_215 = tpu.vector_load %arg11[%get3A_213, %get3A_214] {strides = array<i32>} : memref<16x1024xf32, #tpu.memory_space<vmem>>, vector<16xf32>,
        %add3A_216 = arith.addf %get3A_212, %get3A_215 : vector<16xf32>
        %swap3A_217 = arith.index_cast %scan3A_92 : i32 to index
        %swap3A_218 = arith.constant 128 : index
        %swap3A_219 = tpu.vector_load %arg9[%swap3A_217, %swap3A_218] {strides = array<i32>} : memref<16x1024xf32, #tpu.memory_space<vmem>>, vector<16xf32>,
        tpu.vector_store %arg9[%swap3A_217, %swap3A_218], %add3A_216 {strides = array<i32>} : memref<16x1024xf32, #tpu.memory_space<vmem>>, vector<16xf32>,
        %add3A_220 = arith.addf %add3A_168, %add3A_216 : vector<16xf32>
        %mul3A_221 = arith.mulf %add3A_216, %add3A_216 : vector<16xf32>
        %add3A_222 = arith.addf %add3A_170, %mul3A_221 : vector<16xf32>
        %get3A_223 = arith.index_cast %scan3A_92 : i32 to index
        %get3A_224 = arith.constant 144 : index
        %get3A_225 = tpu.vector_load %arg9[%get3A_223, %get3A_224] {strides = array<i32>} : memref<16x1024xf32, #tpu.memory_space<vmem>>, vector<16xf32>,
        %get3A_226 = arith.index_cast %scan3A_92 : i32 to index
        %get3A_227 = arith.constant 144 : index
        %get3A_228 = tpu.vector_load %arg11[%get3A_226, %get3A_227] {strides = array<i32>} : memref<16x1024xf32, #tpu.memory_space<vmem>>, vector<16xf32>,
        %add3A_229 = arith.addf %get3A_225, %get3A_228 : vector<16xf32>
        %swap3A_230 = arith.index_cast %scan3A_92 : i32 to index
        %swap3A_231 = arith.constant 144 : index
        %swap3A_232 = tpu.vector_load %arg9[%swap3A_230, %swap3A_231] {strides = array<i32>} : memref<16x1024xf32, #tpu.memory_space<vmem>>, vector<16xf32>,
        tpu.vector_store %arg9[%swap3A_230, %swap3A_231], %add3A_229 {strides = array<i32>} : memref<16x1024xf32, #tpu.memory_space<vmem>>, vector<16xf32>,
        %add3A_233 = arith.addf %add3A_181, %add3A_229 : vector<16xf32>
        %mul3A_234 = arith.mulf %add3A_229, %add3A_229 : vector<16xf32>
        %add3A_235 = arith.addf %add3A_183, %mul3A_234 : vector<16xf32>
        %get3A_236 = arith.index_cast %scan3A_92 : i32 to index
        %get3A_237 = arith.constant 160 : index
        %get3A_238 = tpu.vector_load %arg9[%get3A_236, %get3A_237] {strides = array<i32>} : memref<16x1024xf32, #tpu.memory_space<vmem>>, vector<16xf32>,
        %get3A_239 = arith.index_cast %scan3A_92 : i32 to index
        %get3A_240 = arith.constant 160 : index
        %get3A_241 = tpu.vector_load %arg11[%get3A_239, %get3A_240] {strides = array<i32>} : memref<16x1024xf32, #tpu.memory_space<vmem>>, vector<16xf32>,
        %add3A_242 = arith.addf %get3A_238, %get3A_241 : vector<16xf32>
        %swap3A_243 = arith.index_cast %scan3A_92 : i32 to index
        %swap3A_244 = arith.constant 160 : index
        %swap3A_245 = tpu.vector_load %arg9[%swap3A_243, %swap3A_244] {strides = array<i32>} : memref<16x1024xf32, #tpu.memory_space<vmem>>, vector<16xf32>,
        tpu.vector_store %arg9[%swap3A_243, %swap3A_244], %add3A_242 {strides = array<i32>} : memref<16x1024xf32, #tpu.memory_space<vmem>>, vector<16xf32>,
        %add3A_246 = arith.addf %add3A_194, %add3A_242 : vector<16xf32>
        %mul3A_247 = arith.mulf %add3A_242, %add3A_242 : vector<16xf32>
        %add3A_248 = arith.addf %add3A_196, %mul3A_247 : vector<16xf32>
        %get3A_249 = arith.index_cast %scan3A_92 : i32 to index
        %get3A_250 = arith.constant 176 : index
        %get3A_251 = tpu.vector_load %arg9[%get3A_249, %get3A_250] {strides = array<i32>} : memref<16x1024xf32, #tpu.memory_space<vmem>>, vector<16xf32>,
        %get3A_252 = arith.index_cast %scan3A_92 : i32 to index
        %get3A_253 = arith.constant 176 : index
        %get3A_254 = tpu.vector_load %arg11[%get3A_252, %get3A_253] {strides = array<i32>} : memref<16x1024xf32, #tpu.memory_space<vmem>>, vector<16xf32>,
        %add3A_255 = arith.addf %get3A_251, %get3A_254 : vector<16xf32>
        %swap3A_256 = arith.index_cast %scan3A_92 : i32 to index
        %swap3A_257 = arith.constant 176 : index
        %swap3A_258 = tpu.vector_load %arg9[%swap3A_256, %swap3A_257] {strides = array<i32>} : memref<16x1024xf32, #tpu.memory_space<vmem>>, vector<16xf32>,
        tpu.vector_store %arg9[%swap3A_256, %swap3A_257], %add3A_255 {strides = array<i32>} : memref<16x1024xf32, #tpu.memory_space<vmem>>, vector<16xf32>,
        %add3A_259 = arith.addf %add3A_207, %add3A_255 : vector<16xf32>
        %mul3A_260 = arith.mulf %add3A_255, %add3A_255 : vector<16xf32>
        %add3A_261 = arith.addf %add3A_209, %mul3A_260 : vector<16xf32>
        %get3A_262 = arith.index_cast %scan3A_92 : i32 to index
        %get3A_263 = arith.constant 192 : index
        %get3A_264 = tpu.vector_load %arg9[%get3A_262, %get3A_263] {strides = array<i32>} : memref<16x1024xf32, #tpu.memory_space<vmem>>, vector<16xf32>,
        %get3A_265 = arith.index_cast %scan3A_92 : i32 to index
        %get3A_266 = arith.constant 192 : index
        %get3A_267 = tpu.vector_load %arg11[%get3A_265, %get3A_266] {strides = array<i32>} : memref<16x1024xf32, #tpu.memory_space<vmem>>, vector<16xf32>,
        %add3A_268 = arith.addf %get3A_264, %get3A_267 : vector<16xf32>
        %swap3A_269 = arith.index_cast %scan3A_92 : i32 to index
        %swap3A_270 = arith.constant 192 : index
        %swap3A_271 = tpu.vector_load %arg9[%swap3A_269, %swap3A_270] {strides = array<i32>} : memref<16x1024xf32, #tpu.memory_space<vmem>>, vector<16xf32>,
        tpu.vector_store %arg9[%swap3A_269, %swap3A_270], %add3A_268 {strides = array<i32>} : memref<16x1024xf32, #tpu.memory_space<vmem>>, vector<16xf32>,
        %add3A_272 = arith.addf %add3A_220, %add3A_268 : vector<16xf32>
        %mul3A_273 = arith.mulf %add3A_268, %add3A_268 : vector<16xf32>
        %add3A_274 = arith.addf %add3A_222, %mul3A_273 : vector<16xf32>
        %get3A_275 = arith.index_cast %scan3A_92 : i32 to index
        %get3A_276 = arith.constant 208 : index
        %get3A_277 = tpu.vector_load %arg9[%get3A_275, %get3A_276] {strides = array<i32>} : memref<16x1024xf32, #tpu.memory_space<vmem>>, vector<16xf32>,
        %get3A_278 = arith.index_cast %scan3A_92 : i32 to index
        %get3A_279 = arith.constant 208 : index
        %get3A_280 = tpu.vector_load %arg11[%get3A_278, %get3A_279] {strides = array<i32>} : memref<16x1024xf32, #tpu.memory_space<vmem>>, vector<16xf32>,
        %add3A_281 = arith.addf %get3A_277, %get3A_280 : vector<16xf32>
        %swap3A_282 = arith.index_cast %scan3A_92 : i32 to index
        %swap3A_283 = arith.constant 208 : index
        %swap3A_284 = tpu.vector_load %arg9[%swap3A_282, %swap3A_283] {strides = array<i32>} : memref<16x1024xf32, #tpu.memory_space<vmem>>, vector<16xf32>,
        tpu.vector_store %arg9[%swap3A_282, %swap3A_283], %add3A_281 {strides = array<i32>} : memref<16x1024xf32, #tpu.memory_space<vmem>>, vector<16xf32>,
        %add3A_285 = arith.addf %add3A_233, %add3A_281 : vector<16xf32>
        %mul3A_286 = arith.mulf %add3A_281, %add3A_281 : vector<16xf32>
        %add3A_287 = arith.addf %add3A_235, %mul3A_286 : vector<16xf32>
        %get3A_288 = arith.index_cast %scan3A_92 : i32 to index
        %get3A_289 = arith.constant 224 : index
        %get3A_290 = tpu.vector_load %arg9[%get3A_288, %get3A_289] {strides = array<i32>} : memref<16x1024xf32, #tpu.memory_space<vmem>>, vector<16xf32>,
        %get3A_291 = arith.index_cast %scan3A_92 : i32 to index
        %get3A_292 = arith.constant 224 : index
        %get3A_293 = tpu.vector_load %arg11[%get3A_291, %get3A_292] {strides = array<i32>} : memref<16x1024xf32, #tpu.memory_space<vmem>>, vector<16xf32>,
        %add3A_294 = arith.addf %get3A_290, %get3A_293 : vector<16xf32>
        %swap3A_295 = arith.index_cast %scan3A_92 : i32 to index
        %swap3A_296 = arith.constant 224 : index
        %swap3A_297 = tpu.vector_load %arg9[%swap3A_295, %swap3A_296] {strides = array<i32>} : memref<16x1024xf32, #tpu.memory_space<vmem>>, vector<16xf32>,
        tpu.vector_store %arg9[%swap3A_295, %swap3A_296], %add3A_294 {strides = array<i32>} : memref<16x1024xf32, #tpu.memory_space<vmem>>, vector<16xf32>,
        %add3A_298 = arith.addf %add3A_246, %add3A_294 : vector<16xf32>
        %mul3A_299 = arith.mulf %add3A_294, %add3A_294 : vector<16xf32>
        %add3A_300 = arith.addf %add3A_248, %mul3A_299 : vector<16xf32>
        %get3A_301 = arith.index_cast %scan3A_92 : i32 to index
        %get3A_302 = arith.constant 240 : index
        %get3A_303 = tpu.vector_load %arg9[%get3A_301, %get3A_302] {strides = array<i32>} : memref<16x1024xf32, #tpu.memory_space<vmem>>, vector<16xf32>,
        %get3A_304 = arith.index_cast %scan3A_92 : i32 to index
        %get3A_305 = arith.constant 240 : index
        %get3A_306 = tpu.vector_load %arg11[%get3A_304, %get3A_305] {strides = array<i32>} : memref<16x1024xf32, #tpu.memory_space<vmem>>, vector<16xf32>,
        %add3A_307 = arith.addf %get3A_303, %get3A_306 : vector<16xf32>
        %swap3A_308 = arith.index_cast %scan3A_92 : i32 to index
        %swap3A_309 = arith.constant 240 : index
        %swap3A_310 = tpu.vector_load %arg9[%swap3A_308, %swap3A_309] {strides = array<i32>} : memref<16x1024xf32, #tpu.memory_space<vmem>>, vector<16xf32>,
        tpu.vector_store %arg9[%swap3A_308, %swap3A_309], %add3A_307 {strides = array<i32>} : memref<16x1024xf32, #tpu.memory_space<vmem>>, vector<16xf32>,
        %add3A_311 = arith.addf %add3A_259, %add3A_307 : vector<16xf32>
        %mul3A_312 = arith.mulf %add3A_307, %add3A_307 : vector<16xf32>
        %add3A_313 = arith.addf %add3A_261, %mul3A_312 : vector<16xf32>
        %get3A_314 = arith.index_cast %scan3A_92 : i32 to index
        %get3A_315 = arith.constant 256 : index
        %get3A_316 = tpu.vector_load %arg9[%get3A_314, %get3A_315] {strides = array<i32>} : memref<16x1024xf32, #tpu.memory_space<vmem>>, vector<16xf32>,
        %get3A_317 = arith.index_cast %scan3A_92 : i32 to index
        %get3A_318 = arith.constant 256 : index
        %get3A_319 = tpu.vector_load %arg11[%get3A_317, %get3A_318] {strides = array<i32>} : memref<16x1024xf32, #tpu.memory_space<vmem>>, vector<16xf32>,
        %add3A_320 = arith.addf %get3A_316, %get3A_319 : vector<16xf32>
        %swap3A_321 = arith.index_cast %scan3A_92 : i32 to index
        %swap3A_322 = arith.constant 256 : index
        %swap3A_323 = tpu.vector_load %arg9[%swap3A_321, %swap3A_322] {strides = array<i32>} : memref<16x1024xf32, #tpu.memory_space<vmem>>, vector<16xf32>,
        tpu.vector_store %arg9[%swap3A_321, %swap3A_322], %add3A_320 {strides = array<i32>} : memref<16x1024xf32, #tpu.memory_space<vmem>>, vector<16xf32>,
        %add3A_324 = arith.addf %add3A_272, %add3A_320 : vector<16xf32>
        %mul3A_325 = arith.mulf %add3A_320, %add3A_320 : vector<16xf32>
        %add3A_326 = arith.addf %add3A_274, %mul3A_325 : vector<16xf32>
        %get3A_327 = arith.index_cast %scan3A_92 : i32 to index
        %get3A_328 = arith.constant 272 : index
        %get3A_329 = tpu.vector_load %arg9[%get3A_327, %get3A_328] {strides = array<i32>} : memref<16x1024xf32, #tpu.memory_space<vmem>>, vector<16xf32>,
        %get3A_330 = arith.index_cast %scan3A_92 : i32 to index
        %get3A_331 = arith.constant 272 : index
        %get3A_332 = tpu.vector_load %arg11[%get3A_330, %get3A_331] {strides = array<i32>} : memref<16x1024xf32, #tpu.memory_space<vmem>>, vector<16xf32>,
        %add3A_333 = arith.addf %get3A_329, %get3A_332 : vector<16xf32>
        %swap3A_334 = arith.index_cast %scan3A_92 : i32 to index
        %swap3A_335 = arith.constant 272 : index
        %swap3A_336 = tpu.vector_load %arg9[%swap3A_334, %swap3A_335] {strides = array<i32>} : memref<16x1024xf32, #tpu.memory_space<vmem>>, vector<16xf32>,
        tpu.vector_store %arg9[%swap3A_334, %swap3A_335], %add3A_333 {strides = array<i32>} : memref<16x1024xf32, #tpu.memory_space<vmem>>, vector<16xf32>,
        %add3A_337 = arith.addf %add3A_285, %add3A_333 : vector<16xf32>
        %mul3A_338 = arith.mulf %add3A_333, %add3A_333 : vector<16xf32>
        %add3A_339 = arith.addf %add3A_287, %mul3A_338 : vector<16xf32>
        %get3A_340 = arith.index_cast %scan3A_92 : i32 to index
        %get3A_341 = arith.constant 288 : index
        %get3A_342 = tpu.vector_load %arg9[%get3A_340, %get3A_341] {strides = array<i32>} : memref<16x1024xf32, #tpu.memory_space<vmem>>, vector<16xf32>,
        %get3A_343 = arith.index_cast %scan3A_92 : i32 to index
        %get3A_344 = arith.constant 288 : index
        %get3A_345 = tpu.vector_load %arg11[%get3A_343, %get3A_344] {strides = array<i32>} : memref<16x1024xf32, #tpu.memory_space<vmem>>, vector<16xf32>,
        %add3A_346 = arith.addf %get3A_342, %get3A_345 : vector<16xf32>
        %swap3A_347 = arith.index_cast %scan3A_92 : i32 to index
        %swap3A_348 = arith.constant 288 : index
        %swap3A_349 = tpu.vector_load %arg9[%swap3A_347, %swap3A_348] {strides = array<i32>} : memref<16x1024xf32, #tpu.memory_space<vmem>>, vector<16xf32>,
        tpu.vector_store %arg9[%swap3A_347, %swap3A_348], %add3A_346 {strides = array<i32>} : memref<16x1024xf32, #tpu.memory_space<vmem>>, vector<16xf32>,
        %add3A_350 = arith.addf %add3A_298, %add3A_346 : vector<16xf32>
        %mul3A_351 = arith.mulf %add3A_346, %add3A_346 : vector<16xf32>
        %add3A_352 = arith.addf %add3A_300, %mul3A_351 : vector<16xf32>
        %get3A_353 = arith.index_cast %scan3A_92 : i32 to index
        %get3A_354 = arith.constant 304 : index
        %get3A_355 = tpu.vector_load %arg9[%get3A_353, %get3A_354] {strides = array<i32>} : memref<16x1024xf32, #tpu.memory_space<vmem>>, vector<16xf32>,
        %get3A_356 = arith.index_cast %scan3A_92 : i32 to index
        %get3A_357 = arith.constant 304 : index
        %get3A_358 = tpu.vector_load %arg11[%get3A_356, %get3A_357] {strides = array<i32>} : memref<16x1024xf32, #tpu.memory_space<vmem>>, vector<16xf32>,
        %add3A_359 = arith.addf %get3A_355, %get3A_358 : vector<16xf32>
        %swap3A_360 = arith.index_cast %scan3A_92 : i32 to index
        %swap3A_361 = arith.constant 304 : index
        %swap3A_362 = tpu.vector_load %arg9[%swap3A_360, %swap3A_361] {strides = array<i32>} : memref<16x1024xf32, #tpu.memory_space<vmem>>, vector<16xf32>,
        tpu.vector_store %arg9[%swap3A_360, %swap3A_361], %add3A_359 {strides = array<i32>} : memref<16x1024xf32, #tpu.memory_space<vmem>>, vector<16xf32>,
        %add3A_363 = arith.addf %add3A_311, %add3A_359 : vector<16xf32>
        %mul3A_364 = arith.mulf %add3A_359, %add3A_359 : vector<16xf32>
        %add3A_365 = arith.addf %add3A_313, %mul3A_364 : vector<16xf32>
        %get3A_366 = arith.index_cast %scan3A_92 : i32 to index
        %get3A_367 = arith.constant 320 : index
        %get3A_368 = tpu.vector_load %arg9[%get3A_366, %get3A_367] {strides = array<i32>} : memref<16x1024xf32, #tpu.memory_space<vmem>>, vector<16xf32>,
        %get3A_369 = arith.index_cast %scan3A_92 : i32 to index
        %get3A_370 = arith.constant 320 : index
        %get3A_371 = tpu.vector_load %arg11[%get3A_369, %get3A_370] {strides = array<i32>} : memref<16x1024xf32, #tpu.memory_space<vmem>>, vector<16xf32>,
        %add3A_372 = arith.addf %get3A_368, %get3A_371 : vector<16xf32>
        %swap3A_373 = arith.index_cast %scan3A_92 : i32 to index
        %swap3A_374 = arith.constant 320 : index
        %swap3A_375 = tpu.vector_load %arg9[%swap3A_373, %swap3A_374] {strides = array<i32>} : memref<16x1024xf32, #tpu.memory_space<vmem>>, vector<16xf32>,
        tpu.vector_store %arg9[%swap3A_373, %swap3A_374], %add3A_372 {strides = array<i32>} : memref<16x1024xf32, #tpu.memory_space<vmem>>, vector<16xf32>,
        %add3A_376 = arith.addf %add3A_324, %add3A_372 : vector<16xf32>
        %mul3A_377 = arith.mulf %add3A_372, %add3A_372 : vector<16xf32>
        %add3A_378 = arith.addf %add3A_326, %mul3A_377 : vector<16xf32>
        %get3A_379 = arith.index_cast %scan3A_92 : i32 to index
        %get3A_380 = arith.constant 336 : index
        %get3A_381 = tpu.vector_load %arg9[%get3A_379, %get3A_380] {strides = array<i32>} : memref<16x1024xf32, #tpu.memory_space<vmem>>, vector<16xf32>,
        %get3A_382 = arith.index_cast %scan3A_92 : i32 to index
        %get3A_383 = arith.constant 336 : index
        %get3A_384 = tpu.vector_load %arg11[%get3A_382, %get3A_383] {strides = array<i32>} : memref<16x1024xf32, #tpu.memory_space<vmem>>, vector<16xf32>,
        %add3A_385 = arith.addf %get3A_381, %get3A_384 : vector<16xf32>
        %swap3A_386 = arith.index_cast %scan3A_92 : i32 to index
        %swap3A_387 = arith.constant 336 : index
        %swap3A_388 = tpu.vector_load %arg9[%swap3A_386, %swap3A_387] {strides = array<i32>} : memref<16x1024xf32, #tpu.memory_space<vmem>>, vector<16xf32>,
        tpu.vector_store %arg9[%swap3A_386, %swap3A_387], %add3A_385 {strides = array<i32>} : memref<16x1024xf32, #tpu.memory_space<vmem>>, vector<16xf32>,
        %add3A_389 = arith.addf %add3A_337, %add3A_385 : vector<16xf32>
        %mul3A_390 = arith.mulf %add3A_385, %add3A_385 : vector<16xf32>
        %add3A_391 = arith.addf %add3A_339, %mul3A_390 : vector<16xf32>
        %get3A_392 = arith.index_cast %scan3A_92 : i32 to index
        %get3A_393 = arith.constant 352 : index
        %get3A_394 = tpu.vector_load %arg9[%get3A_392, %get3A_393] {strides = array<i32>} : memref<16x1024xf32, #tpu.memory_space<vmem>>, vector<16xf32>,
        %get3A_395 = arith.index_cast %scan3A_92 : i32 to index
        %get3A_396 = arith.constant 352 : index
        %get3A_397 = tpu.vector_load %arg11[%get3A_395, %get3A_396] {strides = array<i32>} : memref<16x1024xf32, #tpu.memory_space<vmem>>, vector<16xf32>,
        %add3A_398 = arith.addf %get3A_394, %get3A_397 : vector<16xf32>
        %swap3A_399 = arith.index_cast %scan3A_92 : i32 to index
        %swap3A_400 = arith.constant 352 : index
        %swap3A_401 = tpu.vector_load %arg9[%swap3A_399, %swap3A_400] {strides = array<i32>} : memref<16x1024xf32, #tpu.memory_space<vmem>>, vector<16xf32>,
        tpu.vector_store %arg9[%swap3A_399, %swap3A_400], %add3A_398 {strides = array<i32>} : memref<16x1024xf32, #tpu.memory_space<vmem>>, vector<16xf32>,
        %add3A_402 = arith.addf %add3A_350, %add3A_398 : vector<16xf32>
        %mul3A_403 = arith.mulf %add3A_398, %add3A_398 : vector<16xf32>
        %add3A_404 = arith.addf %add3A_352, %mul3A_403 : vector<16xf32>
        %get3A_405 = arith.index_cast %scan3A_92 : i32 to index
        %get3A_406 = arith.constant 368 : index
        %get3A_407 = tpu.vector_load %arg9[%get3A_405, %get3A_406] {strides = array<i32>} : memref<16x1024xf32, #tpu.memory_space<vmem>>, vector<16xf32>,
        %get3A_408 = arith.index_cast %scan3A_92 : i32 to index
        %get3A_409 = arith.constant 368 : index
        %get3A_410 = tpu.vector_load %arg11[%get3A_408, %get3A_409] {strides = array<i32>} : memref<16x1024xf32, #tpu.memory_space<vmem>>, vector<16xf32>,
        %add3A_411 = arith.addf %get3A_407, %get3A_410 : vector<16xf32>
        %swap3A_412 = arith.index_cast %scan3A_92 : i32 to index
        %swap3A_413 = arith.constant 368 : index
        %swap3A_414 = tpu.vector_load %arg9[%swap3A_412, %swap3A_413] {strides = array<i32>} : memref<16x1024xf32, #tpu.memory_space<vmem>>, vector<16xf32>,
        tpu.vector_store %arg9[%swap3A_412, %swap3A_413], %add3A_411 {strides = array<i32>} : memref<16x1024xf32, #tpu.memory_space<vmem>>, vector<16xf32>,
        %add3A_415 = arith.addf %add3A_363, %add3A_411 : vector<16xf32>
        %mul3A_416 = arith.mulf %add3A_411, %add3A_411 : vector<16xf32>
        %add3A_417 = arith.addf %add3A_365, %mul3A_416 : vector<16xf32>
        %get3A_418 = arith.index_cast %scan3A_92 : i32 to index
        %get3A_419 = arith.constant 384 : index
        %get3A_420 = tpu.vector_load %arg9[%get3A_418, %get3A_419] {strides = array<i32>} : memref<16x1024xf32, #tpu.memory_space<vmem>>, vector<16xf32>,
        %get3A_421 = arith.index_cast %scan3A_92 : i32 to index
        %get3A_422 = arith.constant 384 : index
        %get3A_423 = tpu.vector_load %arg11[%get3A_421, %get3A_422] {strides = array<i32>} : memref<16x1024xf32, #tpu.memory_space<vmem>>, vector<16xf32>,
        %add3A_424 = arith.addf %get3A_420, %get3A_423 : vector<16xf32>
        %swap3A_425 = arith.index_cast %scan3A_92 : i32 to index
        %swap3A_426 = arith.constant 384 : index
        %swap3A_427 = tpu.vector_load %arg9[%swap3A_425, %swap3A_426] {strides = array<i32>} : memref<16x1024xf32, #tpu.memory_space<vmem>>, vector<16xf32>,
        tpu.vector_store %arg9[%swap3A_425, %swap3A_426], %add3A_424 {strides = array<i32>} : memref<16x1024xf32, #tpu.memory_space<vmem>>, vector<16xf32>,
        %add3A_428 = arith.addf %add3A_376, %add3A_424 : vector<16xf32>
        %mul3A_429 = arith.mulf %add3A_424, %add3A_424 : vector<16xf32>
        %add3A_430 = arith.addf %add3A_378, %mul3A_429 : vector<16xf32>
        %get3A_431 = arith.index_cast %scan3A_92 : i32 to index
        %get3A_432 = arith.constant 400 : index
        %get3A_433 = tpu.vector_load %arg9[%get3A_431, %get3A_432] {strides = array<i32>} : memref<16x1024xf32, #tpu.memory_space<vmem>>, vector<16xf32>,
        %get3A_434 = arith.index_cast %scan3A_92 : i32 to index
        %get3A_435 = arith.constant 400 : index
        %get3A_436 = tpu.vector_load %arg11[%get3A_434, %get3A_435] {strides = array<i32>} : memref<16x1024xf32, #tpu.memory_space<vmem>>, vector<16xf32>,
        %add3A_437 = arith.addf %get3A_433, %get3A_436 : vector<16xf32>
        %swap3A_438 = arith.index_cast %scan3A_92 : i32 to index
        %swap3A_439 = arith.constant 400 : index
        %swap3A_440 = tpu.vector_load %arg9[%swap3A_438, %swap3A_439] {strides = array<i32>} : memref<16x1024xf32, #tpu.memory_space<vmem>>, vector<16xf32>,
        tpu.vector_store %arg9[%swap3A_438, %swap3A_439], %add3A_437 {strides = array<i32>} : memref<16x1024xf32, #tpu.memory_space<vmem>>, vector<16xf32>,
        %add3A_441 = arith.addf %add3A_389, %add3A_437 : vector<16xf32>
        %mul3A_442 = arith.mulf %add3A_437, %add3A_437 : vector<16xf32>
        %add3A_443 = arith.addf %add3A_391, %mul3A_442 : vector<16xf32>
        %get3A_444 = arith.index_cast %scan3A_92 : i32 to index
        %get3A_445 = arith.constant 416 : index
        %get3A_446 = tpu.vector_load %arg9[%get3A_444, %get3A_445] {strides = array<i32>} : memref<16x1024xf32, #tpu.memory_space<vmem>>, vector<16xf32>,
        %get3A_447 = arith.index_cast %scan3A_92 : i32 to index
        %get3A_448 = arith.constant 416 : index
        %get3A_449 = tpu.vector_load %arg11[%get3A_447, %get3A_448] {strides = array<i32>} : memref<16x1024xf32, #tpu.memory_space<vmem>>, vector<16xf32>,
        %add3A_450 = arith.addf %get3A_446, %get3A_449 : vector<16xf32>
        %swap3A_451 = arith.index_cast %scan3A_92 : i32 to index
        %swap3A_452 = arith.constant 416 : index
        %swap3A_453 = tpu.vector_load %arg9[%swap3A_451, %swap3A_452] {strides = array<i32>} : memref<16x1024xf32, #tpu.memory_space<vmem>>, vector<16xf32>,
        tpu.vector_store %arg9[%swap3A_451, %swap3A_452], %add3A_450 {strides = array<i32>} : memref<16x1024xf32, #tpu.memory_space<vmem>>, vector<16xf32>,
        %add3A_454 = arith.addf %add3A_402, %add3A_450 : vector<16xf32>
        %mul3A_455 = arith.mulf %add3A_450, %add3A_450 : vector<16xf32>
        %add3A_456 = arith.addf %add3A_404, %mul3A_455 : vector<16xf32>
        %get3A_457 = arith.index_cast %scan3A_92 : i32 to index
        %get3A_458 = arith.constant 432 : index
        %get3A_459 = tpu.vector_load %arg9[%get3A_457, %get3A_458] {strides = array<i32>} : memref<16x1024xf32, #tpu.memory_space<vmem>>, vector<16xf32>,
        %get3A_460 = arith.index_cast %scan3A_92 : i32 to index
        %get3A_461 = arith.constant 432 : index
        %get3A_462 = tpu.vector_load %arg11[%get3A_460, %get3A_461] {strides = array<i32>} : memref<16x1024xf32, #tpu.memory_space<vmem>>, vector<16xf32>,
        %add3A_463 = arith.addf %get3A_459, %get3A_462 : vector<16xf32>
        %swap3A_464 = arith.index_cast %scan3A_92 : i32 to index
        %swap3A_465 = arith.constant 432 : index
        %swap3A_466 = tpu.vector_load %arg9[%swap3A_464, %swap3A_465] {strides = array<i32>} : memref<16x1024xf32, #tpu.memory_space<vmem>>, vector<16xf32>,
        tpu.vector_store %arg9[%swap3A_464, %swap3A_465], %add3A_463 {strides = array<i32>} : memref<16x1024xf32, #tpu.memory_space<vmem>>, vector<16xf32>,
        %add3A_467 = arith.addf %add3A_415, %add3A_463 : vector<16xf32>
        %mul3A_468 = arith.mulf %add3A_463, %add3A_463 : vector<16xf32>
        %add3A_469 = arith.addf %add3A_417, %mul3A_468 : vector<16xf32>
        %get3A_470 = arith.index_cast %scan3A_92 : i32 to index
        %get3A_471 = arith.constant 448 : index
        %get3A_472 = tpu.vector_load %arg9[%get3A_470, %get3A_471] {strides = array<i32>} : memref<16x1024xf32, #tpu.memory_space<vmem>>, vector<16xf32>,
        %get3A_473 = arith.index_cast %scan3A_92 : i32 to index
        %get3A_474 = arith.constant 448 : index
        %get3A_475 = tpu.vector_load %arg11[%get3A_473, %get3A_474] {strides = array<i32>} : memref<16x1024xf32, #tpu.memory_space<vmem>>, vector<16xf32>,
        %add3A_476 = arith.addf %get3A_472, %get3A_475 : vector<16xf32>
        %swap3A_477 = arith.index_cast %scan3A_92 : i32 to index
        %swap3A_478 = arith.constant 448 : index
        %swap3A_479 = tpu.vector_load %arg9[%swap3A_477, %swap3A_478] {strides = array<i32>} : memref<16x1024xf32, #tpu.memory_space<vmem>>, vector<16xf32>,
        tpu.vector_store %arg9[%swap3A_477, %swap3A_478], %add3A_476 {strides = array<i32>} : memref<16x1024xf32, #tpu.memory_space<vmem>>, vector<16xf32>,
        %add3A_480 = arith.addf %add3A_428, %add3A_476 : vector<16xf32>
        %mul3A_481 = arith.mulf %add3A_476, %add3A_476 : vector<16xf32>
        %add3A_482 = arith.addf %add3A_430, %mul3A_481 : vector<16xf32>
        %get3A_483 = arith.index_cast %scan3A_92 : i32 to index
        %get3A_484 = arith.constant 464 : index
        %get3A_485 = tpu.vector_load %arg9[%get3A_483, %get3A_484] {strides = array<i32>} : memref<16x1024xf32, #tpu.memory_space<vmem>>, vector<16xf32>,
        %get3A_486 = arith.index_cast %scan3A_92 : i32 to index
        %get3A_487 = arith.constant 464 : index
        %get3A_488 = tpu.vector_load %arg11[%get3A_486, %get3A_487] {strides = array<i32>} : memref<16x1024xf32, #tpu.memory_space<vmem>>, vector<16xf32>,
        %add3A_489 = arith.addf %get3A_485, %get3A_488 : vector<16xf32>
        %swap3A_490 = arith.index_cast %scan3A_92 : i32 to index
        %swap3A_491 = arith.constant 464 : index
        %swap3A_492 = tpu.vector_load %arg9[%swap3A_490, %swap3A_491] {strides = array<i32>} : memref<16x1024xf32, #tpu.memory_space<vmem>>, vector<16xf32>,
        tpu.vector_store %arg9[%swap3A_490, %swap3A_491], %add3A_489 {strides = array<i32>} : memref<16x1024xf32, #tpu.memory_space<vmem>>, vector<16xf32>,
        %add3A_493 = arith.addf %add3A_441, %add3A_489 : vector<16xf32>
        %mul3A_494 = arith.mulf %add3A_489, %add3A_489 : vector<16xf32>
        %add3A_495 = arith.addf %add3A_443, %mul3A_494 : vector<16xf32>
        %get3A_496 = arith.index_cast %scan3A_92 : i32 to index
        %get3A_497 = arith.constant 480 : index
        %get3A_498 = tpu.vector_load %arg9[%get3A_496, %get3A_497] {strides = array<i32>} : memref<16x1024xf32, #tpu.memory_space<vmem>>, vector<16xf32>,
        %get3A_499 = arith.index_cast %scan3A_92 : i32 to index
        %get3A_500 = arith.constant 480 : index
        %get3A_501 = tpu.vector_load %arg11[%get3A_499, %get3A_500] {strides = array<i32>} : memref<16x1024xf32, #tpu.memory_space<vmem>>, vector<16xf32>,
        %add3A_502 = arith.addf %get3A_498, %get3A_501 : vector<16xf32>
        %swap3A_503 = arith.index_cast %scan3A_92 : i32 to index
        %swap3A_504 = arith.constant 480 : index
        %swap3A_505 = tpu.vector_load %arg9[%swap3A_503, %swap3A_504] {strides = array<i32>} : memref<16x1024xf32, #tpu.memory_space<vmem>>, vector<16xf32>,
        tpu.vector_store %arg9[%swap3A_503, %swap3A_504], %add3A_502 {strides = array<i32>} : memref<16x1024xf32, #tpu.memory_space<vmem>>, vector<16xf32>,
        %add3A_506 = arith.addf %add3A_454, %add3A_502 : vector<16xf32>
        %mul3A_507 = arith.mulf %add3A_502, %add3A_502 : vector<16xf32>
        %add3A_508 = arith.addf %add3A_456, %mul3A_507 : vector<16xf32>
        %get3A_509 = arith.index_cast %scan3A_92 : i32 to index
        %get3A_510 = arith.constant 496 : index
        %get3A_511 = tpu.vector_load %arg9[%get3A_509, %get3A_510] {strides = array<i32>} : memref<16x1024xf32, #tpu.memory_space<vmem>>, vector<16xf32>,
        %get3A_512 = arith.index_cast %scan3A_92 : i32 to index
        %get3A_513 = arith.constant 496 : index
        %get3A_514 = tpu.vector_load %arg11[%get3A_512, %get3A_513] {strides = array<i32>} : memref<16x1024xf32, #tpu.memory_space<vmem>>, vector<16xf32>,
        %add3A_515 = arith.addf %get3A_511, %get3A_514 : vector<16xf32>
        %swap3A_516 = arith.index_cast %scan3A_92 : i32 to index
        %swap3A_517 = arith.constant 496 : index
        %swap3A_518 = tpu.vector_load %arg9[%swap3A_516, %swap3A_517] {strides = array<i32>} : memref<16x1024xf32, #tpu.memory_space<vmem>>, vector<16xf32>,
        tpu.vector_store %arg9[%swap3A_516, %swap3A_517], %add3A_515 {strides = array<i32>} : memref<16x1024xf32, #tpu.memory_space<vmem>>, vector<16xf32>,
        %add3A_519 = arith.addf %add3A_467, %add3A_515 : vector<16xf32>
        %mul3A_520 = arith.mulf %add3A_515, %add3A_515 : vector<16xf32>
        %add3A_521 = arith.addf %add3A_469, %mul3A_520 : vector<16xf32>
        %get3A_522 = arith.index_cast %scan3A_92 : i32 to index
        %get3A_523 = arith.constant 512 : index
        %get3A_524 = tpu.vector_load %arg9[%get3A_522, %get3A_523] {strides = array<i32>} : memref<16x1024xf32, #tpu.memory_space<vmem>>, vector<16xf32>,
        %get3A_525 = arith.index_cast %scan3A_92 : i32 to index
        %get3A_526 = arith.constant 512 : index
        %get3A_527 = tpu.vector_load %arg11[%get3A_525, %get3A_526] {strides = array<i32>} : memref<16x1024xf32, #tpu.memory_space<vmem>>, vector<16xf32>,
        %add3A_528 = arith.addf %get3A_524, %get3A_527 : vector<16xf32>
        %swap3A_529 = arith.index_cast %scan3A_92 : i32 to index
        %swap3A_530 = arith.constant 512 : index
        %swap3A_531 = tpu.vector_load %arg9[%swap3A_529, %swap3A_530] {strides = array<i32>} : memref<16x1024xf32, #tpu.memory_space<vmem>>, vector<16xf32>,
        tpu.vector_store %arg9[%swap3A_529, %swap3A_530], %add3A_528 {strides = array<i32>} : memref<16x1024xf32, #tpu.memory_space<vmem>>, vector<16xf32>,
        %add3A_532 = arith.addf %add3A_480, %add3A_528 : vector<16xf32>
        %mul3A_533 = arith.mulf %add3A_528, %add3A_528 : vector<16xf32>
        %add3A_534 = arith.addf %add3A_482, %mul3A_533 : vector<16xf32>
        %get3A_535 = arith.index_cast %scan3A_92 : i32 to index
        %get3A_536 = arith.constant 528 : index
        %get3A_537 = tpu.vector_load %arg9[%get3A_535, %get3A_536] {strides = array<i32>} : memref<16x1024xf32, #tpu.memory_space<vmem>>, vector<16xf32>,
        %get3A_538 = arith.index_cast %scan3A_92 : i32 to index
        %get3A_539 = arith.constant 528 : index
        %get3A_540 = tpu.vector_load %arg11[%get3A_538, %get3A_539] {strides = array<i32>} : memref<16x1024xf32, #tpu.memory_space<vmem>>, vector<16xf32>,
        %add3A_541 = arith.addf %get3A_537, %get3A_540 : vector<16xf32>
        %swap3A_542 = arith.index_cast %scan3A_92 : i32 to index
        %swap3A_543 = arith.constant 528 : index
        %swap3A_544 = tpu.vector_load %arg9[%swap3A_542, %swap3A_543] {strides = array<i32>} : memref<16x1024xf32, #tpu.memory_space<vmem>>, vector<16xf32>,
        tpu.vector_store %arg9[%swap3A_542, %swap3A_543], %add3A_541 {strides = array<i32>} : memref<16x1024xf32, #tpu.memory_space<vmem>>, vector<16xf32>,
        %add3A_545 = arith.addf %add3A_493, %add3A_541 : vector<16xf32>
        %mul3A_546 = arith.mulf %add3A_541, %add3A_541 : vector<16xf32>
        %add3A_547 = arith.addf %add3A_495, %mul3A_546 : vector<16xf32>
        %get3A_548 = arith.index_cast %scan3A_92 : i32 to index
        %get3A_549 = arith.constant 544 : index
        %get3A_550 = tpu.vector_load %arg9[%get3A_548, %get3A_549] {strides = array<i32>} : memref<16x1024xf32, #tpu.memory_space<vmem>>, vector<16xf32>,
        %get3A_551 = arith.index_cast %scan3A_92 : i32 to index
        %get3A_552 = arith.constant 544 : index
        %get3A_553 = tpu.vector_load %arg11[%get3A_551, %get3A_552] {strides = array<i32>} : memref<16x1024xf32, #tpu.memory_space<vmem>>, vector<16xf32>,
        %add3A_554 = arith.addf %get3A_550, %get3A_553 : vector<16xf32>
        %swap3A_555 = arith.index_cast %scan3A_92 : i32 to index
        %swap3A_556 = arith.constant 544 : index
        %swap3A_557 = tpu.vector_load %arg9[%swap3A_555, %swap3A_556] {strides = array<i32>} : memref<16x1024xf32, #tpu.memory_space<vmem>>, vector<16xf32>,
        tpu.vector_store %arg9[%swap3A_555, %swap3A_556], %add3A_554 {strides = array<i32>} : memref<16x1024xf32, #tpu.memory_space<vmem>>, vector<16xf32>,
        %add3A_558 = arith.addf %add3A_506, %add3A_554 : vector<16xf32>
        %mul3A_559 = arith.mulf %add3A_554, %add3A_554 : vector<16xf32>
        %add3A_560 = arith.addf %add3A_508, %mul3A_559 : vector<16xf32>
        %get3A_561 = arith.index_cast %scan3A_92 : i32 to index
        %get3A_562 = arith.constant 560 : index
        %get3A_563 = tpu.vector_load %arg9[%get3A_561, %get3A_562] {strides = array<i32>} : memref<16x1024xf32, #tpu.memory_space<vmem>>, vector<16xf32>,
        %get3A_564 = arith.index_cast %scan3A_92 : i32 to index
        %get3A_565 = arith.constant 560 : index
        %get3A_566 = tpu.vector_load %arg11[%get3A_564, %get3A_565] {strides = array<i32>} : memref<16x1024xf32, #tpu.memory_space<vmem>>, vector<16xf32>,
        %add3A_567 = arith.addf %get3A_563, %get3A_566 : vector<16xf32>
        %swap3A_568 = arith.index_cast %scan3A_92 : i32 to index
        %swap3A_569 = arith.constant 560 : index
        %swap3A_570 = tpu.vector_load %arg9[%swap3A_568, %swap3A_569] {strides = array<i32>} : memref<16x1024xf32, #tpu.memory_space<vmem>>, vector<16xf32>,
        tpu.vector_store %arg9[%swap3A_568, %swap3A_569], %add3A_567 {strides = array<i32>} : memref<16x1024xf32, #tpu.memory_space<vmem>>, vector<16xf32>,
        %add3A_571 = arith.addf %add3A_519, %add3A_567 : vector<16xf32>
        %mul3A_572 = arith.mulf %add3A_567, %add3A_567 : vector<16xf32>
        %add3A_573 = arith.addf %add3A_521, %mul3A_572 : vector<16xf32>
        %get3A_574 = arith.index_cast %scan3A_92 : i32 to index
        %get3A_575 = arith.constant 576 : index
        %get3A_576 = tpu.vector_load %arg9[%get3A_574, %get3A_575] {strides = array<i32>} : memref<16x1024xf32, #tpu.memory_space<vmem>>, vector<16xf32>,
        %get3A_577 = arith.index_cast %scan3A_92 : i32 to index
        %get3A_578 = arith.constant 576 : index
        %get3A_579 = tpu.vector_load %arg11[%get3A_577, %get3A_578] {strides = array<i32>} : memref<16x1024xf32, #tpu.memory_space<vmem>>, vector<16xf32>,
        %add3A_580 = arith.addf %get3A_576, %get3A_579 : vector<16xf32>
        %swap3A_581 = arith.index_cast %scan3A_92 : i32 to index
        %swap3A_582 = arith.constant 576 : index
        %swap3A_583 = tpu.vector_load %arg9[%swap3A_581, %swap3A_582] {strides = array<i32>} : memref<16x1024xf32, #tpu.memory_space<vmem>>, vector<16xf32>,
        tpu.vector_store %arg9[%swap3A_581, %swap3A_582], %add3A_580 {strides = array<i32>} : memref<16x1024xf32, #tpu.memory_space<vmem>>, vector<16xf32>,
        %add3A_584 = arith.addf %add3A_532, %add3A_580 : vector<16xf32>
        %mul3A_585 = arith.mulf %add3A_580, %add3A_580 : vector<16xf32>
        %add3A_586 = arith.addf %add3A_534, %mul3A_585 : vector<16xf32>
        %get3A_587 = arith.index_cast %scan3A_92 : i32 to index
        %get3A_588 = arith.constant 592 : index
        %get3A_589 = tpu.vector_load %arg9[%get3A_587, %get3A_588] {strides = array<i32>} : memref<16x1024xf32, #tpu.memory_space<vmem>>, vector<16xf32>,
        %get3A_590 = arith.index_cast %scan3A_92 : i32 to index
        %get3A_591 = arith.constant 592 : index
        %get3A_592 = tpu.vector_load %arg11[%get3A_590, %get3A_591] {strides = array<i32>} : memref<16x1024xf32, #tpu.memory_space<vmem>>, vector<16xf32>,
        %add3A_593 = arith.addf %get3A_589, %get3A_592 : vector<16xf32>
        %swap3A_594 = arith.index_cast %scan3A_92 : i32 to index
        %swap3A_595 = arith.constant 592 : index
        %swap3A_596 = tpu.vector_load %arg9[%swap3A_594, %swap3A_595] {strides = array<i32>} : memref<16x1024xf32, #tpu.memory_space<vmem>>, vector<16xf32>,
        tpu.vector_store %arg9[%swap3A_594, %swap3A_595], %add3A_593 {strides = array<i32>} : memref<16x1024xf32, #tpu.memory_space<vmem>>, vector<16xf32>,
        %add3A_597 = arith.addf %add3A_545, %add3A_593 : vector<16xf32>
        %mul3A_598 = arith.mulf %add3A_593, %add3A_593 : vector<16xf32>
        %add3A_599 = arith.addf %add3A_547, %mul3A_598 : vector<16xf32>
        %get3A_600 = arith.index_cast %scan3A_92 : i32 to index
        %get3A_601 = arith.constant 608 : index
        %get3A_602 = tpu.vector_load %arg9[%get3A_600, %get3A_601] {strides = array<i32>} : memref<16x1024xf32, #tpu.memory_space<vmem>>, vector<16xf32>,
        %get3A_603 = arith.index_cast %scan3A_92 : i32 to index
        %get3A_604 = arith.constant 608 : index
        %get3A_605 = tpu.vector_load %arg11[%get3A_603, %get3A_604] {strides = array<i32>} : memref<16x1024xf32, #tpu.memory_space<vmem>>, vector<16xf32>,
        %add3A_606 = arith.addf %get3A_602, %get3A_605 : vector<16xf32>
        %swap3A_607 = arith.index_cast %scan3A_92 : i32 to index
        %swap3A_608 = arith.constant 608 : index
        %swap3A_609 = tpu.vector_load %arg9[%swap3A_607, %swap3A_608] {strides = array<i32>} : memref<16x1024xf32, #tpu.memory_space<vmem>>, vector<16xf32>,
        tpu.vector_store %arg9[%swap3A_607, %swap3A_608], %add3A_606 {strides = array<i32>} : memref<16x1024xf32, #tpu.memory_space<vmem>>, vector<16xf32>,
        %add3A_610 = arith.addf %add3A_558, %add3A_606 : vector<16xf32>
        %mul3A_611 = arith.mulf %add3A_606, %add3A_606 : vector<16xf32>
        %add3A_612 = arith.addf %add3A_560, %mul3A_611 : vector<16xf32>
        %get3A_613 = arith.index_cast %scan3A_92 : i32 to index
        %get3A_614 = arith.constant 624 : index
        %get3A_615 = tpu.vector_load %arg9[%get3A_613, %get3A_614] {strides = array<i32>} : memref<16x1024xf32, #tpu.memory_space<vmem>>, vector<16xf32>,
        %get3A_616 = arith.index_cast %scan3A_92 : i32 to index
        %get3A_617 = arith.constant 624 : index
        %get3A_618 = tpu.vector_load %arg11[%get3A_616, %get3A_617] {strides = array<i32>} : memref<16x1024xf32, #tpu.memory_space<vmem>>, vector<16xf32>,
        %add3A_619 = arith.addf %get3A_615, %get3A_618 : vector<16xf32>
        %swap3A_620 = arith.index_cast %scan3A_92 : i32 to index
        %swap3A_621 = arith.constant 624 : index
        %swap3A_622 = tpu.vector_load %arg9[%swap3A_620, %swap3A_621] {strides = array<i32>} : memref<16x1024xf32, #tpu.memory_space<vmem>>, vector<16xf32>,
        tpu.vector_store %arg9[%swap3A_620, %swap3A_621], %add3A_619 {strides = array<i32>} : memref<16x1024xf32, #tpu.memory_space<vmem>>, vector<16xf32>,
        %add3A_623 = arith.addf %add3A_571, %add3A_619 : vector<16xf32>
        %mul3A_624 = arith.mulf %add3A_619, %add3A_619 : vector<16xf32>
        %add3A_625 = arith.addf %add3A_573, %mul3A_624 : vector<16xf32>
        %get3A_626 = arith.index_cast %scan3A_92 : i32 to index
        %get3A_627 = arith.constant 640 : index
        %get3A_628 = tpu.vector_load %arg9[%get3A_626, %get3A_627] {strides = array<i32>} : memref<16x1024xf32, #tpu.memory_space<vmem>>, vector<16xf32>,
        %get3A_629 = arith.index_cast %scan3A_92 : i32 to index
        %get3A_630 = arith.constant 640 : index
        %get3A_631 = tpu.vector_load %arg11[%get3A_629, %get3A_630] {strides = array<i32>} : memref<16x1024xf32, #tpu.memory_space<vmem>>, vector<16xf32>,
        %add3A_632 = arith.addf %get3A_628, %get3A_631 : vector<16xf32>
        %swap3A_633 = arith.index_cast %scan3A_92 : i32 to index
        %swap3A_634 = arith.constant 640 : index
        %swap3A_635 = tpu.vector_load %arg9[%swap3A_633, %swap3A_634] {strides = array<i32>} : memref<16x1024xf32, #tpu.memory_space<vmem>>, vector<16xf32>,
        tpu.vector_store %arg9[%swap3A_633, %swap3A_634], %add3A_632 {strides = array<i32>} : memref<16x1024xf32, #tpu.memory_space<vmem>>, vector<16xf32>,
        %add3A_636 = arith.addf %add3A_584, %add3A_632 : vector<16xf32>
        %mul3A_637 = arith.mulf %add3A_632, %add3A_632 : vector<16xf32>
        %add3A_638 = arith.addf %add3A_586, %mul3A_637 : vector<16xf32>
        %get3A_639 = arith.index_cast %scan3A_92 : i32 to index
        %get3A_640 = arith.constant 656 : index
        %get3A_641 = tpu.vector_load %arg9[%get3A_639, %get3A_640] {strides = array<i32>} : memref<16x1024xf32, #tpu.memory_space<vmem>>, vector<16xf32>,
        %get3A_642 = arith.index_cast %scan3A_92 : i32 to index
        %get3A_643 = arith.constant 656 : index
        %get3A_644 = tpu.vector_load %arg11[%get3A_642, %get3A_643] {strides = array<i32>} : memref<16x1024xf32, #tpu.memory_space<vmem>>, vector<16xf32>,
        %add3A_645 = arith.addf %get3A_641, %get3A_644 : vector<16xf32>
        %swap3A_646 = arith.index_cast %scan3A_92 : i32 to index
        %swap3A_647 = arith.constant 656 : index
        %swap3A_648 = tpu.vector_load %arg9[%swap3A_646, %swap3A_647] {strides = array<i32>} : memref<16x1024xf32, #tpu.memory_space<vmem>>, vector<16xf32>,
        tpu.vector_store %arg9[%swap3A_646, %swap3A_647], %add3A_645 {strides = array<i32>} : memref<16x1024xf32, #tpu.memory_space<vmem>>, vector<16xf32>,
        %add3A_649 = arith.addf %add3A_597, %add3A_645 : vector<16xf32>
        %mul3A_650 = arith.mulf %add3A_645, %add3A_645 : vector<16xf32>
        %add3A_651 = arith.addf %add3A_599, %mul3A_650 : vector<16xf32>
        %get3A_652 = arith.index_cast %scan3A_92 : i32 to index
        %get3A_653 = arith.constant 672 : index
        %get3A_654 = tpu.vector_load %arg9[%get3A_652, %get3A_653] {strides = array<i32>} : memref<16x1024xf32, #tpu.memory_space<vmem>>, vector<16xf32>,
        %get3A_655 = arith.index_cast %scan3A_92 : i32 to index
        %get3A_656 = arith.constant 672 : index
        %get3A_657 = tpu.vector_load %arg11[%get3A_655, %get3A_656] {strides = array<i32>} : memref<16x1024xf32, #tpu.memory_space<vmem>>, vector<16xf32>,
        %add3A_658 = arith.addf %get3A_654, %get3A_657 : vector<16xf32>
        %swap3A_659 = arith.index_cast %scan3A_92 : i32 to index
        %swap3A_660 = arith.constant 672 : index
        %swap3A_661 = tpu.vector_load %arg9[%swap3A_659, %swap3A_660] {strides = array<i32>} : memref<16x1024xf32, #tpu.memory_space<vmem>>, vector<16xf32>,
        tpu.vector_store %arg9[%swap3A_659, %swap3A_660], %add3A_658 {strides = array<i32>} : memref<16x1024xf32, #tpu.memory_space<vmem>>, vector<16xf32>,
        %add3A_662 = arith.addf %add3A_610, %add3A_658 : vector<16xf32>
        %mul3A_663 = arith.mulf %add3A_658, %add3A_658 : vector<16xf32>
        %add3A_664 = arith.addf %add3A_612, %mul3A_663 : vector<16xf32>
        %get3A_665 = arith.index_cast %scan3A_92 : i32 to index
        %get3A_666 = arith.constant 688 : index
        %get3A_667 = tpu.vector_load %arg9[%get3A_665, %get3A_666] {strides = array<i32>} : memref<16x1024xf32, #tpu.memory_space<vmem>>, vector<16xf32>,
        %get3A_668 = arith.index_cast %scan3A_92 : i32 to index
        %get3A_669 = arith.constant 688 : index
        %get3A_670 = tpu.vector_load %arg11[%get3A_668, %get3A_669] {strides = array<i32>} : memref<16x1024xf32, #tpu.memory_space<vmem>>, vector<16xf32>,
        %add3A_671 = arith.addf %get3A_667, %get3A_670 : vector<16xf32>
        %swap3A_672 = arith.index_cast %scan3A_92 : i32 to index
        %swap3A_673 = arith.constant 688 : index
        %swap3A_674 = tpu.vector_load %arg9[%swap3A_672, %swap3A_673] {strides = array<i32>} : memref<16x1024xf32, #tpu.memory_space<vmem>>, vector<16xf32>,
        tpu.vector_store %arg9[%swap3A_672, %swap3A_673], %add3A_671 {strides = array<i32>} : memref<16x1024xf32, #tpu.memory_space<vmem>>, vector<16xf32>,
        %add3A_675 = arith.addf %add3A_623, %add3A_671 : vector<16xf32>
        %mul3A_676 = arith.mulf %add3A_671, %add3A_671 : vector<16xf32>
        %add3A_677 = arith.addf %add3A_625, %mul3A_676 : vector<16xf32>
        %get3A_678 = arith.index_cast %scan3A_92 : i32 to index
        %get3A_679 = arith.constant 704 : index
        %get3A_680 = tpu.vector_load %arg9[%get3A_678, %get3A_679] {strides = array<i32>} : memref<16x1024xf32, #tpu.memory_space<vmem>>, vector<16xf32>,
        %get3A_681 = arith.index_cast %scan3A_92 : i32 to index
        %get3A_682 = arith.constant 704 : index
        %get3A_683 = tpu.vector_load %arg11[%get3A_681, %get3A_682] {strides = array<i32>} : memref<16x1024xf32, #tpu.memory_space<vmem>>, vector<16xf32>,
        %add3A_684 = arith.addf %get3A_680, %get3A_683 : vector<16xf32>
        %swap3A_685 = arith.index_cast %scan3A_92 : i32 to index
        %swap3A_686 = arith.constant 704 : index
        %swap3A_687 = tpu.vector_load %arg9[%swap3A_685, %swap3A_686] {strides = array<i32>} : memref<16x1024xf32, #tpu.memory_space<vmem>>, vector<16xf32>,
        tpu.vector_store %arg9[%swap3A_685, %swap3A_686], %add3A_684 {strides = array<i32>} : memref<16x1024xf32, #tpu.memory_space<vmem>>, vector<16xf32>,
        %add3A_688 = arith.addf %add3A_636, %add3A_684 : vector<16xf32>
        %mul3A_689 = arith.mulf %add3A_684, %add3A_684 : vector<16xf32>
        %add3A_690 = arith.addf %add3A_638, %mul3A_689 : vector<16xf32>
        %get3A_691 = arith.index_cast %scan3A_92 : i32 to index
        %get3A_692 = arith.constant 720 : index
        %get3A_693 = tpu.vector_load %arg9[%get3A_691, %get3A_692] {strides = array<i32>} : memref<16x1024xf32, #tpu.memory_space<vmem>>, vector<16xf32>,
        %get3A_694 = arith.index_cast %scan3A_92 : i32 to index
        %get3A_695 = arith.constant 720 : index
        %get3A_696 = tpu.vector_load %arg11[%get3A_694, %get3A_695] {strides = array<i32>} : memref<16x1024xf32, #tpu.memory_space<vmem>>, vector<16xf32>,
        %add3A_697 = arith.addf %get3A_693, %get3A_696 : vector<16xf32>
        %swap3A_698 = arith.index_cast %scan3A_92 : i32 to index
        %swap3A_699 = arith.constant 720 : index
        %swap3A_700 = tpu.vector_load %arg9[%swap3A_698, %swap3A_699] {strides = array<i32>} : memref<16x1024xf32, #tpu.memory_space<vmem>>, vector<16xf32>,
        tpu.vector_store %arg9[%swap3A_698, %swap3A_699], %add3A_697 {strides = array<i32>} : memref<16x1024xf32, #tpu.memory_space<vmem>>, vector<16xf32>,
        %add3A_701 = arith.addf %add3A_649, %add3A_697 : vector<16xf32>
        %mul3A_702 = arith.mulf %add3A_697, %add3A_697 : vector<16xf32>
        %add3A_703 = arith.addf %add3A_651, %mul3A_702 : vector<16xf32>
        %get3A_704 = arith.index_cast %scan3A_92 : i32 to index
        %get3A_705 = arith.constant 736 : index
        %get3A_706 = tpu.vector_load %arg9[%get3A_704, %get3A_705] {strides = array<i32>} : memref<16x1024xf32, #tpu.memory_space<vmem>>, vector<16xf32>,
        %get3A_707 = arith.index_cast %scan3A_92 : i32 to index
        %get3A_708 = arith.constant 736 : index
        %get3A_709 = tpu.vector_load %arg11[%get3A_707, %get3A_708] {strides = array<i32>} : memref<16x1024xf32, #tpu.memory_space<vmem>>, vector<16xf32>,
        %add3A_710 = arith.addf %get3A_706, %get3A_709 : vector<16xf32>
        %swap3A_711 = arith.index_cast %scan3A_92 : i32 to index
        %swap3A_712 = arith.constant 736 : index
        %swap3A_713 = tpu.vector_load %arg9[%swap3A_711, %swap3A_712] {strides = array<i32>} : memref<16x1024xf32, #tpu.memory_space<vmem>>, vector<16xf32>,
        tpu.vector_store %arg9[%swap3A_711, %swap3A_712], %add3A_710 {strides = array<i32>} : memref<16x1024xf32, #tpu.memory_space<vmem>>, vector<16xf32>,
        %add3A_714 = arith.addf %add3A_662, %add3A_710 : vector<16xf32>
        %mul3A_715 = arith.mulf %add3A_710, %add3A_710 : vector<16xf32>
        %add3A_716 = arith.addf %add3A_664, %mul3A_715 : vector<16xf32>
        %get3A_717 = arith.index_cast %scan3A_92 : i32 to index
        %get3A_718 = arith.constant 752 : index
        %get3A_719 = tpu.vector_load %arg9[%get3A_717, %get3A_718] {strides = array<i32>} : memref<16x1024xf32, #tpu.memory_space<vmem>>, vector<16xf32>,
        %get3A_720 = arith.index_cast %scan3A_92 : i32 to index
        %get3A_721 = arith.constant 752 : index
        %get3A_722 = tpu.vector_load %arg11[%get3A_720, %get3A_721] {strides = array<i32>} : memref<16x1024xf32, #tpu.memory_space<vmem>>, vector<16xf32>,
        %add3A_723 = arith.addf %get3A_719, %get3A_722 : vector<16xf32>
        %swap3A_724 = arith.index_cast %scan3A_92 : i32 to index
        %swap3A_725 = arith.constant 752 : index
        %swap3A_726 = tpu.vector_load %arg9[%swap3A_724, %swap3A_725] {strides = array<i32>} : memref<16x1024xf32, #tpu.memory_space<vmem>>, vector<16xf32>,
        tpu.vector_store %arg9[%swap3A_724, %swap3A_725], %add3A_723 {strides = array<i32>} : memref<16x1024xf32, #tpu.memory_space<vmem>>, vector<16xf32>,
        %add3A_727 = arith.addf %add3A_675, %add3A_723 : vector<16xf32>
        %mul3A_728 = arith.mulf %add3A_723, %add3A_723 : vector<16xf32>
        %add3A_729 = arith.addf %add3A_677, %mul3A_728 : vector<16xf32>
        %get3A_730 = arith.index_cast %scan3A_92 : i32 to index
        %get3A_731 = arith.constant 768 : index
        %get3A_732 = tpu.vector_load %arg9[%get3A_730, %get3A_731] {strides = array<i32>} : memref<16x1024xf32, #tpu.memory_space<vmem>>, vector<16xf32>,
        %get3A_733 = arith.index_cast %scan3A_92 : i32 to index
        %get3A_734 = arith.constant 768 : index
        %get3A_735 = tpu.vector_load %arg11[%get3A_733, %get3A_734] {strides = array<i32>} : memref<16x1024xf32, #tpu.memory_space<vmem>>, vector<16xf32>,
        %add3A_736 = arith.addf %get3A_732, %get3A_735 : vector<16xf32>
        %swap3A_737 = arith.index_cast %scan3A_92 : i32 to index
        %swap3A_738 = arith.constant 768 : index
        %swap3A_739 = tpu.vector_load %arg9[%swap3A_737, %swap3A_738] {strides = array<i32>} : memref<16x1024xf32, #tpu.memory_space<vmem>>, vector<16xf32>,
        tpu.vector_store %arg9[%swap3A_737, %swap3A_738], %add3A_736 {strides = array<i32>} : memref<16x1024xf32, #tpu.memory_space<vmem>>, vector<16xf32>,
        %add3A_740 = arith.addf %add3A_688, %add3A_736 : vector<16xf32>
        %mul3A_741 = arith.mulf %add3A_736, %add3A_736 : vector<16xf32>
        %add3A_742 = arith.addf %add3A_690, %mul3A_741 : vector<16xf32>
        %get3A_743 = arith.index_cast %scan3A_92 : i32 to index
        %get3A_744 = arith.constant 784 : index
        %get3A_745 = tpu.vector_load %arg9[%get3A_743, %get3A_744] {strides = array<i32>} : memref<16x1024xf32, #tpu.memory_space<vmem>>, vector<16xf32>,
        %get3A_746 = arith.index_cast %scan3A_92 : i32 to index
        %get3A_747 = arith.constant 784 : index
        %get3A_748 = tpu.vector_load %arg11[%get3A_746, %get3A_747] {strides = array<i32>} : memref<16x1024xf32, #tpu.memory_space<vmem>>, vector<16xf32>,
        %add3A_749 = arith.addf %get3A_745, %get3A_748 : vector<16xf32>
        %swap3A_750 = arith.index_cast %scan3A_92 : i32 to index
        %swap3A_751 = arith.constant 784 : index
        %swap3A_752 = tpu.vector_load %arg9[%swap3A_750, %swap3A_751] {strides = array<i32>} : memref<16x1024xf32, #tpu.memory_space<vmem>>, vector<16xf32>,
        tpu.vector_store %arg9[%swap3A_750, %swap3A_751], %add3A_749 {strides = array<i32>} : memref<16x1024xf32, #tpu.memory_space<vmem>>, vector<16xf32>,
        %add3A_753 = arith.addf %add3A_701, %add3A_749 : vector<16xf32>
        %mul3A_754 = arith.mulf %add3A_749, %add3A_749 : vector<16xf32>
        %add3A_755 = arith.addf %add3A_703, %mul3A_754 : vector<16xf32>
        %get3A_756 = arith.index_cast %scan3A_92 : i32 to index
        %get3A_757 = arith.constant 800 : index
        %get3A_758 = tpu.vector_load %arg9[%get3A_756, %get3A_757] {strides = array<i32>} : memref<16x1024xf32, #tpu.memory_space<vmem>>, vector<16xf32>,
        %get3A_759 = arith.index_cast %scan3A_92 : i32 to index
        %get3A_760 = arith.constant 800 : index
        %get3A_761 = tpu.vector_load %arg11[%get3A_759, %get3A_760] {strides = array<i32>} : memref<16x1024xf32, #tpu.memory_space<vmem>>, vector<16xf32>,
        %add3A_762 = arith.addf %get3A_758, %get3A_761 : vector<16xf32>
        %swap3A_763 = arith.index_cast %scan3A_92 : i32 to index
        %swap3A_764 = arith.constant 800 : index
        %swap3A_765 = tpu.vector_load %arg9[%swap3A_763, %swap3A_764] {strides = array<i32>} : memref<16x1024xf32, #tpu.memory_space<vmem>>, vector<16xf32>,
        tpu.vector_store %arg9[%swap3A_763, %swap3A_764], %add3A_762 {strides = array<i32>} : memref<16x1024xf32, #tpu.memory_space<vmem>>, vector<16xf32>,
        %add3A_766 = arith.addf %add3A_714, %add3A_762 : vector<16xf32>
        %mul3A_767 = arith.mulf %add3A_762, %add3A_762 : vector<16xf32>
        %add3A_768 = arith.addf %add3A_716, %mul3A_767 : vector<16xf32>
        %get3A_769 = arith.index_cast %scan3A_92 : i32 to index
        %get3A_770 = arith.constant 816 : index
        %get3A_771 = tpu.vector_load %arg9[%get3A_769, %get3A_770] {strides = array<i32>} : memref<16x1024xf32, #tpu.memory_space<vmem>>, vector<16xf32>,
        %get3A_772 = arith.index_cast %scan3A_92 : i32 to index
        %get3A_773 = arith.constant 816 : index
        %get3A_774 = tpu.vector_load %arg11[%get3A_772, %get3A_773] {strides = array<i32>} : memref<16x1024xf32, #tpu.memory_space<vmem>>, vector<16xf32>,
        %add3A_775 = arith.addf %get3A_771, %get3A_774 : vector<16xf32>
        %swap3A_776 = arith.index_cast %scan3A_92 : i32 to index
        %swap3A_777 = arith.constant 816 : index
        %swap3A_778 = tpu.vector_load %arg9[%swap3A_776, %swap3A_777] {strides = array<i32>} : memref<16x1024xf32, #tpu.memory_space<vmem>>, vector<16xf32>,
        tpu.vector_store %arg9[%swap3A_776, %swap3A_777], %add3A_775 {strides = array<i32>} : memref<16x1024xf32, #tpu.memory_space<vmem>>, vector<16xf32>,
        %add3A_779 = arith.addf %add3A_727, %add3A_775 : vector<16xf32>
        %mul3A_780 = arith.mulf %add3A_775, %add3A_775 : vector<16xf32>
        %add3A_781 = arith.addf %add3A_729, %mul3A_780 : vector<16xf32>
        %get3A_782 = arith.index_cast %scan3A_92 : i32 to index
        %get3A_783 = arith.constant 832 : index
        %get3A_784 = tpu.vector_load %arg9[%get3A_782, %get3A_783] {strides = array<i32>} : memref<16x1024xf32, #tpu.memory_space<vmem>>, vector<16xf32>,
        %get3A_785 = arith.index_cast %scan3A_92 : i32 to index
        %get3A_786 = arith.constant 832 : index
        %get3A_787 = tpu.vector_load %arg11[%get3A_785, %get3A_786] {strides = array<i32>} : memref<16x1024xf32, #tpu.memory_space<vmem>>, vector<16xf32>,
        %add3A_788 = arith.addf %get3A_784, %get3A_787 : vector<16xf32>
        %swap3A_789 = arith.index_cast %scan3A_92 : i32 to index
        %swap3A_790 = arith.constant 832 : index
        %swap3A_791 = tpu.vector_load %arg9[%swap3A_789, %swap3A_790] {strides = array<i32>} : memref<16x1024xf32, #tpu.memory_space<vmem>>, vector<16xf32>,
        tpu.vector_store %arg9[%swap3A_789, %swap3A_790], %add3A_788 {strides = array<i32>} : memref<16x1024xf32, #tpu.memory_space<vmem>>, vector<16xf32>,
        %add3A_792 = arith.addf %add3A_740, %add3A_788 : vector<16xf32>
        %mul3A_793 = arith.mulf %add3A_788, %add3A_788 : vector<16xf32>
        %add3A_794 = arith.addf %add3A_742, %mul3A_793 : vector<16xf32>
        %get3A_795 = arith.index_cast %scan3A_92 : i32 to index
        %get3A_796 = arith.constant 848 : index
        %get3A_797 = tpu.vector_load %arg9[%get3A_795, %get3A_796] {strides = array<i32>} : memref<16x1024xf32, #tpu.memory_space<vmem>>, vector<16xf32>,
        %get3A_798 = arith.index_cast %scan3A_92 : i32 to index
        %get3A_799 = arith.constant 848 : index
        %get3A_800 = tpu.vector_load %arg11[%get3A_798, %get3A_799] {strides = array<i32>} : memref<16x1024xf32, #tpu.memory_space<vmem>>, vector<16xf32>,
        %add3A_801 = arith.addf %get3A_797, %get3A_800 : vector<16xf32>
        %swap3A_802 = arith.index_cast %scan3A_92 : i32 to index
        %swap3A_803 = arith.constant 848 : index
        %swap3A_804 = tpu.vector_load %arg9[%swap3A_802, %swap3A_803] {strides = array<i32>} : memref<16x1024xf32, #tpu.memory_space<vmem>>, vector<16xf32>,
        tpu.vector_store %arg9[%swap3A_802, %swap3A_803], %add3A_801 {strides = array<i32>} : memref<16x1024xf32, #tpu.memory_space<vmem>>, vector<16xf32>,
        %add3A_805 = arith.addf %add3A_753, %add3A_801 : vector<16xf32>
        %mul3A_806 = arith.mulf %add3A_801, %add3A_801 : vector<16xf32>
        %add3A_807 = arith.addf %add3A_755, %mul3A_806 : vector<16xf32>
        %get3A_808 = arith.index_cast %scan3A_92 : i32 to index
        %get3A_809 = arith.constant 864 : index
        %get3A_810 = tpu.vector_load %arg9[%get3A_808, %get3A_809] {strides = array<i32>} : memref<16x1024xf32, #tpu.memory_space<vmem>>, vector<16xf32>,
        %get3A_811 = arith.index_cast %scan3A_92 : i32 to index
        %get3A_812 = arith.constant 864 : index
        %get3A_813 = tpu.vector_load %arg11[%get3A_811, %get3A_812] {strides = array<i32>} : memref<16x1024xf32, #tpu.memory_space<vmem>>, vector<16xf32>,
        %add3A_814 = arith.addf %get3A_810, %get3A_813 : vector<16xf32>
        %swap3A_815 = arith.index_cast %scan3A_92 : i32 to index
        %swap3A_816 = arith.constant 864 : index
        %swap3A_817 = tpu.vector_load %arg9[%swap3A_815, %swap3A_816] {strides = array<i32>} : memref<16x1024xf32, #tpu.memory_space<vmem>>, vector<16xf32>,
        tpu.vector_store %arg9[%swap3A_815, %swap3A_816], %add3A_814 {strides = array<i32>} : memref<16x1024xf32, #tpu.memory_space<vmem>>, vector<16xf32>,
        %add3A_818 = arith.addf %add3A_766, %add3A_814 : vector<16xf32>
        %mul3A_819 = arith.mulf %add3A_814, %add3A_814 : vector<16xf32>
        %add3A_820 = arith.addf %add3A_768, %mul3A_819 : vector<16xf32>
        %get3A_821 = arith.index_cast %scan3A_92 : i32 to index
        %get3A_822 = arith.constant 880 : index
        %get3A_823 = tpu.vector_load %arg9[%get3A_821, %get3A_822] {strides = array<i32>} : memref<16x1024xf32, #tpu.memory_space<vmem>>, vector<16xf32>,
        %get3A_824 = arith.index_cast %scan3A_92 : i32 to index
        %get3A_825 = arith.constant 880 : index
        %get3A_826 = tpu.vector_load %arg11[%get3A_824, %get3A_825] {strides = array<i32>} : memref<16x1024xf32, #tpu.memory_space<vmem>>, vector<16xf32>,
        %add3A_827 = arith.addf %get3A_823, %get3A_826 : vector<16xf32>
        %swap3A_828 = arith.index_cast %scan3A_92 : i32 to index
        %swap3A_829 = arith.constant 880 : index
        %swap3A_830 = tpu.vector_load %arg9[%swap3A_828, %swap3A_829] {strides = array<i32>} : memref<16x1024xf32, #tpu.memory_space<vmem>>, vector<16xf32>,
        tpu.vector_store %arg9[%swap3A_828, %swap3A_829], %add3A_827 {strides = array<i32>} : memref<16x1024xf32, #tpu.memory_space<vmem>>, vector<16xf32>,
        %add3A_831 = arith.addf %add3A_779, %add3A_827 : vector<16xf32>
        %mul3A_832 = arith.mulf %add3A_827, %add3A_827 : vector<16xf32>
        %add3A_833 = arith.addf %add3A_781, %mul3A_832 : vector<16xf32>
        %get3A_834 = arith.index_cast %scan3A_92 : i32 to index
        %get3A_835 = arith.constant 896 : index
        %get3A_836 = tpu.vector_load %arg9[%get3A_834, %get3A_835] {strides = array<i32>} : memref<16x1024xf32, #tpu.memory_space<vmem>>, vector<16xf32>,
        %get3A_837 = arith.index_cast %scan3A_92 : i32 to index
        %get3A_838 = arith.constant 896 : index
        %get3A_839 = tpu.vector_load %arg11[%get3A_837, %get3A_838] {strides = array<i32>} : memref<16x1024xf32, #tpu.memory_space<vmem>>, vector<16xf32>,
        %add3A_840 = arith.addf %get3A_836, %get3A_839 : vector<16xf32>
        %swap3A_841 = arith.index_cast %scan3A_92 : i32 to index
        %swap3A_842 = arith.constant 896 : index
        %swap3A_843 = tpu.vector_load %arg9[%swap3A_841, %swap3A_842] {strides = array<i32>} : memref<16x1024xf32, #tpu.memory_space<vmem>>, vector<16xf32>,
        tpu.vector_store %arg9[%swap3A_841, %swap3A_842], %add3A_840 {strides = array<i32>} : memref<16x1024xf32, #tpu.memory_space<vmem>>, vector<16xf32>,
        %add3A_844 = arith.addf %add3A_792, %add3A_840 : vector<16xf32>
        %mul3A_845 = arith.mulf %add3A_840, %add3A_840 : vector<16xf32>
        %add3A_846 = arith.addf %add3A_794, %mul3A_845 : vector<16xf32>
        %get3A_847 = arith.index_cast %scan3A_92 : i32 to index
        %get3A_848 = arith.constant 912 : index
        %get3A_849 = tpu.vector_load %arg9[%get3A_847, %get3A_848] {strides = array<i32>} : memref<16x1024xf32, #tpu.memory_space<vmem>>, vector<16xf32>,
        %get3A_850 = arith.index_cast %scan3A_92 : i32 to index
        %get3A_851 = arith.constant 912 : index
        %get3A_852 = tpu.vector_load %arg11[%get3A_850, %get3A_851] {strides = array<i32>} : memref<16x1024xf32, #tpu.memory_space<vmem>>, vector<16xf32>,
        %add3A_853 = arith.addf %get3A_849, %get3A_852 : vector<16xf32>
        %swap3A_854 = arith.index_cast %scan3A_92 : i32 to index
        %swap3A_855 = arith.constant 912 : index
        %swap3A_856 = tpu.vector_load %arg9[%swap3A_854, %swap3A_855] {strides = array<i32>} : memref<16x1024xf32, #tpu.memory_space<vmem>>, vector<16xf32>,
        tpu.vector_store %arg9[%swap3A_854, %swap3A_855], %add3A_853 {strides = array<i32>} : memref<16x1024xf32, #tpu.memory_space<vmem>>, vector<16xf32>,
        %add3A_857 = arith.addf %add3A_805, %add3A_853 : vector<16xf32>
        %mul3A_858 = arith.mulf %add3A_853, %add3A_853 : vector<16xf32>
        %add3A_859 = arith.addf %add3A_807, %mul3A_858 : vector<16xf32>
        %get3A_860 = arith.index_cast %scan3A_92 : i32 to index
        %get3A_861 = arith.constant 928 : index
        %get3A_862 = tpu.vector_load %arg9[%get3A_860, %get3A_861] {strides = array<i32>} : memref<16x1024xf32, #tpu.memory_space<vmem>>, vector<16xf32>,
        %get3A_863 = arith.index_cast %scan3A_92 : i32 to index
        %get3A_864 = arith.constant 928 : index
        %get3A_865 = tpu.vector_load %arg11[%get3A_863, %get3A_864] {strides = array<i32>} : memref<16x1024xf32, #tpu.memory_space<vmem>>, vector<16xf32>,
        %add3A_866 = arith.addf %get3A_862, %get3A_865 : vector<16xf32>
        %swap3A_867 = arith.index_cast %scan3A_92 : i32 to index
        %swap3A_868 = arith.constant 928 : index
        %swap3A_869 = tpu.vector_load %arg9[%swap3A_867, %swap3A_868] {strides = array<i32>} : memref<16x1024xf32, #tpu.memory_space<vmem>>, vector<16xf32>,
        tpu.vector_store %arg9[%swap3A_867, %swap3A_868], %add3A_866 {strides = array<i32>} : memref<16x1024xf32, #tpu.memory_space<vmem>>, vector<16xf32>,
        %add3A_870 = arith.addf %add3A_818, %add3A_866 : vector<16xf32>
        %mul3A_871 = arith.mulf %add3A_866, %add3A_866 : vector<16xf32>
        %add3A_872 = arith.addf %add3A_820, %mul3A_871 : vector<16xf32>
        %get3A_873 = arith.index_cast %scan3A_92 : i32 to index
        %get3A_874 = arith.constant 944 : index
        %get3A_875 = tpu.vector_load %arg9[%get3A_873, %get3A_874] {strides = array<i32>} : memref<16x1024xf32, #tpu.memory_space<vmem>>, vector<16xf32>,
        %get3A_876 = arith.index_cast %scan3A_92 : i32 to index
        %get3A_877 = arith.constant 944 : index
        %get3A_878 = tpu.vector_load %arg11[%get3A_876, %get3A_877] {strides = array<i32>} : memref<16x1024xf32, #tpu.memory_space<vmem>>, vector<16xf32>,
        %add3A_879 = arith.addf %get3A_875, %get3A_878 : vector<16xf32>
        %swap3A_880 = arith.index_cast %scan3A_92 : i32 to index
        %swap3A_881 = arith.constant 944 : index
        %swap3A_882 = tpu.vector_load %arg9[%swap3A_880, %swap3A_881] {strides = array<i32>} : memref<16x1024xf32, #tpu.memory_space<vmem>>, vector<16xf32>,
        tpu.vector_store %arg9[%swap3A_880, %swap3A_881], %add3A_879 {strides = array<i32>} : memref<16x1024xf32, #tpu.memory_space<vmem>>, vector<16xf32>,
        %add3A_883 = arith.addf %add3A_831, %add3A_879 : vector<16xf32>
        %mul3A_884 = arith.mulf %add3A_879, %add3A_879 : vector<16xf32>
        %add3A_885 = arith.addf %add3A_833, %mul3A_884 : vector<16xf32>
        %get3A_886 = arith.index_cast %scan3A_92 : i32 to index
        %get3A_887 = arith.constant 960 : index
        %get3A_888 = tpu.vector_load %arg9[%get3A_886, %get3A_887] {strides = array<i32>} : memref<16x1024xf32, #tpu.memory_space<vmem>>, vector<16xf32>,
        %get3A_889 = arith.index_cast %scan3A_92 : i32 to index
        %get3A_890 = arith.constant 960 : index
        %get3A_891 = tpu.vector_load %arg11[%get3A_889, %get3A_890] {strides = array<i32>} : memref<16x1024xf32, #tpu.memory_space<vmem>>, vector<16xf32>,
        %add3A_892 = arith.addf %get3A_888, %get3A_891 : vector<16xf32>
        %swap3A_893 = arith.index_cast %scan3A_92 : i32 to index
        %swap3A_894 = arith.constant 960 : index
        %swap3A_895 = tpu.vector_load %arg9[%swap3A_893, %swap3A_894] {strides = array<i32>} : memref<16x1024xf32, #tpu.memory_space<vmem>>, vector<16xf32>,
        tpu.vector_store %arg9[%swap3A_893, %swap3A_894], %add3A_892 {strides = array<i32>} : memref<16x1024xf32, #tpu.memory_space<vmem>>, vector<16xf32>,
        %add3A_896 = arith.addf %add3A_844, %add3A_892 : vector<16xf32>
        %mul3A_897 = arith.mulf %add3A_892, %add3A_892 : vector<16xf32>
        %add3A_898 = arith.addf %add3A_846, %mul3A_897 : vector<16xf32>
        %get3A_899 = arith.index_cast %scan3A_92 : i32 to index
        %get3A_900 = arith.constant 976 : index
        %get3A_901 = tpu.vector_load %arg9[%get3A_899, %get3A_900] {strides = array<i32>} : memref<16x1024xf32, #tpu.memory_space<vmem>>, vector<16xf32>,
        %get3A_902 = arith.index_cast %scan3A_92 : i32 to index
        %get3A_903 = arith.constant 976 : index
        %get3A_904 = tpu.vector_load %arg11[%get3A_902, %get3A_903] {strides = array<i32>} : memref<16x1024xf32, #tpu.memory_space<vmem>>, vector<16xf32>,
        %add3A_905 = arith.addf %get3A_901, %get3A_904 : vector<16xf32>
        %swap3A_906 = arith.index_cast %scan3A_92 : i32 to index
        %swap3A_907 = arith.constant 976 : index
        %swap3A_908 = tpu.vector_load %arg9[%swap3A_906, %swap3A_907] {strides = array<i32>} : memref<16x1024xf32, #tpu.memory_space<vmem>>, vector<16xf32>,
        tpu.vector_store %arg9[%swap3A_906, %swap3A_907], %add3A_905 {strides = array<i32>} : memref<16x1024xf32, #tpu.memory_space<vmem>>, vector<16xf32>,
        %add3A_909 = arith.addf %add3A_857, %add3A_905 : vector<16xf32>
        %mul3A_910 = arith.mulf %add3A_905, %add3A_905 : vector<16xf32>
        %add3A_911 = arith.addf %add3A_859, %mul3A_910 : vector<16xf32>
        %get3A_912 = arith.index_cast %scan3A_92 : i32 to index
        %get3A_913 = arith.constant 992 : index
        %get3A_914 = tpu.vector_load %arg9[%get3A_912, %get3A_913] {strides = array<i32>} : memref<16x1024xf32, #tpu.memory_space<vmem>>, vector<16xf32>,
        %get3A_915 = arith.index_cast %scan3A_92 : i32 to index
        %get3A_916 = arith.constant 992 : index
        %get3A_917 = tpu.vector_load %arg11[%get3A_915, %get3A_916] {strides = array<i32>} : memref<16x1024xf32, #tpu.memory_space<vmem>>, vector<16xf32>,
        %add3A_918 = arith.addf %get3A_914, %get3A_917 : vector<16xf32>
        %swap3A_919 = arith.index_cast %scan3A_92 : i32 to index
        %swap3A_920 = arith.constant 992 : index
        %swap3A_921 = tpu.vector_load %arg9[%swap3A_919, %swap3A_920] {strides = array<i32>} : memref<16x1024xf32, #tpu.memory_space<vmem>>, vector<16xf32>,
        tpu.vector_store %arg9[%swap3A_919, %swap3A_920], %add3A_918 {strides = array<i32>} : memref<16x1024xf32, #tpu.memory_space<vmem>>, vector<16xf32>,
        %add3A_922 = arith.addf %add3A_870, %add3A_918 : vector<16xf32>
        %mul3A_923 = arith.mulf %add3A_918, %add3A_918 : vector<16xf32>
        %add3A_924 = arith.addf %add3A_872, %mul3A_923 : vector<16xf32>
        %get3A_925 = arith.index_cast %scan3A_92 : i32 to index
        %get3A_926 = arith.constant 1008 : index
        %get3A_927 = tpu.vector_load %arg9[%get3A_925, %get3A_926] {strides = array<i32>} : memref<16x1024xf32, #tpu.memory_space<vmem>>, vector<16xf32>,
        %get3A_928 = arith.index_cast %scan3A_92 : i32 to index
        %get3A_929 = arith.constant 1008 : index
        %get3A_930 = tpu.vector_load %arg11[%get3A_928, %get3A_929] {strides = array<i32>} : memref<16x1024xf32, #tpu.memory_space<vmem>>, vector<16xf32>,
        %add3A_931 = arith.addf %get3A_927, %get3A_930 : vector<16xf32>
        %swap3A_932 = arith.index_cast %scan3A_92 : i32 to index
        %swap3A_933 = arith.constant 1008 : index
        %swap3A_934 = tpu.vector_load %arg9[%swap3A_932, %swap3A_933] {strides = array<i32>} : memref<16x1024xf32, #tpu.memory_space<vmem>>, vector<16xf32>,
        tpu.vector_store %arg9[%swap3A_932, %swap3A_933], %add3A_931 {strides = array<i32>} : memref<16x1024xf32, #tpu.memory_space<vmem>>, vector<16xf32>,
        %add3A_935 = arith.addf %add3A_883, %add3A_931 : vector<16xf32>
        %mul3A_936 = arith.mulf %add3A_931, %add3A_931 : vector<16xf32>
        %add3A_937 = arith.addf %add3A_885, %mul3A_936 : vector<16xf32>
        %add3A_938 = arith.addf %add3A_896, %add3A_909 : vector<16xf32>
        %add3A_939 = arith.addf %add3A_922, %add3A_935 : vector<16xf32>
        %add3A_940 = arith.addf %add3A_938, %add3A_939 : vector<16xf32>
        %add3A_941 = arith.addf %add3A_898, %add3A_911 : vector<16xf32>
        %add3A_942 = arith.addf %add3A_924, %add3A_937 : vector<16xf32>
        %add3A_943 = arith.addf %add3A_941, %add3A_942 : vector<16xf32>
        %xor3A = arith.constant 8 : i32
        %xor3A_944 = vector.broadcast %xor3A : i32 to vector<16xi32>
        %xor3A_945 = arith.xori %iota3A, %xor3A_944 : vector<16xi32>
        %broadcast_in_dim3A_946 = vector.shape_cast %xor3A_945 : vector<16xi32> to vector<16x1xi32>
        %gather3A = vector.shape_cast %broadcast_in_dim3A_946 : vector<16x1xi32> to vector<16xi32>
        %gather3A_947 = tpu.dynamic_gather %add3A_940[%gather3A] in [0] : vector<16xf32>, vector<16xi32> -> vector<16xf32>
        %add3A_948 = arith.addf %add3A_940, %gather3A_947 : vector<16xf32>
        %xor3A_949 = arith.constant 4 : i32
        %xor3A_950 = vector.broadcast %xor3A_949 : i32 to vector<16xi32>
        %xor3A_951 = arith.xori %iota3A, %xor3A_950 : vector<16xi32>
        %broadcast_in_dim3A_952 = vector.shape_cast %xor3A_951 : vector<16xi32> to vector<16x1xi32>
        %gather3A_953 = vector.shape_cast %broadcast_in_dim3A_952 : vector<16x1xi32> to vector<16xi32>
        %gather3A_954 = tpu.dynamic_gather %add3A_948[%gather3A_953] in [0] : vector<16xf32>, vector<16xi32> -> vector<16xf32>
        %add3A_955 = arith.addf %add3A_948, %gather3A_954 : vector<16xf32>
        %xor3A_956 = arith.constant 2 : i32
        %xor3A_957 = vector.broadcast %xor3A_956 : i32 to vector<16xi32>
        %xor3A_958 = arith.xori %iota3A, %xor3A_957 : vector<16xi32>
        %broadcast_in_dim3A_959 = vector.shape_cast %xor3A_958 : vector<16xi32> to vector<16x1xi32>
        %gather3A_960 = vector.shape_cast %broadcast_in_dim3A_959 : vector<16x1xi32> to vector<16xi32>
        %gather3A_961 = tpu.dynamic_gather %add3A_955[%gather3A_960] in [0] : vector<16xf32>, vector<16xi32> -> vector<16xf32>
        %add3A_962 = arith.addf %add3A_955, %gather3A_961 : vector<16xf32>
        %xor3A_963 = arith.constant 1 : i32
        %xor3A_964 = vector.broadcast %xor3A_963 : i32 to vector<16xi32>
        %xor3A_965 = arith.xori %iota3A, %xor3A_964 : vector<16xi32>
        %broadcast_in_dim3A_966 = vector.shape_cast %xor3A_965 : vector<16xi32> to vector<16x1xi32>
        %gather3A_967 = vector.shape_cast %broadcast_in_dim3A_966 : vector<16x1xi32> to vector<16xi32>
        %gather3A_968 = tpu.dynamic_gather %add3A_962[%gather3A_967] in [0] : vector<16xf32>, vector<16xi32> -> vector<16xf32>
        %add3A_969 = arith.addf %add3A_962, %gather3A_968 : vector<16xf32>
        %mul3A_970 = arith.constant 9.765625E-4 : f32
        %mul3A_971 = vector.broadcast %mul3A_970 : f32 to vector<16xf32>
        %mul3A_972 = arith.mulf %add3A_969, %mul3A_971 : vector<16xf32>
        %xor3A_973 = arith.constant 8 : i32
        %xor3A_974 = vector.broadcast %xor3A_973 : i32 to vector<16xi32>
        %xor3A_975 = arith.xori %iota3A, %xor3A_974 : vector<16xi32>
        %broadcast_in_dim3A_976 = vector.shape_cast %xor3A_975 : vector<16xi32> to vector<16x1xi32>
        %gather3A_977 = vector.shape_cast %broadcast_in_dim3A_976 : vector<16x1xi32> to vector<16xi32>
        %gather3A_978 = tpu.dynamic_gather %add3A_943[%gather3A_977] in [0] : vector<16xf32>, vector<16xi32> -> vector<16xf32>
        %add3A_979 = arith.addf %add3A_943, %gather3A_978 : vector<16xf32>
        %xor3A_980 = arith.constant 4 : i32
        %xor3A_981 = vector.broadcast %xor3A_980 : i32 to vector<16xi32>
        %xor3A_982 = arith.xori %iota3A, %xor3A_981 : vector<16xi32>
        %broadcast_in_dim3A_983 = vector.shape_cast %xor3A_982 : vector<16xi32> to vector<16x1xi32>
        %gather3A_984 = vector.shape_cast %broadcast_in_dim3A_983 : vector<16x1xi32> to vector<16xi32>
        %gather3A_985 = tpu.dynamic_gather %add3A_979[%gather3A_984] in [0] : vector<16xf32>, vector<16xi32> -> vector<16xf32>
        %add3A_986 = arith.addf %add3A_979, %gather3A_985 : vector<16xf32>
        %xor3A_987 = arith.constant 2 : i32
        %xor3A_988 = vector.broadcast %xor3A_987 : i32 to vector<16xi32>
        %xor3A_989 = arith.xori %iota3A, %xor3A_988 : vector<16xi32>
        %broadcast_in_dim3A_990 = vector.shape_cast %xor3A_989 : vector<16xi32> to vector<16x1xi32>
        %gather3A_991 = vector.shape_cast %broadcast_in_dim3A_990 : vector<16x1xi32> to vector<16xi32>
        %gather3A_992 = tpu.dynamic_gather %add3A_986[%gather3A_991] in [0] : vector<16xf32>, vector<16xi32> -> vector<16xf32>
        %add3A_993 = arith.addf %add3A_986, %gather3A_992 : vector<16xf32>
        %xor3A_994 = arith.constant 1 : i32
        %xor3A_995 = vector.broadcast %xor3A_994 : i32 to vector<16xi32>
        %xor3A_996 = arith.xori %iota3A, %xor3A_995 : vector<16xi32>
        %broadcast_in_dim3A_997 = vector.shape_cast %xor3A_996 : vector<16xi32> to vector<16x1xi32>
        %gather3A_998 = vector.shape_cast %broadcast_in_dim3A_997 : vector<16x1xi32> to vector<16xi32>
        %gather3A_999 = tpu.dynamic_gather %add3A_993[%gather3A_998] in [0] : vector<16xf32>, vector<16xi32> -> vector<16xf32>
        %add3A_1000 = arith.addf %add3A_993, %gather3A_999 : vector<16xf32>
        %mul3A_1001 = arith.constant 9.765625E-4 : f32
        %mul3A_1002 = vector.broadcast %mul3A_1001 : f32 to vector<16xf32>
        %mul3A_1003 = arith.mulf %add3A_1000, %mul3A_1002 : vector<16xf32>
        %mul3A_1004 = arith.mulf %mul3A_972, %mul3A_972 : vector<16xf32>
        %sub3A = arith.subf %mul3A_1003, %mul3A_1004 : vector<16xf32>
        %add3A_1005 = arith.constant 9.99999996E-13 : f32
        %add3A_1006 = vector.broadcast %add3A_1005 : f32 to vector<16xf32>
        %add3A_1007 = arith.addf %sub3A, %add3A_1006 : vector<16xf32>
        %bitcast3A = vector.bitcast %add3A_1007 : vector<16xf32> to vector<16xi32>
        %broadcast_in_dim3A_1008 = arith.constant 1597463007 : i32
        %broadcast_in_dim3A_1009 = vector.broadcast %broadcast_in_dim3A_1008 : i32 to vector<16xi32>
        %shift_right_arithmetic3A = arith.constant 1 : i32
        %shift_right_arithmetic3A_1010 = vector.broadcast %shift_right_arithmetic3A : i32 to vector<16xi32>
        %shift_right_arithmetic3A_1011 = arith.shrsi %bitcast3A, %shift_right_arithmetic3A_1010 : vector<16xi32>
        %sub3A_1012 = arith.subi %broadcast_in_dim3A_1009, %shift_right_arithmetic3A_1011 : vector<16xi32>
        %bitcast3A_1013 = vector.bitcast %sub3A_1012 : vector<16xi32> to vector<16xf32>
        %mul3A_1014 = arith.constant 5.000000e-01 : f32
        %mul3A_1015 = vector.broadcast %mul3A_1014 : f32 to vector<16xf32>
        %mul3A_1016 = arith.mulf %mul3A_1015, %add3A_1007 : vector<16xf32>
        %mul3A_1017 = arith.mulf %mul3A_1016, %bitcast3A_1013 : vector<16xf32>
        %mul3A_1018 = arith.mulf %mul3A_1017, %bitcast3A_1013 : vector<16xf32>
        %sub3A_1019 = arith.constant 1.500000e+00 : f32
        %sub3A_1020 = vector.broadcast %sub3A_1019 : f32 to vector<16xf32>
        %sub3A_1021 = arith.subf %sub3A_1020, %mul3A_1018 : vector<16xf32>
        %mul3A_1022 = arith.mulf %bitcast3A_1013, %sub3A_1021 : vector<16xf32>
        %mul3A_1023 = arith.constant 5.000000e-01 : f32
        %mul3A_1024 = vector.broadcast %mul3A_1023 : f32 to vector<16xf32>
        %mul3A_1025 = arith.mulf %mul3A_1024, %add3A_1007 : vector<16xf32>
        %mul3A_1026 = arith.mulf %mul3A_1025, %mul3A_1022 : vector<16xf32>
        %mul3A_1027 = arith.mulf %mul3A_1026, %mul3A_1022 : vector<16xf32>
        %sub3A_1028 = arith.constant 1.500000e+00 : f32
        %sub3A_1029 = vector.broadcast %sub3A_1028 : f32 to vector<16xf32>
        %sub3A_1030 = arith.subf %sub3A_1029, %mul3A_1027 : vector<16xf32>
        %mul3A_1031 = arith.mulf %mul3A_1022, %sub3A_1030 : vector<16xf32>
        %mul3A_1032 = arith.constant 5.000000e-01 : f32
        %mul3A_1033 = vector.broadcast %mul3A_1032 : f32 to vector<16xf32>
        %mul3A_1034 = arith.mulf %mul3A_1033, %add3A_1007 : vector<16xf32>
        %mul3A_1035 = arith.mulf %mul3A_1034, %mul3A_1031 : vector<16xf32>
        %mul3A_1036 = arith.mulf %mul3A_1035, %mul3A_1031 : vector<16xf32>
        %sub3A_1037 = arith.constant 1.500000e+00 : f32
        %sub3A_1038 = vector.broadcast %sub3A_1037 : f32 to vector<16xf32>
        %sub3A_1039 = arith.subf %sub3A_1038, %mul3A_1036 : vector<16xf32>
        %mul3A_1040 = arith.mulf %mul3A_1031, %sub3A_1039 : vector<16xf32>
        %get3A_1041 = arith.index_cast %scan3A_92 : i32 to index
        %get3A_1042 = arith.constant 0 : index
        %get3A_1043 = tpu.vector_load %arg9[%get3A_1041, %get3A_1042] {strides = array<i32>} : memref<16x1024xf32, #tpu.memory_space<vmem>>, vector<16xf32>,
        %sub3A_1044 = arith.subf %get3A_1043, %mul3A_972 : vector<16xf32>
        %mul3A_1045 = arith.mulf %sub3A_1044, %mul3A_1040 : vector<16xf32>
        %get3A_1046 = arith.constant 0 : index
        %get3A_1047 = tpu.vector_load %arg13[%get3A_1046] {strides = array<i32>} : memref<1024xf32, #tpu.memory_space<vmem>>, vector<16xf32>,
        %mul3A_1048 = arith.mulf %mul3A_1045, %get3A_1047 : vector<16xf32>
        %get3A_1049 = arith.constant 0 : index
        %get3A_1050 = tpu.vector_load %arg14[%get3A_1049] {strides = array<i32>} : memref<1024xf32, #tpu.memory_space<vmem>>, vector<16xf32>,
        %add3A_1051 = arith.addf %mul3A_1048, %get3A_1050 : vector<16xf32>
        %swap3A_1052 = arith.index_cast %scan3A_92 : i32 to index
        %swap3A_1053 = arith.constant 0 : index
        %swap3A_1054 = tpu.vector_load %arg9[%swap3A_1052, %swap3A_1053] {strides = array<i32>} : memref<16x1024xf32, #tpu.memory_space<vmem>>, vector<16xf32>,
        tpu.vector_store %arg9[%swap3A_1052, %swap3A_1053], %add3A_1051 {strides = array<i32>} : memref<16x1024xf32, #tpu.memory_space<vmem>>, vector<16xf32>,
        %get3A_1055 = arith.index_cast %scan3A_92 : i32 to index
        %get3A_1056 = arith.constant 16 : index
        %get3A_1057 = tpu.vector_load %arg9[%get3A_1055, %get3A_1056] {strides = array<i32>} : memref<16x1024xf32, #tpu.memory_space<vmem>>, vector<16xf32>,
        %sub3A_1058 = arith.subf %get3A_1057, %mul3A_972 : vector<16xf32>
        %mul3A_1059 = arith.mulf %sub3A_1058, %mul3A_1040 : vector<16xf32>
        %get3A_1060 = arith.constant 16 : index
        %get3A_1061 = tpu.vector_load %arg13[%get3A_1060] {strides = array<i32>} : memref<1024xf32, #tpu.memory_space<vmem>>, vector<16xf32>,
        %mul3A_1062 = arith.mulf %mul3A_1059, %get3A_1061 : vector<16xf32>
        %get3A_1063 = arith.constant 16 : index
        %get3A_1064 = tpu.vector_load %arg14[%get3A_1063] {strides = array<i32>} : memref<1024xf32, #tpu.memory_space<vmem>>, vector<16xf32>,
        %add3A_1065 = arith.addf %mul3A_1062, %get3A_1064 : vector<16xf32>
        %swap3A_1066 = arith.index_cast %scan3A_92 : i32 to index
        %swap3A_1067 = arith.constant 16 : index
        %swap3A_1068 = tpu.vector_load %arg9[%swap3A_1066, %swap3A_1067] {strides = array<i32>} : memref<16x1024xf32, #tpu.memory_space<vmem>>, vector<16xf32>,
        tpu.vector_store %arg9[%swap3A_1066, %swap3A_1067], %add3A_1065 {strides = array<i32>} : memref<16x1024xf32, #tpu.memory_space<vmem>>, vector<16xf32>,
        %get3A_1069 = arith.index_cast %scan3A_92 : i32 to index
        %get3A_1070 = arith.constant 32 : index
        %get3A_1071 = tpu.vector_load %arg9[%get3A_1069, %get3A_1070] {strides = array<i32>} : memref<16x1024xf32, #tpu.memory_space<vmem>>, vector<16xf32>,
        %sub3A_1072 = arith.subf %get3A_1071, %mul3A_972 : vector<16xf32>
        %mul3A_1073 = arith.mulf %sub3A_1072, %mul3A_1040 : vector<16xf32>
        %get3A_1074 = arith.constant 32 : index
        %get3A_1075 = tpu.vector_load %arg13[%get3A_1074] {strides = array<i32>} : memref<1024xf32, #tpu.memory_space<vmem>>, vector<16xf32>,
        %mul3A_1076 = arith.mulf %mul3A_1073, %get3A_1075 : vector<16xf32>
        %get3A_1077 = arith.constant 32 : index
        %get3A_1078 = tpu.vector_load %arg14[%get3A_1077] {strides = array<i32>} : memref<1024xf32, #tpu.memory_space<vmem>>, vector<16xf32>,
        %add3A_1079 = arith.addf %mul3A_1076, %get3A_1078 : vector<16xf32>
        %swap3A_1080 = arith.index_cast %scan3A_92 : i32 to index
        %swap3A_1081 = arith.constant 32 : index
        %swap3A_1082 = tpu.vector_load %arg9[%swap3A_1080, %swap3A_1081] {strides = array<i32>} : memref<16x1024xf32, #tpu.memory_space<vmem>>, vector<16xf32>,
        tpu.vector_store %arg9[%swap3A_1080, %swap3A_1081], %add3A_1079 {strides = array<i32>} : memref<16x1024xf32, #tpu.memory_space<vmem>>, vector<16xf32>,
        %get3A_1083 = arith.index_cast %scan3A_92 : i32 to index
        %get3A_1084 = arith.constant 48 : index
        %get3A_1085 = tpu.vector_load %arg9[%get3A_1083, %get3A_1084] {strides = array<i32>} : memref<16x1024xf32, #tpu.memory_space<vmem>>, vector<16xf32>,
        %sub3A_1086 = arith.subf %get3A_1085, %mul3A_972 : vector<16xf32>
        %mul3A_1087 = arith.mulf %sub3A_1086, %mul3A_1040 : vector<16xf32>
        %get3A_1088 = arith.constant 48 : index
        %get3A_1089 = tpu.vector_load %arg13[%get3A_1088] {strides = array<i32>} : memref<1024xf32, #tpu.memory_space<vmem>>, vector<16xf32>,
        %mul3A_1090 = arith.mulf %mul3A_1087, %get3A_1089 : vector<16xf32>
        %get3A_1091 = arith.constant 48 : index
        %get3A_1092 = tpu.vector_load %arg14[%get3A_1091] {strides = array<i32>} : memref<1024xf32, #tpu.memory_space<vmem>>, vector<16xf32>,
        %add3A_1093 = arith.addf %mul3A_1090, %get3A_1092 : vector<16xf32>
        %swap3A_1094 = arith.index_cast %scan3A_92 : i32 to index
        %swap3A_1095 = arith.constant 48 : index
        %swap3A_1096 = tpu.vector_load %arg9[%swap3A_1094, %swap3A_1095] {strides = array<i32>} : memref<16x1024xf32, #tpu.memory_space<vmem>>, vector<16xf32>,
        tpu.vector_store %arg9[%swap3A_1094, %swap3A_1095], %add3A_1093 {strides = array<i32>} : memref<16x1024xf32, #tpu.memory_space<vmem>>, vector<16xf32>,
        %get3A_1097 = arith.index_cast %scan3A_92 : i32 to index
        %get3A_1098 = arith.constant 64 : index
        %get3A_1099 = tpu.vector_load %arg9[%get3A_1097, %get3A_1098] {strides = array<i32>} : memref<16x1024xf32, #tpu.memory_space<vmem>>, vector<16xf32>,
        %sub3A_1100 = arith.subf %get3A_1099, %mul3A_972 : vector<16xf32>
        %mul3A_1101 = arith.mulf %sub3A_1100, %mul3A_1040 : vector<16xf32>
        %get3A_1102 = arith.constant 64 : index
        %get3A_1103 = tpu.vector_load %arg13[%get3A_1102] {strides = array<i32>} : memref<1024xf32, #tpu.memory_space<vmem>>, vector<16xf32>,
        %mul3A_1104 = arith.mulf %mul3A_1101, %get3A_1103 : vector<16xf32>
        %get3A_1105 = arith.constant 64 : index
        %get3A_1106 = tpu.vector_load %arg14[%get3A_1105] {strides = array<i32>} : memref<1024xf32, #tpu.memory_space<vmem>>, vector<16xf32>,
        %add3A_1107 = arith.addf %mul3A_1104, %get3A_1106 : vector<16xf32>
        %swap3A_1108 = arith.index_cast %scan3A_92 : i32 to index
        %swap3A_1109 = arith.constant 64 : index
        %swap3A_1110 = tpu.vector_load %arg9[%swap3A_1108, %swap3A_1109] {strides = array<i32>} : memref<16x1024xf32, #tpu.memory_space<vmem>>, vector<16xf32>,
        tpu.vector_store %arg9[%swap3A_1108, %swap3A_1109], %add3A_1107 {strides = array<i32>} : memref<16x1024xf32, #tpu.memory_space<vmem>>, vector<16xf32>,
        %get3A_1111 = arith.index_cast %scan3A_92 : i32 to index
        %get3A_1112 = arith.constant 80 : index
        %get3A_1113 = tpu.vector_load %arg9[%get3A_1111, %get3A_1112] {strides = array<i32>} : memref<16x1024xf32, #tpu.memory_space<vmem>>, vector<16xf32>,
        %sub3A_1114 = arith.subf %get3A_1113, %mul3A_972 : vector<16xf32>
        %mul3A_1115 = arith.mulf %sub3A_1114, %mul3A_1040 : vector<16xf32>
        %get3A_1116 = arith.constant 80 : index
        %get3A_1117 = tpu.vector_load %arg13[%get3A_1116] {strides = array<i32>} : memref<1024xf32, #tpu.memory_space<vmem>>, vector<16xf32>,
        %mul3A_1118 = arith.mulf %mul3A_1115, %get3A_1117 : vector<16xf32>
        %get3A_1119 = arith.constant 80 : index
        %get3A_1120 = tpu.vector_load %arg14[%get3A_1119] {strides = array<i32>} : memref<1024xf32, #tpu.memory_space<vmem>>, vector<16xf32>,
        %add3A_1121 = arith.addf %mul3A_1118, %get3A_1120 : vector<16xf32>
        %swap3A_1122 = arith.index_cast %scan3A_92 : i32 to index
        %swap3A_1123 = arith.constant 80 : index
        %swap3A_1124 = tpu.vector_load %arg9[%swap3A_1122, %swap3A_1123] {strides = array<i32>} : memref<16x1024xf32, #tpu.memory_space<vmem>>, vector<16xf32>,
        tpu.vector_store %arg9[%swap3A_1122, %swap3A_1123], %add3A_1121 {strides = array<i32>} : memref<16x1024xf32, #tpu.memory_space<vmem>>, vector<16xf32>,
        %get3A_1125 = arith.index_cast %scan3A_92 : i32 to index
        %get3A_1126 = arith.constant 96 : index
        %get3A_1127 = tpu.vector_load %arg9[%get3A_1125, %get3A_1126] {strides = array<i32>} : memref<16x1024xf32, #tpu.memory_space<vmem>>, vector<16xf32>,
        %sub3A_1128 = arith.subf %get3A_1127, %mul3A_972 : vector<16xf32>
        %mul3A_1129 = arith.mulf %sub3A_1128, %mul3A_1040 : vector<16xf32>
        %get3A_1130 = arith.constant 96 : index
        %get3A_1131 = tpu.vector_load %arg13[%get3A_1130] {strides = array<i32>} : memref<1024xf32, #tpu.memory_space<vmem>>, vector<16xf32>,
        %mul3A_1132 = arith.mulf %mul3A_1129, %get3A_1131 : vector<16xf32>
        %get3A_1133 = arith.constant 96 : index
        %get3A_1134 = tpu.vector_load %arg14[%get3A_1133] {strides = array<i32>} : memref<1024xf32, #tpu.memory_space<vmem>>, vector<16xf32>,
        %add3A_1135 = arith.addf %mul3A_1132, %get3A_1134 : vector<16xf32>
        %swap3A_1136 = arith.index_cast %scan3A_92 : i32 to index
        %swap3A_1137 = arith.constant 96 : index
        %swap3A_1138 = tpu.vector_load %arg9[%swap3A_1136, %swap3A_1137] {strides = array<i32>} : memref<16x1024xf32, #tpu.memory_space<vmem>>, vector<16xf32>,
        tpu.vector_store %arg9[%swap3A_1136, %swap3A_1137], %add3A_1135 {strides = array<i32>} : memref<16x1024xf32, #tpu.memory_space<vmem>>, vector<16xf32>,
        %get3A_1139 = arith.index_cast %scan3A_92 : i32 to index
        %get3A_1140 = arith.constant 112 : index
        %get3A_1141 = tpu.vector_load %arg9[%get3A_1139, %get3A_1140] {strides = array<i32>} : memref<16x1024xf32, #tpu.memory_space<vmem>>, vector<16xf32>,
        %sub3A_1142 = arith.subf %get3A_1141, %mul3A_972 : vector<16xf32>
        %mul3A_1143 = arith.mulf %sub3A_1142, %mul3A_1040 : vector<16xf32>
        %get3A_1144 = arith.constant 112 : index
        %get3A_1145 = tpu.vector_load %arg13[%get3A_1144] {strides = array<i32>} : memref<1024xf32, #tpu.memory_space<vmem>>, vector<16xf32>,
        %mul3A_1146 = arith.mulf %mul3A_1143, %get3A_1145 : vector<16xf32>
        %get3A_1147 = arith.constant 112 : index
        %get3A_1148 = tpu.vector_load %arg14[%get3A_1147] {strides = array<i32>} : memref<1024xf32, #tpu.memory_space<vmem>>, vector<16xf32>,
        %add3A_1149 = arith.addf %mul3A_1146, %get3A_1148 : vector<16xf32>
        %swap3A_1150 = arith.index_cast %scan3A_92 : i32 to index
        %swap3A_1151 = arith.constant 112 : index
        %swap3A_1152 = tpu.vector_load %arg9[%swap3A_1150, %swap3A_1151] {strides = array<i32>} : memref<16x1024xf32, #tpu.memory_space<vmem>>, vector<16xf32>,
        tpu.vector_store %arg9[%swap3A_1150, %swap3A_1151], %add3A_1149 {strides = array<i32>} : memref<16x1024xf32, #tpu.memory_space<vmem>>, vector<16xf32>,
        %get3A_1153 = arith.index_cast %scan3A_92 : i32 to index
        %get3A_1154 = arith.constant 128 : index
        %get3A_1155 = tpu.vector_load %arg9[%get3A_1153, %get3A_1154] {strides = array<i32>} : memref<16x1024xf32, #tpu.memory_space<vmem>>, vector<16xf32>,
        %sub3A_1156 = arith.subf %get3A_1155, %mul3A_972 : vector<16xf32>
        %mul3A_1157 = arith.mulf %sub3A_1156, %mul3A_1040 : vector<16xf32>
        %get3A_1158 = arith.constant 128 : index
        %get3A_1159 = tpu.vector_load %arg13[%get3A_1158] {strides = array<i32>} : memref<1024xf32, #tpu.memory_space<vmem>>, vector<16xf32>,
        %mul3A_1160 = arith.mulf %mul3A_1157, %get3A_1159 : vector<16xf32>
        %get3A_1161 = arith.constant 128 : index
        %get3A_1162 = tpu.vector_load %arg14[%get3A_1161] {strides = array<i32>} : memref<1024xf32, #tpu.memory_space<vmem>>, vector<16xf32>,
        %add3A_1163 = arith.addf %mul3A_1160, %get3A_1162 : vector<16xf32>
        %swap3A_1164 = arith.index_cast %scan3A_92 : i32 to index
        %swap3A_1165 = arith.constant 128 : index
        %swap3A_1166 = tpu.vector_load %arg9[%swap3A_1164, %swap3A_1165] {strides = array<i32>} : memref<16x1024xf32, #tpu.memory_space<vmem>>, vector<16xf32>,
        tpu.vector_store %arg9[%swap3A_1164, %swap3A_1165], %add3A_1163 {strides = array<i32>} : memref<16x1024xf32, #tpu.memory_space<vmem>>, vector<16xf32>,
        %get3A_1167 = arith.index_cast %scan3A_92 : i32 to index
        %get3A_1168 = arith.constant 144 : index
        %get3A_1169 = tpu.vector_load %arg9[%get3A_1167, %get3A_1168] {strides = array<i32>} : memref<16x1024xf32, #tpu.memory_space<vmem>>, vector<16xf32>,
        %sub3A_1170 = arith.subf %get3A_1169, %mul3A_972 : vector<16xf32>
        %mul3A_1171 = arith.mulf %sub3A_1170, %mul3A_1040 : vector<16xf32>
        %get3A_1172 = arith.constant 144 : index
        %get3A_1173 = tpu.vector_load %arg13[%get3A_1172] {strides = array<i32>} : memref<1024xf32, #tpu.memory_space<vmem>>, vector<16xf32>,
        %mul3A_1174 = arith.mulf %mul3A_1171, %get3A_1173 : vector<16xf32>
        %get3A_1175 = arith.constant 144 : index
        %get3A_1176 = tpu.vector_load %arg14[%get3A_1175] {strides = array<i32>} : memref<1024xf32, #tpu.memory_space<vmem>>, vector<16xf32>,
        %add3A_1177 = arith.addf %mul3A_1174, %get3A_1176 : vector<16xf32>
        %swap3A_1178 = arith.index_cast %scan3A_92 : i32 to index
        %swap3A_1179 = arith.constant 144 : index
        %swap3A_1180 = tpu.vector_load %arg9[%swap3A_1178, %swap3A_1179] {strides = array<i32>} : memref<16x1024xf32, #tpu.memory_space<vmem>>, vector<16xf32>,
        tpu.vector_store %arg9[%swap3A_1178, %swap3A_1179], %add3A_1177 {strides = array<i32>} : memref<16x1024xf32, #tpu.memory_space<vmem>>, vector<16xf32>,
        %get3A_1181 = arith.index_cast %scan3A_92 : i32 to index
        %get3A_1182 = arith.constant 160 : index
        %get3A_1183 = tpu.vector_load %arg9[%get3A_1181, %get3A_1182] {strides = array<i32>} : memref<16x1024xf32, #tpu.memory_space<vmem>>, vector<16xf32>,
        %sub3A_1184 = arith.subf %get3A_1183, %mul3A_972 : vector<16xf32>
        %mul3A_1185 = arith.mulf %sub3A_1184, %mul3A_1040 : vector<16xf32>
        %get3A_1186 = arith.constant 160 : index
        %get3A_1187 = tpu.vector_load %arg13[%get3A_1186] {strides = array<i32>} : memref<1024xf32, #tpu.memory_space<vmem>>, vector<16xf32>,
        %mul3A_1188 = arith.mulf %mul3A_1185, %get3A_1187 : vector<16xf32>
        %get3A_1189 = arith.constant 160 : index
        %get3A_1190 = tpu.vector_load %arg14[%get3A_1189] {strides = array<i32>} : memref<1024xf32, #tpu.memory_space<vmem>>, vector<16xf32>,
        %add3A_1191 = arith.addf %mul3A_1188, %get3A_1190 : vector<16xf32>
        %swap3A_1192 = arith.index_cast %scan3A_92 : i32 to index
        %swap3A_1193 = arith.constant 160 : index
        %swap3A_1194 = tpu.vector_load %arg9[%swap3A_1192, %swap3A_1193] {strides = array<i32>} : memref<16x1024xf32, #tpu.memory_space<vmem>>, vector<16xf32>,
        tpu.vector_store %arg9[%swap3A_1192, %swap3A_1193], %add3A_1191 {strides = array<i32>} : memref<16x1024xf32, #tpu.memory_space<vmem>>, vector<16xf32>,
        %get3A_1195 = arith.index_cast %scan3A_92 : i32 to index
        %get3A_1196 = arith.constant 176 : index
        %get3A_1197 = tpu.vector_load %arg9[%get3A_1195, %get3A_1196] {strides = array<i32>} : memref<16x1024xf32, #tpu.memory_space<vmem>>, vector<16xf32>,
        %sub3A_1198 = arith.subf %get3A_1197, %mul3A_972 : vector<16xf32>
        %mul3A_1199 = arith.mulf %sub3A_1198, %mul3A_1040 : vector<16xf32>
        %get3A_1200 = arith.constant 176 : index
        %get3A_1201 = tpu.vector_load %arg13[%get3A_1200] {strides = array<i32>} : memref<1024xf32, #tpu.memory_space<vmem>>, vector<16xf32>,
        %mul3A_1202 = arith.mulf %mul3A_1199, %get3A_1201 : vector<16xf32>
        %get3A_1203 = arith.constant 176 : index
        %get3A_1204 = tpu.vector_load %arg14[%get3A_1203] {strides = array<i32>} : memref<1024xf32, #tpu.memory_space<vmem>>, vector<16xf32>,
        %add3A_1205 = arith.addf %mul3A_1202, %get3A_1204 : vector<16xf32>
        %swap3A_1206 = arith.index_cast %scan3A_92 : i32 to index
        %swap3A_1207 = arith.constant 176 : index
        %swap3A_1208 = tpu.vector_load %arg9[%swap3A_1206, %swap3A_1207] {strides = array<i32>} : memref<16x1024xf32, #tpu.memory_space<vmem>>, vector<16xf32>,
        tpu.vector_store %arg9[%swap3A_1206, %swap3A_1207], %add3A_1205 {strides = array<i32>} : memref<16x1024xf32, #tpu.memory_space<vmem>>, vector<16xf32>,
        %get3A_1209 = arith.index_cast %scan3A_92 : i32 to index
        %get3A_1210 = arith.constant 192 : index
        %get3A_1211 = tpu.vector_load %arg9[%get3A_1209, %get3A_1210] {strides = array<i32>} : memref<16x1024xf32, #tpu.memory_space<vmem>>, vector<16xf32>,
        %sub3A_1212 = arith.subf %get3A_1211, %mul3A_972 : vector<16xf32>
        %mul3A_1213 = arith.mulf %sub3A_1212, %mul3A_1040 : vector<16xf32>
        %get3A_1214 = arith.constant 192 : index
        %get3A_1215 = tpu.vector_load %arg13[%get3A_1214] {strides = array<i32>} : memref<1024xf32, #tpu.memory_space<vmem>>, vector<16xf32>,
        %mul3A_1216 = arith.mulf %mul3A_1213, %get3A_1215 : vector<16xf32>
        %get3A_1217 = arith.constant 192 : index
        %get3A_1218 = tpu.vector_load %arg14[%get3A_1217] {strides = array<i32>} : memref<1024xf32, #tpu.memory_space<vmem>>, vector<16xf32>,
        %add3A_1219 = arith.addf %mul3A_1216, %get3A_1218 : vector<16xf32>
        %swap3A_1220 = arith.index_cast %scan3A_92 : i32 to index
        %swap3A_1221 = arith.constant 192 : index
        %swap3A_1222 = tpu.vector_load %arg9[%swap3A_1220, %swap3A_1221] {strides = array<i32>} : memref<16x1024xf32, #tpu.memory_space<vmem>>, vector<16xf32>,
        tpu.vector_store %arg9[%swap3A_1220, %swap3A_1221], %add3A_1219 {strides = array<i32>} : memref<16x1024xf32, #tpu.memory_space<vmem>>, vector<16xf32>,
        %get3A_1223 = arith.index_cast %scan3A_92 : i32 to index
        %get3A_1224 = arith.constant 208 : index
        %get3A_1225 = tpu.vector_load %arg9[%get3A_1223, %get3A_1224] {strides = array<i32>} : memref<16x1024xf32, #tpu.memory_space<vmem>>, vector<16xf32>,
        %sub3A_1226 = arith.subf %get3A_1225, %mul3A_972 : vector<16xf32>
        %mul3A_1227 = arith.mulf %sub3A_1226, %mul3A_1040 : vector<16xf32>
        %get3A_1228 = arith.constant 208 : index
        %get3A_1229 = tpu.vector_load %arg13[%get3A_1228] {strides = array<i32>} : memref<1024xf32, #tpu.memory_space<vmem>>, vector<16xf32>,
        %mul3A_1230 = arith.mulf %mul3A_1227, %get3A_1229 : vector<16xf32>
        %get3A_1231 = arith.constant 208 : index
        %get3A_1232 = tpu.vector_load %arg14[%get3A_1231] {strides = array<i32>} : memref<1024xf32, #tpu.memory_space<vmem>>, vector<16xf32>,
        %add3A_1233 = arith.addf %mul3A_1230, %get3A_1232 : vector<16xf32>
        %swap3A_1234 = arith.index_cast %scan3A_92 : i32 to index
        %swap3A_1235 = arith.constant 208 : index
        %swap3A_1236 = tpu.vector_load %arg9[%swap3A_1234, %swap3A_1235] {strides = array<i32>} : memref<16x1024xf32, #tpu.memory_space<vmem>>, vector<16xf32>,
        tpu.vector_store %arg9[%swap3A_1234, %swap3A_1235], %add3A_1233 {strides = array<i32>} : memref<16x1024xf32, #tpu.memory_space<vmem>>, vector<16xf32>,
        %get3A_1237 = arith.index_cast %scan3A_92 : i32 to index
        %get3A_1238 = arith.constant 224 : index
        %get3A_1239 = tpu.vector_load %arg9[%get3A_1237, %get3A_1238] {strides = array<i32>} : memref<16x1024xf32, #tpu.memory_space<vmem>>, vector<16xf32>,
        %sub3A_1240 = arith.subf %get3A_1239, %mul3A_972 : vector<16xf32>
        %mul3A_1241 = arith.mulf %sub3A_1240, %mul3A_1040 : vector<16xf32>
        %get3A_1242 = arith.constant 224 : index
        %get3A_1243 = tpu.vector_load %arg13[%get3A_1242] {strides = array<i32>} : memref<1024xf32, #tpu.memory_space<vmem>>, vector<16xf32>,
        %mul3A_1244 = arith.mulf %mul3A_1241, %get3A_1243 : vector<16xf32>
        %get3A_1245 = arith.constant 224 : index
        %get3A_1246 = tpu.vector_load %arg14[%get3A_1245] {strides = array<i32>} : memref<1024xf32, #tpu.memory_space<vmem>>, vector<16xf32>,
        %add3A_1247 = arith.addf %mul3A_1244, %get3A_1246 : vector<16xf32>
        %swap3A_1248 = arith.index_cast %scan3A_92 : i32 to index
        %swap3A_1249 = arith.constant 224 : index
        %swap3A_1250 = tpu.vector_load %arg9[%swap3A_1248, %swap3A_1249] {strides = array<i32>} : memref<16x1024xf32, #tpu.memory_space<vmem>>, vector<16xf32>,
        tpu.vector_store %arg9[%swap3A_1248, %swap3A_1249], %add3A_1247 {strides = array<i32>} : memref<16x1024xf32, #tpu.memory_space<vmem>>, vector<16xf32>,
        %get3A_1251 = arith.index_cast %scan3A_92 : i32 to index
        %get3A_1252 = arith.constant 240 : index
        %get3A_1253 = tpu.vector_load %arg9[%get3A_1251, %get3A_1252] {strides = array<i32>} : memref<16x1024xf32, #tpu.memory_space<vmem>>, vector<16xf32>,
        %sub3A_1254 = arith.subf %get3A_1253, %mul3A_972 : vector<16xf32>
        %mul3A_1255 = arith.mulf %sub3A_1254, %mul3A_1040 : vector<16xf32>
        %get3A_1256 = arith.constant 240 : index
        %get3A_1257 = tpu.vector_load %arg13[%get3A_1256] {strides = array<i32>} : memref<1024xf32, #tpu.memory_space<vmem>>, vector<16xf32>,
        %mul3A_1258 = arith.mulf %mul3A_1255, %get3A_1257 : vector<16xf32>
        %get3A_1259 = arith.constant 240 : index
        %get3A_1260 = tpu.vector_load %arg14[%get3A_1259] {strides = array<i32>} : memref<1024xf32, #tpu.memory_space<vmem>>, vector<16xf32>,
        %add3A_1261 = arith.addf %mul3A_1258, %get3A_1260 : vector<16xf32>
        %swap3A_1262 = arith.index_cast %scan3A_92 : i32 to index
        %swap3A_1263 = arith.constant 240 : index
        %swap3A_1264 = tpu.vector_load %arg9[%swap3A_1262, %swap3A_1263] {strides = array<i32>} : memref<16x1024xf32, #tpu.memory_space<vmem>>, vector<16xf32>,
        tpu.vector_store %arg9[%swap3A_1262, %swap3A_1263], %add3A_1261 {strides = array<i32>} : memref<16x1024xf32, #tpu.memory_space<vmem>>, vector<16xf32>,
        %get3A_1265 = arith.index_cast %scan3A_92 : i32 to index
        %get3A_1266 = arith.constant 256 : index
        %get3A_1267 = tpu.vector_load %arg9[%get3A_1265, %get3A_1266] {strides = array<i32>} : memref<16x1024xf32, #tpu.memory_space<vmem>>, vector<16xf32>,
        %sub3A_1268 = arith.subf %get3A_1267, %mul3A_972 : vector<16xf32>
        %mul3A_1269 = arith.mulf %sub3A_1268, %mul3A_1040 : vector<16xf32>
        %get3A_1270 = arith.constant 256 : index
        %get3A_1271 = tpu.vector_load %arg13[%get3A_1270] {strides = array<i32>} : memref<1024xf32, #tpu.memory_space<vmem>>, vector<16xf32>,
        %mul3A_1272 = arith.mulf %mul3A_1269, %get3A_1271 : vector<16xf32>
        %get3A_1273 = arith.constant 256 : index
        %get3A_1274 = tpu.vector_load %arg14[%get3A_1273] {strides = array<i32>} : memref<1024xf32, #tpu.memory_space<vmem>>, vector<16xf32>,
        %add3A_1275 = arith.addf %mul3A_1272, %get3A_1274 : vector<16xf32>
        %swap3A_1276 = arith.index_cast %scan3A_92 : i32 to index
        %swap3A_1277 = arith.constant 256 : index
        %swap3A_1278 = tpu.vector_load %arg9[%swap3A_1276, %swap3A_1277] {strides = array<i32>} : memref<16x1024xf32, #tpu.memory_space<vmem>>, vector<16xf32>,
        tpu.vector_store %arg9[%swap3A_1276, %swap3A_1277], %add3A_1275 {strides = array<i32>} : memref<16x1024xf32, #tpu.memory_space<vmem>>, vector<16xf32>,
        %get3A_1279 = arith.index_cast %scan3A_92 : i32 to index
        %get3A_1280 = arith.constant 272 : index
        %get3A_1281 = tpu.vector_load %arg9[%get3A_1279, %get3A_1280] {strides = array<i32>} : memref<16x1024xf32, #tpu.memory_space<vmem>>, vector<16xf32>,
        %sub3A_1282 = arith.subf %get3A_1281, %mul3A_972 : vector<16xf32>
        %mul3A_1283 = arith.mulf %sub3A_1282, %mul3A_1040 : vector<16xf32>
        %get3A_1284 = arith.constant 272 : index
        %get3A_1285 = tpu.vector_load %arg13[%get3A_1284] {strides = array<i32>} : memref<1024xf32, #tpu.memory_space<vmem>>, vector<16xf32>,
        %mul3A_1286 = arith.mulf %mul3A_1283, %get3A_1285 : vector<16xf32>
        %get3A_1287 = arith.constant 272 : index
        %get3A_1288 = tpu.vector_load %arg14[%get3A_1287] {strides = array<i32>} : memref<1024xf32, #tpu.memory_space<vmem>>, vector<16xf32>,
        %add3A_1289 = arith.addf %mul3A_1286, %get3A_1288 : vector<16xf32>
        %swap3A_1290 = arith.index_cast %scan3A_92 : i32 to index
        %swap3A_1291 = arith.constant 272 : index
        %swap3A_1292 = tpu.vector_load %arg9[%swap3A_1290, %swap3A_1291] {strides = array<i32>} : memref<16x1024xf32, #tpu.memory_space<vmem>>, vector<16xf32>,
        tpu.vector_store %arg9[%swap3A_1290, %swap3A_1291], %add3A_1289 {strides = array<i32>} : memref<16x1024xf32, #tpu.memory_space<vmem>>, vector<16xf32>,
        %get3A_1293 = arith.index_cast %scan3A_92 : i32 to index
        %get3A_1294 = arith.constant 288 : index
        %get3A_1295 = tpu.vector_load %arg9[%get3A_1293, %get3A_1294] {strides = array<i32>} : memref<16x1024xf32, #tpu.memory_space<vmem>>, vector<16xf32>,
        %sub3A_1296 = arith.subf %get3A_1295, %mul3A_972 : vector<16xf32>
        %mul3A_1297 = arith.mulf %sub3A_1296, %mul3A_1040 : vector<16xf32>
        %get3A_1298 = arith.constant 288 : index
        %get3A_1299 = tpu.vector_load %arg13[%get3A_1298] {strides = array<i32>} : memref<1024xf32, #tpu.memory_space<vmem>>, vector<16xf32>,
        %mul3A_1300 = arith.mulf %mul3A_1297, %get3A_1299 : vector<16xf32>
        %get3A_1301 = arith.constant 288 : index
        %get3A_1302 = tpu.vector_load %arg14[%get3A_1301] {strides = array<i32>} : memref<1024xf32, #tpu.memory_space<vmem>>, vector<16xf32>,
        %add3A_1303 = arith.addf %mul3A_1300, %get3A_1302 : vector<16xf32>
        %swap3A_1304 = arith.index_cast %scan3A_92 : i32 to index
        %swap3A_1305 = arith.constant 288 : index
        %swap3A_1306 = tpu.vector_load %arg9[%swap3A_1304, %swap3A_1305] {strides = array<i32>} : memref<16x1024xf32, #tpu.memory_space<vmem>>, vector<16xf32>,
        tpu.vector_store %arg9[%swap3A_1304, %swap3A_1305], %add3A_1303 {strides = array<i32>} : memref<16x1024xf32, #tpu.memory_space<vmem>>, vector<16xf32>,
        %get3A_1307 = arith.index_cast %scan3A_92 : i32 to index
        %get3A_1308 = arith.constant 304 : index
        %get3A_1309 = tpu.vector_load %arg9[%get3A_1307, %get3A_1308] {strides = array<i32>} : memref<16x1024xf32, #tpu.memory_space<vmem>>, vector<16xf32>,
        %sub3A_1310 = arith.subf %get3A_1309, %mul3A_972 : vector<16xf32>
        %mul3A_1311 = arith.mulf %sub3A_1310, %mul3A_1040 : vector<16xf32>
        %get3A_1312 = arith.constant 304 : index
        %get3A_1313 = tpu.vector_load %arg13[%get3A_1312] {strides = array<i32>} : memref<1024xf32, #tpu.memory_space<vmem>>, vector<16xf32>,
        %mul3A_1314 = arith.mulf %mul3A_1311, %get3A_1313 : vector<16xf32>
        %get3A_1315 = arith.constant 304 : index
        %get3A_1316 = tpu.vector_load %arg14[%get3A_1315] {strides = array<i32>} : memref<1024xf32, #tpu.memory_space<vmem>>, vector<16xf32>,
        %add3A_1317 = arith.addf %mul3A_1314, %get3A_1316 : vector<16xf32>
        %swap3A_1318 = arith.index_cast %scan3A_92 : i32 to index
        %swap3A_1319 = arith.constant 304 : index
        %swap3A_1320 = tpu.vector_load %arg9[%swap3A_1318, %swap3A_1319] {strides = array<i32>} : memref<16x1024xf32, #tpu.memory_space<vmem>>, vector<16xf32>,
        tpu.vector_store %arg9[%swap3A_1318, %swap3A_1319], %add3A_1317 {strides = array<i32>} : memref<16x1024xf32, #tpu.memory_space<vmem>>, vector<16xf32>,
        %get3A_1321 = arith.index_cast %scan3A_92 : i32 to index
        %get3A_1322 = arith.constant 320 : index
        %get3A_1323 = tpu.vector_load %arg9[%get3A_1321, %get3A_1322] {strides = array<i32>} : memref<16x1024xf32, #tpu.memory_space<vmem>>, vector<16xf32>,
        %sub3A_1324 = arith.subf %get3A_1323, %mul3A_972 : vector<16xf32>
        %mul3A_1325 = arith.mulf %sub3A_1324, %mul3A_1040 : vector<16xf32>
        %get3A_1326 = arith.constant 320 : index
        %get3A_1327 = tpu.vector_load %arg13[%get3A_1326] {strides = array<i32>} : memref<1024xf32, #tpu.memory_space<vmem>>, vector<16xf32>,
        %mul3A_1328 = arith.mulf %mul3A_1325, %get3A_1327 : vector<16xf32>
        %get3A_1329 = arith.constant 320 : index
        %get3A_1330 = tpu.vector_load %arg14[%get3A_1329] {strides = array<i32>} : memref<1024xf32, #tpu.memory_space<vmem>>, vector<16xf32>,
        %add3A_1331 = arith.addf %mul3A_1328, %get3A_1330 : vector<16xf32>
        %swap3A_1332 = arith.index_cast %scan3A_92 : i32 to index
        %swap3A_1333 = arith.constant 320 : index
        %swap3A_1334 = tpu.vector_load %arg9[%swap3A_1332, %swap3A_1333] {strides = array<i32>} : memref<16x1024xf32, #tpu.memory_space<vmem>>, vector<16xf32>,
        tpu.vector_store %arg9[%swap3A_1332, %swap3A_1333], %add3A_1331 {strides = array<i32>} : memref<16x1024xf32, #tpu.memory_space<vmem>>, vector<16xf32>,
        %get3A_1335 = arith.index_cast %scan3A_92 : i32 to index
        %get3A_1336 = arith.constant 336 : index
        %get3A_1337 = tpu.vector_load %arg9[%get3A_1335, %get3A_1336] {strides = array<i32>} : memref<16x1024xf32, #tpu.memory_space<vmem>>, vector<16xf32>,
        %sub3A_1338 = arith.subf %get3A_1337, %mul3A_972 : vector<16xf32>
        %mul3A_1339 = arith.mulf %sub3A_1338, %mul3A_1040 : vector<16xf32>
        %get3A_1340 = arith.constant 336 : index
        %get3A_1341 = tpu.vector_load %arg13[%get3A_1340] {strides = array<i32>} : memref<1024xf32, #tpu.memory_space<vmem>>, vector<16xf32>,
        %mul3A_1342 = arith.mulf %mul3A_1339, %get3A_1341 : vector<16xf32>
        %get3A_1343 = arith.constant 336 : index
        %get3A_1344 = tpu.vector_load %arg14[%get3A_1343] {strides = array<i32>} : memref<1024xf32, #tpu.memory_space<vmem>>, vector<16xf32>,
        %add3A_1345 = arith.addf %mul3A_1342, %get3A_1344 : vector<16xf32>
        %swap3A_1346 = arith.index_cast %scan3A_92 : i32 to index
        %swap3A_1347 = arith.constant 336 : index
        %swap3A_1348 = tpu.vector_load %arg9[%swap3A_1346, %swap3A_1347] {strides = array<i32>} : memref<16x1024xf32, #tpu.memory_space<vmem>>, vector<16xf32>,
        tpu.vector_store %arg9[%swap3A_1346, %swap3A_1347], %add3A_1345 {strides = array<i32>} : memref<16x1024xf32, #tpu.memory_space<vmem>>, vector<16xf32>,
        %get3A_1349 = arith.index_cast %scan3A_92 : i32 to index
        %get3A_1350 = arith.constant 352 : index
        %get3A_1351 = tpu.vector_load %arg9[%get3A_1349, %get3A_1350] {strides = array<i32>} : memref<16x1024xf32, #tpu.memory_space<vmem>>, vector<16xf32>,
        %sub3A_1352 = arith.subf %get3A_1351, %mul3A_972 : vector<16xf32>
        %mul3A_1353 = arith.mulf %sub3A_1352, %mul3A_1040 : vector<16xf32>
        %get3A_1354 = arith.constant 352 : index
        %get3A_1355 = tpu.vector_load %arg13[%get3A_1354] {strides = array<i32>} : memref<1024xf32, #tpu.memory_space<vmem>>, vector<16xf32>,
        %mul3A_1356 = arith.mulf %mul3A_1353, %get3A_1355 : vector<16xf32>
        %get3A_1357 = arith.constant 352 : index
        %get3A_1358 = tpu.vector_load %arg14[%get3A_1357] {strides = array<i32>} : memref<1024xf32, #tpu.memory_space<vmem>>, vector<16xf32>,
        %add3A_1359 = arith.addf %mul3A_1356, %get3A_1358 : vector<16xf32>
        %swap3A_1360 = arith.index_cast %scan3A_92 : i32 to index
        %swap3A_1361 = arith.constant 352 : index
        %swap3A_1362 = tpu.vector_load %arg9[%swap3A_1360, %swap3A_1361] {strides = array<i32>} : memref<16x1024xf32, #tpu.memory_space<vmem>>, vector<16xf32>,
        tpu.vector_store %arg9[%swap3A_1360, %swap3A_1361], %add3A_1359 {strides = array<i32>} : memref<16x1024xf32, #tpu.memory_space<vmem>>, vector<16xf32>,
        %get3A_1363 = arith.index_cast %scan3A_92 : i32 to index
        %get3A_1364 = arith.constant 368 : index
        %get3A_1365 = tpu.vector_load %arg9[%get3A_1363, %get3A_1364] {strides = array<i32>} : memref<16x1024xf32, #tpu.memory_space<vmem>>, vector<16xf32>,
        %sub3A_1366 = arith.subf %get3A_1365, %mul3A_972 : vector<16xf32>
        %mul3A_1367 = arith.mulf %sub3A_1366, %mul3A_1040 : vector<16xf32>
        %get3A_1368 = arith.constant 368 : index
        %get3A_1369 = tpu.vector_load %arg13[%get3A_1368] {strides = array<i32>} : memref<1024xf32, #tpu.memory_space<vmem>>, vector<16xf32>,
        %mul3A_1370 = arith.mulf %mul3A_1367, %get3A_1369 : vector<16xf32>
        %get3A_1371 = arith.constant 368 : index
        %get3A_1372 = tpu.vector_load %arg14[%get3A_1371] {strides = array<i32>} : memref<1024xf32, #tpu.memory_space<vmem>>, vector<16xf32>,
        %add3A_1373 = arith.addf %mul3A_1370, %get3A_1372 : vector<16xf32>
        %swap3A_1374 = arith.index_cast %scan3A_92 : i32 to index
        %swap3A_1375 = arith.constant 368 : index
        %swap3A_1376 = tpu.vector_load %arg9[%swap3A_1374, %swap3A_1375] {strides = array<i32>} : memref<16x1024xf32, #tpu.memory_space<vmem>>, vector<16xf32>,
        tpu.vector_store %arg9[%swap3A_1374, %swap3A_1375], %add3A_1373 {strides = array<i32>} : memref<16x1024xf32, #tpu.memory_space<vmem>>, vector<16xf32>,
        %get3A_1377 = arith.index_cast %scan3A_92 : i32 to index
        %get3A_1378 = arith.constant 384 : index
        %get3A_1379 = tpu.vector_load %arg9[%get3A_1377, %get3A_1378] {strides = array<i32>} : memref<16x1024xf32, #tpu.memory_space<vmem>>, vector<16xf32>,
        %sub3A_1380 = arith.subf %get3A_1379, %mul3A_972 : vector<16xf32>
        %mul3A_1381 = arith.mulf %sub3A_1380, %mul3A_1040 : vector<16xf32>
        %get3A_1382 = arith.constant 384 : index
        %get3A_1383 = tpu.vector_load %arg13[%get3A_1382] {strides = array<i32>} : memref<1024xf32, #tpu.memory_space<vmem>>, vector<16xf32>,
        %mul3A_1384 = arith.mulf %mul3A_1381, %get3A_1383 : vector<16xf32>
        %get3A_1385 = arith.constant 384 : index
        %get3A_1386 = tpu.vector_load %arg14[%get3A_1385] {strides = array<i32>} : memref<1024xf32, #tpu.memory_space<vmem>>, vector<16xf32>,
        %add3A_1387 = arith.addf %mul3A_1384, %get3A_1386 : vector<16xf32>
        %swap3A_1388 = arith.index_cast %scan3A_92 : i32 to index
        %swap3A_1389 = arith.constant 384 : index
        %swap3A_1390 = tpu.vector_load %arg9[%swap3A_1388, %swap3A_1389] {strides = array<i32>} : memref<16x1024xf32, #tpu.memory_space<vmem>>, vector<16xf32>,
        tpu.vector_store %arg9[%swap3A_1388, %swap3A_1389], %add3A_1387 {strides = array<i32>} : memref<16x1024xf32, #tpu.memory_space<vmem>>, vector<16xf32>,
        %get3A_1391 = arith.index_cast %scan3A_92 : i32 to index
        %get3A_1392 = arith.constant 400 : index
        %get3A_1393 = tpu.vector_load %arg9[%get3A_1391, %get3A_1392] {strides = array<i32>} : memref<16x1024xf32, #tpu.memory_space<vmem>>, vector<16xf32>,
        %sub3A_1394 = arith.subf %get3A_1393, %mul3A_972 : vector<16xf32>
        %mul3A_1395 = arith.mulf %sub3A_1394, %mul3A_1040 : vector<16xf32>
        %get3A_1396 = arith.constant 400 : index
        %get3A_1397 = tpu.vector_load %arg13[%get3A_1396] {strides = array<i32>} : memref<1024xf32, #tpu.memory_space<vmem>>, vector<16xf32>,
        %mul3A_1398 = arith.mulf %mul3A_1395, %get3A_1397 : vector<16xf32>
        %get3A_1399 = arith.constant 400 : index
        %get3A_1400 = tpu.vector_load %arg14[%get3A_1399] {strides = array<i32>} : memref<1024xf32, #tpu.memory_space<vmem>>, vector<16xf32>,
        %add3A_1401 = arith.addf %mul3A_1398, %get3A_1400 : vector<16xf32>
        %swap3A_1402 = arith.index_cast %scan3A_92 : i32 to index
        %swap3A_1403 = arith.constant 400 : index
        %swap3A_1404 = tpu.vector_load %arg9[%swap3A_1402, %swap3A_1403] {strides = array<i32>} : memref<16x1024xf32, #tpu.memory_space<vmem>>, vector<16xf32>,
        tpu.vector_store %arg9[%swap3A_1402, %swap3A_1403], %add3A_1401 {strides = array<i32>} : memref<16x1024xf32, #tpu.memory_space<vmem>>, vector<16xf32>,
        %get3A_1405 = arith.index_cast %scan3A_92 : i32 to index
        %get3A_1406 = arith.constant 416 : index
        %get3A_1407 = tpu.vector_load %arg9[%get3A_1405, %get3A_1406] {strides = array<i32>} : memref<16x1024xf32, #tpu.memory_space<vmem>>, vector<16xf32>,
        %sub3A_1408 = arith.subf %get3A_1407, %mul3A_972 : vector<16xf32>
        %mul3A_1409 = arith.mulf %sub3A_1408, %mul3A_1040 : vector<16xf32>
        %get3A_1410 = arith.constant 416 : index
        %get3A_1411 = tpu.vector_load %arg13[%get3A_1410] {strides = array<i32>} : memref<1024xf32, #tpu.memory_space<vmem>>, vector<16xf32>,
        %mul3A_1412 = arith.mulf %mul3A_1409, %get3A_1411 : vector<16xf32>
        %get3A_1413 = arith.constant 416 : index
        %get3A_1414 = tpu.vector_load %arg14[%get3A_1413] {strides = array<i32>} : memref<1024xf32, #tpu.memory_space<vmem>>, vector<16xf32>,
        %add3A_1415 = arith.addf %mul3A_1412, %get3A_1414 : vector<16xf32>
        %swap3A_1416 = arith.index_cast %scan3A_92 : i32 to index
        %swap3A_1417 = arith.constant 416 : index
        %swap3A_1418 = tpu.vector_load %arg9[%swap3A_1416, %swap3A_1417] {strides = array<i32>} : memref<16x1024xf32, #tpu.memory_space<vmem>>, vector<16xf32>,
        tpu.vector_store %arg9[%swap3A_1416, %swap3A_1417], %add3A_1415 {strides = array<i32>} : memref<16x1024xf32, #tpu.memory_space<vmem>>, vector<16xf32>,
        %get3A_1419 = arith.index_cast %scan3A_92 : i32 to index
        %get3A_1420 = arith.constant 432 : index
        %get3A_1421 = tpu.vector_load %arg9[%get3A_1419, %get3A_1420] {strides = array<i32>} : memref<16x1024xf32, #tpu.memory_space<vmem>>, vector<16xf32>,
        %sub3A_1422 = arith.subf %get3A_1421, %mul3A_972 : vector<16xf32>
        %mul3A_1423 = arith.mulf %sub3A_1422, %mul3A_1040 : vector<16xf32>
        %get3A_1424 = arith.constant 432 : index
        %get3A_1425 = tpu.vector_load %arg13[%get3A_1424] {strides = array<i32>} : memref<1024xf32, #tpu.memory_space<vmem>>, vector<16xf32>,
        %mul3A_1426 = arith.mulf %mul3A_1423, %get3A_1425 : vector<16xf32>
        %get3A_1427 = arith.constant 432 : index
        %get3A_1428 = tpu.vector_load %arg14[%get3A_1427] {strides = array<i32>} : memref<1024xf32, #tpu.memory_space<vmem>>, vector<16xf32>,
        %add3A_1429 = arith.addf %mul3A_1426, %get3A_1428 : vector<16xf32>
        %swap3A_1430 = arith.index_cast %scan3A_92 : i32 to index
        %swap3A_1431 = arith.constant 432 : index
        %swap3A_1432 = tpu.vector_load %arg9[%swap3A_1430, %swap3A_1431] {strides = array<i32>} : memref<16x1024xf32, #tpu.memory_space<vmem>>, vector<16xf32>,
        tpu.vector_store %arg9[%swap3A_1430, %swap3A_1431], %add3A_1429 {strides = array<i32>} : memref<16x1024xf32, #tpu.memory_space<vmem>>, vector<16xf32>,
        %get3A_1433 = arith.index_cast %scan3A_92 : i32 to index
        %get3A_1434 = arith.constant 448 : index
        %get3A_1435 = tpu.vector_load %arg9[%get3A_1433, %get3A_1434] {strides = array<i32>} : memref<16x1024xf32, #tpu.memory_space<vmem>>, vector<16xf32>,
        %sub3A_1436 = arith.subf %get3A_1435, %mul3A_972 : vector<16xf32>
        %mul3A_1437 = arith.mulf %sub3A_1436, %mul3A_1040 : vector<16xf32>
        %get3A_1438 = arith.constant 448 : index
        %get3A_1439 = tpu.vector_load %arg13[%get3A_1438] {strides = array<i32>} : memref<1024xf32, #tpu.memory_space<vmem>>, vector<16xf32>,
        %mul3A_1440 = arith.mulf %mul3A_1437, %get3A_1439 : vector<16xf32>
        %get3A_1441 = arith.constant 448 : index
        %get3A_1442 = tpu.vector_load %arg14[%get3A_1441] {strides = array<i32>} : memref<1024xf32, #tpu.memory_space<vmem>>, vector<16xf32>,
        %add3A_1443 = arith.addf %mul3A_1440, %get3A_1442 : vector<16xf32>
        %swap3A_1444 = arith.index_cast %scan3A_92 : i32 to index
        %swap3A_1445 = arith.constant 448 : index
        %swap3A_1446 = tpu.vector_load %arg9[%swap3A_1444, %swap3A_1445] {strides = array<i32>} : memref<16x1024xf32, #tpu.memory_space<vmem>>, vector<16xf32>,
        tpu.vector_store %arg9[%swap3A_1444, %swap3A_1445], %add3A_1443 {strides = array<i32>} : memref<16x1024xf32, #tpu.memory_space<vmem>>, vector<16xf32>,
        %get3A_1447 = arith.index_cast %scan3A_92 : i32 to index
        %get3A_1448 = arith.constant 464 : index
        %get3A_1449 = tpu.vector_load %arg9[%get3A_1447, %get3A_1448] {strides = array<i32>} : memref<16x1024xf32, #tpu.memory_space<vmem>>, vector<16xf32>,
        %sub3A_1450 = arith.subf %get3A_1449, %mul3A_972 : vector<16xf32>
        %mul3A_1451 = arith.mulf %sub3A_1450, %mul3A_1040 : vector<16xf32>
        %get3A_1452 = arith.constant 464 : index
        %get3A_1453 = tpu.vector_load %arg13[%get3A_1452] {strides = array<i32>} : memref<1024xf32, #tpu.memory_space<vmem>>, vector<16xf32>,
        %mul3A_1454 = arith.mulf %mul3A_1451, %get3A_1453 : vector<16xf32>
        %get3A_1455 = arith.constant 464 : index
        %get3A_1456 = tpu.vector_load %arg14[%get3A_1455] {strides = array<i32>} : memref<1024xf32, #tpu.memory_space<vmem>>, vector<16xf32>,
        %add3A_1457 = arith.addf %mul3A_1454, %get3A_1456 : vector<16xf32>
        %swap3A_1458 = arith.index_cast %scan3A_92 : i32 to index
        %swap3A_1459 = arith.constant 464 : index
        %swap3A_1460 = tpu.vector_load %arg9[%swap3A_1458, %swap3A_1459] {strides = array<i32>} : memref<16x1024xf32, #tpu.memory_space<vmem>>, vector<16xf32>,
        tpu.vector_store %arg9[%swap3A_1458, %swap3A_1459], %add3A_1457 {strides = array<i32>} : memref<16x1024xf32, #tpu.memory_space<vmem>>, vector<16xf32>,
        %get3A_1461 = arith.index_cast %scan3A_92 : i32 to index
        %get3A_1462 = arith.constant 480 : index
        %get3A_1463 = tpu.vector_load %arg9[%get3A_1461, %get3A_1462] {strides = array<i32>} : memref<16x1024xf32, #tpu.memory_space<vmem>>, vector<16xf32>,
        %sub3A_1464 = arith.subf %get3A_1463, %mul3A_972 : vector<16xf32>
        %mul3A_1465 = arith.mulf %sub3A_1464, %mul3A_1040 : vector<16xf32>
        %get3A_1466 = arith.constant 480 : index
        %get3A_1467 = tpu.vector_load %arg13[%get3A_1466] {strides = array<i32>} : memref<1024xf32, #tpu.memory_space<vmem>>, vector<16xf32>,
        %mul3A_1468 = arith.mulf %mul3A_1465, %get3A_1467 : vector<16xf32>
        %get3A_1469 = arith.constant 480 : index
        %get3A_1470 = tpu.vector_load %arg14[%get3A_1469] {strides = array<i32>} : memref<1024xf32, #tpu.memory_space<vmem>>, vector<16xf32>,
        %add3A_1471 = arith.addf %mul3A_1468, %get3A_1470 : vector<16xf32>
        %swap3A_1472 = arith.index_cast %scan3A_92 : i32 to index
        %swap3A_1473 = arith.constant 480 : index
        %swap3A_1474 = tpu.vector_load %arg9[%swap3A_1472, %swap3A_1473] {strides = array<i32>} : memref<16x1024xf32, #tpu.memory_space<vmem>>, vector<16xf32>,
        tpu.vector_store %arg9[%swap3A_1472, %swap3A_1473], %add3A_1471 {strides = array<i32>} : memref<16x1024xf32, #tpu.memory_space<vmem>>, vector<16xf32>,
        %get3A_1475 = arith.index_cast %scan3A_92 : i32 to index
        %get3A_1476 = arith.constant 496 : index
        %get3A_1477 = tpu.vector_load %arg9[%get3A_1475, %get3A_1476] {strides = array<i32>} : memref<16x1024xf32, #tpu.memory_space<vmem>>, vector<16xf32>,
        %sub3A_1478 = arith.subf %get3A_1477, %mul3A_972 : vector<16xf32>
        %mul3A_1479 = arith.mulf %sub3A_1478, %mul3A_1040 : vector<16xf32>
        %get3A_1480 = arith.constant 496 : index
        %get3A_1481 = tpu.vector_load %arg13[%get3A_1480] {strides = array<i32>} : memref<1024xf32, #tpu.memory_space<vmem>>, vector<16xf32>,
        %mul3A_1482 = arith.mulf %mul3A_1479, %get3A_1481 : vector<16xf32>
        %get3A_1483 = arith.constant 496 : index
        %get3A_1484 = tpu.vector_load %arg14[%get3A_1483] {strides = array<i32>} : memref<1024xf32, #tpu.memory_space<vmem>>, vector<16xf32>,
        %add3A_1485 = arith.addf %mul3A_1482, %get3A_1484 : vector<16xf32>
        %swap3A_1486 = arith.index_cast %scan3A_92 : i32 to index
        %swap3A_1487 = arith.constant 496 : index
        %swap3A_1488 = tpu.vector_load %arg9[%swap3A_1486, %swap3A_1487] {strides = array<i32>} : memref<16x1024xf32, #tpu.memory_space<vmem>>, vector<16xf32>,
        tpu.vector_store %arg9[%swap3A_1486, %swap3A_1487], %add3A_1485 {strides = array<i32>} : memref<16x1024xf32, #tpu.memory_space<vmem>>, vector<16xf32>,
        %get3A_1489 = arith.index_cast %scan3A_92 : i32 to index
        %get3A_1490 = arith.constant 512 : index
        %get3A_1491 = tpu.vector_load %arg9[%get3A_1489, %get3A_1490] {strides = array<i32>} : memref<16x1024xf32, #tpu.memory_space<vmem>>, vector<16xf32>,
        %sub3A_1492 = arith.subf %get3A_1491, %mul3A_972 : vector<16xf32>
        %mul3A_1493 = arith.mulf %sub3A_1492, %mul3A_1040 : vector<16xf32>
        %get3A_1494 = arith.constant 512 : index
        %get3A_1495 = tpu.vector_load %arg13[%get3A_1494] {strides = array<i32>} : memref<1024xf32, #tpu.memory_space<vmem>>, vector<16xf32>,
        %mul3A_1496 = arith.mulf %mul3A_1493, %get3A_1495 : vector<16xf32>
        %get3A_1497 = arith.constant 512 : index
        %get3A_1498 = tpu.vector_load %arg14[%get3A_1497] {strides = array<i32>} : memref<1024xf32, #tpu.memory_space<vmem>>, vector<16xf32>,
        %add3A_1499 = arith.addf %mul3A_1496, %get3A_1498 : vector<16xf32>
        %swap3A_1500 = arith.index_cast %scan3A_92 : i32 to index
        %swap3A_1501 = arith.constant 512 : index
        %swap3A_1502 = tpu.vector_load %arg9[%swap3A_1500, %swap3A_1501] {strides = array<i32>} : memref<16x1024xf32, #tpu.memory_space<vmem>>, vector<16xf32>,
        tpu.vector_store %arg9[%swap3A_1500, %swap3A_1501], %add3A_1499 {strides = array<i32>} : memref<16x1024xf32, #tpu.memory_space<vmem>>, vector<16xf32>,
        %get3A_1503 = arith.index_cast %scan3A_92 : i32 to index
        %get3A_1504 = arith.constant 528 : index
        %get3A_1505 = tpu.vector_load %arg9[%get3A_1503, %get3A_1504] {strides = array<i32>} : memref<16x1024xf32, #tpu.memory_space<vmem>>, vector<16xf32>,
        %sub3A_1506 = arith.subf %get3A_1505, %mul3A_972 : vector<16xf32>
        %mul3A_1507 = arith.mulf %sub3A_1506, %mul3A_1040 : vector<16xf32>
        %get3A_1508 = arith.constant 528 : index
        %get3A_1509 = tpu.vector_load %arg13[%get3A_1508] {strides = array<i32>} : memref<1024xf32, #tpu.memory_space<vmem>>, vector<16xf32>,
        %mul3A_1510 = arith.mulf %mul3A_1507, %get3A_1509 : vector<16xf32>
        %get3A_1511 = arith.constant 528 : index
        %get3A_1512 = tpu.vector_load %arg14[%get3A_1511] {strides = array<i32>} : memref<1024xf32, #tpu.memory_space<vmem>>, vector<16xf32>,
        %add3A_1513 = arith.addf %mul3A_1510, %get3A_1512 : vector<16xf32>
        %swap3A_1514 = arith.index_cast %scan3A_92 : i32 to index
        %swap3A_1515 = arith.constant 528 : index
        %swap3A_1516 = tpu.vector_load %arg9[%swap3A_1514, %swap3A_1515] {strides = array<i32>} : memref<16x1024xf32, #tpu.memory_space<vmem>>, vector<16xf32>,
        tpu.vector_store %arg9[%swap3A_1514, %swap3A_1515], %add3A_1513 {strides = array<i32>} : memref<16x1024xf32, #tpu.memory_space<vmem>>, vector<16xf32>,
        %get3A_1517 = arith.index_cast %scan3A_92 : i32 to index
        %get3A_1518 = arith.constant 544 : index
        %get3A_1519 = tpu.vector_load %arg9[%get3A_1517, %get3A_1518] {strides = array<i32>} : memref<16x1024xf32, #tpu.memory_space<vmem>>, vector<16xf32>,
        %sub3A_1520 = arith.subf %get3A_1519, %mul3A_972 : vector<16xf32>
        %mul3A_1521 = arith.mulf %sub3A_1520, %mul3A_1040 : vector<16xf32>
        %get3A_1522 = arith.constant 544 : index
        %get3A_1523 = tpu.vector_load %arg13[%get3A_1522] {strides = array<i32>} : memref<1024xf32, #tpu.memory_space<vmem>>, vector<16xf32>,
        %mul3A_1524 = arith.mulf %mul3A_1521, %get3A_1523 : vector<16xf32>
        %get3A_1525 = arith.constant 544 : index
        %get3A_1526 = tpu.vector_load %arg14[%get3A_1525] {strides = array<i32>} : memref<1024xf32, #tpu.memory_space<vmem>>, vector<16xf32>,
        %add3A_1527 = arith.addf %mul3A_1524, %get3A_1526 : vector<16xf32>
        %swap3A_1528 = arith.index_cast %scan3A_92 : i32 to index
        %swap3A_1529 = arith.constant 544 : index
        %swap3A_1530 = tpu.vector_load %arg9[%swap3A_1528, %swap3A_1529] {strides = array<i32>} : memref<16x1024xf32, #tpu.memory_space<vmem>>, vector<16xf32>,
        tpu.vector_store %arg9[%swap3A_1528, %swap3A_1529], %add3A_1527 {strides = array<i32>} : memref<16x1024xf32, #tpu.memory_space<vmem>>, vector<16xf32>,
        %get3A_1531 = arith.index_cast %scan3A_92 : i32 to index
        %get3A_1532 = arith.constant 560 : index
        %get3A_1533 = tpu.vector_load %arg9[%get3A_1531, %get3A_1532] {strides = array<i32>} : memref<16x1024xf32, #tpu.memory_space<vmem>>, vector<16xf32>,
        %sub3A_1534 = arith.subf %get3A_1533, %mul3A_972 : vector<16xf32>
        %mul3A_1535 = arith.mulf %sub3A_1534, %mul3A_1040 : vector<16xf32>
        %get3A_1536 = arith.constant 560 : index
        %get3A_1537 = tpu.vector_load %arg13[%get3A_1536] {strides = array<i32>} : memref<1024xf32, #tpu.memory_space<vmem>>, vector<16xf32>,
        %mul3A_1538 = arith.mulf %mul3A_1535, %get3A_1537 : vector<16xf32>
        %get3A_1539 = arith.constant 560 : index
        %get3A_1540 = tpu.vector_load %arg14[%get3A_1539] {strides = array<i32>} : memref<1024xf32, #tpu.memory_space<vmem>>, vector<16xf32>,
        %add3A_1541 = arith.addf %mul3A_1538, %get3A_1540 : vector<16xf32>
        %swap3A_1542 = arith.index_cast %scan3A_92 : i32 to index
        %swap3A_1543 = arith.constant 560 : index
        %swap3A_1544 = tpu.vector_load %arg9[%swap3A_1542, %swap3A_1543] {strides = array<i32>} : memref<16x1024xf32, #tpu.memory_space<vmem>>, vector<16xf32>,
        tpu.vector_store %arg9[%swap3A_1542, %swap3A_1543], %add3A_1541 {strides = array<i32>} : memref<16x1024xf32, #tpu.memory_space<vmem>>, vector<16xf32>,
        %get3A_1545 = arith.index_cast %scan3A_92 : i32 to index
        %get3A_1546 = arith.constant 576 : index
        %get3A_1547 = tpu.vector_load %arg9[%get3A_1545, %get3A_1546] {strides = array<i32>} : memref<16x1024xf32, #tpu.memory_space<vmem>>, vector<16xf32>,
        %sub3A_1548 = arith.subf %get3A_1547, %mul3A_972 : vector<16xf32>
        %mul3A_1549 = arith.mulf %sub3A_1548, %mul3A_1040 : vector<16xf32>
        %get3A_1550 = arith.constant 576 : index
        %get3A_1551 = tpu.vector_load %arg13[%get3A_1550] {strides = array<i32>} : memref<1024xf32, #tpu.memory_space<vmem>>, vector<16xf32>,
        %mul3A_1552 = arith.mulf %mul3A_1549, %get3A_1551 : vector<16xf32>
        %get3A_1553 = arith.constant 576 : index
        %get3A_1554 = tpu.vector_load %arg14[%get3A_1553] {strides = array<i32>} : memref<1024xf32, #tpu.memory_space<vmem>>, vector<16xf32>,
        %add3A_1555 = arith.addf %mul3A_1552, %get3A_1554 : vector<16xf32>
        %swap3A_1556 = arith.index_cast %scan3A_92 : i32 to index
        %swap3A_1557 = arith.constant 576 : index
        %swap3A_1558 = tpu.vector_load %arg9[%swap3A_1556, %swap3A_1557] {strides = array<i32>} : memref<16x1024xf32, #tpu.memory_space<vmem>>, vector<16xf32>,
        tpu.vector_store %arg9[%swap3A_1556, %swap3A_1557], %add3A_1555 {strides = array<i32>} : memref<16x1024xf32, #tpu.memory_space<vmem>>, vector<16xf32>,
        %get3A_1559 = arith.index_cast %scan3A_92 : i32 to index
        %get3A_1560 = arith.constant 592 : index
        %get3A_1561 = tpu.vector_load %arg9[%get3A_1559, %get3A_1560] {strides = array<i32>} : memref<16x1024xf32, #tpu.memory_space<vmem>>, vector<16xf32>,
        %sub3A_1562 = arith.subf %get3A_1561, %mul3A_972 : vector<16xf32>
        %mul3A_1563 = arith.mulf %sub3A_1562, %mul3A_1040 : vector<16xf32>
        %get3A_1564 = arith.constant 592 : index
        %get3A_1565 = tpu.vector_load %arg13[%get3A_1564] {strides = array<i32>} : memref<1024xf32, #tpu.memory_space<vmem>>, vector<16xf32>,
        %mul3A_1566 = arith.mulf %mul3A_1563, %get3A_1565 : vector<16xf32>
        %get3A_1567 = arith.constant 592 : index
        %get3A_1568 = tpu.vector_load %arg14[%get3A_1567] {strides = array<i32>} : memref<1024xf32, #tpu.memory_space<vmem>>, vector<16xf32>,
        %add3A_1569 = arith.addf %mul3A_1566, %get3A_1568 : vector<16xf32>
        %swap3A_1570 = arith.index_cast %scan3A_92 : i32 to index
        %swap3A_1571 = arith.constant 592 : index
        %swap3A_1572 = tpu.vector_load %arg9[%swap3A_1570, %swap3A_1571] {strides = array<i32>} : memref<16x1024xf32, #tpu.memory_space<vmem>>, vector<16xf32>,
        tpu.vector_store %arg9[%swap3A_1570, %swap3A_1571], %add3A_1569 {strides = array<i32>} : memref<16x1024xf32, #tpu.memory_space<vmem>>, vector<16xf32>,
        %get3A_1573 = arith.index_cast %scan3A_92 : i32 to index
        %get3A_1574 = arith.constant 608 : index
        %get3A_1575 = tpu.vector_load %arg9[%get3A_1573, %get3A_1574] {strides = array<i32>} : memref<16x1024xf32, #tpu.memory_space<vmem>>, vector<16xf32>,
        %sub3A_1576 = arith.subf %get3A_1575, %mul3A_972 : vector<16xf32>
        %mul3A_1577 = arith.mulf %sub3A_1576, %mul3A_1040 : vector<16xf32>
        %get3A_1578 = arith.constant 608 : index
        %get3A_1579 = tpu.vector_load %arg13[%get3A_1578] {strides = array<i32>} : memref<1024xf32, #tpu.memory_space<vmem>>, vector<16xf32>,
        %mul3A_1580 = arith.mulf %mul3A_1577, %get3A_1579 : vector<16xf32>
        %get3A_1581 = arith.constant 608 : index
        %get3A_1582 = tpu.vector_load %arg14[%get3A_1581] {strides = array<i32>} : memref<1024xf32, #tpu.memory_space<vmem>>, vector<16xf32>,
        %add3A_1583 = arith.addf %mul3A_1580, %get3A_1582 : vector<16xf32>
        %swap3A_1584 = arith.index_cast %scan3A_92 : i32 to index
        %swap3A_1585 = arith.constant 608 : index
        %swap3A_1586 = tpu.vector_load %arg9[%swap3A_1584, %swap3A_1585] {strides = array<i32>} : memref<16x1024xf32, #tpu.memory_space<vmem>>, vector<16xf32>,
        tpu.vector_store %arg9[%swap3A_1584, %swap3A_1585], %add3A_1583 {strides = array<i32>} : memref<16x1024xf32, #tpu.memory_space<vmem>>, vector<16xf32>,
        %get3A_1587 = arith.index_cast %scan3A_92 : i32 to index
        %get3A_1588 = arith.constant 624 : index
        %get3A_1589 = tpu.vector_load %arg9[%get3A_1587, %get3A_1588] {strides = array<i32>} : memref<16x1024xf32, #tpu.memory_space<vmem>>, vector<16xf32>,
        %sub3A_1590 = arith.subf %get3A_1589, %mul3A_972 : vector<16xf32>
        %mul3A_1591 = arith.mulf %sub3A_1590, %mul3A_1040 : vector<16xf32>
        %get3A_1592 = arith.constant 624 : index
        %get3A_1593 = tpu.vector_load %arg13[%get3A_1592] {strides = array<i32>} : memref<1024xf32, #tpu.memory_space<vmem>>, vector<16xf32>,
        %mul3A_1594 = arith.mulf %mul3A_1591, %get3A_1593 : vector<16xf32>
        %get3A_1595 = arith.constant 624 : index
        %get3A_1596 = tpu.vector_load %arg14[%get3A_1595] {strides = array<i32>} : memref<1024xf32, #tpu.memory_space<vmem>>, vector<16xf32>,
        %add3A_1597 = arith.addf %mul3A_1594, %get3A_1596 : vector<16xf32>
        %swap3A_1598 = arith.index_cast %scan3A_92 : i32 to index
        %swap3A_1599 = arith.constant 624 : index
        %swap3A_1600 = tpu.vector_load %arg9[%swap3A_1598, %swap3A_1599] {strides = array<i32>} : memref<16x1024xf32, #tpu.memory_space<vmem>>, vector<16xf32>,
        tpu.vector_store %arg9[%swap3A_1598, %swap3A_1599], %add3A_1597 {strides = array<i32>} : memref<16x1024xf32, #tpu.memory_space<vmem>>, vector<16xf32>,
        %get3A_1601 = arith.index_cast %scan3A_92 : i32 to index
        %get3A_1602 = arith.constant 640 : index
        %get3A_1603 = tpu.vector_load %arg9[%get3A_1601, %get3A_1602] {strides = array<i32>} : memref<16x1024xf32, #tpu.memory_space<vmem>>, vector<16xf32>,
        %sub3A_1604 = arith.subf %get3A_1603, %mul3A_972 : vector<16xf32>
        %mul3A_1605 = arith.mulf %sub3A_1604, %mul3A_1040 : vector<16xf32>
        %get3A_1606 = arith.constant 640 : index
        %get3A_1607 = tpu.vector_load %arg13[%get3A_1606] {strides = array<i32>} : memref<1024xf32, #tpu.memory_space<vmem>>, vector<16xf32>,
        %mul3A_1608 = arith.mulf %mul3A_1605, %get3A_1607 : vector<16xf32>
        %get3A_1609 = arith.constant 640 : index
        %get3A_1610 = tpu.vector_load %arg14[%get3A_1609] {strides = array<i32>} : memref<1024xf32, #tpu.memory_space<vmem>>, vector<16xf32>,
        %add3A_1611 = arith.addf %mul3A_1608, %get3A_1610 : vector<16xf32>
        %swap3A_1612 = arith.index_cast %scan3A_92 : i32 to index
        %swap3A_1613 = arith.constant 640 : index
        %swap3A_1614 = tpu.vector_load %arg9[%swap3A_1612, %swap3A_1613] {strides = array<i32>} : memref<16x1024xf32, #tpu.memory_space<vmem>>, vector<16xf32>,
        tpu.vector_store %arg9[%swap3A_1612, %swap3A_1613], %add3A_1611 {strides = array<i32>} : memref<16x1024xf32, #tpu.memory_space<vmem>>, vector<16xf32>,
        %get3A_1615 = arith.index_cast %scan3A_92 : i32 to index
        %get3A_1616 = arith.constant 656 : index
        %get3A_1617 = tpu.vector_load %arg9[%get3A_1615, %get3A_1616] {strides = array<i32>} : memref<16x1024xf32, #tpu.memory_space<vmem>>, vector<16xf32>,
        %sub3A_1618 = arith.subf %get3A_1617, %mul3A_972 : vector<16xf32>
        %mul3A_1619 = arith.mulf %sub3A_1618, %mul3A_1040 : vector<16xf32>
        %get3A_1620 = arith.constant 656 : index
        %get3A_1621 = tpu.vector_load %arg13[%get3A_1620] {strides = array<i32>} : memref<1024xf32, #tpu.memory_space<vmem>>, vector<16xf32>,
        %mul3A_1622 = arith.mulf %mul3A_1619, %get3A_1621 : vector<16xf32>
        %get3A_1623 = arith.constant 656 : index
        %get3A_1624 = tpu.vector_load %arg14[%get3A_1623] {strides = array<i32>} : memref<1024xf32, #tpu.memory_space<vmem>>, vector<16xf32>,
        %add3A_1625 = arith.addf %mul3A_1622, %get3A_1624 : vector<16xf32>
        %swap3A_1626 = arith.index_cast %scan3A_92 : i32 to index
        %swap3A_1627 = arith.constant 656 : index
        %swap3A_1628 = tpu.vector_load %arg9[%swap3A_1626, %swap3A_1627] {strides = array<i32>} : memref<16x1024xf32, #tpu.memory_space<vmem>>, vector<16xf32>,
        tpu.vector_store %arg9[%swap3A_1626, %swap3A_1627], %add3A_1625 {strides = array<i32>} : memref<16x1024xf32, #tpu.memory_space<vmem>>, vector<16xf32>,
        %get3A_1629 = arith.index_cast %scan3A_92 : i32 to index
        %get3A_1630 = arith.constant 672 : index
        %get3A_1631 = tpu.vector_load %arg9[%get3A_1629, %get3A_1630] {strides = array<i32>} : memref<16x1024xf32, #tpu.memory_space<vmem>>, vector<16xf32>,
        %sub3A_1632 = arith.subf %get3A_1631, %mul3A_972 : vector<16xf32>
        %mul3A_1633 = arith.mulf %sub3A_1632, %mul3A_1040 : vector<16xf32>
        %get3A_1634 = arith.constant 672 : index
        %get3A_1635 = tpu.vector_load %arg13[%get3A_1634] {strides = array<i32>} : memref<1024xf32, #tpu.memory_space<vmem>>, vector<16xf32>,
        %mul3A_1636 = arith.mulf %mul3A_1633, %get3A_1635 : vector<16xf32>
        %get3A_1637 = arith.constant 672 : index
        %get3A_1638 = tpu.vector_load %arg14[%get3A_1637] {strides = array<i32>} : memref<1024xf32, #tpu.memory_space<vmem>>, vector<16xf32>,
        %add3A_1639 = arith.addf %mul3A_1636, %get3A_1638 : vector<16xf32>
        %swap3A_1640 = arith.index_cast %scan3A_92 : i32 to index
        %swap3A_1641 = arith.constant 672 : index
        %swap3A_1642 = tpu.vector_load %arg9[%swap3A_1640, %swap3A_1641] {strides = array<i32>} : memref<16x1024xf32, #tpu.memory_space<vmem>>, vector<16xf32>,
        tpu.vector_store %arg9[%swap3A_1640, %swap3A_1641], %add3A_1639 {strides = array<i32>} : memref<16x1024xf32, #tpu.memory_space<vmem>>, vector<16xf32>,
        %get3A_1643 = arith.index_cast %scan3A_92 : i32 to index
        %get3A_1644 = arith.constant 688 : index
        %get3A_1645 = tpu.vector_load %arg9[%get3A_1643, %get3A_1644] {strides = array<i32>} : memref<16x1024xf32, #tpu.memory_space<vmem>>, vector<16xf32>,
        %sub3A_1646 = arith.subf %get3A_1645, %mul3A_972 : vector<16xf32>
        %mul3A_1647 = arith.mulf %sub3A_1646, %mul3A_1040 : vector<16xf32>
        %get3A_1648 = arith.constant 688 : index
        %get3A_1649 = tpu.vector_load %arg13[%get3A_1648] {strides = array<i32>} : memref<1024xf32, #tpu.memory_space<vmem>>, vector<16xf32>,
        %mul3A_1650 = arith.mulf %mul3A_1647, %get3A_1649 : vector<16xf32>
        %get3A_1651 = arith.constant 688 : index
        %get3A_1652 = tpu.vector_load %arg14[%get3A_1651] {strides = array<i32>} : memref<1024xf32, #tpu.memory_space<vmem>>, vector<16xf32>,
        %add3A_1653 = arith.addf %mul3A_1650, %get3A_1652 : vector<16xf32>
        %swap3A_1654 = arith.index_cast %scan3A_92 : i32 to index
        %swap3A_1655 = arith.constant 688 : index
        %swap3A_1656 = tpu.vector_load %arg9[%swap3A_1654, %swap3A_1655] {strides = array<i32>} : memref<16x1024xf32, #tpu.memory_space<vmem>>, vector<16xf32>,
        tpu.vector_store %arg9[%swap3A_1654, %swap3A_1655], %add3A_1653 {strides = array<i32>} : memref<16x1024xf32, #tpu.memory_space<vmem>>, vector<16xf32>,
        %get3A_1657 = arith.index_cast %scan3A_92 : i32 to index
        %get3A_1658 = arith.constant 704 : index
        %get3A_1659 = tpu.vector_load %arg9[%get3A_1657, %get3A_1658] {strides = array<i32>} : memref<16x1024xf32, #tpu.memory_space<vmem>>, vector<16xf32>,
        %sub3A_1660 = arith.subf %get3A_1659, %mul3A_972 : vector<16xf32>
        %mul3A_1661 = arith.mulf %sub3A_1660, %mul3A_1040 : vector<16xf32>
        %get3A_1662 = arith.constant 704 : index
        %get3A_1663 = tpu.vector_load %arg13[%get3A_1662] {strides = array<i32>} : memref<1024xf32, #tpu.memory_space<vmem>>, vector<16xf32>,
        %mul3A_1664 = arith.mulf %mul3A_1661, %get3A_1663 : vector<16xf32>
        %get3A_1665 = arith.constant 704 : index
        %get3A_1666 = tpu.vector_load %arg14[%get3A_1665] {strides = array<i32>} : memref<1024xf32, #tpu.memory_space<vmem>>, vector<16xf32>,
        %add3A_1667 = arith.addf %mul3A_1664, %get3A_1666 : vector<16xf32>
        %swap3A_1668 = arith.index_cast %scan3A_92 : i32 to index
        %swap3A_1669 = arith.constant 704 : index
        %swap3A_1670 = tpu.vector_load %arg9[%swap3A_1668, %swap3A_1669] {strides = array<i32>} : memref<16x1024xf32, #tpu.memory_space<vmem>>, vector<16xf32>,
        tpu.vector_store %arg9[%swap3A_1668, %swap3A_1669], %add3A_1667 {strides = array<i32>} : memref<16x1024xf32, #tpu.memory_space<vmem>>, vector<16xf32>,
        %get3A_1671 = arith.index_cast %scan3A_92 : i32 to index
        %get3A_1672 = arith.constant 720 : index
        %get3A_1673 = tpu.vector_load %arg9[%get3A_1671, %get3A_1672] {strides = array<i32>} : memref<16x1024xf32, #tpu.memory_space<vmem>>, vector<16xf32>,
        %sub3A_1674 = arith.subf %get3A_1673, %mul3A_972 : vector<16xf32>
        %mul3A_1675 = arith.mulf %sub3A_1674, %mul3A_1040 : vector<16xf32>
        %get3A_1676 = arith.constant 720 : index
        %get3A_1677 = tpu.vector_load %arg13[%get3A_1676] {strides = array<i32>} : memref<1024xf32, #tpu.memory_space<vmem>>, vector<16xf32>,
        %mul3A_1678 = arith.mulf %mul3A_1675, %get3A_1677 : vector<16xf32>
        %get3A_1679 = arith.constant 720 : index
        %get3A_1680 = tpu.vector_load %arg14[%get3A_1679] {strides = array<i32>} : memref<1024xf32, #tpu.memory_space<vmem>>, vector<16xf32>,
        %add3A_1681 = arith.addf %mul3A_1678, %get3A_1680 : vector<16xf32>
        %swap3A_1682 = arith.index_cast %scan3A_92 : i32 to index
        %swap3A_1683 = arith.constant 720 : index
        %swap3A_1684 = tpu.vector_load %arg9[%swap3A_1682, %swap3A_1683] {strides = array<i32>} : memref<16x1024xf32, #tpu.memory_space<vmem>>, vector<16xf32>,
        tpu.vector_store %arg9[%swap3A_1682, %swap3A_1683], %add3A_1681 {strides = array<i32>} : memref<16x1024xf32, #tpu.memory_space<vmem>>, vector<16xf32>,
        %get3A_1685 = arith.index_cast %scan3A_92 : i32 to index
        %get3A_1686 = arith.constant 736 : index
        %get3A_1687 = tpu.vector_load %arg9[%get3A_1685, %get3A_1686] {strides = array<i32>} : memref<16x1024xf32, #tpu.memory_space<vmem>>, vector<16xf32>,
        %sub3A_1688 = arith.subf %get3A_1687, %mul3A_972 : vector<16xf32>
        %mul3A_1689 = arith.mulf %sub3A_1688, %mul3A_1040 : vector<16xf32>
        %get3A_1690 = arith.constant 736 : index
        %get3A_1691 = tpu.vector_load %arg13[%get3A_1690] {strides = array<i32>} : memref<1024xf32, #tpu.memory_space<vmem>>, vector<16xf32>,
        %mul3A_1692 = arith.mulf %mul3A_1689, %get3A_1691 : vector<16xf32>
        %get3A_1693 = arith.constant 736 : index
        %get3A_1694 = tpu.vector_load %arg14[%get3A_1693] {strides = array<i32>} : memref<1024xf32, #tpu.memory_space<vmem>>, vector<16xf32>,
        %add3A_1695 = arith.addf %mul3A_1692, %get3A_1694 : vector<16xf32>
        %swap3A_1696 = arith.index_cast %scan3A_92 : i32 to index
        %swap3A_1697 = arith.constant 736 : index
        %swap3A_1698 = tpu.vector_load %arg9[%swap3A_1696, %swap3A_1697] {strides = array<i32>} : memref<16x1024xf32, #tpu.memory_space<vmem>>, vector<16xf32>,
        tpu.vector_store %arg9[%swap3A_1696, %swap3A_1697], %add3A_1695 {strides = array<i32>} : memref<16x1024xf32, #tpu.memory_space<vmem>>, vector<16xf32>,
        %get3A_1699 = arith.index_cast %scan3A_92 : i32 to index
        %get3A_1700 = arith.constant 752 : index
        %get3A_1701 = tpu.vector_load %arg9[%get3A_1699, %get3A_1700] {strides = array<i32>} : memref<16x1024xf32, #tpu.memory_space<vmem>>, vector<16xf32>,
        %sub3A_1702 = arith.subf %get3A_1701, %mul3A_972 : vector<16xf32>
        %mul3A_1703 = arith.mulf %sub3A_1702, %mul3A_1040 : vector<16xf32>
        %get3A_1704 = arith.constant 752 : index
        %get3A_1705 = tpu.vector_load %arg13[%get3A_1704] {strides = array<i32>} : memref<1024xf32, #tpu.memory_space<vmem>>, vector<16xf32>,
        %mul3A_1706 = arith.mulf %mul3A_1703, %get3A_1705 : vector<16xf32>
        %get3A_1707 = arith.constant 752 : index
        %get3A_1708 = tpu.vector_load %arg14[%get3A_1707] {strides = array<i32>} : memref<1024xf32, #tpu.memory_space<vmem>>, vector<16xf32>,
        %add3A_1709 = arith.addf %mul3A_1706, %get3A_1708 : vector<16xf32>
        %swap3A_1710 = arith.index_cast %scan3A_92 : i32 to index
        %swap3A_1711 = arith.constant 752 : index
        %swap3A_1712 = tpu.vector_load %arg9[%swap3A_1710, %swap3A_1711] {strides = array<i32>} : memref<16x1024xf32, #tpu.memory_space<vmem>>, vector<16xf32>,
        tpu.vector_store %arg9[%swap3A_1710, %swap3A_1711], %add3A_1709 {strides = array<i32>} : memref<16x1024xf32, #tpu.memory_space<vmem>>, vector<16xf32>,
        %get3A_1713 = arith.index_cast %scan3A_92 : i32 to index
        %get3A_1714 = arith.constant 768 : index
        %get3A_1715 = tpu.vector_load %arg9[%get3A_1713, %get3A_1714] {strides = array<i32>} : memref<16x1024xf32, #tpu.memory_space<vmem>>, vector<16xf32>,
        %sub3A_1716 = arith.subf %get3A_1715, %mul3A_972 : vector<16xf32>
        %mul3A_1717 = arith.mulf %sub3A_1716, %mul3A_1040 : vector<16xf32>
        %get3A_1718 = arith.constant 768 : index
        %get3A_1719 = tpu.vector_load %arg13[%get3A_1718] {strides = array<i32>} : memref<1024xf32, #tpu.memory_space<vmem>>, vector<16xf32>,
        %mul3A_1720 = arith.mulf %mul3A_1717, %get3A_1719 : vector<16xf32>
        %get3A_1721 = arith.constant 768 : index
        %get3A_1722 = tpu.vector_load %arg14[%get3A_1721] {strides = array<i32>} : memref<1024xf32, #tpu.memory_space<vmem>>, vector<16xf32>,
        %add3A_1723 = arith.addf %mul3A_1720, %get3A_1722 : vector<16xf32>
        %swap3A_1724 = arith.index_cast %scan3A_92 : i32 to index
        %swap3A_1725 = arith.constant 768 : index
        %swap3A_1726 = tpu.vector_load %arg9[%swap3A_1724, %swap3A_1725] {strides = array<i32>} : memref<16x1024xf32, #tpu.memory_space<vmem>>, vector<16xf32>,
        tpu.vector_store %arg9[%swap3A_1724, %swap3A_1725], %add3A_1723 {strides = array<i32>} : memref<16x1024xf32, #tpu.memory_space<vmem>>, vector<16xf32>,
        %get3A_1727 = arith.index_cast %scan3A_92 : i32 to index
        %get3A_1728 = arith.constant 784 : index
        %get3A_1729 = tpu.vector_load %arg9[%get3A_1727, %get3A_1728] {strides = array<i32>} : memref<16x1024xf32, #tpu.memory_space<vmem>>, vector<16xf32>,
        %sub3A_1730 = arith.subf %get3A_1729, %mul3A_972 : vector<16xf32>
        %mul3A_1731 = arith.mulf %sub3A_1730, %mul3A_1040 : vector<16xf32>
        %get3A_1732 = arith.constant 784 : index
        %get3A_1733 = tpu.vector_load %arg13[%get3A_1732] {strides = array<i32>} : memref<1024xf32, #tpu.memory_space<vmem>>, vector<16xf32>,
        %mul3A_1734 = arith.mulf %mul3A_1731, %get3A_1733 : vector<16xf32>
        %get3A_1735 = arith.constant 784 : index
        %get3A_1736 = tpu.vector_load %arg14[%get3A_1735] {strides = array<i32>} : memref<1024xf32, #tpu.memory_space<vmem>>, vector<16xf32>,
        %add3A_1737 = arith.addf %mul3A_1734, %get3A_1736 : vector<16xf32>
        %swap3A_1738 = arith.index_cast %scan3A_92 : i32 to index
        %swap3A_1739 = arith.constant 784 : index
        %swap3A_1740 = tpu.vector_load %arg9[%swap3A_1738, %swap3A_1739] {strides = array<i32>} : memref<16x1024xf32, #tpu.memory_space<vmem>>, vector<16xf32>,
        tpu.vector_store %arg9[%swap3A_1738, %swap3A_1739], %add3A_1737 {strides = array<i32>} : memref<16x1024xf32, #tpu.memory_space<vmem>>, vector<16xf32>,
        %get3A_1741 = arith.index_cast %scan3A_92 : i32 to index
        %get3A_1742 = arith.constant 800 : index
        %get3A_1743 = tpu.vector_load %arg9[%get3A_1741, %get3A_1742] {strides = array<i32>} : memref<16x1024xf32, #tpu.memory_space<vmem>>, vector<16xf32>,
        %sub3A_1744 = arith.subf %get3A_1743, %mul3A_972 : vector<16xf32>
        %mul3A_1745 = arith.mulf %sub3A_1744, %mul3A_1040 : vector<16xf32>
        %get3A_1746 = arith.constant 800 : index
        %get3A_1747 = tpu.vector_load %arg13[%get3A_1746] {strides = array<i32>} : memref<1024xf32, #tpu.memory_space<vmem>>, vector<16xf32>,
        %mul3A_1748 = arith.mulf %mul3A_1745, %get3A_1747 : vector<16xf32>
        %get3A_1749 = arith.constant 800 : index
        %get3A_1750 = tpu.vector_load %arg14[%get3A_1749] {strides = array<i32>} : memref<1024xf32, #tpu.memory_space<vmem>>, vector<16xf32>,
        %add3A_1751 = arith.addf %mul3A_1748, %get3A_1750 : vector<16xf32>
        %swap3A_1752 = arith.index_cast %scan3A_92 : i32 to index
        %swap3A_1753 = arith.constant 800 : index
        %swap3A_1754 = tpu.vector_load %arg9[%swap3A_1752, %swap3A_1753] {strides = array<i32>} : memref<16x1024xf32, #tpu.memory_space<vmem>>, vector<16xf32>,
        tpu.vector_store %arg9[%swap3A_1752, %swap3A_1753], %add3A_1751 {strides = array<i32>} : memref<16x1024xf32, #tpu.memory_space<vmem>>, vector<16xf32>,
        %get3A_1755 = arith.index_cast %scan3A_92 : i32 to index
        %get3A_1756 = arith.constant 816 : index
        %get3A_1757 = tpu.vector_load %arg9[%get3A_1755, %get3A_1756] {strides = array<i32>} : memref<16x1024xf32, #tpu.memory_space<vmem>>, vector<16xf32>,
        %sub3A_1758 = arith.subf %get3A_1757, %mul3A_972 : vector<16xf32>
        %mul3A_1759 = arith.mulf %sub3A_1758, %mul3A_1040 : vector<16xf32>
        %get3A_1760 = arith.constant 816 : index
        %get3A_1761 = tpu.vector_load %arg13[%get3A_1760] {strides = array<i32>} : memref<1024xf32, #tpu.memory_space<vmem>>, vector<16xf32>,
        %mul3A_1762 = arith.mulf %mul3A_1759, %get3A_1761 : vector<16xf32>
        %get3A_1763 = arith.constant 816 : index
        %get3A_1764 = tpu.vector_load %arg14[%get3A_1763] {strides = array<i32>} : memref<1024xf32, #tpu.memory_space<vmem>>, vector<16xf32>,
        %add3A_1765 = arith.addf %mul3A_1762, %get3A_1764 : vector<16xf32>
        %swap3A_1766 = arith.index_cast %scan3A_92 : i32 to index
        %swap3A_1767 = arith.constant 816 : index
        %swap3A_1768 = tpu.vector_load %arg9[%swap3A_1766, %swap3A_1767] {strides = array<i32>} : memref<16x1024xf32, #tpu.memory_space<vmem>>, vector<16xf32>,
        tpu.vector_store %arg9[%swap3A_1766, %swap3A_1767], %add3A_1765 {strides = array<i32>} : memref<16x1024xf32, #tpu.memory_space<vmem>>, vector<16xf32>,
        %get3A_1769 = arith.index_cast %scan3A_92 : i32 to index
        %get3A_1770 = arith.constant 832 : index
        %get3A_1771 = tpu.vector_load %arg9[%get3A_1769, %get3A_1770] {strides = array<i32>} : memref<16x1024xf32, #tpu.memory_space<vmem>>, vector<16xf32>,
        %sub3A_1772 = arith.subf %get3A_1771, %mul3A_972 : vector<16xf32>
        %mul3A_1773 = arith.mulf %sub3A_1772, %mul3A_1040 : vector<16xf32>
        %get3A_1774 = arith.constant 832 : index
        %get3A_1775 = tpu.vector_load %arg13[%get3A_1774] {strides = array<i32>} : memref<1024xf32, #tpu.memory_space<vmem>>, vector<16xf32>,
        %mul3A_1776 = arith.mulf %mul3A_1773, %get3A_1775 : vector<16xf32>
        %get3A_1777 = arith.constant 832 : index
        %get3A_1778 = tpu.vector_load %arg14[%get3A_1777] {strides = array<i32>} : memref<1024xf32, #tpu.memory_space<vmem>>, vector<16xf32>,
        %add3A_1779 = arith.addf %mul3A_1776, %get3A_1778 : vector<16xf32>
        %swap3A_1780 = arith.index_cast %scan3A_92 : i32 to index
        %swap3A_1781 = arith.constant 832 : index
        %swap3A_1782 = tpu.vector_load %arg9[%swap3A_1780, %swap3A_1781] {strides = array<i32>} : memref<16x1024xf32, #tpu.memory_space<vmem>>, vector<16xf32>,
        tpu.vector_store %arg9[%swap3A_1780, %swap3A_1781], %add3A_1779 {strides = array<i32>} : memref<16x1024xf32, #tpu.memory_space<vmem>>, vector<16xf32>,
        %get3A_1783 = arith.index_cast %scan3A_92 : i32 to index
        %get3A_1784 = arith.constant 848 : index
        %get3A_1785 = tpu.vector_load %arg9[%get3A_1783, %get3A_1784] {strides = array<i32>} : memref<16x1024xf32, #tpu.memory_space<vmem>>, vector<16xf32>,
        %sub3A_1786 = arith.subf %get3A_1785, %mul3A_972 : vector<16xf32>
        %mul3A_1787 = arith.mulf %sub3A_1786, %mul3A_1040 : vector<16xf32>
        %get3A_1788 = arith.constant 848 : index
        %get3A_1789 = tpu.vector_load %arg13[%get3A_1788] {strides = array<i32>} : memref<1024xf32, #tpu.memory_space<vmem>>, vector<16xf32>,
        %mul3A_1790 = arith.mulf %mul3A_1787, %get3A_1789 : vector<16xf32>
        %get3A_1791 = arith.constant 848 : index
        %get3A_1792 = tpu.vector_load %arg14[%get3A_1791] {strides = array<i32>} : memref<1024xf32, #tpu.memory_space<vmem>>, vector<16xf32>,
        %add3A_1793 = arith.addf %mul3A_1790, %get3A_1792 : vector<16xf32>
        %swap3A_1794 = arith.index_cast %scan3A_92 : i32 to index
        %swap3A_1795 = arith.constant 848 : index
        %swap3A_1796 = tpu.vector_load %arg9[%swap3A_1794, %swap3A_1795] {strides = array<i32>} : memref<16x1024xf32, #tpu.memory_space<vmem>>, vector<16xf32>,
        tpu.vector_store %arg9[%swap3A_1794, %swap3A_1795], %add3A_1793 {strides = array<i32>} : memref<16x1024xf32, #tpu.memory_space<vmem>>, vector<16xf32>,
        %get3A_1797 = arith.index_cast %scan3A_92 : i32 to index
        %get3A_1798 = arith.constant 864 : index
        %get3A_1799 = tpu.vector_load %arg9[%get3A_1797, %get3A_1798] {strides = array<i32>} : memref<16x1024xf32, #tpu.memory_space<vmem>>, vector<16xf32>,
        %sub3A_1800 = arith.subf %get3A_1799, %mul3A_972 : vector<16xf32>
        %mul3A_1801 = arith.mulf %sub3A_1800, %mul3A_1040 : vector<16xf32>
        %get3A_1802 = arith.constant 864 : index
        %get3A_1803 = tpu.vector_load %arg13[%get3A_1802] {strides = array<i32>} : memref<1024xf32, #tpu.memory_space<vmem>>, vector<16xf32>,
        %mul3A_1804 = arith.mulf %mul3A_1801, %get3A_1803 : vector<16xf32>
        %get3A_1805 = arith.constant 864 : index
        %get3A_1806 = tpu.vector_load %arg14[%get3A_1805] {strides = array<i32>} : memref<1024xf32, #tpu.memory_space<vmem>>, vector<16xf32>,
        %add3A_1807 = arith.addf %mul3A_1804, %get3A_1806 : vector<16xf32>
        %swap3A_1808 = arith.index_cast %scan3A_92 : i32 to index
        %swap3A_1809 = arith.constant 864 : index
        %swap3A_1810 = tpu.vector_load %arg9[%swap3A_1808, %swap3A_1809] {strides = array<i32>} : memref<16x1024xf32, #tpu.memory_space<vmem>>, vector<16xf32>,
        tpu.vector_store %arg9[%swap3A_1808, %swap3A_1809], %add3A_1807 {strides = array<i32>} : memref<16x1024xf32, #tpu.memory_space<vmem>>, vector<16xf32>,
        %get3A_1811 = arith.index_cast %scan3A_92 : i32 to index
        %get3A_1812 = arith.constant 880 : index
        %get3A_1813 = tpu.vector_load %arg9[%get3A_1811, %get3A_1812] {strides = array<i32>} : memref<16x1024xf32, #tpu.memory_space<vmem>>, vector<16xf32>,
        %sub3A_1814 = arith.subf %get3A_1813, %mul3A_972 : vector<16xf32>
        %mul3A_1815 = arith.mulf %sub3A_1814, %mul3A_1040 : vector<16xf32>
        %get3A_1816 = arith.constant 880 : index
        %get3A_1817 = tpu.vector_load %arg13[%get3A_1816] {strides = array<i32>} : memref<1024xf32, #tpu.memory_space<vmem>>, vector<16xf32>,
        %mul3A_1818 = arith.mulf %mul3A_1815, %get3A_1817 : vector<16xf32>
        %get3A_1819 = arith.constant 880 : index
        %get3A_1820 = tpu.vector_load %arg14[%get3A_1819] {strides = array<i32>} : memref<1024xf32, #tpu.memory_space<vmem>>, vector<16xf32>,
        %add3A_1821 = arith.addf %mul3A_1818, %get3A_1820 : vector<16xf32>
        %swap3A_1822 = arith.index_cast %scan3A_92 : i32 to index
        %swap3A_1823 = arith.constant 880 : index
        %swap3A_1824 = tpu.vector_load %arg9[%swap3A_1822, %swap3A_1823] {strides = array<i32>} : memref<16x1024xf32, #tpu.memory_space<vmem>>, vector<16xf32>,
        tpu.vector_store %arg9[%swap3A_1822, %swap3A_1823], %add3A_1821 {strides = array<i32>} : memref<16x1024xf32, #tpu.memory_space<vmem>>, vector<16xf32>,
        %get3A_1825 = arith.index_cast %scan3A_92 : i32 to index
        %get3A_1826 = arith.constant 896 : index
        %get3A_1827 = tpu.vector_load %arg9[%get3A_1825, %get3A_1826] {strides = array<i32>} : memref<16x1024xf32, #tpu.memory_space<vmem>>, vector<16xf32>,
        %sub3A_1828 = arith.subf %get3A_1827, %mul3A_972 : vector<16xf32>
        %mul3A_1829 = arith.mulf %sub3A_1828, %mul3A_1040 : vector<16xf32>
        %get3A_1830 = arith.constant 896 : index
        %get3A_1831 = tpu.vector_load %arg13[%get3A_1830] {strides = array<i32>} : memref<1024xf32, #tpu.memory_space<vmem>>, vector<16xf32>,
        %mul3A_1832 = arith.mulf %mul3A_1829, %get3A_1831 : vector<16xf32>
        %get3A_1833 = arith.constant 896 : index
        %get3A_1834 = tpu.vector_load %arg14[%get3A_1833] {strides = array<i32>} : memref<1024xf32, #tpu.memory_space<vmem>>, vector<16xf32>,
        %add3A_1835 = arith.addf %mul3A_1832, %get3A_1834 : vector<16xf32>
        %swap3A_1836 = arith.index_cast %scan3A_92 : i32 to index
        %swap3A_1837 = arith.constant 896 : index
        %swap3A_1838 = tpu.vector_load %arg9[%swap3A_1836, %swap3A_1837] {strides = array<i32>} : memref<16x1024xf32, #tpu.memory_space<vmem>>, vector<16xf32>,
        tpu.vector_store %arg9[%swap3A_1836, %swap3A_1837], %add3A_1835 {strides = array<i32>} : memref<16x1024xf32, #tpu.memory_space<vmem>>, vector<16xf32>,
        %get3A_1839 = arith.index_cast %scan3A_92 : i32 to index
        %get3A_1840 = arith.constant 912 : index
        %get3A_1841 = tpu.vector_load %arg9[%get3A_1839, %get3A_1840] {strides = array<i32>} : memref<16x1024xf32, #tpu.memory_space<vmem>>, vector<16xf32>,
        %sub3A_1842 = arith.subf %get3A_1841, %mul3A_972 : vector<16xf32>
        %mul3A_1843 = arith.mulf %sub3A_1842, %mul3A_1040 : vector<16xf32>
        %get3A_1844 = arith.constant 912 : index
        %get3A_1845 = tpu.vector_load %arg13[%get3A_1844] {strides = array<i32>} : memref<1024xf32, #tpu.memory_space<vmem>>, vector<16xf32>,
        %mul3A_1846 = arith.mulf %mul3A_1843, %get3A_1845 : vector<16xf32>
        %get3A_1847 = arith.constant 912 : index
        %get3A_1848 = tpu.vector_load %arg14[%get3A_1847] {strides = array<i32>} : memref<1024xf32, #tpu.memory_space<vmem>>, vector<16xf32>,
        %add3A_1849 = arith.addf %mul3A_1846, %get3A_1848 : vector<16xf32>
        %swap3A_1850 = arith.index_cast %scan3A_92 : i32 to index
        %swap3A_1851 = arith.constant 912 : index
        %swap3A_1852 = tpu.vector_load %arg9[%swap3A_1850, %swap3A_1851] {strides = array<i32>} : memref<16x1024xf32, #tpu.memory_space<vmem>>, vector<16xf32>,
        tpu.vector_store %arg9[%swap3A_1850, %swap3A_1851], %add3A_1849 {strides = array<i32>} : memref<16x1024xf32, #tpu.memory_space<vmem>>, vector<16xf32>,
        %get3A_1853 = arith.index_cast %scan3A_92 : i32 to index
        %get3A_1854 = arith.constant 928 : index
        %get3A_1855 = tpu.vector_load %arg9[%get3A_1853, %get3A_1854] {strides = array<i32>} : memref<16x1024xf32, #tpu.memory_space<vmem>>, vector<16xf32>,
        %sub3A_1856 = arith.subf %get3A_1855, %mul3A_972 : vector<16xf32>
        %mul3A_1857 = arith.mulf %sub3A_1856, %mul3A_1040 : vector<16xf32>
        %get3A_1858 = arith.constant 928 : index
        %get3A_1859 = tpu.vector_load %arg13[%get3A_1858] {strides = array<i32>} : memref<1024xf32, #tpu.memory_space<vmem>>, vector<16xf32>,
        %mul3A_1860 = arith.mulf %mul3A_1857, %get3A_1859 : vector<16xf32>
        %get3A_1861 = arith.constant 928 : index
        %get3A_1862 = tpu.vector_load %arg14[%get3A_1861] {strides = array<i32>} : memref<1024xf32, #tpu.memory_space<vmem>>, vector<16xf32>,
        %add3A_1863 = arith.addf %mul3A_1860, %get3A_1862 : vector<16xf32>
        %swap3A_1864 = arith.index_cast %scan3A_92 : i32 to index
        %swap3A_1865 = arith.constant 928 : index
        %swap3A_1866 = tpu.vector_load %arg9[%swap3A_1864, %swap3A_1865] {strides = array<i32>} : memref<16x1024xf32, #tpu.memory_space<vmem>>, vector<16xf32>,
        tpu.vector_store %arg9[%swap3A_1864, %swap3A_1865], %add3A_1863 {strides = array<i32>} : memref<16x1024xf32, #tpu.memory_space<vmem>>, vector<16xf32>,
        %get3A_1867 = arith.index_cast %scan3A_92 : i32 to index
        %get3A_1868 = arith.constant 944 : index
        %get3A_1869 = tpu.vector_load %arg9[%get3A_1867, %get3A_1868] {strides = array<i32>} : memref<16x1024xf32, #tpu.memory_space<vmem>>, vector<16xf32>,
        %sub3A_1870 = arith.subf %get3A_1869, %mul3A_972 : vector<16xf32>
        %mul3A_1871 = arith.mulf %sub3A_1870, %mul3A_1040 : vector<16xf32>
        %get3A_1872 = arith.constant 944 : index
        %get3A_1873 = tpu.vector_load %arg13[%get3A_1872] {strides = array<i32>} : memref<1024xf32, #tpu.memory_space<vmem>>, vector<16xf32>,
        %mul3A_1874 = arith.mulf %mul3A_1871, %get3A_1873 : vector<16xf32>
        %get3A_1875 = arith.constant 944 : index
        %get3A_1876 = tpu.vector_load %arg14[%get3A_1875] {strides = array<i32>} : memref<1024xf32, #tpu.memory_space<vmem>>, vector<16xf32>,
        %add3A_1877 = arith.addf %mul3A_1874, %get3A_1876 : vector<16xf32>
        %swap3A_1878 = arith.index_cast %scan3A_92 : i32 to index
        %swap3A_1879 = arith.constant 944 : index
        %swap3A_1880 = tpu.vector_load %arg9[%swap3A_1878, %swap3A_1879] {strides = array<i32>} : memref<16x1024xf32, #tpu.memory_space<vmem>>, vector<16xf32>,
        tpu.vector_store %arg9[%swap3A_1878, %swap3A_1879], %add3A_1877 {strides = array<i32>} : memref<16x1024xf32, #tpu.memory_space<vmem>>, vector<16xf32>,
        %get3A_1881 = arith.index_cast %scan3A_92 : i32 to index
        %get3A_1882 = arith.constant 960 : index
        %get3A_1883 = tpu.vector_load %arg9[%get3A_1881, %get3A_1882] {strides = array<i32>} : memref<16x1024xf32, #tpu.memory_space<vmem>>, vector<16xf32>,
        %sub3A_1884 = arith.subf %get3A_1883, %mul3A_972 : vector<16xf32>
        %mul3A_1885 = arith.mulf %sub3A_1884, %mul3A_1040 : vector<16xf32>
        %get3A_1886 = arith.constant 960 : index
        %get3A_1887 = tpu.vector_load %arg13[%get3A_1886] {strides = array<i32>} : memref<1024xf32, #tpu.memory_space<vmem>>, vector<16xf32>,
        %mul3A_1888 = arith.mulf %mul3A_1885, %get3A_1887 : vector<16xf32>
        %get3A_1889 = arith.constant 960 : index
        %get3A_1890 = tpu.vector_load %arg14[%get3A_1889] {strides = array<i32>} : memref<1024xf32, #tpu.memory_space<vmem>>, vector<16xf32>,
        %add3A_1891 = arith.addf %mul3A_1888, %get3A_1890 : vector<16xf32>
        %swap3A_1892 = arith.index_cast %scan3A_92 : i32 to index
        %swap3A_1893 = arith.constant 960 : index
        %swap3A_1894 = tpu.vector_load %arg9[%swap3A_1892, %swap3A_1893] {strides = array<i32>} : memref<16x1024xf32, #tpu.memory_space<vmem>>, vector<16xf32>,
        tpu.vector_store %arg9[%swap3A_1892, %swap3A_1893], %add3A_1891 {strides = array<i32>} : memref<16x1024xf32, #tpu.memory_space<vmem>>, vector<16xf32>,
        %get3A_1895 = arith.index_cast %scan3A_92 : i32 to index
        %get3A_1896 = arith.constant 976 : index
        %get3A_1897 = tpu.vector_load %arg9[%get3A_1895, %get3A_1896] {strides = array<i32>} : memref<16x1024xf32, #tpu.memory_space<vmem>>, vector<16xf32>,
        %sub3A_1898 = arith.subf %get3A_1897, %mul3A_972 : vector<16xf32>
        %mul3A_1899 = arith.mulf %sub3A_1898, %mul3A_1040 : vector<16xf32>
        %get3A_1900 = arith.constant 976 : index
        %get3A_1901 = tpu.vector_load %arg13[%get3A_1900] {strides = array<i32>} : memref<1024xf32, #tpu.memory_space<vmem>>, vector<16xf32>,
        %mul3A_1902 = arith.mulf %mul3A_1899, %get3A_1901 : vector<16xf32>
        %get3A_1903 = arith.constant 976 : index
        %get3A_1904 = tpu.vector_load %arg14[%get3A_1903] {strides = array<i32>} : memref<1024xf32, #tpu.memory_space<vmem>>, vector<16xf32>,
        %add3A_1905 = arith.addf %mul3A_1902, %get3A_1904 : vector<16xf32>
        %swap3A_1906 = arith.index_cast %scan3A_92 : i32 to index
        %swap3A_1907 = arith.constant 976 : index
        %swap3A_1908 = tpu.vector_load %arg9[%swap3A_1906, %swap3A_1907] {strides = array<i32>} : memref<16x1024xf32, #tpu.memory_space<vmem>>, vector<16xf32>,
        tpu.vector_store %arg9[%swap3A_1906, %swap3A_1907], %add3A_1905 {strides = array<i32>} : memref<16x1024xf32, #tpu.memory_space<vmem>>, vector<16xf32>,
        %get3A_1909 = arith.index_cast %scan3A_92 : i32 to index
        %get3A_1910 = arith.constant 992 : index
        %get3A_1911 = tpu.vector_load %arg9[%get3A_1909, %get3A_1910] {strides = array<i32>} : memref<16x1024xf32, #tpu.memory_space<vmem>>, vector<16xf32>,
        %sub3A_1912 = arith.subf %get3A_1911, %mul3A_972 : vector<16xf32>
        %mul3A_1913 = arith.mulf %sub3A_1912, %mul3A_1040 : vector<16xf32>
        %get3A_1914 = arith.constant 992 : index
        %get3A_1915 = tpu.vector_load %arg13[%get3A_1914] {strides = array<i32>} : memref<1024xf32, #tpu.memory_space<vmem>>, vector<16xf32>,
        %mul3A_1916 = arith.mulf %mul3A_1913, %get3A_1915 : vector<16xf32>
        %get3A_1917 = arith.constant 992 : index
        %get3A_1918 = tpu.vector_load %arg14[%get3A_1917] {strides = array<i32>} : memref<1024xf32, #tpu.memory_space<vmem>>, vector<16xf32>,
        %add3A_1919 = arith.addf %mul3A_1916, %get3A_1918 : vector<16xf32>
        %swap3A_1920 = arith.index_cast %scan3A_92 : i32 to index
        %swap3A_1921 = arith.constant 992 : index
        %swap3A_1922 = tpu.vector_load %arg9[%swap3A_1920, %swap3A_1921] {strides = array<i32>} : memref<16x1024xf32, #tpu.memory_space<vmem>>, vector<16xf32>,
        tpu.vector_store %arg9[%swap3A_1920, %swap3A_1921], %add3A_1919 {strides = array<i32>} : memref<16x1024xf32, #tpu.memory_space<vmem>>, vector<16xf32>,
        %get3A_1923 = arith.index_cast %scan3A_92 : i32 to index
        %get3A_1924 = arith.constant 1008 : index
        %get3A_1925 = tpu.vector_load %arg9[%get3A_1923, %get3A_1924] {strides = array<i32>} : memref<16x1024xf32, #tpu.memory_space<vmem>>, vector<16xf32>,
        %sub3A_1926 = arith.subf %get3A_1925, %mul3A_972 : vector<16xf32>
        %mul3A_1927 = arith.mulf %sub3A_1926, %mul3A_1040 : vector<16xf32>
        %get3A_1928 = arith.constant 1008 : index
        %get3A_1929 = tpu.vector_load %arg13[%get3A_1928] {strides = array<i32>} : memref<1024xf32, #tpu.memory_space<vmem>>, vector<16xf32>,
        %mul3A_1930 = arith.mulf %mul3A_1927, %get3A_1929 : vector<16xf32>
        %get3A_1931 = arith.constant 1008 : index
        %get3A_1932 = tpu.vector_load %arg14[%get3A_1931] {strides = array<i32>} : memref<1024xf32, #tpu.memory_space<vmem>>, vector<16xf32>,
        %add3A_1933 = arith.addf %mul3A_1930, %get3A_1932 : vector<16xf32>
        %swap3A_1934 = arith.index_cast %scan3A_92 : i32 to index
        %swap3A_1935 = arith.constant 1008 : index
        %swap3A_1936 = tpu.vector_load %arg9[%swap3A_1934, %swap3A_1935] {strides = array<i32>} : memref<16x1024xf32, #tpu.memory_space<vmem>>, vector<16xf32>,
        tpu.vector_store %arg9[%swap3A_1934, %swap3A_1935], %add3A_1933 {strides = array<i32>} : memref<16x1024xf32, #tpu.memory_space<vmem>>, vector<16xf32>,
      }
      %scan3A_52 = arith.constant 16 : i32
      %dma_start3A_53 = arith.constant 0 : i32
      %dma_start3A_54 = tpu.memref_slice %arg7[%add3A_32, %dma_start3A_53] : memref<32768x1024xf32, #tpu.memory_space<hbm>> -> memref<16x1024xf32, #tpu.memory_space<hbm>>
      %dma_start3A_55 = arith.constant 0 : i32
      %dma_start3A_56 = tpu.memref_slice %arg7[%add3A_32, %dma_start3A_55] : memref<32768x1024xf32, #tpu.memory_space<hbm>> -> memref<16x1024xf32, #tpu.memory_space<hbm>>
      tpu.enqueue_dma source(%arg9 : memref<16x1024xf32, #tpu.memory_space<vmem>>) target(%dma_start3A_56 : memref<16x1024xf32, #tpu.memory_space<hbm>>) target_semaphore(%arg19 : memref<!tpu.dma_semaphore, #tpu.memory_space<semaphore_mem>>)
      %mul3A_57 = arith.constant 2 : i32
      %mul3A_58 = arith.muli %mul3A_57, %scan3A_25 : i32
      %add3A_59 = arith.constant 1 : i32
      %add3A_60 = arith.addi %mul3A_58, %add3A_59 : i32
      %mul3A_61 = arith.constant 16 : i32
      %mul3A_62 = arith.muli %add3A_60, %mul3A_61 : i32
      %add3A_63 = arith.addi %mul3A_2, %mul3A_62 : i32
      %add3A_64 = arith.constant 1 : i32
      %add3A_65 = arith.addi %add3A_60, %add3A_64 : i32
      %lt3A_66 = arith.constant 64 : i32
      %lt3A_67 = arith.cmpi slt, %add3A_65, %lt3A_66 : i32
      %convert_element_type3A_68 = arith.extui %lt3A_67 : i1 to i32
      %cond3A_69 = arith.constant 0 : i32
      %cond3A_70 = arith.cmpi ne, %convert_element_type3A_68, %cond3A_69 : i32
      scf.if %cond3A_70 {
        %ge3A = arith.constant 1 : i32
        %ge3A_92 = arith.cmpi sge, %add3A_60, %ge3A : i32
        %convert_element_type3A_93 = arith.extui %ge3A_92 : i1 to i32
        %cond3A_94 = arith.constant 0 : i32
        %cond3A_95 = arith.cmpi ne, %convert_element_type3A_93, %cond3A_94 : i32
        scf.if %cond3A_95 {
          %dma_wait3A_111 = arith.constant 0 : i32
          %dma_wait3A_112 = tpu.memref_slice %arg7[%add3A_63, %dma_wait3A_111] : memref<32768x1024xf32, #tpu.memory_space<hbm>> -> memref<16x1024xf32, #tpu.memory_space<hbm>>
          %dma_wait3A_113 = arith.constant 0 : i32
          %dma_wait3A_114 = tpu.memref_slice %arg7[%add3A_63, %dma_wait3A_113] : memref<32768x1024xf32, #tpu.memory_space<hbm>> -> memref<16x1024xf32, #tpu.memory_space<hbm>>
          tpu.wait_dma2 semaphore(%arg19 : memref<!tpu.dma_semaphore, #tpu.memory_space<semaphore_mem>>) src(%arg9 : memref<16x1024xf32, #tpu.memory_space<vmem>>) dst(%dma_wait3A_114 : memref<16x1024xf32, #tpu.memory_space<hbm>>)
        } else {
        }
        %add3A_96 = arith.constant 1 : i32
        %add3A_97 = arith.addi %add3A_60, %add3A_96 : i32
        %mul3A_98 = arith.constant 16 : i32
        %mul3A_99 = arith.muli %add3A_97, %mul3A_98 : i32
        %add3A_100 = arith.addi %mul3A_2, %mul3A_99 : i32
        %dma_start3A_101 = arith.constant 0 : i32
        %dma_start3A_102 = tpu.memref_slice %arg2[%add3A_100, %dma_start3A_101] : memref<32768x1024xf32, #tpu.memory_space<hbm>> -> memref<16x1024xf32, #tpu.memory_space<hbm>>
        %dma_start3A_103 = arith.constant 0 : i32
        %dma_start3A_104 = tpu.memref_slice %arg2[%add3A_100, %dma_start3A_103] : memref<32768x1024xf32, #tpu.memory_space<hbm>> -> memref<16x1024xf32, #tpu.memory_space<hbm>>
        tpu.enqueue_dma source(%dma_start3A_104 : memref<16x1024xf32, #tpu.memory_space<hbm>>) target(%arg9 : memref<16x1024xf32, #tpu.memory_space<vmem>>) target_semaphore(%arg15 : memref<!tpu.dma_semaphore, #tpu.memory_space<semaphore_mem>>)
        %mul3A_105 = arith.constant 16 : i32
        %mul3A_106 = arith.muli %add3A_97, %mul3A_105 : i32
        %dma_start3A_107 = tpu.memref_slice %arg8[%mul3A_106] : memref<1024xi32, #tpu.memory_space<vmem>> -> memref<16xi32, #tpu.memory_space<vmem>>
        %dma_start3A_108 = arith.constant 0 : i32
        %dma_start3A_109 = arith.constant 0 : i32
        %dma_start3A_110 = tpu.memref_slice %arg3[%dma_start3A_108, %dma_start3A_109] : memref<4x1024xf32, #tpu.memory_space<hbm>> -> memref<4x1024xf32, #tpu.memory_space<hbm>>
        tpu.enqueue_indirect_dma source(%dma_start3A_110 : memref<4x1024xf32, #tpu.memory_space<hbm>>) target(%arg11 : memref<16x1024xf32, #tpu.memory_space<vmem>>) offsets(%dma_start3A_107 : memref<16xi32, #tpu.memory_space<vmem>>) semaphore(%arg17 : memref<!tpu.dma_semaphore, #tpu.memory_space<semaphore_mem>>)
      } else {
      }
      %dma_wait3A_71 = arith.constant 0 : i32
      %dma_wait3A_72 = tpu.memref_slice %arg2[%add3A_63, %dma_wait3A_71] : memref<32768x1024xf32, #tpu.memory_space<hbm>> -> memref<16x1024xf32, #tpu.memory_space<hbm>>
      %dma_wait3A_73 = arith.constant 0 : i32
      %dma_wait3A_74 = tpu.memref_slice %arg2[%add3A_63, %dma_wait3A_73] : memref<32768x1024xf32, #tpu.memory_space<hbm>> -> memref<16x1024xf32, #tpu.memory_space<hbm>>
      tpu.wait_dma2 semaphore(%arg16 : memref<!tpu.dma_semaphore, #tpu.memory_space<semaphore_mem>>) src(%dma_wait3A_74 : memref<16x1024xf32, #tpu.memory_space<hbm>>) dst(%arg10 : memref<16x1024xf32, #tpu.memory_space<vmem>>)
      %mul3A_75 = arith.constant 16 : i32
      %mul3A_76 = arith.muli %add3A_60, %mul3A_75 : i32
      %dma_wait3A_77 = tpu.memref_slice %arg8[%mul3A_76] : memref<1024xi32, #tpu.memory_space<vmem>> -> memref<16xi32, #tpu.memory_space<vmem>>
      %dma_wait3A_78 = arith.constant 0 : i32
      %dma_wait3A_79 = arith.constant 0 : i32
      %dma_wait3A_80 = tpu.memref_slice %arg3[%dma_wait3A_78, %dma_wait3A_79] : memref<4x1024xf32, #tpu.memory_space<hbm>> -> memref<4x1024xf32, #tpu.memory_space<hbm>>
      tpu.wait_indirect_dma semaphore(%arg18 : memref<!tpu.dma_semaphore, #tpu.memory_space<semaphore_mem>>) src(%dma_wait3A_80 : memref<4x1024xf32, #tpu.memory_space<hbm>>) dst(%arg12 : memref<16x1024xf32, #tpu.memory_space<vmem>>)
      %iota3A_81 = tpu.iota {dimensions = array<i32: 0>} : vector<16xi32>
      %scan3A_82 = arith.constant 0 : i32
      %scan3A_83 = arith.constant 0 : i32
      %scan3A_84 = arith.constant 16 : i32
      %scan3A_85 = arith.addi %scan3A_83, %scan3A_84 : i32
      %scan3A_86 = arith.constant 1 : i32
      scf.for %scan3A_92 = %scan3A_83 to %scan3A_85 step %scan3A_86  : i32 {
        %broadcast_in_dim3A = arith.constant 0.000000e+00 : f32
        %broadcast_in_dim3A_93 = vector.broadcast %broadcast_in_dim3A : f32 to vector<16xf32>
        %broadcast_in_dim3A_94 = arith.constant 0.000000e+00 : f32
        %broadcast_in_dim3A_95 = vector.broadcast %broadcast_in_dim3A_94 : f32 to vector<16xf32>
        %broadcast_in_dim3A_96 = arith.constant 0.000000e+00 : f32
        %broadcast_in_dim3A_97 = vector.broadcast %broadcast_in_dim3A_96 : f32 to vector<16xf32>
        %broadcast_in_dim3A_98 = arith.constant 0.000000e+00 : f32
        %broadcast_in_dim3A_99 = vector.broadcast %broadcast_in_dim3A_98 : f32 to vector<16xf32>
        %broadcast_in_dim3A_100 = arith.constant 0.000000e+00 : f32
        %broadcast_in_dim3A_101 = vector.broadcast %broadcast_in_dim3A_100 : f32 to vector<16xf32>
        %broadcast_in_dim3A_102 = arith.constant 0.000000e+00 : f32
        %broadcast_in_dim3A_103 = vector.broadcast %broadcast_in_dim3A_102 : f32 to vector<16xf32>
        %broadcast_in_dim3A_104 = arith.constant 0.000000e+00 : f32
        %broadcast_in_dim3A_105 = vector.broadcast %broadcast_in_dim3A_104 : f32 to vector<16xf32>
        %broadcast_in_dim3A_106 = arith.constant 0.000000e+00 : f32
        %broadcast_in_dim3A_107 = vector.broadcast %broadcast_in_dim3A_106 : f32 to vector<16xf32>
        %get3A = arith.index_cast %scan3A_92 : i32 to index
        %get3A_108 = arith.constant 0 : index
        %get3A_109 = tpu.vector_load %arg10[%get3A, %get3A_108] {strides = array<i32>} : memref<16x1024xf32, #tpu.memory_space<vmem>>, vector<16xf32>,
        %get3A_110 = arith.index_cast %scan3A_92 : i32 to index
        %get3A_111 = arith.constant 0 : index
        %get3A_112 = tpu.vector_load %arg12[%get3A_110, %get3A_111] {strides = array<i32>} : memref<16x1024xf32, #tpu.memory_space<vmem>>, vector<16xf32>,
        %add3A_113 = arith.addf %get3A_109, %get3A_112 : vector<16xf32>
        %swap3A = arith.index_cast %scan3A_92 : i32 to index
        %swap3A_114 = arith.constant 0 : index
        %swap3A_115 = tpu.vector_load %arg10[%swap3A, %swap3A_114] {strides = array<i32>} : memref<16x1024xf32, #tpu.memory_space<vmem>>, vector<16xf32>,
        tpu.vector_store %arg10[%swap3A, %swap3A_114], %add3A_113 {strides = array<i32>} : memref<16x1024xf32, #tpu.memory_space<vmem>>, vector<16xf32>,
        %add3A_116 = arith.addf %broadcast_in_dim3A_93, %add3A_113 : vector<16xf32>
        %mul3A_117 = arith.mulf %add3A_113, %add3A_113 : vector<16xf32>
        %add3A_118 = arith.addf %broadcast_in_dim3A_101, %mul3A_117 : vector<16xf32>
        %get3A_119 = arith.index_cast %scan3A_92 : i32 to index
        %get3A_120 = arith.constant 16 : index
        %get3A_121 = tpu.vector_load %arg10[%get3A_119, %get3A_120] {strides = array<i32>} : memref<16x1024xf32, #tpu.memory_space<vmem>>, vector<16xf32>,
        %get3A_122 = arith.index_cast %scan3A_92 : i32 to index
        %get3A_123 = arith.constant 16 : index
        %get3A_124 = tpu.vector_load %arg12[%get3A_122, %get3A_123] {strides = array<i32>} : memref<16x1024xf32, #tpu.memory_space<vmem>>, vector<16xf32>,
        %add3A_125 = arith.addf %get3A_121, %get3A_124 : vector<16xf32>
        %swap3A_126 = arith.index_cast %scan3A_92 : i32 to index
        %swap3A_127 = arith.constant 16 : index
        %swap3A_128 = tpu.vector_load %arg10[%swap3A_126, %swap3A_127] {strides = array<i32>} : memref<16x1024xf32, #tpu.memory_space<vmem>>, vector<16xf32>,
        tpu.vector_store %arg10[%swap3A_126, %swap3A_127], %add3A_125 {strides = array<i32>} : memref<16x1024xf32, #tpu.memory_space<vmem>>, vector<16xf32>,
        %add3A_129 = arith.addf %broadcast_in_dim3A_95, %add3A_125 : vector<16xf32>
        %mul3A_130 = arith.mulf %add3A_125, %add3A_125 : vector<16xf32>
        %add3A_131 = arith.addf %broadcast_in_dim3A_103, %mul3A_130 : vector<16xf32>
        %get3A_132 = arith.index_cast %scan3A_92 : i32 to index
        %get3A_133 = arith.constant 32 : index
        %get3A_134 = tpu.vector_load %arg10[%get3A_132, %get3A_133] {strides = array<i32>} : memref<16x1024xf32, #tpu.memory_space<vmem>>, vector<16xf32>,
        %get3A_135 = arith.index_cast %scan3A_92 : i32 to index
        %get3A_136 = arith.constant 32 : index
        %get3A_137 = tpu.vector_load %arg12[%get3A_135, %get3A_136] {strides = array<i32>} : memref<16x1024xf32, #tpu.memory_space<vmem>>, vector<16xf32>,
        %add3A_138 = arith.addf %get3A_134, %get3A_137 : vector<16xf32>
        %swap3A_139 = arith.index_cast %scan3A_92 : i32 to index
        %swap3A_140 = arith.constant 32 : index
        %swap3A_141 = tpu.vector_load %arg10[%swap3A_139, %swap3A_140] {strides = array<i32>} : memref<16x1024xf32, #tpu.memory_space<vmem>>, vector<16xf32>,
        tpu.vector_store %arg10[%swap3A_139, %swap3A_140], %add3A_138 {strides = array<i32>} : memref<16x1024xf32, #tpu.memory_space<vmem>>, vector<16xf32>,
        %add3A_142 = arith.addf %broadcast_in_dim3A_97, %add3A_138 : vector<16xf32>
        %mul3A_143 = arith.mulf %add3A_138, %add3A_138 : vector<16xf32>
        %add3A_144 = arith.addf %broadcast_in_dim3A_105, %mul3A_143 : vector<16xf32>
        %get3A_145 = arith.index_cast %scan3A_92 : i32 to index
        %get3A_146 = arith.constant 48 : index
        %get3A_147 = tpu.vector_load %arg10[%get3A_145, %get3A_146] {strides = array<i32>} : memref<16x1024xf32, #tpu.memory_space<vmem>>, vector<16xf32>,
        %get3A_148 = arith.index_cast %scan3A_92 : i32 to index
        %get3A_149 = arith.constant 48 : index
        %get3A_150 = tpu.vector_load %arg12[%get3A_148, %get3A_149] {strides = array<i32>} : memref<16x1024xf32, #tpu.memory_space<vmem>>, vector<16xf32>,
        %add3A_151 = arith.addf %get3A_147, %get3A_150 : vector<16xf32>
        %swap3A_152 = arith.index_cast %scan3A_92 : i32 to index
        %swap3A_153 = arith.constant 48 : index
        %swap3A_154 = tpu.vector_load %arg10[%swap3A_152, %swap3A_153] {strides = array<i32>} : memref<16x1024xf32, #tpu.memory_space<vmem>>, vector<16xf32>,
        tpu.vector_store %arg10[%swap3A_152, %swap3A_153], %add3A_151 {strides = array<i32>} : memref<16x1024xf32, #tpu.memory_space<vmem>>, vector<16xf32>,
        %add3A_155 = arith.addf %broadcast_in_dim3A_99, %add3A_151 : vector<16xf32>
        %mul3A_156 = arith.mulf %add3A_151, %add3A_151 : vector<16xf32>
        %add3A_157 = arith.addf %broadcast_in_dim3A_107, %mul3A_156 : vector<16xf32>
        %get3A_158 = arith.index_cast %scan3A_92 : i32 to index
        %get3A_159 = arith.constant 64 : index
        %get3A_160 = tpu.vector_load %arg10[%get3A_158, %get3A_159] {strides = array<i32>} : memref<16x1024xf32, #tpu.memory_space<vmem>>, vector<16xf32>,
        %get3A_161 = arith.index_cast %scan3A_92 : i32 to index
        %get3A_162 = arith.constant 64 : index
        %get3A_163 = tpu.vector_load %arg12[%get3A_161, %get3A_162] {strides = array<i32>} : memref<16x1024xf32, #tpu.memory_space<vmem>>, vector<16xf32>,
        %add3A_164 = arith.addf %get3A_160, %get3A_163 : vector<16xf32>
        %swap3A_165 = arith.index_cast %scan3A_92 : i32 to index
        %swap3A_166 = arith.constant 64 : index
        %swap3A_167 = tpu.vector_load %arg10[%swap3A_165, %swap3A_166] {strides = array<i32>} : memref<16x1024xf32, #tpu.memory_space<vmem>>, vector<16xf32>,
        tpu.vector_store %arg10[%swap3A_165, %swap3A_166], %add3A_164 {strides = array<i32>} : memref<16x1024xf32, #tpu.memory_space<vmem>>, vector<16xf32>,
        %add3A_168 = arith.addf %add3A_116, %add3A_164 : vector<16xf32>
        %mul3A_169 = arith.mulf %add3A_164, %add3A_164 : vector<16xf32>
        %add3A_170 = arith.addf %add3A_118, %mul3A_169 : vector<16xf32>
        %get3A_171 = arith.index_cast %scan3A_92 : i32 to index
        %get3A_172 = arith.constant 80 : index
        %get3A_173 = tpu.vector_load %arg10[%get3A_171, %get3A_172] {strides = array<i32>} : memref<16x1024xf32, #tpu.memory_space<vmem>>, vector<16xf32>,
        %get3A_174 = arith.index_cast %scan3A_92 : i32 to index
        %get3A_175 = arith.constant 80 : index
        %get3A_176 = tpu.vector_load %arg12[%get3A_174, %get3A_175] {strides = array<i32>} : memref<16x1024xf32, #tpu.memory_space<vmem>>, vector<16xf32>,
        %add3A_177 = arith.addf %get3A_173, %get3A_176 : vector<16xf32>
        %swap3A_178 = arith.index_cast %scan3A_92 : i32 to index
        %swap3A_179 = arith.constant 80 : index
        %swap3A_180 = tpu.vector_load %arg10[%swap3A_178, %swap3A_179] {strides = array<i32>} : memref<16x1024xf32, #tpu.memory_space<vmem>>, vector<16xf32>,
        tpu.vector_store %arg10[%swap3A_178, %swap3A_179], %add3A_177 {strides = array<i32>} : memref<16x1024xf32, #tpu.memory_space<vmem>>, vector<16xf32>,
        %add3A_181 = arith.addf %add3A_129, %add3A_177 : vector<16xf32>
        %mul3A_182 = arith.mulf %add3A_177, %add3A_177 : vector<16xf32>
        %add3A_183 = arith.addf %add3A_131, %mul3A_182 : vector<16xf32>
        %get3A_184 = arith.index_cast %scan3A_92 : i32 to index
        %get3A_185 = arith.constant 96 : index
        %get3A_186 = tpu.vector_load %arg10[%get3A_184, %get3A_185] {strides = array<i32>} : memref<16x1024xf32, #tpu.memory_space<vmem>>, vector<16xf32>,
        %get3A_187 = arith.index_cast %scan3A_92 : i32 to index
        %get3A_188 = arith.constant 96 : index
        %get3A_189 = tpu.vector_load %arg12[%get3A_187, %get3A_188] {strides = array<i32>} : memref<16x1024xf32, #tpu.memory_space<vmem>>, vector<16xf32>,
        %add3A_190 = arith.addf %get3A_186, %get3A_189 : vector<16xf32>
        %swap3A_191 = arith.index_cast %scan3A_92 : i32 to index
        %swap3A_192 = arith.constant 96 : index
        %swap3A_193 = tpu.vector_load %arg10[%swap3A_191, %swap3A_192] {strides = array<i32>} : memref<16x1024xf32, #tpu.memory_space<vmem>>, vector<16xf32>,
        tpu.vector_store %arg10[%swap3A_191, %swap3A_192], %add3A_190 {strides = array<i32>} : memref<16x1024xf32, #tpu.memory_space<vmem>>, vector<16xf32>,
        %add3A_194 = arith.addf %add3A_142, %add3A_190 : vector<16xf32>
        %mul3A_195 = arith.mulf %add3A_190, %add3A_190 : vector<16xf32>
        %add3A_196 = arith.addf %add3A_144, %mul3A_195 : vector<16xf32>
        %get3A_197 = arith.index_cast %scan3A_92 : i32 to index
        %get3A_198 = arith.constant 112 : index
        %get3A_199 = tpu.vector_load %arg10[%get3A_197, %get3A_198] {strides = array<i32>} : memref<16x1024xf32, #tpu.memory_space<vmem>>, vector<16xf32>,
        %get3A_200 = arith.index_cast %scan3A_92 : i32 to index
        %get3A_201 = arith.constant 112 : index
        %get3A_202 = tpu.vector_load %arg12[%get3A_200, %get3A_201] {strides = array<i32>} : memref<16x1024xf32, #tpu.memory_space<vmem>>, vector<16xf32>,
        %add3A_203 = arith.addf %get3A_199, %get3A_202 : vector<16xf32>
        %swap3A_204 = arith.index_cast %scan3A_92 : i32 to index
        %swap3A_205 = arith.constant 112 : index
        %swap3A_206 = tpu.vector_load %arg10[%swap3A_204, %swap3A_205] {strides = array<i32>} : memref<16x1024xf32, #tpu.memory_space<vmem>>, vector<16xf32>,
        tpu.vector_store %arg10[%swap3A_204, %swap3A_205], %add3A_203 {strides = array<i32>} : memref<16x1024xf32, #tpu.memory_space<vmem>>, vector<16xf32>,
        %add3A_207 = arith.addf %add3A_155, %add3A_203 : vector<16xf32>
        %mul3A_208 = arith.mulf %add3A_203, %add3A_203 : vector<16xf32>
        %add3A_209 = arith.addf %add3A_157, %mul3A_208 : vector<16xf32>
        %get3A_210 = arith.index_cast %scan3A_92 : i32 to index
        %get3A_211 = arith.constant 128 : index
        %get3A_212 = tpu.vector_load %arg10[%get3A_210, %get3A_211] {strides = array<i32>} : memref<16x1024xf32, #tpu.memory_space<vmem>>, vector<16xf32>,
        %get3A_213 = arith.index_cast %scan3A_92 : i32 to index
        %get3A_214 = arith.constant 128 : index
        %get3A_215 = tpu.vector_load %arg12[%get3A_213, %get3A_214] {strides = array<i32>} : memref<16x1024xf32, #tpu.memory_space<vmem>>, vector<16xf32>,
        %add3A_216 = arith.addf %get3A_212, %get3A_215 : vector<16xf32>
        %swap3A_217 = arith.index_cast %scan3A_92 : i32 to index
        %swap3A_218 = arith.constant 128 : index
        %swap3A_219 = tpu.vector_load %arg10[%swap3A_217, %swap3A_218] {strides = array<i32>} : memref<16x1024xf32, #tpu.memory_space<vmem>>, vector<16xf32>,
        tpu.vector_store %arg10[%swap3A_217, %swap3A_218], %add3A_216 {strides = array<i32>} : memref<16x1024xf32, #tpu.memory_space<vmem>>, vector<16xf32>,
        %add3A_220 = arith.addf %add3A_168, %add3A_216 : vector<16xf32>
        %mul3A_221 = arith.mulf %add3A_216, %add3A_216 : vector<16xf32>
        %add3A_222 = arith.addf %add3A_170, %mul3A_221 : vector<16xf32>
        %get3A_223 = arith.index_cast %scan3A_92 : i32 to index
        %get3A_224 = arith.constant 144 : index
        %get3A_225 = tpu.vector_load %arg10[%get3A_223, %get3A_224] {strides = array<i32>} : memref<16x1024xf32, #tpu.memory_space<vmem>>, vector<16xf32>,
        %get3A_226 = arith.index_cast %scan3A_92 : i32 to index
        %get3A_227 = arith.constant 144 : index
        %get3A_228 = tpu.vector_load %arg12[%get3A_226, %get3A_227] {strides = array<i32>} : memref<16x1024xf32, #tpu.memory_space<vmem>>, vector<16xf32>,
        %add3A_229 = arith.addf %get3A_225, %get3A_228 : vector<16xf32>
        %swap3A_230 = arith.index_cast %scan3A_92 : i32 to index
        %swap3A_231 = arith.constant 144 : index
        %swap3A_232 = tpu.vector_load %arg10[%swap3A_230, %swap3A_231] {strides = array<i32>} : memref<16x1024xf32, #tpu.memory_space<vmem>>, vector<16xf32>,
        tpu.vector_store %arg10[%swap3A_230, %swap3A_231], %add3A_229 {strides = array<i32>} : memref<16x1024xf32, #tpu.memory_space<vmem>>, vector<16xf32>,
        %add3A_233 = arith.addf %add3A_181, %add3A_229 : vector<16xf32>
        %mul3A_234 = arith.mulf %add3A_229, %add3A_229 : vector<16xf32>
        %add3A_235 = arith.addf %add3A_183, %mul3A_234 : vector<16xf32>
        %get3A_236 = arith.index_cast %scan3A_92 : i32 to index
        %get3A_237 = arith.constant 160 : index
        %get3A_238 = tpu.vector_load %arg10[%get3A_236, %get3A_237] {strides = array<i32>} : memref<16x1024xf32, #tpu.memory_space<vmem>>, vector<16xf32>,
        %get3A_239 = arith.index_cast %scan3A_92 : i32 to index
        %get3A_240 = arith.constant 160 : index
        %get3A_241 = tpu.vector_load %arg12[%get3A_239, %get3A_240] {strides = array<i32>} : memref<16x1024xf32, #tpu.memory_space<vmem>>, vector<16xf32>,
        %add3A_242 = arith.addf %get3A_238, %get3A_241 : vector<16xf32>
        %swap3A_243 = arith.index_cast %scan3A_92 : i32 to index
        %swap3A_244 = arith.constant 160 : index
        %swap3A_245 = tpu.vector_load %arg10[%swap3A_243, %swap3A_244] {strides = array<i32>} : memref<16x1024xf32, #tpu.memory_space<vmem>>, vector<16xf32>,
        tpu.vector_store %arg10[%swap3A_243, %swap3A_244], %add3A_242 {strides = array<i32>} : memref<16x1024xf32, #tpu.memory_space<vmem>>, vector<16xf32>,
        %add3A_246 = arith.addf %add3A_194, %add3A_242 : vector<16xf32>
        %mul3A_247 = arith.mulf %add3A_242, %add3A_242 : vector<16xf32>
        %add3A_248 = arith.addf %add3A_196, %mul3A_247 : vector<16xf32>
        %get3A_249 = arith.index_cast %scan3A_92 : i32 to index
        %get3A_250 = arith.constant 176 : index
        %get3A_251 = tpu.vector_load %arg10[%get3A_249, %get3A_250] {strides = array<i32>} : memref<16x1024xf32, #tpu.memory_space<vmem>>, vector<16xf32>,
        %get3A_252 = arith.index_cast %scan3A_92 : i32 to index
        %get3A_253 = arith.constant 176 : index
        %get3A_254 = tpu.vector_load %arg12[%get3A_252, %get3A_253] {strides = array<i32>} : memref<16x1024xf32, #tpu.memory_space<vmem>>, vector<16xf32>,
        %add3A_255 = arith.addf %get3A_251, %get3A_254 : vector<16xf32>
        %swap3A_256 = arith.index_cast %scan3A_92 : i32 to index
        %swap3A_257 = arith.constant 176 : index
        %swap3A_258 = tpu.vector_load %arg10[%swap3A_256, %swap3A_257] {strides = array<i32>} : memref<16x1024xf32, #tpu.memory_space<vmem>>, vector<16xf32>,
        tpu.vector_store %arg10[%swap3A_256, %swap3A_257], %add3A_255 {strides = array<i32>} : memref<16x1024xf32, #tpu.memory_space<vmem>>, vector<16xf32>,
        %add3A_259 = arith.addf %add3A_207, %add3A_255 : vector<16xf32>
        %mul3A_260 = arith.mulf %add3A_255, %add3A_255 : vector<16xf32>
        %add3A_261 = arith.addf %add3A_209, %mul3A_260 : vector<16xf32>
        %get3A_262 = arith.index_cast %scan3A_92 : i32 to index
        %get3A_263 = arith.constant 192 : index
        %get3A_264 = tpu.vector_load %arg10[%get3A_262, %get3A_263] {strides = array<i32>} : memref<16x1024xf32, #tpu.memory_space<vmem>>, vector<16xf32>,
        %get3A_265 = arith.index_cast %scan3A_92 : i32 to index
        %get3A_266 = arith.constant 192 : index
        %get3A_267 = tpu.vector_load %arg12[%get3A_265, %get3A_266] {strides = array<i32>} : memref<16x1024xf32, #tpu.memory_space<vmem>>, vector<16xf32>,
        %add3A_268 = arith.addf %get3A_264, %get3A_267 : vector<16xf32>
        %swap3A_269 = arith.index_cast %scan3A_92 : i32 to index
        %swap3A_270 = arith.constant 192 : index
        %swap3A_271 = tpu.vector_load %arg10[%swap3A_269, %swap3A_270] {strides = array<i32>} : memref<16x1024xf32, #tpu.memory_space<vmem>>, vector<16xf32>,
        tpu.vector_store %arg10[%swap3A_269, %swap3A_270], %add3A_268 {strides = array<i32>} : memref<16x1024xf32, #tpu.memory_space<vmem>>, vector<16xf32>,
        %add3A_272 = arith.addf %add3A_220, %add3A_268 : vector<16xf32>
        %mul3A_273 = arith.mulf %add3A_268, %add3A_268 : vector<16xf32>
        %add3A_274 = arith.addf %add3A_222, %mul3A_273 : vector<16xf32>
        %get3A_275 = arith.index_cast %scan3A_92 : i32 to index
        %get3A_276 = arith.constant 208 : index
        %get3A_277 = tpu.vector_load %arg10[%get3A_275, %get3A_276] {strides = array<i32>} : memref<16x1024xf32, #tpu.memory_space<vmem>>, vector<16xf32>,
        %get3A_278 = arith.index_cast %scan3A_92 : i32 to index
        %get3A_279 = arith.constant 208 : index
        %get3A_280 = tpu.vector_load %arg12[%get3A_278, %get3A_279] {strides = array<i32>} : memref<16x1024xf32, #tpu.memory_space<vmem>>, vector<16xf32>,
        %add3A_281 = arith.addf %get3A_277, %get3A_280 : vector<16xf32>
        %swap3A_282 = arith.index_cast %scan3A_92 : i32 to index
        %swap3A_283 = arith.constant 208 : index
        %swap3A_284 = tpu.vector_load %arg10[%swap3A_282, %swap3A_283] {strides = array<i32>} : memref<16x1024xf32, #tpu.memory_space<vmem>>, vector<16xf32>,
        tpu.vector_store %arg10[%swap3A_282, %swap3A_283], %add3A_281 {strides = array<i32>} : memref<16x1024xf32, #tpu.memory_space<vmem>>, vector<16xf32>,
        %add3A_285 = arith.addf %add3A_233, %add3A_281 : vector<16xf32>
        %mul3A_286 = arith.mulf %add3A_281, %add3A_281 : vector<16xf32>
        %add3A_287 = arith.addf %add3A_235, %mul3A_286 : vector<16xf32>
        %get3A_288 = arith.index_cast %scan3A_92 : i32 to index
        %get3A_289 = arith.constant 224 : index
        %get3A_290 = tpu.vector_load %arg10[%get3A_288, %get3A_289] {strides = array<i32>} : memref<16x1024xf32, #tpu.memory_space<vmem>>, vector<16xf32>,
        %get3A_291 = arith.index_cast %scan3A_92 : i32 to index
        %get3A_292 = arith.constant 224 : index
        %get3A_293 = tpu.vector_load %arg12[%get3A_291, %get3A_292] {strides = array<i32>} : memref<16x1024xf32, #tpu.memory_space<vmem>>, vector<16xf32>,
        %add3A_294 = arith.addf %get3A_290, %get3A_293 : vector<16xf32>
        %swap3A_295 = arith.index_cast %scan3A_92 : i32 to index
        %swap3A_296 = arith.constant 224 : index
        %swap3A_297 = tpu.vector_load %arg10[%swap3A_295, %swap3A_296] {strides = array<i32>} : memref<16x1024xf32, #tpu.memory_space<vmem>>, vector<16xf32>,
        tpu.vector_store %arg10[%swap3A_295, %swap3A_296], %add3A_294 {strides = array<i32>} : memref<16x1024xf32, #tpu.memory_space<vmem>>, vector<16xf32>,
        %add3A_298 = arith.addf %add3A_246, %add3A_294 : vector<16xf32>
        %mul3A_299 = arith.mulf %add3A_294, %add3A_294 : vector<16xf32>
        %add3A_300 = arith.addf %add3A_248, %mul3A_299 : vector<16xf32>
        %get3A_301 = arith.index_cast %scan3A_92 : i32 to index
        %get3A_302 = arith.constant 240 : index
        %get3A_303 = tpu.vector_load %arg10[%get3A_301, %get3A_302] {strides = array<i32>} : memref<16x1024xf32, #tpu.memory_space<vmem>>, vector<16xf32>,
        %get3A_304 = arith.index_cast %scan3A_92 : i32 to index
        %get3A_305 = arith.constant 240 : index
        %get3A_306 = tpu.vector_load %arg12[%get3A_304, %get3A_305] {strides = array<i32>} : memref<16x1024xf32, #tpu.memory_space<vmem>>, vector<16xf32>,
        %add3A_307 = arith.addf %get3A_303, %get3A_306 : vector<16xf32>
        %swap3A_308 = arith.index_cast %scan3A_92 : i32 to index
        %swap3A_309 = arith.constant 240 : index
        %swap3A_310 = tpu.vector_load %arg10[%swap3A_308, %swap3A_309] {strides = array<i32>} : memref<16x1024xf32, #tpu.memory_space<vmem>>, vector<16xf32>,
        tpu.vector_store %arg10[%swap3A_308, %swap3A_309], %add3A_307 {strides = array<i32>} : memref<16x1024xf32, #tpu.memory_space<vmem>>, vector<16xf32>,
        %add3A_311 = arith.addf %add3A_259, %add3A_307 : vector<16xf32>
        %mul3A_312 = arith.mulf %add3A_307, %add3A_307 : vector<16xf32>
        %add3A_313 = arith.addf %add3A_261, %mul3A_312 : vector<16xf32>
        %get3A_314 = arith.index_cast %scan3A_92 : i32 to index
        %get3A_315 = arith.constant 256 : index
        %get3A_316 = tpu.vector_load %arg10[%get3A_314, %get3A_315] {strides = array<i32>} : memref<16x1024xf32, #tpu.memory_space<vmem>>, vector<16xf32>,
        %get3A_317 = arith.index_cast %scan3A_92 : i32 to index
        %get3A_318 = arith.constant 256 : index
        %get3A_319 = tpu.vector_load %arg12[%get3A_317, %get3A_318] {strides = array<i32>} : memref<16x1024xf32, #tpu.memory_space<vmem>>, vector<16xf32>,
        %add3A_320 = arith.addf %get3A_316, %get3A_319 : vector<16xf32>
        %swap3A_321 = arith.index_cast %scan3A_92 : i32 to index
        %swap3A_322 = arith.constant 256 : index
        %swap3A_323 = tpu.vector_load %arg10[%swap3A_321, %swap3A_322] {strides = array<i32>} : memref<16x1024xf32, #tpu.memory_space<vmem>>, vector<16xf32>,
        tpu.vector_store %arg10[%swap3A_321, %swap3A_322], %add3A_320 {strides = array<i32>} : memref<16x1024xf32, #tpu.memory_space<vmem>>, vector<16xf32>,
        %add3A_324 = arith.addf %add3A_272, %add3A_320 : vector<16xf32>
        %mul3A_325 = arith.mulf %add3A_320, %add3A_320 : vector<16xf32>
        %add3A_326 = arith.addf %add3A_274, %mul3A_325 : vector<16xf32>
        %get3A_327 = arith.index_cast %scan3A_92 : i32 to index
        %get3A_328 = arith.constant 272 : index
        %get3A_329 = tpu.vector_load %arg10[%get3A_327, %get3A_328] {strides = array<i32>} : memref<16x1024xf32, #tpu.memory_space<vmem>>, vector<16xf32>,
        %get3A_330 = arith.index_cast %scan3A_92 : i32 to index
        %get3A_331 = arith.constant 272 : index
        %get3A_332 = tpu.vector_load %arg12[%get3A_330, %get3A_331] {strides = array<i32>} : memref<16x1024xf32, #tpu.memory_space<vmem>>, vector<16xf32>,
        %add3A_333 = arith.addf %get3A_329, %get3A_332 : vector<16xf32>
        %swap3A_334 = arith.index_cast %scan3A_92 : i32 to index
        %swap3A_335 = arith.constant 272 : index
        %swap3A_336 = tpu.vector_load %arg10[%swap3A_334, %swap3A_335] {strides = array<i32>} : memref<16x1024xf32, #tpu.memory_space<vmem>>, vector<16xf32>,
        tpu.vector_store %arg10[%swap3A_334, %swap3A_335], %add3A_333 {strides = array<i32>} : memref<16x1024xf32, #tpu.memory_space<vmem>>, vector<16xf32>,
        %add3A_337 = arith.addf %add3A_285, %add3A_333 : vector<16xf32>
        %mul3A_338 = arith.mulf %add3A_333, %add3A_333 : vector<16xf32>
        %add3A_339 = arith.addf %add3A_287, %mul3A_338 : vector<16xf32>
        %get3A_340 = arith.index_cast %scan3A_92 : i32 to index
        %get3A_341 = arith.constant 288 : index
        %get3A_342 = tpu.vector_load %arg10[%get3A_340, %get3A_341] {strides = array<i32>} : memref<16x1024xf32, #tpu.memory_space<vmem>>, vector<16xf32>,
        %get3A_343 = arith.index_cast %scan3A_92 : i32 to index
        %get3A_344 = arith.constant 288 : index
        %get3A_345 = tpu.vector_load %arg12[%get3A_343, %get3A_344] {strides = array<i32>} : memref<16x1024xf32, #tpu.memory_space<vmem>>, vector<16xf32>,
        %add3A_346 = arith.addf %get3A_342, %get3A_345 : vector<16xf32>
        %swap3A_347 = arith.index_cast %scan3A_92 : i32 to index
        %swap3A_348 = arith.constant 288 : index
        %swap3A_349 = tpu.vector_load %arg10[%swap3A_347, %swap3A_348] {strides = array<i32>} : memref<16x1024xf32, #tpu.memory_space<vmem>>, vector<16xf32>,
        tpu.vector_store %arg10[%swap3A_347, %swap3A_348], %add3A_346 {strides = array<i32>} : memref<16x1024xf32, #tpu.memory_space<vmem>>, vector<16xf32>,
        %add3A_350 = arith.addf %add3A_298, %add3A_346 : vector<16xf32>
        %mul3A_351 = arith.mulf %add3A_346, %add3A_346 : vector<16xf32>
        %add3A_352 = arith.addf %add3A_300, %mul3A_351 : vector<16xf32>
        %get3A_353 = arith.index_cast %scan3A_92 : i32 to index
        %get3A_354 = arith.constant 304 : index
        %get3A_355 = tpu.vector_load %arg10[%get3A_353, %get3A_354] {strides = array<i32>} : memref<16x1024xf32, #tpu.memory_space<vmem>>, vector<16xf32>,
        %get3A_356 = arith.index_cast %scan3A_92 : i32 to index
        %get3A_357 = arith.constant 304 : index
        %get3A_358 = tpu.vector_load %arg12[%get3A_356, %get3A_357] {strides = array<i32>} : memref<16x1024xf32, #tpu.memory_space<vmem>>, vector<16xf32>,
        %add3A_359 = arith.addf %get3A_355, %get3A_358 : vector<16xf32>
        %swap3A_360 = arith.index_cast %scan3A_92 : i32 to index
        %swap3A_361 = arith.constant 304 : index
        %swap3A_362 = tpu.vector_load %arg10[%swap3A_360, %swap3A_361] {strides = array<i32>} : memref<16x1024xf32, #tpu.memory_space<vmem>>, vector<16xf32>,
        tpu.vector_store %arg10[%swap3A_360, %swap3A_361], %add3A_359 {strides = array<i32>} : memref<16x1024xf32, #tpu.memory_space<vmem>>, vector<16xf32>,
        %add3A_363 = arith.addf %add3A_311, %add3A_359 : vector<16xf32>
        %mul3A_364 = arith.mulf %add3A_359, %add3A_359 : vector<16xf32>
        %add3A_365 = arith.addf %add3A_313, %mul3A_364 : vector<16xf32>
        %get3A_366 = arith.index_cast %scan3A_92 : i32 to index
        %get3A_367 = arith.constant 320 : index
        %get3A_368 = tpu.vector_load %arg10[%get3A_366, %get3A_367] {strides = array<i32>} : memref<16x1024xf32, #tpu.memory_space<vmem>>, vector<16xf32>,
        %get3A_369 = arith.index_cast %scan3A_92 : i32 to index
        %get3A_370 = arith.constant 320 : index
        %get3A_371 = tpu.vector_load %arg12[%get3A_369, %get3A_370] {strides = array<i32>} : memref<16x1024xf32, #tpu.memory_space<vmem>>, vector<16xf32>,
        %add3A_372 = arith.addf %get3A_368, %get3A_371 : vector<16xf32>
        %swap3A_373 = arith.index_cast %scan3A_92 : i32 to index
        %swap3A_374 = arith.constant 320 : index
        %swap3A_375 = tpu.vector_load %arg10[%swap3A_373, %swap3A_374] {strides = array<i32>} : memref<16x1024xf32, #tpu.memory_space<vmem>>, vector<16xf32>,
        tpu.vector_store %arg10[%swap3A_373, %swap3A_374], %add3A_372 {strides = array<i32>} : memref<16x1024xf32, #tpu.memory_space<vmem>>, vector<16xf32>,
        %add3A_376 = arith.addf %add3A_324, %add3A_372 : vector<16xf32>
        %mul3A_377 = arith.mulf %add3A_372, %add3A_372 : vector<16xf32>
        %add3A_378 = arith.addf %add3A_326, %mul3A_377 : vector<16xf32>
        %get3A_379 = arith.index_cast %scan3A_92 : i32 to index
        %get3A_380 = arith.constant 336 : index
        %get3A_381 = tpu.vector_load %arg10[%get3A_379, %get3A_380] {strides = array<i32>} : memref<16x1024xf32, #tpu.memory_space<vmem>>, vector<16xf32>,
        %get3A_382 = arith.index_cast %scan3A_92 : i32 to index
        %get3A_383 = arith.constant 336 : index
        %get3A_384 = tpu.vector_load %arg12[%get3A_382, %get3A_383] {strides = array<i32>} : memref<16x1024xf32, #tpu.memory_space<vmem>>, vector<16xf32>,
        %add3A_385 = arith.addf %get3A_381, %get3A_384 : vector<16xf32>
        %swap3A_386 = arith.index_cast %scan3A_92 : i32 to index
        %swap3A_387 = arith.constant 336 : index
        %swap3A_388 = tpu.vector_load %arg10[%swap3A_386, %swap3A_387] {strides = array<i32>} : memref<16x1024xf32, #tpu.memory_space<vmem>>, vector<16xf32>,
        tpu.vector_store %arg10[%swap3A_386, %swap3A_387], %add3A_385 {strides = array<i32>} : memref<16x1024xf32, #tpu.memory_space<vmem>>, vector<16xf32>,
        %add3A_389 = arith.addf %add3A_337, %add3A_385 : vector<16xf32>
        %mul3A_390 = arith.mulf %add3A_385, %add3A_385 : vector<16xf32>
        %add3A_391 = arith.addf %add3A_339, %mul3A_390 : vector<16xf32>
        %get3A_392 = arith.index_cast %scan3A_92 : i32 to index
        %get3A_393 = arith.constant 352 : index
        %get3A_394 = tpu.vector_load %arg10[%get3A_392, %get3A_393] {strides = array<i32>} : memref<16x1024xf32, #tpu.memory_space<vmem>>, vector<16xf32>,
        %get3A_395 = arith.index_cast %scan3A_92 : i32 to index
        %get3A_396 = arith.constant 352 : index
        %get3A_397 = tpu.vector_load %arg12[%get3A_395, %get3A_396] {strides = array<i32>} : memref<16x1024xf32, #tpu.memory_space<vmem>>, vector<16xf32>,
        %add3A_398 = arith.addf %get3A_394, %get3A_397 : vector<16xf32>
        %swap3A_399 = arith.index_cast %scan3A_92 : i32 to index
        %swap3A_400 = arith.constant 352 : index
        %swap3A_401 = tpu.vector_load %arg10[%swap3A_399, %swap3A_400] {strides = array<i32>} : memref<16x1024xf32, #tpu.memory_space<vmem>>, vector<16xf32>,
        tpu.vector_store %arg10[%swap3A_399, %swap3A_400], %add3A_398 {strides = array<i32>} : memref<16x1024xf32, #tpu.memory_space<vmem>>, vector<16xf32>,
        %add3A_402 = arith.addf %add3A_350, %add3A_398 : vector<16xf32>
        %mul3A_403 = arith.mulf %add3A_398, %add3A_398 : vector<16xf32>
        %add3A_404 = arith.addf %add3A_352, %mul3A_403 : vector<16xf32>
        %get3A_405 = arith.index_cast %scan3A_92 : i32 to index
        %get3A_406 = arith.constant 368 : index
        %get3A_407 = tpu.vector_load %arg10[%get3A_405, %get3A_406] {strides = array<i32>} : memref<16x1024xf32, #tpu.memory_space<vmem>>, vector<16xf32>,
        %get3A_408 = arith.index_cast %scan3A_92 : i32 to index
        %get3A_409 = arith.constant 368 : index
        %get3A_410 = tpu.vector_load %arg12[%get3A_408, %get3A_409] {strides = array<i32>} : memref<16x1024xf32, #tpu.memory_space<vmem>>, vector<16xf32>,
        %add3A_411 = arith.addf %get3A_407, %get3A_410 : vector<16xf32>
        %swap3A_412 = arith.index_cast %scan3A_92 : i32 to index
        %swap3A_413 = arith.constant 368 : index
        %swap3A_414 = tpu.vector_load %arg10[%swap3A_412, %swap3A_413] {strides = array<i32>} : memref<16x1024xf32, #tpu.memory_space<vmem>>, vector<16xf32>,
        tpu.vector_store %arg10[%swap3A_412, %swap3A_413], %add3A_411 {strides = array<i32>} : memref<16x1024xf32, #tpu.memory_space<vmem>>, vector<16xf32>,
        %add3A_415 = arith.addf %add3A_363, %add3A_411 : vector<16xf32>
        %mul3A_416 = arith.mulf %add3A_411, %add3A_411 : vector<16xf32>
        %add3A_417 = arith.addf %add3A_365, %mul3A_416 : vector<16xf32>
        %get3A_418 = arith.index_cast %scan3A_92 : i32 to index
        %get3A_419 = arith.constant 384 : index
        %get3A_420 = tpu.vector_load %arg10[%get3A_418, %get3A_419] {strides = array<i32>} : memref<16x1024xf32, #tpu.memory_space<vmem>>, vector<16xf32>,
        %get3A_421 = arith.index_cast %scan3A_92 : i32 to index
        %get3A_422 = arith.constant 384 : index
        %get3A_423 = tpu.vector_load %arg12[%get3A_421, %get3A_422] {strides = array<i32>} : memref<16x1024xf32, #tpu.memory_space<vmem>>, vector<16xf32>,
        %add3A_424 = arith.addf %get3A_420, %get3A_423 : vector<16xf32>
        %swap3A_425 = arith.index_cast %scan3A_92 : i32 to index
        %swap3A_426 = arith.constant 384 : index
        %swap3A_427 = tpu.vector_load %arg10[%swap3A_425, %swap3A_426] {strides = array<i32>} : memref<16x1024xf32, #tpu.memory_space<vmem>>, vector<16xf32>,
        tpu.vector_store %arg10[%swap3A_425, %swap3A_426], %add3A_424 {strides = array<i32>} : memref<16x1024xf32, #tpu.memory_space<vmem>>, vector<16xf32>,
        %add3A_428 = arith.addf %add3A_376, %add3A_424 : vector<16xf32>
        %mul3A_429 = arith.mulf %add3A_424, %add3A_424 : vector<16xf32>
        %add3A_430 = arith.addf %add3A_378, %mul3A_429 : vector<16xf32>
        %get3A_431 = arith.index_cast %scan3A_92 : i32 to index
        %get3A_432 = arith.constant 400 : index
        %get3A_433 = tpu.vector_load %arg10[%get3A_431, %get3A_432] {strides = array<i32>} : memref<16x1024xf32, #tpu.memory_space<vmem>>, vector<16xf32>,
        %get3A_434 = arith.index_cast %scan3A_92 : i32 to index
        %get3A_435 = arith.constant 400 : index
        %get3A_436 = tpu.vector_load %arg12[%get3A_434, %get3A_435] {strides = array<i32>} : memref<16x1024xf32, #tpu.memory_space<vmem>>, vector<16xf32>,
        %add3A_437 = arith.addf %get3A_433, %get3A_436 : vector<16xf32>
        %swap3A_438 = arith.index_cast %scan3A_92 : i32 to index
        %swap3A_439 = arith.constant 400 : index
        %swap3A_440 = tpu.vector_load %arg10[%swap3A_438, %swap3A_439] {strides = array<i32>} : memref<16x1024xf32, #tpu.memory_space<vmem>>, vector<16xf32>,
        tpu.vector_store %arg10[%swap3A_438, %swap3A_439], %add3A_437 {strides = array<i32>} : memref<16x1024xf32, #tpu.memory_space<vmem>>, vector<16xf32>,
        %add3A_441 = arith.addf %add3A_389, %add3A_437 : vector<16xf32>
        %mul3A_442 = arith.mulf %add3A_437, %add3A_437 : vector<16xf32>
        %add3A_443 = arith.addf %add3A_391, %mul3A_442 : vector<16xf32>
        %get3A_444 = arith.index_cast %scan3A_92 : i32 to index
        %get3A_445 = arith.constant 416 : index
        %get3A_446 = tpu.vector_load %arg10[%get3A_444, %get3A_445] {strides = array<i32>} : memref<16x1024xf32, #tpu.memory_space<vmem>>, vector<16xf32>,
        %get3A_447 = arith.index_cast %scan3A_92 : i32 to index
        %get3A_448 = arith.constant 416 : index
        %get3A_449 = tpu.vector_load %arg12[%get3A_447, %get3A_448] {strides = array<i32>} : memref<16x1024xf32, #tpu.memory_space<vmem>>, vector<16xf32>,
        %add3A_450 = arith.addf %get3A_446, %get3A_449 : vector<16xf32>
        %swap3A_451 = arith.index_cast %scan3A_92 : i32 to index
        %swap3A_452 = arith.constant 416 : index
        %swap3A_453 = tpu.vector_load %arg10[%swap3A_451, %swap3A_452] {strides = array<i32>} : memref<16x1024xf32, #tpu.memory_space<vmem>>, vector<16xf32>,
        tpu.vector_store %arg10[%swap3A_451, %swap3A_452], %add3A_450 {strides = array<i32>} : memref<16x1024xf32, #tpu.memory_space<vmem>>, vector<16xf32>,
        %add3A_454 = arith.addf %add3A_402, %add3A_450 : vector<16xf32>
        %mul3A_455 = arith.mulf %add3A_450, %add3A_450 : vector<16xf32>
        %add3A_456 = arith.addf %add3A_404, %mul3A_455 : vector<16xf32>
        %get3A_457 = arith.index_cast %scan3A_92 : i32 to index
        %get3A_458 = arith.constant 432 : index
        %get3A_459 = tpu.vector_load %arg10[%get3A_457, %get3A_458] {strides = array<i32>} : memref<16x1024xf32, #tpu.memory_space<vmem>>, vector<16xf32>,
        %get3A_460 = arith.index_cast %scan3A_92 : i32 to index
        %get3A_461 = arith.constant 432 : index
        %get3A_462 = tpu.vector_load %arg12[%get3A_460, %get3A_461] {strides = array<i32>} : memref<16x1024xf32, #tpu.memory_space<vmem>>, vector<16xf32>,
        %add3A_463 = arith.addf %get3A_459, %get3A_462 : vector<16xf32>
        %swap3A_464 = arith.index_cast %scan3A_92 : i32 to index
        %swap3A_465 = arith.constant 432 : index
        %swap3A_466 = tpu.vector_load %arg10[%swap3A_464, %swap3A_465] {strides = array<i32>} : memref<16x1024xf32, #tpu.memory_space<vmem>>, vector<16xf32>,
        tpu.vector_store %arg10[%swap3A_464, %swap3A_465], %add3A_463 {strides = array<i32>} : memref<16x1024xf32, #tpu.memory_space<vmem>>, vector<16xf32>,
        %add3A_467 = arith.addf %add3A_415, %add3A_463 : vector<16xf32>
        %mul3A_468 = arith.mulf %add3A_463, %add3A_463 : vector<16xf32>
        %add3A_469 = arith.addf %add3A_417, %mul3A_468 : vector<16xf32>
        %get3A_470 = arith.index_cast %scan3A_92 : i32 to index
        %get3A_471 = arith.constant 448 : index
        %get3A_472 = tpu.vector_load %arg10[%get3A_470, %get3A_471] {strides = array<i32>} : memref<16x1024xf32, #tpu.memory_space<vmem>>, vector<16xf32>,
        %get3A_473 = arith.index_cast %scan3A_92 : i32 to index
        %get3A_474 = arith.constant 448 : index
        %get3A_475 = tpu.vector_load %arg12[%get3A_473, %get3A_474] {strides = array<i32>} : memref<16x1024xf32, #tpu.memory_space<vmem>>, vector<16xf32>,
        %add3A_476 = arith.addf %get3A_472, %get3A_475 : vector<16xf32>
        %swap3A_477 = arith.index_cast %scan3A_92 : i32 to index
        %swap3A_478 = arith.constant 448 : index
        %swap3A_479 = tpu.vector_load %arg10[%swap3A_477, %swap3A_478] {strides = array<i32>} : memref<16x1024xf32, #tpu.memory_space<vmem>>, vector<16xf32>,
        tpu.vector_store %arg10[%swap3A_477, %swap3A_478], %add3A_476 {strides = array<i32>} : memref<16x1024xf32, #tpu.memory_space<vmem>>, vector<16xf32>,
        %add3A_480 = arith.addf %add3A_428, %add3A_476 : vector<16xf32>
        %mul3A_481 = arith.mulf %add3A_476, %add3A_476 : vector<16xf32>
        %add3A_482 = arith.addf %add3A_430, %mul3A_481 : vector<16xf32>
        %get3A_483 = arith.index_cast %scan3A_92 : i32 to index
        %get3A_484 = arith.constant 464 : index
        %get3A_485 = tpu.vector_load %arg10[%get3A_483, %get3A_484] {strides = array<i32>} : memref<16x1024xf32, #tpu.memory_space<vmem>>, vector<16xf32>,
        %get3A_486 = arith.index_cast %scan3A_92 : i32 to index
        %get3A_487 = arith.constant 464 : index
        %get3A_488 = tpu.vector_load %arg12[%get3A_486, %get3A_487] {strides = array<i32>} : memref<16x1024xf32, #tpu.memory_space<vmem>>, vector<16xf32>,
        %add3A_489 = arith.addf %get3A_485, %get3A_488 : vector<16xf32>
        %swap3A_490 = arith.index_cast %scan3A_92 : i32 to index
        %swap3A_491 = arith.constant 464 : index
        %swap3A_492 = tpu.vector_load %arg10[%swap3A_490, %swap3A_491] {strides = array<i32>} : memref<16x1024xf32, #tpu.memory_space<vmem>>, vector<16xf32>,
        tpu.vector_store %arg10[%swap3A_490, %swap3A_491], %add3A_489 {strides = array<i32>} : memref<16x1024xf32, #tpu.memory_space<vmem>>, vector<16xf32>,
        %add3A_493 = arith.addf %add3A_441, %add3A_489 : vector<16xf32>
        %mul3A_494 = arith.mulf %add3A_489, %add3A_489 : vector<16xf32>
        %add3A_495 = arith.addf %add3A_443, %mul3A_494 : vector<16xf32>
        %get3A_496 = arith.index_cast %scan3A_92 : i32 to index
        %get3A_497 = arith.constant 480 : index
        %get3A_498 = tpu.vector_load %arg10[%get3A_496, %get3A_497] {strides = array<i32>} : memref<16x1024xf32, #tpu.memory_space<vmem>>, vector<16xf32>,
        %get3A_499 = arith.index_cast %scan3A_92 : i32 to index
        %get3A_500 = arith.constant 480 : index
        %get3A_501 = tpu.vector_load %arg12[%get3A_499, %get3A_500] {strides = array<i32>} : memref<16x1024xf32, #tpu.memory_space<vmem>>, vector<16xf32>,
        %add3A_502 = arith.addf %get3A_498, %get3A_501 : vector<16xf32>
        %swap3A_503 = arith.index_cast %scan3A_92 : i32 to index
        %swap3A_504 = arith.constant 480 : index
        %swap3A_505 = tpu.vector_load %arg10[%swap3A_503, %swap3A_504] {strides = array<i32>} : memref<16x1024xf32, #tpu.memory_space<vmem>>, vector<16xf32>,
        tpu.vector_store %arg10[%swap3A_503, %swap3A_504], %add3A_502 {strides = array<i32>} : memref<16x1024xf32, #tpu.memory_space<vmem>>, vector<16xf32>,
        %add3A_506 = arith.addf %add3A_454, %add3A_502 : vector<16xf32>
        %mul3A_507 = arith.mulf %add3A_502, %add3A_502 : vector<16xf32>
        %add3A_508 = arith.addf %add3A_456, %mul3A_507 : vector<16xf32>
        %get3A_509 = arith.index_cast %scan3A_92 : i32 to index
        %get3A_510 = arith.constant 496 : index
        %get3A_511 = tpu.vector_load %arg10[%get3A_509, %get3A_510] {strides = array<i32>} : memref<16x1024xf32, #tpu.memory_space<vmem>>, vector<16xf32>,
        %get3A_512 = arith.index_cast %scan3A_92 : i32 to index
        %get3A_513 = arith.constant 496 : index
        %get3A_514 = tpu.vector_load %arg12[%get3A_512, %get3A_513] {strides = array<i32>} : memref<16x1024xf32, #tpu.memory_space<vmem>>, vector<16xf32>,
        %add3A_515 = arith.addf %get3A_511, %get3A_514 : vector<16xf32>
        %swap3A_516 = arith.index_cast %scan3A_92 : i32 to index
        %swap3A_517 = arith.constant 496 : index
        %swap3A_518 = tpu.vector_load %arg10[%swap3A_516, %swap3A_517] {strides = array<i32>} : memref<16x1024xf32, #tpu.memory_space<vmem>>, vector<16xf32>,
        tpu.vector_store %arg10[%swap3A_516, %swap3A_517], %add3A_515 {strides = array<i32>} : memref<16x1024xf32, #tpu.memory_space<vmem>>, vector<16xf32>,
        %add3A_519 = arith.addf %add3A_467, %add3A_515 : vector<16xf32>
        %mul3A_520 = arith.mulf %add3A_515, %add3A_515 : vector<16xf32>
        %add3A_521 = arith.addf %add3A_469, %mul3A_520 : vector<16xf32>
        %get3A_522 = arith.index_cast %scan3A_92 : i32 to index
        %get3A_523 = arith.constant 512 : index
        %get3A_524 = tpu.vector_load %arg10[%get3A_522, %get3A_523] {strides = array<i32>} : memref<16x1024xf32, #tpu.memory_space<vmem>>, vector<16xf32>,
        %get3A_525 = arith.index_cast %scan3A_92 : i32 to index
        %get3A_526 = arith.constant 512 : index
        %get3A_527 = tpu.vector_load %arg12[%get3A_525, %get3A_526] {strides = array<i32>} : memref<16x1024xf32, #tpu.memory_space<vmem>>, vector<16xf32>,
        %add3A_528 = arith.addf %get3A_524, %get3A_527 : vector<16xf32>
        %swap3A_529 = arith.index_cast %scan3A_92 : i32 to index
        %swap3A_530 = arith.constant 512 : index
        %swap3A_531 = tpu.vector_load %arg10[%swap3A_529, %swap3A_530] {strides = array<i32>} : memref<16x1024xf32, #tpu.memory_space<vmem>>, vector<16xf32>,
        tpu.vector_store %arg10[%swap3A_529, %swap3A_530], %add3A_528 {strides = array<i32>} : memref<16x1024xf32, #tpu.memory_space<vmem>>, vector<16xf32>,
        %add3A_532 = arith.addf %add3A_480, %add3A_528 : vector<16xf32>
        %mul3A_533 = arith.mulf %add3A_528, %add3A_528 : vector<16xf32>
        %add3A_534 = arith.addf %add3A_482, %mul3A_533 : vector<16xf32>
        %get3A_535 = arith.index_cast %scan3A_92 : i32 to index
        %get3A_536 = arith.constant 528 : index
        %get3A_537 = tpu.vector_load %arg10[%get3A_535, %get3A_536] {strides = array<i32>} : memref<16x1024xf32, #tpu.memory_space<vmem>>, vector<16xf32>,
        %get3A_538 = arith.index_cast %scan3A_92 : i32 to index
        %get3A_539 = arith.constant 528 : index
        %get3A_540 = tpu.vector_load %arg12[%get3A_538, %get3A_539] {strides = array<i32>} : memref<16x1024xf32, #tpu.memory_space<vmem>>, vector<16xf32>,
        %add3A_541 = arith.addf %get3A_537, %get3A_540 : vector<16xf32>
        %swap3A_542 = arith.index_cast %scan3A_92 : i32 to index
        %swap3A_543 = arith.constant 528 : index
        %swap3A_544 = tpu.vector_load %arg10[%swap3A_542, %swap3A_543] {strides = array<i32>} : memref<16x1024xf32, #tpu.memory_space<vmem>>, vector<16xf32>,
        tpu.vector_store %arg10[%swap3A_542, %swap3A_543], %add3A_541 {strides = array<i32>} : memref<16x1024xf32, #tpu.memory_space<vmem>>, vector<16xf32>,
        %add3A_545 = arith.addf %add3A_493, %add3A_541 : vector<16xf32>
        %mul3A_546 = arith.mulf %add3A_541, %add3A_541 : vector<16xf32>
        %add3A_547 = arith.addf %add3A_495, %mul3A_546 : vector<16xf32>
        %get3A_548 = arith.index_cast %scan3A_92 : i32 to index
        %get3A_549 = arith.constant 544 : index
        %get3A_550 = tpu.vector_load %arg10[%get3A_548, %get3A_549] {strides = array<i32>} : memref<16x1024xf32, #tpu.memory_space<vmem>>, vector<16xf32>,
        %get3A_551 = arith.index_cast %scan3A_92 : i32 to index
        %get3A_552 = arith.constant 544 : index
        %get3A_553 = tpu.vector_load %arg12[%get3A_551, %get3A_552] {strides = array<i32>} : memref<16x1024xf32, #tpu.memory_space<vmem>>, vector<16xf32>,
        %add3A_554 = arith.addf %get3A_550, %get3A_553 : vector<16xf32>
        %swap3A_555 = arith.index_cast %scan3A_92 : i32 to index
        %swap3A_556 = arith.constant 544 : index
        %swap3A_557 = tpu.vector_load %arg10[%swap3A_555, %swap3A_556] {strides = array<i32>} : memref<16x1024xf32, #tpu.memory_space<vmem>>, vector<16xf32>,
        tpu.vector_store %arg10[%swap3A_555, %swap3A_556], %add3A_554 {strides = array<i32>} : memref<16x1024xf32, #tpu.memory_space<vmem>>, vector<16xf32>,
        %add3A_558 = arith.addf %add3A_506, %add3A_554 : vector<16xf32>
        %mul3A_559 = arith.mulf %add3A_554, %add3A_554 : vector<16xf32>
        %add3A_560 = arith.addf %add3A_508, %mul3A_559 : vector<16xf32>
        %get3A_561 = arith.index_cast %scan3A_92 : i32 to index
        %get3A_562 = arith.constant 560 : index
        %get3A_563 = tpu.vector_load %arg10[%get3A_561, %get3A_562] {strides = array<i32>} : memref<16x1024xf32, #tpu.memory_space<vmem>>, vector<16xf32>,
        %get3A_564 = arith.index_cast %scan3A_92 : i32 to index
        %get3A_565 = arith.constant 560 : index
        %get3A_566 = tpu.vector_load %arg12[%get3A_564, %get3A_565] {strides = array<i32>} : memref<16x1024xf32, #tpu.memory_space<vmem>>, vector<16xf32>,
        %add3A_567 = arith.addf %get3A_563, %get3A_566 : vector<16xf32>
        %swap3A_568 = arith.index_cast %scan3A_92 : i32 to index
        %swap3A_569 = arith.constant 560 : index
        %swap3A_570 = tpu.vector_load %arg10[%swap3A_568, %swap3A_569] {strides = array<i32>} : memref<16x1024xf32, #tpu.memory_space<vmem>>, vector<16xf32>,
        tpu.vector_store %arg10[%swap3A_568, %swap3A_569], %add3A_567 {strides = array<i32>} : memref<16x1024xf32, #tpu.memory_space<vmem>>, vector<16xf32>,
        %add3A_571 = arith.addf %add3A_519, %add3A_567 : vector<16xf32>
        %mul3A_572 = arith.mulf %add3A_567, %add3A_567 : vector<16xf32>
        %add3A_573 = arith.addf %add3A_521, %mul3A_572 : vector<16xf32>
        %get3A_574 = arith.index_cast %scan3A_92 : i32 to index
        %get3A_575 = arith.constant 576 : index
        %get3A_576 = tpu.vector_load %arg10[%get3A_574, %get3A_575] {strides = array<i32>} : memref<16x1024xf32, #tpu.memory_space<vmem>>, vector<16xf32>,
        %get3A_577 = arith.index_cast %scan3A_92 : i32 to index
        %get3A_578 = arith.constant 576 : index
        %get3A_579 = tpu.vector_load %arg12[%get3A_577, %get3A_578] {strides = array<i32>} : memref<16x1024xf32, #tpu.memory_space<vmem>>, vector<16xf32>,
        %add3A_580 = arith.addf %get3A_576, %get3A_579 : vector<16xf32>
        %swap3A_581 = arith.index_cast %scan3A_92 : i32 to index
        %swap3A_582 = arith.constant 576 : index
        %swap3A_583 = tpu.vector_load %arg10[%swap3A_581, %swap3A_582] {strides = array<i32>} : memref<16x1024xf32, #tpu.memory_space<vmem>>, vector<16xf32>,
        tpu.vector_store %arg10[%swap3A_581, %swap3A_582], %add3A_580 {strides = array<i32>} : memref<16x1024xf32, #tpu.memory_space<vmem>>, vector<16xf32>,
        %add3A_584 = arith.addf %add3A_532, %add3A_580 : vector<16xf32>
        %mul3A_585 = arith.mulf %add3A_580, %add3A_580 : vector<16xf32>
        %add3A_586 = arith.addf %add3A_534, %mul3A_585 : vector<16xf32>
        %get3A_587 = arith.index_cast %scan3A_92 : i32 to index
        %get3A_588 = arith.constant 592 : index
        %get3A_589 = tpu.vector_load %arg10[%get3A_587, %get3A_588] {strides = array<i32>} : memref<16x1024xf32, #tpu.memory_space<vmem>>, vector<16xf32>,
        %get3A_590 = arith.index_cast %scan3A_92 : i32 to index
        %get3A_591 = arith.constant 592 : index
        %get3A_592 = tpu.vector_load %arg12[%get3A_590, %get3A_591] {strides = array<i32>} : memref<16x1024xf32, #tpu.memory_space<vmem>>, vector<16xf32>,
        %add3A_593 = arith.addf %get3A_589, %get3A_592 : vector<16xf32>
        %swap3A_594 = arith.index_cast %scan3A_92 : i32 to index
        %swap3A_595 = arith.constant 592 : index
        %swap3A_596 = tpu.vector_load %arg10[%swap3A_594, %swap3A_595] {strides = array<i32>} : memref<16x1024xf32, #tpu.memory_space<vmem>>, vector<16xf32>,
        tpu.vector_store %arg10[%swap3A_594, %swap3A_595], %add3A_593 {strides = array<i32>} : memref<16x1024xf32, #tpu.memory_space<vmem>>, vector<16xf32>,
        %add3A_597 = arith.addf %add3A_545, %add3A_593 : vector<16xf32>
        %mul3A_598 = arith.mulf %add3A_593, %add3A_593 : vector<16xf32>
        %add3A_599 = arith.addf %add3A_547, %mul3A_598 : vector<16xf32>
        %get3A_600 = arith.index_cast %scan3A_92 : i32 to index
        %get3A_601 = arith.constant 608 : index
        %get3A_602 = tpu.vector_load %arg10[%get3A_600, %get3A_601] {strides = array<i32>} : memref<16x1024xf32, #tpu.memory_space<vmem>>, vector<16xf32>,
        %get3A_603 = arith.index_cast %scan3A_92 : i32 to index
        %get3A_604 = arith.constant 608 : index
        %get3A_605 = tpu.vector_load %arg12[%get3A_603, %get3A_604] {strides = array<i32>} : memref<16x1024xf32, #tpu.memory_space<vmem>>, vector<16xf32>,
        %add3A_606 = arith.addf %get3A_602, %get3A_605 : vector<16xf32>
        %swap3A_607 = arith.index_cast %scan3A_92 : i32 to index
        %swap3A_608 = arith.constant 608 : index
        %swap3A_609 = tpu.vector_load %arg10[%swap3A_607, %swap3A_608] {strides = array<i32>} : memref<16x1024xf32, #tpu.memory_space<vmem>>, vector<16xf32>,
        tpu.vector_store %arg10[%swap3A_607, %swap3A_608], %add3A_606 {strides = array<i32>} : memref<16x1024xf32, #tpu.memory_space<vmem>>, vector<16xf32>,
        %add3A_610 = arith.addf %add3A_558, %add3A_606 : vector<16xf32>
        %mul3A_611 = arith.mulf %add3A_606, %add3A_606 : vector<16xf32>
        %add3A_612 = arith.addf %add3A_560, %mul3A_611 : vector<16xf32>
        %get3A_613 = arith.index_cast %scan3A_92 : i32 to index
        %get3A_614 = arith.constant 624 : index
        %get3A_615 = tpu.vector_load %arg10[%get3A_613, %get3A_614] {strides = array<i32>} : memref<16x1024xf32, #tpu.memory_space<vmem>>, vector<16xf32>,
        %get3A_616 = arith.index_cast %scan3A_92 : i32 to index
        %get3A_617 = arith.constant 624 : index
        %get3A_618 = tpu.vector_load %arg12[%get3A_616, %get3A_617] {strides = array<i32>} : memref<16x1024xf32, #tpu.memory_space<vmem>>, vector<16xf32>,
        %add3A_619 = arith.addf %get3A_615, %get3A_618 : vector<16xf32>
        %swap3A_620 = arith.index_cast %scan3A_92 : i32 to index
        %swap3A_621 = arith.constant 624 : index
        %swap3A_622 = tpu.vector_load %arg10[%swap3A_620, %swap3A_621] {strides = array<i32>} : memref<16x1024xf32, #tpu.memory_space<vmem>>, vector<16xf32>,
        tpu.vector_store %arg10[%swap3A_620, %swap3A_621], %add3A_619 {strides = array<i32>} : memref<16x1024xf32, #tpu.memory_space<vmem>>, vector<16xf32>,
        %add3A_623 = arith.addf %add3A_571, %add3A_619 : vector<16xf32>
        %mul3A_624 = arith.mulf %add3A_619, %add3A_619 : vector<16xf32>
        %add3A_625 = arith.addf %add3A_573, %mul3A_624 : vector<16xf32>
        %get3A_626 = arith.index_cast %scan3A_92 : i32 to index
        %get3A_627 = arith.constant 640 : index
        %get3A_628 = tpu.vector_load %arg10[%get3A_626, %get3A_627] {strides = array<i32>} : memref<16x1024xf32, #tpu.memory_space<vmem>>, vector<16xf32>,
        %get3A_629 = arith.index_cast %scan3A_92 : i32 to index
        %get3A_630 = arith.constant 640 : index
        %get3A_631 = tpu.vector_load %arg12[%get3A_629, %get3A_630] {strides = array<i32>} : memref<16x1024xf32, #tpu.memory_space<vmem>>, vector<16xf32>,
        %add3A_632 = arith.addf %get3A_628, %get3A_631 : vector<16xf32>
        %swap3A_633 = arith.index_cast %scan3A_92 : i32 to index
        %swap3A_634 = arith.constant 640 : index
        %swap3A_635 = tpu.vector_load %arg10[%swap3A_633, %swap3A_634] {strides = array<i32>} : memref<16x1024xf32, #tpu.memory_space<vmem>>, vector<16xf32>,
        tpu.vector_store %arg10[%swap3A_633, %swap3A_634], %add3A_632 {strides = array<i32>} : memref<16x1024xf32, #tpu.memory_space<vmem>>, vector<16xf32>,
        %add3A_636 = arith.addf %add3A_584, %add3A_632 : vector<16xf32>
        %mul3A_637 = arith.mulf %add3A_632, %add3A_632 : vector<16xf32>
        %add3A_638 = arith.addf %add3A_586, %mul3A_637 : vector<16xf32>
        %get3A_639 = arith.index_cast %scan3A_92 : i32 to index
        %get3A_640 = arith.constant 656 : index
        %get3A_641 = tpu.vector_load %arg10[%get3A_639, %get3A_640] {strides = array<i32>} : memref<16x1024xf32, #tpu.memory_space<vmem>>, vector<16xf32>,
        %get3A_642 = arith.index_cast %scan3A_92 : i32 to index
        %get3A_643 = arith.constant 656 : index
        %get3A_644 = tpu.vector_load %arg12[%get3A_642, %get3A_643] {strides = array<i32>} : memref<16x1024xf32, #tpu.memory_space<vmem>>, vector<16xf32>,
        %add3A_645 = arith.addf %get3A_641, %get3A_644 : vector<16xf32>
        %swap3A_646 = arith.index_cast %scan3A_92 : i32 to index
        %swap3A_647 = arith.constant 656 : index
        %swap3A_648 = tpu.vector_load %arg10[%swap3A_646, %swap3A_647] {strides = array<i32>} : memref<16x1024xf32, #tpu.memory_space<vmem>>, vector<16xf32>,
        tpu.vector_store %arg10[%swap3A_646, %swap3A_647], %add3A_645 {strides = array<i32>} : memref<16x1024xf32, #tpu.memory_space<vmem>>, vector<16xf32>,
        %add3A_649 = arith.addf %add3A_597, %add3A_645 : vector<16xf32>
        %mul3A_650 = arith.mulf %add3A_645, %add3A_645 : vector<16xf32>
        %add3A_651 = arith.addf %add3A_599, %mul3A_650 : vector<16xf32>
        %get3A_652 = arith.index_cast %scan3A_92 : i32 to index
        %get3A_653 = arith.constant 672 : index
        %get3A_654 = tpu.vector_load %arg10[%get3A_652, %get3A_653] {strides = array<i32>} : memref<16x1024xf32, #tpu.memory_space<vmem>>, vector<16xf32>,
        %get3A_655 = arith.index_cast %scan3A_92 : i32 to index
        %get3A_656 = arith.constant 672 : index
        %get3A_657 = tpu.vector_load %arg12[%get3A_655, %get3A_656] {strides = array<i32>} : memref<16x1024xf32, #tpu.memory_space<vmem>>, vector<16xf32>,
        %add3A_658 = arith.addf %get3A_654, %get3A_657 : vector<16xf32>
        %swap3A_659 = arith.index_cast %scan3A_92 : i32 to index
        %swap3A_660 = arith.constant 672 : index
        %swap3A_661 = tpu.vector_load %arg10[%swap3A_659, %swap3A_660] {strides = array<i32>} : memref<16x1024xf32, #tpu.memory_space<vmem>>, vector<16xf32>,
        tpu.vector_store %arg10[%swap3A_659, %swap3A_660], %add3A_658 {strides = array<i32>} : memref<16x1024xf32, #tpu.memory_space<vmem>>, vector<16xf32>,
        %add3A_662 = arith.addf %add3A_610, %add3A_658 : vector<16xf32>
        %mul3A_663 = arith.mulf %add3A_658, %add3A_658 : vector<16xf32>
        %add3A_664 = arith.addf %add3A_612, %mul3A_663 : vector<16xf32>
        %get3A_665 = arith.index_cast %scan3A_92 : i32 to index
        %get3A_666 = arith.constant 688 : index
        %get3A_667 = tpu.vector_load %arg10[%get3A_665, %get3A_666] {strides = array<i32>} : memref<16x1024xf32, #tpu.memory_space<vmem>>, vector<16xf32>,
        %get3A_668 = arith.index_cast %scan3A_92 : i32 to index
        %get3A_669 = arith.constant 688 : index
        %get3A_670 = tpu.vector_load %arg12[%get3A_668, %get3A_669] {strides = array<i32>} : memref<16x1024xf32, #tpu.memory_space<vmem>>, vector<16xf32>,
        %add3A_671 = arith.addf %get3A_667, %get3A_670 : vector<16xf32>
        %swap3A_672 = arith.index_cast %scan3A_92 : i32 to index
        %swap3A_673 = arith.constant 688 : index
        %swap3A_674 = tpu.vector_load %arg10[%swap3A_672, %swap3A_673] {strides = array<i32>} : memref<16x1024xf32, #tpu.memory_space<vmem>>, vector<16xf32>,
        tpu.vector_store %arg10[%swap3A_672, %swap3A_673], %add3A_671 {strides = array<i32>} : memref<16x1024xf32, #tpu.memory_space<vmem>>, vector<16xf32>,
        %add3A_675 = arith.addf %add3A_623, %add3A_671 : vector<16xf32>
        %mul3A_676 = arith.mulf %add3A_671, %add3A_671 : vector<16xf32>
        %add3A_677 = arith.addf %add3A_625, %mul3A_676 : vector<16xf32>
        %get3A_678 = arith.index_cast %scan3A_92 : i32 to index
        %get3A_679 = arith.constant 704 : index
        %get3A_680 = tpu.vector_load %arg10[%get3A_678, %get3A_679] {strides = array<i32>} : memref<16x1024xf32, #tpu.memory_space<vmem>>, vector<16xf32>,
        %get3A_681 = arith.index_cast %scan3A_92 : i32 to index
        %get3A_682 = arith.constant 704 : index
        %get3A_683 = tpu.vector_load %arg12[%get3A_681, %get3A_682] {strides = array<i32>} : memref<16x1024xf32, #tpu.memory_space<vmem>>, vector<16xf32>,
        %add3A_684 = arith.addf %get3A_680, %get3A_683 : vector<16xf32>
        %swap3A_685 = arith.index_cast %scan3A_92 : i32 to index
        %swap3A_686 = arith.constant 704 : index
        %swap3A_687 = tpu.vector_load %arg10[%swap3A_685, %swap3A_686] {strides = array<i32>} : memref<16x1024xf32, #tpu.memory_space<vmem>>, vector<16xf32>,
        tpu.vector_store %arg10[%swap3A_685, %swap3A_686], %add3A_684 {strides = array<i32>} : memref<16x1024xf32, #tpu.memory_space<vmem>>, vector<16xf32>,
        %add3A_688 = arith.addf %add3A_636, %add3A_684 : vector<16xf32>
        %mul3A_689 = arith.mulf %add3A_684, %add3A_684 : vector<16xf32>
        %add3A_690 = arith.addf %add3A_638, %mul3A_689 : vector<16xf32>
        %get3A_691 = arith.index_cast %scan3A_92 : i32 to index
        %get3A_692 = arith.constant 720 : index
        %get3A_693 = tpu.vector_load %arg10[%get3A_691, %get3A_692] {strides = array<i32>} : memref<16x1024xf32, #tpu.memory_space<vmem>>, vector<16xf32>,
        %get3A_694 = arith.index_cast %scan3A_92 : i32 to index
        %get3A_695 = arith.constant 720 : index
        %get3A_696 = tpu.vector_load %arg12[%get3A_694, %get3A_695] {strides = array<i32>} : memref<16x1024xf32, #tpu.memory_space<vmem>>, vector<16xf32>,
        %add3A_697 = arith.addf %get3A_693, %get3A_696 : vector<16xf32>
        %swap3A_698 = arith.index_cast %scan3A_92 : i32 to index
        %swap3A_699 = arith.constant 720 : index
        %swap3A_700 = tpu.vector_load %arg10[%swap3A_698, %swap3A_699] {strides = array<i32>} : memref<16x1024xf32, #tpu.memory_space<vmem>>, vector<16xf32>,
        tpu.vector_store %arg10[%swap3A_698, %swap3A_699], %add3A_697 {strides = array<i32>} : memref<16x1024xf32, #tpu.memory_space<vmem>>, vector<16xf32>,
        %add3A_701 = arith.addf %add3A_649, %add3A_697 : vector<16xf32>
        %mul3A_702 = arith.mulf %add3A_697, %add3A_697 : vector<16xf32>
        %add3A_703 = arith.addf %add3A_651, %mul3A_702 : vector<16xf32>
        %get3A_704 = arith.index_cast %scan3A_92 : i32 to index
        %get3A_705 = arith.constant 736 : index
        %get3A_706 = tpu.vector_load %arg10[%get3A_704, %get3A_705] {strides = array<i32>} : memref<16x1024xf32, #tpu.memory_space<vmem>>, vector<16xf32>,
        %get3A_707 = arith.index_cast %scan3A_92 : i32 to index
        %get3A_708 = arith.constant 736 : index
        %get3A_709 = tpu.vector_load %arg12[%get3A_707, %get3A_708] {strides = array<i32>} : memref<16x1024xf32, #tpu.memory_space<vmem>>, vector<16xf32>,
        %add3A_710 = arith.addf %get3A_706, %get3A_709 : vector<16xf32>
        %swap3A_711 = arith.index_cast %scan3A_92 : i32 to index
        %swap3A_712 = arith.constant 736 : index
        %swap3A_713 = tpu.vector_load %arg10[%swap3A_711, %swap3A_712] {strides = array<i32>} : memref<16x1024xf32, #tpu.memory_space<vmem>>, vector<16xf32>,
        tpu.vector_store %arg10[%swap3A_711, %swap3A_712], %add3A_710 {strides = array<i32>} : memref<16x1024xf32, #tpu.memory_space<vmem>>, vector<16xf32>,
        %add3A_714 = arith.addf %add3A_662, %add3A_710 : vector<16xf32>
        %mul3A_715 = arith.mulf %add3A_710, %add3A_710 : vector<16xf32>
        %add3A_716 = arith.addf %add3A_664, %mul3A_715 : vector<16xf32>
        %get3A_717 = arith.index_cast %scan3A_92 : i32 to index
        %get3A_718 = arith.constant 752 : index
        %get3A_719 = tpu.vector_load %arg10[%get3A_717, %get3A_718] {strides = array<i32>} : memref<16x1024xf32, #tpu.memory_space<vmem>>, vector<16xf32>,
        %get3A_720 = arith.index_cast %scan3A_92 : i32 to index
        %get3A_721 = arith.constant 752 : index
        %get3A_722 = tpu.vector_load %arg12[%get3A_720, %get3A_721] {strides = array<i32>} : memref<16x1024xf32, #tpu.memory_space<vmem>>, vector<16xf32>,
        %add3A_723 = arith.addf %get3A_719, %get3A_722 : vector<16xf32>
        %swap3A_724 = arith.index_cast %scan3A_92 : i32 to index
        %swap3A_725 = arith.constant 752 : index
        %swap3A_726 = tpu.vector_load %arg10[%swap3A_724, %swap3A_725] {strides = array<i32>} : memref<16x1024xf32, #tpu.memory_space<vmem>>, vector<16xf32>,
        tpu.vector_store %arg10[%swap3A_724, %swap3A_725], %add3A_723 {strides = array<i32>} : memref<16x1024xf32, #tpu.memory_space<vmem>>, vector<16xf32>,
        %add3A_727 = arith.addf %add3A_675, %add3A_723 : vector<16xf32>
        %mul3A_728 = arith.mulf %add3A_723, %add3A_723 : vector<16xf32>
        %add3A_729 = arith.addf %add3A_677, %mul3A_728 : vector<16xf32>
        %get3A_730 = arith.index_cast %scan3A_92 : i32 to index
        %get3A_731 = arith.constant 768 : index
        %get3A_732 = tpu.vector_load %arg10[%get3A_730, %get3A_731] {strides = array<i32>} : memref<16x1024xf32, #tpu.memory_space<vmem>>, vector<16xf32>,
        %get3A_733 = arith.index_cast %scan3A_92 : i32 to index
        %get3A_734 = arith.constant 768 : index
        %get3A_735 = tpu.vector_load %arg12[%get3A_733, %get3A_734] {strides = array<i32>} : memref<16x1024xf32, #tpu.memory_space<vmem>>, vector<16xf32>,
        %add3A_736 = arith.addf %get3A_732, %get3A_735 : vector<16xf32>
        %swap3A_737 = arith.index_cast %scan3A_92 : i32 to index
        %swap3A_738 = arith.constant 768 : index
        %swap3A_739 = tpu.vector_load %arg10[%swap3A_737, %swap3A_738] {strides = array<i32>} : memref<16x1024xf32, #tpu.memory_space<vmem>>, vector<16xf32>,
        tpu.vector_store %arg10[%swap3A_737, %swap3A_738], %add3A_736 {strides = array<i32>} : memref<16x1024xf32, #tpu.memory_space<vmem>>, vector<16xf32>,
        %add3A_740 = arith.addf %add3A_688, %add3A_736 : vector<16xf32>
        %mul3A_741 = arith.mulf %add3A_736, %add3A_736 : vector<16xf32>
        %add3A_742 = arith.addf %add3A_690, %mul3A_741 : vector<16xf32>
        %get3A_743 = arith.index_cast %scan3A_92 : i32 to index
        %get3A_744 = arith.constant 784 : index
        %get3A_745 = tpu.vector_load %arg10[%get3A_743, %get3A_744] {strides = array<i32>} : memref<16x1024xf32, #tpu.memory_space<vmem>>, vector<16xf32>,
        %get3A_746 = arith.index_cast %scan3A_92 : i32 to index
        %get3A_747 = arith.constant 784 : index
        %get3A_748 = tpu.vector_load %arg12[%get3A_746, %get3A_747] {strides = array<i32>} : memref<16x1024xf32, #tpu.memory_space<vmem>>, vector<16xf32>,
        %add3A_749 = arith.addf %get3A_745, %get3A_748 : vector<16xf32>
        %swap3A_750 = arith.index_cast %scan3A_92 : i32 to index
        %swap3A_751 = arith.constant 784 : index
        %swap3A_752 = tpu.vector_load %arg10[%swap3A_750, %swap3A_751] {strides = array<i32>} : memref<16x1024xf32, #tpu.memory_space<vmem>>, vector<16xf32>,
        tpu.vector_store %arg10[%swap3A_750, %swap3A_751], %add3A_749 {strides = array<i32>} : memref<16x1024xf32, #tpu.memory_space<vmem>>, vector<16xf32>,
        %add3A_753 = arith.addf %add3A_701, %add3A_749 : vector<16xf32>
        %mul3A_754 = arith.mulf %add3A_749, %add3A_749 : vector<16xf32>
        %add3A_755 = arith.addf %add3A_703, %mul3A_754 : vector<16xf32>
        %get3A_756 = arith.index_cast %scan3A_92 : i32 to index
        %get3A_757 = arith.constant 800 : index
        %get3A_758 = tpu.vector_load %arg10[%get3A_756, %get3A_757] {strides = array<i32>} : memref<16x1024xf32, #tpu.memory_space<vmem>>, vector<16xf32>,
        %get3A_759 = arith.index_cast %scan3A_92 : i32 to index
        %get3A_760 = arith.constant 800 : index
        %get3A_761 = tpu.vector_load %arg12[%get3A_759, %get3A_760] {strides = array<i32>} : memref<16x1024xf32, #tpu.memory_space<vmem>>, vector<16xf32>,
        %add3A_762 = arith.addf %get3A_758, %get3A_761 : vector<16xf32>
        %swap3A_763 = arith.index_cast %scan3A_92 : i32 to index
        %swap3A_764 = arith.constant 800 : index
        %swap3A_765 = tpu.vector_load %arg10[%swap3A_763, %swap3A_764] {strides = array<i32>} : memref<16x1024xf32, #tpu.memory_space<vmem>>, vector<16xf32>,
        tpu.vector_store %arg10[%swap3A_763, %swap3A_764], %add3A_762 {strides = array<i32>} : memref<16x1024xf32, #tpu.memory_space<vmem>>, vector<16xf32>,
        %add3A_766 = arith.addf %add3A_714, %add3A_762 : vector<16xf32>
        %mul3A_767 = arith.mulf %add3A_762, %add3A_762 : vector<16xf32>
        %add3A_768 = arith.addf %add3A_716, %mul3A_767 : vector<16xf32>
        %get3A_769 = arith.index_cast %scan3A_92 : i32 to index
        %get3A_770 = arith.constant 816 : index
        %get3A_771 = tpu.vector_load %arg10[%get3A_769, %get3A_770] {strides = array<i32>} : memref<16x1024xf32, #tpu.memory_space<vmem>>, vector<16xf32>,
        %get3A_772 = arith.index_cast %scan3A_92 : i32 to index
        %get3A_773 = arith.constant 816 : index
        %get3A_774 = tpu.vector_load %arg12[%get3A_772, %get3A_773] {strides = array<i32>} : memref<16x1024xf32, #tpu.memory_space<vmem>>, vector<16xf32>,
        %add3A_775 = arith.addf %get3A_771, %get3A_774 : vector<16xf32>
        %swap3A_776 = arith.index_cast %scan3A_92 : i32 to index
        %swap3A_777 = arith.constant 816 : index
        %swap3A_778 = tpu.vector_load %arg10[%swap3A_776, %swap3A_777] {strides = array<i32>} : memref<16x1024xf32, #tpu.memory_space<vmem>>, vector<16xf32>,
        tpu.vector_store %arg10[%swap3A_776, %swap3A_777], %add3A_775 {strides = array<i32>} : memref<16x1024xf32, #tpu.memory_space<vmem>>, vector<16xf32>,
        %add3A_779 = arith.addf %add3A_727, %add3A_775 : vector<16xf32>
        %mul3A_780 = arith.mulf %add3A_775, %add3A_775 : vector<16xf32>
        %add3A_781 = arith.addf %add3A_729, %mul3A_780 : vector<16xf32>
        %get3A_782 = arith.index_cast %scan3A_92 : i32 to index
        %get3A_783 = arith.constant 832 : index
        %get3A_784 = tpu.vector_load %arg10[%get3A_782, %get3A_783] {strides = array<i32>} : memref<16x1024xf32, #tpu.memory_space<vmem>>, vector<16xf32>,
        %get3A_785 = arith.index_cast %scan3A_92 : i32 to index
        %get3A_786 = arith.constant 832 : index
        %get3A_787 = tpu.vector_load %arg12[%get3A_785, %get3A_786] {strides = array<i32>} : memref<16x1024xf32, #tpu.memory_space<vmem>>, vector<16xf32>,
        %add3A_788 = arith.addf %get3A_784, %get3A_787 : vector<16xf32>
        %swap3A_789 = arith.index_cast %scan3A_92 : i32 to index
        %swap3A_790 = arith.constant 832 : index
        %swap3A_791 = tpu.vector_load %arg10[%swap3A_789, %swap3A_790] {strides = array<i32>} : memref<16x1024xf32, #tpu.memory_space<vmem>>, vector<16xf32>,
        tpu.vector_store %arg10[%swap3A_789, %swap3A_790], %add3A_788 {strides = array<i32>} : memref<16x1024xf32, #tpu.memory_space<vmem>>, vector<16xf32>,
        %add3A_792 = arith.addf %add3A_740, %add3A_788 : vector<16xf32>
        %mul3A_793 = arith.mulf %add3A_788, %add3A_788 : vector<16xf32>
        %add3A_794 = arith.addf %add3A_742, %mul3A_793 : vector<16xf32>
        %get3A_795 = arith.index_cast %scan3A_92 : i32 to index
        %get3A_796 = arith.constant 848 : index
        %get3A_797 = tpu.vector_load %arg10[%get3A_795, %get3A_796] {strides = array<i32>} : memref<16x1024xf32, #tpu.memory_space<vmem>>, vector<16xf32>,
        %get3A_798 = arith.index_cast %scan3A_92 : i32 to index
        %get3A_799 = arith.constant 848 : index
        %get3A_800 = tpu.vector_load %arg12[%get3A_798, %get3A_799] {strides = array<i32>} : memref<16x1024xf32, #tpu.memory_space<vmem>>, vector<16xf32>,
        %add3A_801 = arith.addf %get3A_797, %get3A_800 : vector<16xf32>
        %swap3A_802 = arith.index_cast %scan3A_92 : i32 to index
        %swap3A_803 = arith.constant 848 : index
        %swap3A_804 = tpu.vector_load %arg10[%swap3A_802, %swap3A_803] {strides = array<i32>} : memref<16x1024xf32, #tpu.memory_space<vmem>>, vector<16xf32>,
        tpu.vector_store %arg10[%swap3A_802, %swap3A_803], %add3A_801 {strides = array<i32>} : memref<16x1024xf32, #tpu.memory_space<vmem>>, vector<16xf32>,
        %add3A_805 = arith.addf %add3A_753, %add3A_801 : vector<16xf32>
        %mul3A_806 = arith.mulf %add3A_801, %add3A_801 : vector<16xf32>
        %add3A_807 = arith.addf %add3A_755, %mul3A_806 : vector<16xf32>
        %get3A_808 = arith.index_cast %scan3A_92 : i32 to index
        %get3A_809 = arith.constant 864 : index
        %get3A_810 = tpu.vector_load %arg10[%get3A_808, %get3A_809] {strides = array<i32>} : memref<16x1024xf32, #tpu.memory_space<vmem>>, vector<16xf32>,
        %get3A_811 = arith.index_cast %scan3A_92 : i32 to index
        %get3A_812 = arith.constant 864 : index
        %get3A_813 = tpu.vector_load %arg12[%get3A_811, %get3A_812] {strides = array<i32>} : memref<16x1024xf32, #tpu.memory_space<vmem>>, vector<16xf32>,
        %add3A_814 = arith.addf %get3A_810, %get3A_813 : vector<16xf32>
        %swap3A_815 = arith.index_cast %scan3A_92 : i32 to index
        %swap3A_816 = arith.constant 864 : index
        %swap3A_817 = tpu.vector_load %arg10[%swap3A_815, %swap3A_816] {strides = array<i32>} : memref<16x1024xf32, #tpu.memory_space<vmem>>, vector<16xf32>,
        tpu.vector_store %arg10[%swap3A_815, %swap3A_816], %add3A_814 {strides = array<i32>} : memref<16x1024xf32, #tpu.memory_space<vmem>>, vector<16xf32>,
        %add3A_818 = arith.addf %add3A_766, %add3A_814 : vector<16xf32>
        %mul3A_819 = arith.mulf %add3A_814, %add3A_814 : vector<16xf32>
        %add3A_820 = arith.addf %add3A_768, %mul3A_819 : vector<16xf32>
        %get3A_821 = arith.index_cast %scan3A_92 : i32 to index
        %get3A_822 = arith.constant 880 : index
        %get3A_823 = tpu.vector_load %arg10[%get3A_821, %get3A_822] {strides = array<i32>} : memref<16x1024xf32, #tpu.memory_space<vmem>>, vector<16xf32>,
        %get3A_824 = arith.index_cast %scan3A_92 : i32 to index
        %get3A_825 = arith.constant 880 : index
        %get3A_826 = tpu.vector_load %arg12[%get3A_824, %get3A_825] {strides = array<i32>} : memref<16x1024xf32, #tpu.memory_space<vmem>>, vector<16xf32>,
        %add3A_827 = arith.addf %get3A_823, %get3A_826 : vector<16xf32>
        %swap3A_828 = arith.index_cast %scan3A_92 : i32 to index
        %swap3A_829 = arith.constant 880 : index
        %swap3A_830 = tpu.vector_load %arg10[%swap3A_828, %swap3A_829] {strides = array<i32>} : memref<16x1024xf32, #tpu.memory_space<vmem>>, vector<16xf32>,
        tpu.vector_store %arg10[%swap3A_828, %swap3A_829], %add3A_827 {strides = array<i32>} : memref<16x1024xf32, #tpu.memory_space<vmem>>, vector<16xf32>,
        %add3A_831 = arith.addf %add3A_779, %add3A_827 : vector<16xf32>
        %mul3A_832 = arith.mulf %add3A_827, %add3A_827 : vector<16xf32>
        %add3A_833 = arith.addf %add3A_781, %mul3A_832 : vector<16xf32>
        %get3A_834 = arith.index_cast %scan3A_92 : i32 to index
        %get3A_835 = arith.constant 896 : index
        %get3A_836 = tpu.vector_load %arg10[%get3A_834, %get3A_835] {strides = array<i32>} : memref<16x1024xf32, #tpu.memory_space<vmem>>, vector<16xf32>,
        %get3A_837 = arith.index_cast %scan3A_92 : i32 to index
        %get3A_838 = arith.constant 896 : index
        %get3A_839 = tpu.vector_load %arg12[%get3A_837, %get3A_838] {strides = array<i32>} : memref<16x1024xf32, #tpu.memory_space<vmem>>, vector<16xf32>,
        %add3A_840 = arith.addf %get3A_836, %get3A_839 : vector<16xf32>
        %swap3A_841 = arith.index_cast %scan3A_92 : i32 to index
        %swap3A_842 = arith.constant 896 : index
        %swap3A_843 = tpu.vector_load %arg10[%swap3A_841, %swap3A_842] {strides = array<i32>} : memref<16x1024xf32, #tpu.memory_space<vmem>>, vector<16xf32>,
        tpu.vector_store %arg10[%swap3A_841, %swap3A_842], %add3A_840 {strides = array<i32>} : memref<16x1024xf32, #tpu.memory_space<vmem>>, vector<16xf32>,
        %add3A_844 = arith.addf %add3A_792, %add3A_840 : vector<16xf32>
        %mul3A_845 = arith.mulf %add3A_840, %add3A_840 : vector<16xf32>
        %add3A_846 = arith.addf %add3A_794, %mul3A_845 : vector<16xf32>
        %get3A_847 = arith.index_cast %scan3A_92 : i32 to index
        %get3A_848 = arith.constant 912 : index
        %get3A_849 = tpu.vector_load %arg10[%get3A_847, %get3A_848] {strides = array<i32>} : memref<16x1024xf32, #tpu.memory_space<vmem>>, vector<16xf32>,
        %get3A_850 = arith.index_cast %scan3A_92 : i32 to index
        %get3A_851 = arith.constant 912 : index
        %get3A_852 = tpu.vector_load %arg12[%get3A_850, %get3A_851] {strides = array<i32>} : memref<16x1024xf32, #tpu.memory_space<vmem>>, vector<16xf32>,
        %add3A_853 = arith.addf %get3A_849, %get3A_852 : vector<16xf32>
        %swap3A_854 = arith.index_cast %scan3A_92 : i32 to index
        %swap3A_855 = arith.constant 912 : index
        %swap3A_856 = tpu.vector_load %arg10[%swap3A_854, %swap3A_855] {strides = array<i32>} : memref<16x1024xf32, #tpu.memory_space<vmem>>, vector<16xf32>,
        tpu.vector_store %arg10[%swap3A_854, %swap3A_855], %add3A_853 {strides = array<i32>} : memref<16x1024xf32, #tpu.memory_space<vmem>>, vector<16xf32>,
        %add3A_857 = arith.addf %add3A_805, %add3A_853 : vector<16xf32>
        %mul3A_858 = arith.mulf %add3A_853, %add3A_853 : vector<16xf32>
        %add3A_859 = arith.addf %add3A_807, %mul3A_858 : vector<16xf32>
        %get3A_860 = arith.index_cast %scan3A_92 : i32 to index
        %get3A_861 = arith.constant 928 : index
        %get3A_862 = tpu.vector_load %arg10[%get3A_860, %get3A_861] {strides = array<i32>} : memref<16x1024xf32, #tpu.memory_space<vmem>>, vector<16xf32>,
        %get3A_863 = arith.index_cast %scan3A_92 : i32 to index
        %get3A_864 = arith.constant 928 : index
        %get3A_865 = tpu.vector_load %arg12[%get3A_863, %get3A_864] {strides = array<i32>} : memref<16x1024xf32, #tpu.memory_space<vmem>>, vector<16xf32>,
        %add3A_866 = arith.addf %get3A_862, %get3A_865 : vector<16xf32>
        %swap3A_867 = arith.index_cast %scan3A_92 : i32 to index
        %swap3A_868 = arith.constant 928 : index
        %swap3A_869 = tpu.vector_load %arg10[%swap3A_867, %swap3A_868] {strides = array<i32>} : memref<16x1024xf32, #tpu.memory_space<vmem>>, vector<16xf32>,
        tpu.vector_store %arg10[%swap3A_867, %swap3A_868], %add3A_866 {strides = array<i32>} : memref<16x1024xf32, #tpu.memory_space<vmem>>, vector<16xf32>,
        %add3A_870 = arith.addf %add3A_818, %add3A_866 : vector<16xf32>
        %mul3A_871 = arith.mulf %add3A_866, %add3A_866 : vector<16xf32>
        %add3A_872 = arith.addf %add3A_820, %mul3A_871 : vector<16xf32>
        %get3A_873 = arith.index_cast %scan3A_92 : i32 to index
        %get3A_874 = arith.constant 944 : index
        %get3A_875 = tpu.vector_load %arg10[%get3A_873, %get3A_874] {strides = array<i32>} : memref<16x1024xf32, #tpu.memory_space<vmem>>, vector<16xf32>,
        %get3A_876 = arith.index_cast %scan3A_92 : i32 to index
        %get3A_877 = arith.constant 944 : index
        %get3A_878 = tpu.vector_load %arg12[%get3A_876, %get3A_877] {strides = array<i32>} : memref<16x1024xf32, #tpu.memory_space<vmem>>, vector<16xf32>,
        %add3A_879 = arith.addf %get3A_875, %get3A_878 : vector<16xf32>
        %swap3A_880 = arith.index_cast %scan3A_92 : i32 to index
        %swap3A_881 = arith.constant 944 : index
        %swap3A_882 = tpu.vector_load %arg10[%swap3A_880, %swap3A_881] {strides = array<i32>} : memref<16x1024xf32, #tpu.memory_space<vmem>>, vector<16xf32>,
        tpu.vector_store %arg10[%swap3A_880, %swap3A_881], %add3A_879 {strides = array<i32>} : memref<16x1024xf32, #tpu.memory_space<vmem>>, vector<16xf32>,
        %add3A_883 = arith.addf %add3A_831, %add3A_879 : vector<16xf32>
        %mul3A_884 = arith.mulf %add3A_879, %add3A_879 : vector<16xf32>
        %add3A_885 = arith.addf %add3A_833, %mul3A_884 : vector<16xf32>
        %get3A_886 = arith.index_cast %scan3A_92 : i32 to index
        %get3A_887 = arith.constant 960 : index
        %get3A_888 = tpu.vector_load %arg10[%get3A_886, %get3A_887] {strides = array<i32>} : memref<16x1024xf32, #tpu.memory_space<vmem>>, vector<16xf32>,
        %get3A_889 = arith.index_cast %scan3A_92 : i32 to index
        %get3A_890 = arith.constant 960 : index
        %get3A_891 = tpu.vector_load %arg12[%get3A_889, %get3A_890] {strides = array<i32>} : memref<16x1024xf32, #tpu.memory_space<vmem>>, vector<16xf32>,
        %add3A_892 = arith.addf %get3A_888, %get3A_891 : vector<16xf32>
        %swap3A_893 = arith.index_cast %scan3A_92 : i32 to index
        %swap3A_894 = arith.constant 960 : index
        %swap3A_895 = tpu.vector_load %arg10[%swap3A_893, %swap3A_894] {strides = array<i32>} : memref<16x1024xf32, #tpu.memory_space<vmem>>, vector<16xf32>,
        tpu.vector_store %arg10[%swap3A_893, %swap3A_894], %add3A_892 {strides = array<i32>} : memref<16x1024xf32, #tpu.memory_space<vmem>>, vector<16xf32>,
        %add3A_896 = arith.addf %add3A_844, %add3A_892 : vector<16xf32>
        %mul3A_897 = arith.mulf %add3A_892, %add3A_892 : vector<16xf32>
        %add3A_898 = arith.addf %add3A_846, %mul3A_897 : vector<16xf32>
        %get3A_899 = arith.index_cast %scan3A_92 : i32 to index
        %get3A_900 = arith.constant 976 : index
        %get3A_901 = tpu.vector_load %arg10[%get3A_899, %get3A_900] {strides = array<i32>} : memref<16x1024xf32, #tpu.memory_space<vmem>>, vector<16xf32>,
        %get3A_902 = arith.index_cast %scan3A_92 : i32 to index
        %get3A_903 = arith.constant 976 : index
        %get3A_904 = tpu.vector_load %arg12[%get3A_902, %get3A_903] {strides = array<i32>} : memref<16x1024xf32, #tpu.memory_space<vmem>>, vector<16xf32>,
        %add3A_905 = arith.addf %get3A_901, %get3A_904 : vector<16xf32>
        %swap3A_906 = arith.index_cast %scan3A_92 : i32 to index
        %swap3A_907 = arith.constant 976 : index
        %swap3A_908 = tpu.vector_load %arg10[%swap3A_906, %swap3A_907] {strides = array<i32>} : memref<16x1024xf32, #tpu.memory_space<vmem>>, vector<16xf32>,
        tpu.vector_store %arg10[%swap3A_906, %swap3A_907], %add3A_905 {strides = array<i32>} : memref<16x1024xf32, #tpu.memory_space<vmem>>, vector<16xf32>,
        %add3A_909 = arith.addf %add3A_857, %add3A_905 : vector<16xf32>
        %mul3A_910 = arith.mulf %add3A_905, %add3A_905 : vector<16xf32>
        %add3A_911 = arith.addf %add3A_859, %mul3A_910 : vector<16xf32>
        %get3A_912 = arith.index_cast %scan3A_92 : i32 to index
        %get3A_913 = arith.constant 992 : index
        %get3A_914 = tpu.vector_load %arg10[%get3A_912, %get3A_913] {strides = array<i32>} : memref<16x1024xf32, #tpu.memory_space<vmem>>, vector<16xf32>,
        %get3A_915 = arith.index_cast %scan3A_92 : i32 to index
        %get3A_916 = arith.constant 992 : index
        %get3A_917 = tpu.vector_load %arg12[%get3A_915, %get3A_916] {strides = array<i32>} : memref<16x1024xf32, #tpu.memory_space<vmem>>, vector<16xf32>,
        %add3A_918 = arith.addf %get3A_914, %get3A_917 : vector<16xf32>
        %swap3A_919 = arith.index_cast %scan3A_92 : i32 to index
        %swap3A_920 = arith.constant 992 : index
        %swap3A_921 = tpu.vector_load %arg10[%swap3A_919, %swap3A_920] {strides = array<i32>} : memref<16x1024xf32, #tpu.memory_space<vmem>>, vector<16xf32>,
        tpu.vector_store %arg10[%swap3A_919, %swap3A_920], %add3A_918 {strides = array<i32>} : memref<16x1024xf32, #tpu.memory_space<vmem>>, vector<16xf32>,
        %add3A_922 = arith.addf %add3A_870, %add3A_918 : vector<16xf32>
        %mul3A_923 = arith.mulf %add3A_918, %add3A_918 : vector<16xf32>
        %add3A_924 = arith.addf %add3A_872, %mul3A_923 : vector<16xf32>
        %get3A_925 = arith.index_cast %scan3A_92 : i32 to index
        %get3A_926 = arith.constant 1008 : index
        %get3A_927 = tpu.vector_load %arg10[%get3A_925, %get3A_926] {strides = array<i32>} : memref<16x1024xf32, #tpu.memory_space<vmem>>, vector<16xf32>,
        %get3A_928 = arith.index_cast %scan3A_92 : i32 to index
        %get3A_929 = arith.constant 1008 : index
        %get3A_930 = tpu.vector_load %arg12[%get3A_928, %get3A_929] {strides = array<i32>} : memref<16x1024xf32, #tpu.memory_space<vmem>>, vector<16xf32>,
        %add3A_931 = arith.addf %get3A_927, %get3A_930 : vector<16xf32>
        %swap3A_932 = arith.index_cast %scan3A_92 : i32 to index
        %swap3A_933 = arith.constant 1008 : index
        %swap3A_934 = tpu.vector_load %arg10[%swap3A_932, %swap3A_933] {strides = array<i32>} : memref<16x1024xf32, #tpu.memory_space<vmem>>, vector<16xf32>,
        tpu.vector_store %arg10[%swap3A_932, %swap3A_933], %add3A_931 {strides = array<i32>} : memref<16x1024xf32, #tpu.memory_space<vmem>>, vector<16xf32>,
        %add3A_935 = arith.addf %add3A_883, %add3A_931 : vector<16xf32>
        %mul3A_936 = arith.mulf %add3A_931, %add3A_931 : vector<16xf32>
        %add3A_937 = arith.addf %add3A_885, %mul3A_936 : vector<16xf32>
        %add3A_938 = arith.addf %add3A_896, %add3A_909 : vector<16xf32>
        %add3A_939 = arith.addf %add3A_922, %add3A_935 : vector<16xf32>
        %add3A_940 = arith.addf %add3A_938, %add3A_939 : vector<16xf32>
        %add3A_941 = arith.addf %add3A_898, %add3A_911 : vector<16xf32>
        %add3A_942 = arith.addf %add3A_924, %add3A_937 : vector<16xf32>
        %add3A_943 = arith.addf %add3A_941, %add3A_942 : vector<16xf32>
        %xor3A = arith.constant 8 : i32
        %xor3A_944 = vector.broadcast %xor3A : i32 to vector<16xi32>
        %xor3A_945 = arith.xori %iota3A_81, %xor3A_944 : vector<16xi32>
        %broadcast_in_dim3A_946 = vector.shape_cast %xor3A_945 : vector<16xi32> to vector<16x1xi32>
        %gather3A = vector.shape_cast %broadcast_in_dim3A_946 : vector<16x1xi32> to vector<16xi32>
        %gather3A_947 = tpu.dynamic_gather %add3A_940[%gather3A] in [0] : vector<16xf32>, vector<16xi32> -> vector<16xf32>
        %add3A_948 = arith.addf %add3A_940, %gather3A_947 : vector<16xf32>
        %xor3A_949 = arith.constant 4 : i32
        %xor3A_950 = vector.broadcast %xor3A_949 : i32 to vector<16xi32>
        %xor3A_951 = arith.xori %iota3A_81, %xor3A_950 : vector<16xi32>
        %broadcast_in_dim3A_952 = vector.shape_cast %xor3A_951 : vector<16xi32> to vector<16x1xi32>
        %gather3A_953 = vector.shape_cast %broadcast_in_dim3A_952 : vector<16x1xi32> to vector<16xi32>
        %gather3A_954 = tpu.dynamic_gather %add3A_948[%gather3A_953] in [0] : vector<16xf32>, vector<16xi32> -> vector<16xf32>
        %add3A_955 = arith.addf %add3A_948, %gather3A_954 : vector<16xf32>
        %xor3A_956 = arith.constant 2 : i32
        %xor3A_957 = vector.broadcast %xor3A_956 : i32 to vector<16xi32>
        %xor3A_958 = arith.xori %iota3A_81, %xor3A_957 : vector<16xi32>
        %broadcast_in_dim3A_959 = vector.shape_cast %xor3A_958 : vector<16xi32> to vector<16x1xi32>
        %gather3A_960 = vector.shape_cast %broadcast_in_dim3A_959 : vector<16x1xi32> to vector<16xi32>
        %gather3A_961 = tpu.dynamic_gather %add3A_955[%gather3A_960] in [0] : vector<16xf32>, vector<16xi32> -> vector<16xf32>
        %add3A_962 = arith.addf %add3A_955, %gather3A_961 : vector<16xf32>
        %xor3A_963 = arith.constant 1 : i32
        %xor3A_964 = vector.broadcast %xor3A_963 : i32 to vector<16xi32>
        %xor3A_965 = arith.xori %iota3A_81, %xor3A_964 : vector<16xi32>
        %broadcast_in_dim3A_966 = vector.shape_cast %xor3A_965 : vector<16xi32> to vector<16x1xi32>
        %gather3A_967 = vector.shape_cast %broadcast_in_dim3A_966 : vector<16x1xi32> to vector<16xi32>
        %gather3A_968 = tpu.dynamic_gather %add3A_962[%gather3A_967] in [0] : vector<16xf32>, vector<16xi32> -> vector<16xf32>
        %add3A_969 = arith.addf %add3A_962, %gather3A_968 : vector<16xf32>
        %mul3A_970 = arith.constant 9.765625E-4 : f32
        %mul3A_971 = vector.broadcast %mul3A_970 : f32 to vector<16xf32>
        %mul3A_972 = arith.mulf %add3A_969, %mul3A_971 : vector<16xf32>
        %xor3A_973 = arith.constant 8 : i32
        %xor3A_974 = vector.broadcast %xor3A_973 : i32 to vector<16xi32>
        %xor3A_975 = arith.xori %iota3A_81, %xor3A_974 : vector<16xi32>
        %broadcast_in_dim3A_976 = vector.shape_cast %xor3A_975 : vector<16xi32> to vector<16x1xi32>
        %gather3A_977 = vector.shape_cast %broadcast_in_dim3A_976 : vector<16x1xi32> to vector<16xi32>
        %gather3A_978 = tpu.dynamic_gather %add3A_943[%gather3A_977] in [0] : vector<16xf32>, vector<16xi32> -> vector<16xf32>
        %add3A_979 = arith.addf %add3A_943, %gather3A_978 : vector<16xf32>
        %xor3A_980 = arith.constant 4 : i32
        %xor3A_981 = vector.broadcast %xor3A_980 : i32 to vector<16xi32>
        %xor3A_982 = arith.xori %iota3A_81, %xor3A_981 : vector<16xi32>
        %broadcast_in_dim3A_983 = vector.shape_cast %xor3A_982 : vector<16xi32> to vector<16x1xi32>
        %gather3A_984 = vector.shape_cast %broadcast_in_dim3A_983 : vector<16x1xi32> to vector<16xi32>
        %gather3A_985 = tpu.dynamic_gather %add3A_979[%gather3A_984] in [0] : vector<16xf32>, vector<16xi32> -> vector<16xf32>
        %add3A_986 = arith.addf %add3A_979, %gather3A_985 : vector<16xf32>
        %xor3A_987 = arith.constant 2 : i32
        %xor3A_988 = vector.broadcast %xor3A_987 : i32 to vector<16xi32>
        %xor3A_989 = arith.xori %iota3A_81, %xor3A_988 : vector<16xi32>
        %broadcast_in_dim3A_990 = vector.shape_cast %xor3A_989 : vector<16xi32> to vector<16x1xi32>
        %gather3A_991 = vector.shape_cast %broadcast_in_dim3A_990 : vector<16x1xi32> to vector<16xi32>
        %gather3A_992 = tpu.dynamic_gather %add3A_986[%gather3A_991] in [0] : vector<16xf32>, vector<16xi32> -> vector<16xf32>
        %add3A_993 = arith.addf %add3A_986, %gather3A_992 : vector<16xf32>
        %xor3A_994 = arith.constant 1 : i32
        %xor3A_995 = vector.broadcast %xor3A_994 : i32 to vector<16xi32>
        %xor3A_996 = arith.xori %iota3A_81, %xor3A_995 : vector<16xi32>
        %broadcast_in_dim3A_997 = vector.shape_cast %xor3A_996 : vector<16xi32> to vector<16x1xi32>
        %gather3A_998 = vector.shape_cast %broadcast_in_dim3A_997 : vector<16x1xi32> to vector<16xi32>
        %gather3A_999 = tpu.dynamic_gather %add3A_993[%gather3A_998] in [0] : vector<16xf32>, vector<16xi32> -> vector<16xf32>
        %add3A_1000 = arith.addf %add3A_993, %gather3A_999 : vector<16xf32>
        %mul3A_1001 = arith.constant 9.765625E-4 : f32
        %mul3A_1002 = vector.broadcast %mul3A_1001 : f32 to vector<16xf32>
        %mul3A_1003 = arith.mulf %add3A_1000, %mul3A_1002 : vector<16xf32>
        %mul3A_1004 = arith.mulf %mul3A_972, %mul3A_972 : vector<16xf32>
        %sub3A = arith.subf %mul3A_1003, %mul3A_1004 : vector<16xf32>
        %add3A_1005 = arith.constant 9.99999996E-13 : f32
        %add3A_1006 = vector.broadcast %add3A_1005 : f32 to vector<16xf32>
        %add3A_1007 = arith.addf %sub3A, %add3A_1006 : vector<16xf32>
        %bitcast3A = vector.bitcast %add3A_1007 : vector<16xf32> to vector<16xi32>
        %broadcast_in_dim3A_1008 = arith.constant 1597463007 : i32
        %broadcast_in_dim3A_1009 = vector.broadcast %broadcast_in_dim3A_1008 : i32 to vector<16xi32>
        %shift_right_arithmetic3A = arith.constant 1 : i32
        %shift_right_arithmetic3A_1010 = vector.broadcast %shift_right_arithmetic3A : i32 to vector<16xi32>
        %shift_right_arithmetic3A_1011 = arith.shrsi %bitcast3A, %shift_right_arithmetic3A_1010 : vector<16xi32>
        %sub3A_1012 = arith.subi %broadcast_in_dim3A_1009, %shift_right_arithmetic3A_1011 : vector<16xi32>
        %bitcast3A_1013 = vector.bitcast %sub3A_1012 : vector<16xi32> to vector<16xf32>
        %mul3A_1014 = arith.constant 5.000000e-01 : f32
        %mul3A_1015 = vector.broadcast %mul3A_1014 : f32 to vector<16xf32>
        %mul3A_1016 = arith.mulf %mul3A_1015, %add3A_1007 : vector<16xf32>
        %mul3A_1017 = arith.mulf %mul3A_1016, %bitcast3A_1013 : vector<16xf32>
        %mul3A_1018 = arith.mulf %mul3A_1017, %bitcast3A_1013 : vector<16xf32>
        %sub3A_1019 = arith.constant 1.500000e+00 : f32
        %sub3A_1020 = vector.broadcast %sub3A_1019 : f32 to vector<16xf32>
        %sub3A_1021 = arith.subf %sub3A_1020, %mul3A_1018 : vector<16xf32>
        %mul3A_1022 = arith.mulf %bitcast3A_1013, %sub3A_1021 : vector<16xf32>
        %mul3A_1023 = arith.constant 5.000000e-01 : f32
        %mul3A_1024 = vector.broadcast %mul3A_1023 : f32 to vector<16xf32>
        %mul3A_1025 = arith.mulf %mul3A_1024, %add3A_1007 : vector<16xf32>
        %mul3A_1026 = arith.mulf %mul3A_1025, %mul3A_1022 : vector<16xf32>
        %mul3A_1027 = arith.mulf %mul3A_1026, %mul3A_1022 : vector<16xf32>
        %sub3A_1028 = arith.constant 1.500000e+00 : f32
        %sub3A_1029 = vector.broadcast %sub3A_1028 : f32 to vector<16xf32>
        %sub3A_1030 = arith.subf %sub3A_1029, %mul3A_1027 : vector<16xf32>
        %mul3A_1031 = arith.mulf %mul3A_1022, %sub3A_1030 : vector<16xf32>
        %mul3A_1032 = arith.constant 5.000000e-01 : f32
        %mul3A_1033 = vector.broadcast %mul3A_1032 : f32 to vector<16xf32>
        %mul3A_1034 = arith.mulf %mul3A_1033, %add3A_1007 : vector<16xf32>
        %mul3A_1035 = arith.mulf %mul3A_1034, %mul3A_1031 : vector<16xf32>
        %mul3A_1036 = arith.mulf %mul3A_1035, %mul3A_1031 : vector<16xf32>
        %sub3A_1037 = arith.constant 1.500000e+00 : f32
        %sub3A_1038 = vector.broadcast %sub3A_1037 : f32 to vector<16xf32>
        %sub3A_1039 = arith.subf %sub3A_1038, %mul3A_1036 : vector<16xf32>
        %mul3A_1040 = arith.mulf %mul3A_1031, %sub3A_1039 : vector<16xf32>
        %get3A_1041 = arith.index_cast %scan3A_92 : i32 to index
        %get3A_1042 = arith.constant 0 : index
        %get3A_1043 = tpu.vector_load %arg10[%get3A_1041, %get3A_1042] {strides = array<i32>} : memref<16x1024xf32, #tpu.memory_space<vmem>>, vector<16xf32>,
        %sub3A_1044 = arith.subf %get3A_1043, %mul3A_972 : vector<16xf32>
        %mul3A_1045 = arith.mulf %sub3A_1044, %mul3A_1040 : vector<16xf32>
        %get3A_1046 = arith.constant 0 : index
        %get3A_1047 = tpu.vector_load %arg13[%get3A_1046] {strides = array<i32>} : memref<1024xf32, #tpu.memory_space<vmem>>, vector<16xf32>,
        %mul3A_1048 = arith.mulf %mul3A_1045, %get3A_1047 : vector<16xf32>
        %get3A_1049 = arith.constant 0 : index
        %get3A_1050 = tpu.vector_load %arg14[%get3A_1049] {strides = array<i32>} : memref<1024xf32, #tpu.memory_space<vmem>>, vector<16xf32>,
        %add3A_1051 = arith.addf %mul3A_1048, %get3A_1050 : vector<16xf32>
        %swap3A_1052 = arith.index_cast %scan3A_92 : i32 to index
        %swap3A_1053 = arith.constant 0 : index
        %swap3A_1054 = tpu.vector_load %arg10[%swap3A_1052, %swap3A_1053] {strides = array<i32>} : memref<16x1024xf32, #tpu.memory_space<vmem>>, vector<16xf32>,
        tpu.vector_store %arg10[%swap3A_1052, %swap3A_1053], %add3A_1051 {strides = array<i32>} : memref<16x1024xf32, #tpu.memory_space<vmem>>, vector<16xf32>,
        %get3A_1055 = arith.index_cast %scan3A_92 : i32 to index
        %get3A_1056 = arith.constant 16 : index
        %get3A_1057 = tpu.vector_load %arg10[%get3A_1055, %get3A_1056] {strides = array<i32>} : memref<16x1024xf32, #tpu.memory_space<vmem>>, vector<16xf32>,
        %sub3A_1058 = arith.subf %get3A_1057, %mul3A_972 : vector<16xf32>
        %mul3A_1059 = arith.mulf %sub3A_1058, %mul3A_1040 : vector<16xf32>
        %get3A_1060 = arith.constant 16 : index
        %get3A_1061 = tpu.vector_load %arg13[%get3A_1060] {strides = array<i32>} : memref<1024xf32, #tpu.memory_space<vmem>>, vector<16xf32>,
        %mul3A_1062 = arith.mulf %mul3A_1059, %get3A_1061 : vector<16xf32>
        %get3A_1063 = arith.constant 16 : index
        %get3A_1064 = tpu.vector_load %arg14[%get3A_1063] {strides = array<i32>} : memref<1024xf32, #tpu.memory_space<vmem>>, vector<16xf32>,
        %add3A_1065 = arith.addf %mul3A_1062, %get3A_1064 : vector<16xf32>
        %swap3A_1066 = arith.index_cast %scan3A_92 : i32 to index
        %swap3A_1067 = arith.constant 16 : index
        %swap3A_1068 = tpu.vector_load %arg10[%swap3A_1066, %swap3A_1067] {strides = array<i32>} : memref<16x1024xf32, #tpu.memory_space<vmem>>, vector<16xf32>,
        tpu.vector_store %arg10[%swap3A_1066, %swap3A_1067], %add3A_1065 {strides = array<i32>} : memref<16x1024xf32, #tpu.memory_space<vmem>>, vector<16xf32>,
        %get3A_1069 = arith.index_cast %scan3A_92 : i32 to index
        %get3A_1070 = arith.constant 32 : index
        %get3A_1071 = tpu.vector_load %arg10[%get3A_1069, %get3A_1070] {strides = array<i32>} : memref<16x1024xf32, #tpu.memory_space<vmem>>, vector<16xf32>,
        %sub3A_1072 = arith.subf %get3A_1071, %mul3A_972 : vector<16xf32>
        %mul3A_1073 = arith.mulf %sub3A_1072, %mul3A_1040 : vector<16xf32>
        %get3A_1074 = arith.constant 32 : index
        %get3A_1075 = tpu.vector_load %arg13[%get3A_1074] {strides = array<i32>} : memref<1024xf32, #tpu.memory_space<vmem>>, vector<16xf32>,
        %mul3A_1076 = arith.mulf %mul3A_1073, %get3A_1075 : vector<16xf32>
        %get3A_1077 = arith.constant 32 : index
        %get3A_1078 = tpu.vector_load %arg14[%get3A_1077] {strides = array<i32>} : memref<1024xf32, #tpu.memory_space<vmem>>, vector<16xf32>,
        %add3A_1079 = arith.addf %mul3A_1076, %get3A_1078 : vector<16xf32>
        %swap3A_1080 = arith.index_cast %scan3A_92 : i32 to index
        %swap3A_1081 = arith.constant 32 : index
        %swap3A_1082 = tpu.vector_load %arg10[%swap3A_1080, %swap3A_1081] {strides = array<i32>} : memref<16x1024xf32, #tpu.memory_space<vmem>>, vector<16xf32>,
        tpu.vector_store %arg10[%swap3A_1080, %swap3A_1081], %add3A_1079 {strides = array<i32>} : memref<16x1024xf32, #tpu.memory_space<vmem>>, vector<16xf32>,
        %get3A_1083 = arith.index_cast %scan3A_92 : i32 to index
        %get3A_1084 = arith.constant 48 : index
        %get3A_1085 = tpu.vector_load %arg10[%get3A_1083, %get3A_1084] {strides = array<i32>} : memref<16x1024xf32, #tpu.memory_space<vmem>>, vector<16xf32>,
        %sub3A_1086 = arith.subf %get3A_1085, %mul3A_972 : vector<16xf32>
        %mul3A_1087 = arith.mulf %sub3A_1086, %mul3A_1040 : vector<16xf32>
        %get3A_1088 = arith.constant 48 : index
        %get3A_1089 = tpu.vector_load %arg13[%get3A_1088] {strides = array<i32>} : memref<1024xf32, #tpu.memory_space<vmem>>, vector<16xf32>,
        %mul3A_1090 = arith.mulf %mul3A_1087, %get3A_1089 : vector<16xf32>
        %get3A_1091 = arith.constant 48 : index
        %get3A_1092 = tpu.vector_load %arg14[%get3A_1091] {strides = array<i32>} : memref<1024xf32, #tpu.memory_space<vmem>>, vector<16xf32>,
        %add3A_1093 = arith.addf %mul3A_1090, %get3A_1092 : vector<16xf32>
        %swap3A_1094 = arith.index_cast %scan3A_92 : i32 to index
        %swap3A_1095 = arith.constant 48 : index
        %swap3A_1096 = tpu.vector_load %arg10[%swap3A_1094, %swap3A_1095] {strides = array<i32>} : memref<16x1024xf32, #tpu.memory_space<vmem>>, vector<16xf32>,
        tpu.vector_store %arg10[%swap3A_1094, %swap3A_1095], %add3A_1093 {strides = array<i32>} : memref<16x1024xf32, #tpu.memory_space<vmem>>, vector<16xf32>,
        %get3A_1097 = arith.index_cast %scan3A_92 : i32 to index
        %get3A_1098 = arith.constant 64 : index
        %get3A_1099 = tpu.vector_load %arg10[%get3A_1097, %get3A_1098] {strides = array<i32>} : memref<16x1024xf32, #tpu.memory_space<vmem>>, vector<16xf32>,
        %sub3A_1100 = arith.subf %get3A_1099, %mul3A_972 : vector<16xf32>
        %mul3A_1101 = arith.mulf %sub3A_1100, %mul3A_1040 : vector<16xf32>
        %get3A_1102 = arith.constant 64 : index
        %get3A_1103 = tpu.vector_load %arg13[%get3A_1102] {strides = array<i32>} : memref<1024xf32, #tpu.memory_space<vmem>>, vector<16xf32>,
        %mul3A_1104 = arith.mulf %mul3A_1101, %get3A_1103 : vector<16xf32>
        %get3A_1105 = arith.constant 64 : index
        %get3A_1106 = tpu.vector_load %arg14[%get3A_1105] {strides = array<i32>} : memref<1024xf32, #tpu.memory_space<vmem>>, vector<16xf32>,
        %add3A_1107 = arith.addf %mul3A_1104, %get3A_1106 : vector<16xf32>
        %swap3A_1108 = arith.index_cast %scan3A_92 : i32 to index
        %swap3A_1109 = arith.constant 64 : index
        %swap3A_1110 = tpu.vector_load %arg10[%swap3A_1108, %swap3A_1109] {strides = array<i32>} : memref<16x1024xf32, #tpu.memory_space<vmem>>, vector<16xf32>,
        tpu.vector_store %arg10[%swap3A_1108, %swap3A_1109], %add3A_1107 {strides = array<i32>} : memref<16x1024xf32, #tpu.memory_space<vmem>>, vector<16xf32>,
        %get3A_1111 = arith.index_cast %scan3A_92 : i32 to index
        %get3A_1112 = arith.constant 80 : index
        %get3A_1113 = tpu.vector_load %arg10[%get3A_1111, %get3A_1112] {strides = array<i32>} : memref<16x1024xf32, #tpu.memory_space<vmem>>, vector<16xf32>,
        %sub3A_1114 = arith.subf %get3A_1113, %mul3A_972 : vector<16xf32>
        %mul3A_1115 = arith.mulf %sub3A_1114, %mul3A_1040 : vector<16xf32>
        %get3A_1116 = arith.constant 80 : index
        %get3A_1117 = tpu.vector_load %arg13[%get3A_1116] {strides = array<i32>} : memref<1024xf32, #tpu.memory_space<vmem>>, vector<16xf32>,
        %mul3A_1118 = arith.mulf %mul3A_1115, %get3A_1117 : vector<16xf32>
        %get3A_1119 = arith.constant 80 : index
        %get3A_1120 = tpu.vector_load %arg14[%get3A_1119] {strides = array<i32>} : memref<1024xf32, #tpu.memory_space<vmem>>, vector<16xf32>,
        %add3A_1121 = arith.addf %mul3A_1118, %get3A_1120 : vector<16xf32>
        %swap3A_1122 = arith.index_cast %scan3A_92 : i32 to index
        %swap3A_1123 = arith.constant 80 : index
        %swap3A_1124 = tpu.vector_load %arg10[%swap3A_1122, %swap3A_1123] {strides = array<i32>} : memref<16x1024xf32, #tpu.memory_space<vmem>>, vector<16xf32>,
        tpu.vector_store %arg10[%swap3A_1122, %swap3A_1123], %add3A_1121 {strides = array<i32>} : memref<16x1024xf32, #tpu.memory_space<vmem>>, vector<16xf32>,
        %get3A_1125 = arith.index_cast %scan3A_92 : i32 to index
        %get3A_1126 = arith.constant 96 : index
        %get3A_1127 = tpu.vector_load %arg10[%get3A_1125, %get3A_1126] {strides = array<i32>} : memref<16x1024xf32, #tpu.memory_space<vmem>>, vector<16xf32>,
        %sub3A_1128 = arith.subf %get3A_1127, %mul3A_972 : vector<16xf32>
        %mul3A_1129 = arith.mulf %sub3A_1128, %mul3A_1040 : vector<16xf32>
        %get3A_1130 = arith.constant 96 : index
        %get3A_1131 = tpu.vector_load %arg13[%get3A_1130] {strides = array<i32>} : memref<1024xf32, #tpu.memory_space<vmem>>, vector<16xf32>,
        %mul3A_1132 = arith.mulf %mul3A_1129, %get3A_1131 : vector<16xf32>
        %get3A_1133 = arith.constant 96 : index
        %get3A_1134 = tpu.vector_load %arg14[%get3A_1133] {strides = array<i32>} : memref<1024xf32, #tpu.memory_space<vmem>>, vector<16xf32>,
        %add3A_1135 = arith.addf %mul3A_1132, %get3A_1134 : vector<16xf32>
        %swap3A_1136 = arith.index_cast %scan3A_92 : i32 to index
        %swap3A_1137 = arith.constant 96 : index
        %swap3A_1138 = tpu.vector_load %arg10[%swap3A_1136, %swap3A_1137] {strides = array<i32>} : memref<16x1024xf32, #tpu.memory_space<vmem>>, vector<16xf32>,
        tpu.vector_store %arg10[%swap3A_1136, %swap3A_1137], %add3A_1135 {strides = array<i32>} : memref<16x1024xf32, #tpu.memory_space<vmem>>, vector<16xf32>,
        %get3A_1139 = arith.index_cast %scan3A_92 : i32 to index
        %get3A_1140 = arith.constant 112 : index
        %get3A_1141 = tpu.vector_load %arg10[%get3A_1139, %get3A_1140] {strides = array<i32>} : memref<16x1024xf32, #tpu.memory_space<vmem>>, vector<16xf32>,
        %sub3A_1142 = arith.subf %get3A_1141, %mul3A_972 : vector<16xf32>
        %mul3A_1143 = arith.mulf %sub3A_1142, %mul3A_1040 : vector<16xf32>
        %get3A_1144 = arith.constant 112 : index
        %get3A_1145 = tpu.vector_load %arg13[%get3A_1144] {strides = array<i32>} : memref<1024xf32, #tpu.memory_space<vmem>>, vector<16xf32>,
        %mul3A_1146 = arith.mulf %mul3A_1143, %get3A_1145 : vector<16xf32>
        %get3A_1147 = arith.constant 112 : index
        %get3A_1148 = tpu.vector_load %arg14[%get3A_1147] {strides = array<i32>} : memref<1024xf32, #tpu.memory_space<vmem>>, vector<16xf32>,
        %add3A_1149 = arith.addf %mul3A_1146, %get3A_1148 : vector<16xf32>
        %swap3A_1150 = arith.index_cast %scan3A_92 : i32 to index
        %swap3A_1151 = arith.constant 112 : index
        %swap3A_1152 = tpu.vector_load %arg10[%swap3A_1150, %swap3A_1151] {strides = array<i32>} : memref<16x1024xf32, #tpu.memory_space<vmem>>, vector<16xf32>,
        tpu.vector_store %arg10[%swap3A_1150, %swap3A_1151], %add3A_1149 {strides = array<i32>} : memref<16x1024xf32, #tpu.memory_space<vmem>>, vector<16xf32>,
        %get3A_1153 = arith.index_cast %scan3A_92 : i32 to index
        %get3A_1154 = arith.constant 128 : index
        %get3A_1155 = tpu.vector_load %arg10[%get3A_1153, %get3A_1154] {strides = array<i32>} : memref<16x1024xf32, #tpu.memory_space<vmem>>, vector<16xf32>,
        %sub3A_1156 = arith.subf %get3A_1155, %mul3A_972 : vector<16xf32>
        %mul3A_1157 = arith.mulf %sub3A_1156, %mul3A_1040 : vector<16xf32>
        %get3A_1158 = arith.constant 128 : index
        %get3A_1159 = tpu.vector_load %arg13[%get3A_1158] {strides = array<i32>} : memref<1024xf32, #tpu.memory_space<vmem>>, vector<16xf32>,
        %mul3A_1160 = arith.mulf %mul3A_1157, %get3A_1159 : vector<16xf32>
        %get3A_1161 = arith.constant 128 : index
        %get3A_1162 = tpu.vector_load %arg14[%get3A_1161] {strides = array<i32>} : memref<1024xf32, #tpu.memory_space<vmem>>, vector<16xf32>,
        %add3A_1163 = arith.addf %mul3A_1160, %get3A_1162 : vector<16xf32>
        %swap3A_1164 = arith.index_cast %scan3A_92 : i32 to index
        %swap3A_1165 = arith.constant 128 : index
        %swap3A_1166 = tpu.vector_load %arg10[%swap3A_1164, %swap3A_1165] {strides = array<i32>} : memref<16x1024xf32, #tpu.memory_space<vmem>>, vector<16xf32>,
        tpu.vector_store %arg10[%swap3A_1164, %swap3A_1165], %add3A_1163 {strides = array<i32>} : memref<16x1024xf32, #tpu.memory_space<vmem>>, vector<16xf32>,
        %get3A_1167 = arith.index_cast %scan3A_92 : i32 to index
        %get3A_1168 = arith.constant 144 : index
        %get3A_1169 = tpu.vector_load %arg10[%get3A_1167, %get3A_1168] {strides = array<i32>} : memref<16x1024xf32, #tpu.memory_space<vmem>>, vector<16xf32>,
        %sub3A_1170 = arith.subf %get3A_1169, %mul3A_972 : vector<16xf32>
        %mul3A_1171 = arith.mulf %sub3A_1170, %mul3A_1040 : vector<16xf32>
        %get3A_1172 = arith.constant 144 : index
        %get3A_1173 = tpu.vector_load %arg13[%get3A_1172] {strides = array<i32>} : memref<1024xf32, #tpu.memory_space<vmem>>, vector<16xf32>,
        %mul3A_1174 = arith.mulf %mul3A_1171, %get3A_1173 : vector<16xf32>
        %get3A_1175 = arith.constant 144 : index
        %get3A_1176 = tpu.vector_load %arg14[%get3A_1175] {strides = array<i32>} : memref<1024xf32, #tpu.memory_space<vmem>>, vector<16xf32>,
        %add3A_1177 = arith.addf %mul3A_1174, %get3A_1176 : vector<16xf32>
        %swap3A_1178 = arith.index_cast %scan3A_92 : i32 to index
        %swap3A_1179 = arith.constant 144 : index
        %swap3A_1180 = tpu.vector_load %arg10[%swap3A_1178, %swap3A_1179] {strides = array<i32>} : memref<16x1024xf32, #tpu.memory_space<vmem>>, vector<16xf32>,
        tpu.vector_store %arg10[%swap3A_1178, %swap3A_1179], %add3A_1177 {strides = array<i32>} : memref<16x1024xf32, #tpu.memory_space<vmem>>, vector<16xf32>,
        %get3A_1181 = arith.index_cast %scan3A_92 : i32 to index
        %get3A_1182 = arith.constant 160 : index
        %get3A_1183 = tpu.vector_load %arg10[%get3A_1181, %get3A_1182] {strides = array<i32>} : memref<16x1024xf32, #tpu.memory_space<vmem>>, vector<16xf32>,
        %sub3A_1184 = arith.subf %get3A_1183, %mul3A_972 : vector<16xf32>
        %mul3A_1185 = arith.mulf %sub3A_1184, %mul3A_1040 : vector<16xf32>
        %get3A_1186 = arith.constant 160 : index
        %get3A_1187 = tpu.vector_load %arg13[%get3A_1186] {strides = array<i32>} : memref<1024xf32, #tpu.memory_space<vmem>>, vector<16xf32>,
        %mul3A_1188 = arith.mulf %mul3A_1185, %get3A_1187 : vector<16xf32>
        %get3A_1189 = arith.constant 160 : index
        %get3A_1190 = tpu.vector_load %arg14[%get3A_1189] {strides = array<i32>} : memref<1024xf32, #tpu.memory_space<vmem>>, vector<16xf32>,
        %add3A_1191 = arith.addf %mul3A_1188, %get3A_1190 : vector<16xf32>
        %swap3A_1192 = arith.index_cast %scan3A_92 : i32 to index
        %swap3A_1193 = arith.constant 160 : index
        %swap3A_1194 = tpu.vector_load %arg10[%swap3A_1192, %swap3A_1193] {strides = array<i32>} : memref<16x1024xf32, #tpu.memory_space<vmem>>, vector<16xf32>,
        tpu.vector_store %arg10[%swap3A_1192, %swap3A_1193], %add3A_1191 {strides = array<i32>} : memref<16x1024xf32, #tpu.memory_space<vmem>>, vector<16xf32>,
        %get3A_1195 = arith.index_cast %scan3A_92 : i32 to index
        %get3A_1196 = arith.constant 176 : index
        %get3A_1197 = tpu.vector_load %arg10[%get3A_1195, %get3A_1196] {strides = array<i32>} : memref<16x1024xf32, #tpu.memory_space<vmem>>, vector<16xf32>,
        %sub3A_1198 = arith.subf %get3A_1197, %mul3A_972 : vector<16xf32>
        %mul3A_1199 = arith.mulf %sub3A_1198, %mul3A_1040 : vector<16xf32>
        %get3A_1200 = arith.constant 176 : index
        %get3A_1201 = tpu.vector_load %arg13[%get3A_1200] {strides = array<i32>} : memref<1024xf32, #tpu.memory_space<vmem>>, vector<16xf32>,
        %mul3A_1202 = arith.mulf %mul3A_1199, %get3A_1201 : vector<16xf32>
        %get3A_1203 = arith.constant 176 : index
        %get3A_1204 = tpu.vector_load %arg14[%get3A_1203] {strides = array<i32>} : memref<1024xf32, #tpu.memory_space<vmem>>, vector<16xf32>,
        %add3A_1205 = arith.addf %mul3A_1202, %get3A_1204 : vector<16xf32>
        %swap3A_1206 = arith.index_cast %scan3A_92 : i32 to index
        %swap3A_1207 = arith.constant 176 : index
        %swap3A_1208 = tpu.vector_load %arg10[%swap3A_1206, %swap3A_1207] {strides = array<i32>} : memref<16x1024xf32, #tpu.memory_space<vmem>>, vector<16xf32>,
        tpu.vector_store %arg10[%swap3A_1206, %swap3A_1207], %add3A_1205 {strides = array<i32>} : memref<16x1024xf32, #tpu.memory_space<vmem>>, vector<16xf32>,
        %get3A_1209 = arith.index_cast %scan3A_92 : i32 to index
        %get3A_1210 = arith.constant 192 : index
        %get3A_1211 = tpu.vector_load %arg10[%get3A_1209, %get3A_1210] {strides = array<i32>} : memref<16x1024xf32, #tpu.memory_space<vmem>>, vector<16xf32>,
        %sub3A_1212 = arith.subf %get3A_1211, %mul3A_972 : vector<16xf32>
        %mul3A_1213 = arith.mulf %sub3A_1212, %mul3A_1040 : vector<16xf32>
        %get3A_1214 = arith.constant 192 : index
        %get3A_1215 = tpu.vector_load %arg13[%get3A_1214] {strides = array<i32>} : memref<1024xf32, #tpu.memory_space<vmem>>, vector<16xf32>,
        %mul3A_1216 = arith.mulf %mul3A_1213, %get3A_1215 : vector<16xf32>
        %get3A_1217 = arith.constant 192 : index
        %get3A_1218 = tpu.vector_load %arg14[%get3A_1217] {strides = array<i32>} : memref<1024xf32, #tpu.memory_space<vmem>>, vector<16xf32>,
        %add3A_1219 = arith.addf %mul3A_1216, %get3A_1218 : vector<16xf32>
        %swap3A_1220 = arith.index_cast %scan3A_92 : i32 to index
        %swap3A_1221 = arith.constant 192 : index
        %swap3A_1222 = tpu.vector_load %arg10[%swap3A_1220, %swap3A_1221] {strides = array<i32>} : memref<16x1024xf32, #tpu.memory_space<vmem>>, vector<16xf32>,
        tpu.vector_store %arg10[%swap3A_1220, %swap3A_1221], %add3A_1219 {strides = array<i32>} : memref<16x1024xf32, #tpu.memory_space<vmem>>, vector<16xf32>,
        %get3A_1223 = arith.index_cast %scan3A_92 : i32 to index
        %get3A_1224 = arith.constant 208 : index
        %get3A_1225 = tpu.vector_load %arg10[%get3A_1223, %get3A_1224] {strides = array<i32>} : memref<16x1024xf32, #tpu.memory_space<vmem>>, vector<16xf32>,
        %sub3A_1226 = arith.subf %get3A_1225, %mul3A_972 : vector<16xf32>
        %mul3A_1227 = arith.mulf %sub3A_1226, %mul3A_1040 : vector<16xf32>
        %get3A_1228 = arith.constant 208 : index
        %get3A_1229 = tpu.vector_load %arg13[%get3A_1228] {strides = array<i32>} : memref<1024xf32, #tpu.memory_space<vmem>>, vector<16xf32>,
        %mul3A_1230 = arith.mulf %mul3A_1227, %get3A_1229 : vector<16xf32>
        %get3A_1231 = arith.constant 208 : index
        %get3A_1232 = tpu.vector_load %arg14[%get3A_1231] {strides = array<i32>} : memref<1024xf32, #tpu.memory_space<vmem>>, vector<16xf32>,
        %add3A_1233 = arith.addf %mul3A_1230, %get3A_1232 : vector<16xf32>
        %swap3A_1234 = arith.index_cast %scan3A_92 : i32 to index
        %swap3A_1235 = arith.constant 208 : index
        %swap3A_1236 = tpu.vector_load %arg10[%swap3A_1234, %swap3A_1235] {strides = array<i32>} : memref<16x1024xf32, #tpu.memory_space<vmem>>, vector<16xf32>,
        tpu.vector_store %arg10[%swap3A_1234, %swap3A_1235], %add3A_1233 {strides = array<i32>} : memref<16x1024xf32, #tpu.memory_space<vmem>>, vector<16xf32>,
        %get3A_1237 = arith.index_cast %scan3A_92 : i32 to index
        %get3A_1238 = arith.constant 224 : index
        %get3A_1239 = tpu.vector_load %arg10[%get3A_1237, %get3A_1238] {strides = array<i32>} : memref<16x1024xf32, #tpu.memory_space<vmem>>, vector<16xf32>,
        %sub3A_1240 = arith.subf %get3A_1239, %mul3A_972 : vector<16xf32>
        %mul3A_1241 = arith.mulf %sub3A_1240, %mul3A_1040 : vector<16xf32>
        %get3A_1242 = arith.constant 224 : index
        %get3A_1243 = tpu.vector_load %arg13[%get3A_1242] {strides = array<i32>} : memref<1024xf32, #tpu.memory_space<vmem>>, vector<16xf32>,
        %mul3A_1244 = arith.mulf %mul3A_1241, %get3A_1243 : vector<16xf32>
        %get3A_1245 = arith.constant 224 : index
        %get3A_1246 = tpu.vector_load %arg14[%get3A_1245] {strides = array<i32>} : memref<1024xf32, #tpu.memory_space<vmem>>, vector<16xf32>,
        %add3A_1247 = arith.addf %mul3A_1244, %get3A_1246 : vector<16xf32>
        %swap3A_1248 = arith.index_cast %scan3A_92 : i32 to index
        %swap3A_1249 = arith.constant 224 : index
        %swap3A_1250 = tpu.vector_load %arg10[%swap3A_1248, %swap3A_1249] {strides = array<i32>} : memref<16x1024xf32, #tpu.memory_space<vmem>>, vector<16xf32>,
        tpu.vector_store %arg10[%swap3A_1248, %swap3A_1249], %add3A_1247 {strides = array<i32>} : memref<16x1024xf32, #tpu.memory_space<vmem>>, vector<16xf32>,
        %get3A_1251 = arith.index_cast %scan3A_92 : i32 to index
        %get3A_1252 = arith.constant 240 : index
        %get3A_1253 = tpu.vector_load %arg10[%get3A_1251, %get3A_1252] {strides = array<i32>} : memref<16x1024xf32, #tpu.memory_space<vmem>>, vector<16xf32>,
        %sub3A_1254 = arith.subf %get3A_1253, %mul3A_972 : vector<16xf32>
        %mul3A_1255 = arith.mulf %sub3A_1254, %mul3A_1040 : vector<16xf32>
        %get3A_1256 = arith.constant 240 : index
        %get3A_1257 = tpu.vector_load %arg13[%get3A_1256] {strides = array<i32>} : memref<1024xf32, #tpu.memory_space<vmem>>, vector<16xf32>,
        %mul3A_1258 = arith.mulf %mul3A_1255, %get3A_1257 : vector<16xf32>
        %get3A_1259 = arith.constant 240 : index
        %get3A_1260 = tpu.vector_load %arg14[%get3A_1259] {strides = array<i32>} : memref<1024xf32, #tpu.memory_space<vmem>>, vector<16xf32>,
        %add3A_1261 = arith.addf %mul3A_1258, %get3A_1260 : vector<16xf32>
        %swap3A_1262 = arith.index_cast %scan3A_92 : i32 to index
        %swap3A_1263 = arith.constant 240 : index
        %swap3A_1264 = tpu.vector_load %arg10[%swap3A_1262, %swap3A_1263] {strides = array<i32>} : memref<16x1024xf32, #tpu.memory_space<vmem>>, vector<16xf32>,
        tpu.vector_store %arg10[%swap3A_1262, %swap3A_1263], %add3A_1261 {strides = array<i32>} : memref<16x1024xf32, #tpu.memory_space<vmem>>, vector<16xf32>,
        %get3A_1265 = arith.index_cast %scan3A_92 : i32 to index
        %get3A_1266 = arith.constant 256 : index
        %get3A_1267 = tpu.vector_load %arg10[%get3A_1265, %get3A_1266] {strides = array<i32>} : memref<16x1024xf32, #tpu.memory_space<vmem>>, vector<16xf32>,
        %sub3A_1268 = arith.subf %get3A_1267, %mul3A_972 : vector<16xf32>
        %mul3A_1269 = arith.mulf %sub3A_1268, %mul3A_1040 : vector<16xf32>
        %get3A_1270 = arith.constant 256 : index
        %get3A_1271 = tpu.vector_load %arg13[%get3A_1270] {strides = array<i32>} : memref<1024xf32, #tpu.memory_space<vmem>>, vector<16xf32>,
        %mul3A_1272 = arith.mulf %mul3A_1269, %get3A_1271 : vector<16xf32>
        %get3A_1273 = arith.constant 256 : index
        %get3A_1274 = tpu.vector_load %arg14[%get3A_1273] {strides = array<i32>} : memref<1024xf32, #tpu.memory_space<vmem>>, vector<16xf32>,
        %add3A_1275 = arith.addf %mul3A_1272, %get3A_1274 : vector<16xf32>
        %swap3A_1276 = arith.index_cast %scan3A_92 : i32 to index
        %swap3A_1277 = arith.constant 256 : index
        %swap3A_1278 = tpu.vector_load %arg10[%swap3A_1276, %swap3A_1277] {strides = array<i32>} : memref<16x1024xf32, #tpu.memory_space<vmem>>, vector<16xf32>,
        tpu.vector_store %arg10[%swap3A_1276, %swap3A_1277], %add3A_1275 {strides = array<i32>} : memref<16x1024xf32, #tpu.memory_space<vmem>>, vector<16xf32>,
        %get3A_1279 = arith.index_cast %scan3A_92 : i32 to index
        %get3A_1280 = arith.constant 272 : index
        %get3A_1281 = tpu.vector_load %arg10[%get3A_1279, %get3A_1280] {strides = array<i32>} : memref<16x1024xf32, #tpu.memory_space<vmem>>, vector<16xf32>,
        %sub3A_1282 = arith.subf %get3A_1281, %mul3A_972 : vector<16xf32>
        %mul3A_1283 = arith.mulf %sub3A_1282, %mul3A_1040 : vector<16xf32>
        %get3A_1284 = arith.constant 272 : index
        %get3A_1285 = tpu.vector_load %arg13[%get3A_1284] {strides = array<i32>} : memref<1024xf32, #tpu.memory_space<vmem>>, vector<16xf32>,
        %mul3A_1286 = arith.mulf %mul3A_1283, %get3A_1285 : vector<16xf32>
        %get3A_1287 = arith.constant 272 : index
        %get3A_1288 = tpu.vector_load %arg14[%get3A_1287] {strides = array<i32>} : memref<1024xf32, #tpu.memory_space<vmem>>, vector<16xf32>,
        %add3A_1289 = arith.addf %mul3A_1286, %get3A_1288 : vector<16xf32>
        %swap3A_1290 = arith.index_cast %scan3A_92 : i32 to index
        %swap3A_1291 = arith.constant 272 : index
        %swap3A_1292 = tpu.vector_load %arg10[%swap3A_1290, %swap3A_1291] {strides = array<i32>} : memref<16x1024xf32, #tpu.memory_space<vmem>>, vector<16xf32>,
        tpu.vector_store %arg10[%swap3A_1290, %swap3A_1291], %add3A_1289 {strides = array<i32>} : memref<16x1024xf32, #tpu.memory_space<vmem>>, vector<16xf32>,
        %get3A_1293 = arith.index_cast %scan3A_92 : i32 to index
        %get3A_1294 = arith.constant 288 : index
        %get3A_1295 = tpu.vector_load %arg10[%get3A_1293, %get3A_1294] {strides = array<i32>} : memref<16x1024xf32, #tpu.memory_space<vmem>>, vector<16xf32>,
        %sub3A_1296 = arith.subf %get3A_1295, %mul3A_972 : vector<16xf32>
        %mul3A_1297 = arith.mulf %sub3A_1296, %mul3A_1040 : vector<16xf32>
        %get3A_1298 = arith.constant 288 : index
        %get3A_1299 = tpu.vector_load %arg13[%get3A_1298] {strides = array<i32>} : memref<1024xf32, #tpu.memory_space<vmem>>, vector<16xf32>,
        %mul3A_1300 = arith.mulf %mul3A_1297, %get3A_1299 : vector<16xf32>
        %get3A_1301 = arith.constant 288 : index
        %get3A_1302 = tpu.vector_load %arg14[%get3A_1301] {strides = array<i32>} : memref<1024xf32, #tpu.memory_space<vmem>>, vector<16xf32>,
        %add3A_1303 = arith.addf %mul3A_1300, %get3A_1302 : vector<16xf32>
        %swap3A_1304 = arith.index_cast %scan3A_92 : i32 to index
        %swap3A_1305 = arith.constant 288 : index
        %swap3A_1306 = tpu.vector_load %arg10[%swap3A_1304, %swap3A_1305] {strides = array<i32>} : memref<16x1024xf32, #tpu.memory_space<vmem>>, vector<16xf32>,
        tpu.vector_store %arg10[%swap3A_1304, %swap3A_1305], %add3A_1303 {strides = array<i32>} : memref<16x1024xf32, #tpu.memory_space<vmem>>, vector<16xf32>,
        %get3A_1307 = arith.index_cast %scan3A_92 : i32 to index
        %get3A_1308 = arith.constant 304 : index
        %get3A_1309 = tpu.vector_load %arg10[%get3A_1307, %get3A_1308] {strides = array<i32>} : memref<16x1024xf32, #tpu.memory_space<vmem>>, vector<16xf32>,
        %sub3A_1310 = arith.subf %get3A_1309, %mul3A_972 : vector<16xf32>
        %mul3A_1311 = arith.mulf %sub3A_1310, %mul3A_1040 : vector<16xf32>
        %get3A_1312 = arith.constant 304 : index
        %get3A_1313 = tpu.vector_load %arg13[%get3A_1312] {strides = array<i32>} : memref<1024xf32, #tpu.memory_space<vmem>>, vector<16xf32>,
        %mul3A_1314 = arith.mulf %mul3A_1311, %get3A_1313 : vector<16xf32>
        %get3A_1315 = arith.constant 304 : index
        %get3A_1316 = tpu.vector_load %arg14[%get3A_1315] {strides = array<i32>} : memref<1024xf32, #tpu.memory_space<vmem>>, vector<16xf32>,
        %add3A_1317 = arith.addf %mul3A_1314, %get3A_1316 : vector<16xf32>
        %swap3A_1318 = arith.index_cast %scan3A_92 : i32 to index
        %swap3A_1319 = arith.constant 304 : index
        %swap3A_1320 = tpu.vector_load %arg10[%swap3A_1318, %swap3A_1319] {strides = array<i32>} : memref<16x1024xf32, #tpu.memory_space<vmem>>, vector<16xf32>,
        tpu.vector_store %arg10[%swap3A_1318, %swap3A_1319], %add3A_1317 {strides = array<i32>} : memref<16x1024xf32, #tpu.memory_space<vmem>>, vector<16xf32>,
        %get3A_1321 = arith.index_cast %scan3A_92 : i32 to index
        %get3A_1322 = arith.constant 320 : index
        %get3A_1323 = tpu.vector_load %arg10[%get3A_1321, %get3A_1322] {strides = array<i32>} : memref<16x1024xf32, #tpu.memory_space<vmem>>, vector<16xf32>,
        %sub3A_1324 = arith.subf %get3A_1323, %mul3A_972 : vector<16xf32>
        %mul3A_1325 = arith.mulf %sub3A_1324, %mul3A_1040 : vector<16xf32>
        %get3A_1326 = arith.constant 320 : index
        %get3A_1327 = tpu.vector_load %arg13[%get3A_1326] {strides = array<i32>} : memref<1024xf32, #tpu.memory_space<vmem>>, vector<16xf32>,
        %mul3A_1328 = arith.mulf %mul3A_1325, %get3A_1327 : vector<16xf32>
        %get3A_1329 = arith.constant 320 : index
        %get3A_1330 = tpu.vector_load %arg14[%get3A_1329] {strides = array<i32>} : memref<1024xf32, #tpu.memory_space<vmem>>, vector<16xf32>,
        %add3A_1331 = arith.addf %mul3A_1328, %get3A_1330 : vector<16xf32>
        %swap3A_1332 = arith.index_cast %scan3A_92 : i32 to index
        %swap3A_1333 = arith.constant 320 : index
        %swap3A_1334 = tpu.vector_load %arg10[%swap3A_1332, %swap3A_1333] {strides = array<i32>} : memref<16x1024xf32, #tpu.memory_space<vmem>>, vector<16xf32>,
        tpu.vector_store %arg10[%swap3A_1332, %swap3A_1333], %add3A_1331 {strides = array<i32>} : memref<16x1024xf32, #tpu.memory_space<vmem>>, vector<16xf32>,
        %get3A_1335 = arith.index_cast %scan3A_92 : i32 to index
        %get3A_1336 = arith.constant 336 : index
        %get3A_1337 = tpu.vector_load %arg10[%get3A_1335, %get3A_1336] {strides = array<i32>} : memref<16x1024xf32, #tpu.memory_space<vmem>>, vector<16xf32>,
        %sub3A_1338 = arith.subf %get3A_1337, %mul3A_972 : vector<16xf32>
        %mul3A_1339 = arith.mulf %sub3A_1338, %mul3A_1040 : vector<16xf32>
        %get3A_1340 = arith.constant 336 : index
        %get3A_1341 = tpu.vector_load %arg13[%get3A_1340] {strides = array<i32>} : memref<1024xf32, #tpu.memory_space<vmem>>, vector<16xf32>,
        %mul3A_1342 = arith.mulf %mul3A_1339, %get3A_1341 : vector<16xf32>
        %get3A_1343 = arith.constant 336 : index
        %get3A_1344 = tpu.vector_load %arg14[%get3A_1343] {strides = array<i32>} : memref<1024xf32, #tpu.memory_space<vmem>>, vector<16xf32>,
        %add3A_1345 = arith.addf %mul3A_1342, %get3A_1344 : vector<16xf32>
        %swap3A_1346 = arith.index_cast %scan3A_92 : i32 to index
        %swap3A_1347 = arith.constant 336 : index
        %swap3A_1348 = tpu.vector_load %arg10[%swap3A_1346, %swap3A_1347] {strides = array<i32>} : memref<16x1024xf32, #tpu.memory_space<vmem>>, vector<16xf32>,
        tpu.vector_store %arg10[%swap3A_1346, %swap3A_1347], %add3A_1345 {strides = array<i32>} : memref<16x1024xf32, #tpu.memory_space<vmem>>, vector<16xf32>,
        %get3A_1349 = arith.index_cast %scan3A_92 : i32 to index
        %get3A_1350 = arith.constant 352 : index
        %get3A_1351 = tpu.vector_load %arg10[%get3A_1349, %get3A_1350] {strides = array<i32>} : memref<16x1024xf32, #tpu.memory_space<vmem>>, vector<16xf32>,
        %sub3A_1352 = arith.subf %get3A_1351, %mul3A_972 : vector<16xf32>
        %mul3A_1353 = arith.mulf %sub3A_1352, %mul3A_1040 : vector<16xf32>
        %get3A_1354 = arith.constant 352 : index
        %get3A_1355 = tpu.vector_load %arg13[%get3A_1354] {strides = array<i32>} : memref<1024xf32, #tpu.memory_space<vmem>>, vector<16xf32>,
        %mul3A_1356 = arith.mulf %mul3A_1353, %get3A_1355 : vector<16xf32>
        %get3A_1357 = arith.constant 352 : index
        %get3A_1358 = tpu.vector_load %arg14[%get3A_1357] {strides = array<i32>} : memref<1024xf32, #tpu.memory_space<vmem>>, vector<16xf32>,
        %add3A_1359 = arith.addf %mul3A_1356, %get3A_1358 : vector<16xf32>
        %swap3A_1360 = arith.index_cast %scan3A_92 : i32 to index
        %swap3A_1361 = arith.constant 352 : index
        %swap3A_1362 = tpu.vector_load %arg10[%swap3A_1360, %swap3A_1361] {strides = array<i32>} : memref<16x1024xf32, #tpu.memory_space<vmem>>, vector<16xf32>,
        tpu.vector_store %arg10[%swap3A_1360, %swap3A_1361], %add3A_1359 {strides = array<i32>} : memref<16x1024xf32, #tpu.memory_space<vmem>>, vector<16xf32>,
        %get3A_1363 = arith.index_cast %scan3A_92 : i32 to index
        %get3A_1364 = arith.constant 368 : index
        %get3A_1365 = tpu.vector_load %arg10[%get3A_1363, %get3A_1364] {strides = array<i32>} : memref<16x1024xf32, #tpu.memory_space<vmem>>, vector<16xf32>,
        %sub3A_1366 = arith.subf %get3A_1365, %mul3A_972 : vector<16xf32>
        %mul3A_1367 = arith.mulf %sub3A_1366, %mul3A_1040 : vector<16xf32>
        %get3A_1368 = arith.constant 368 : index
        %get3A_1369 = tpu.vector_load %arg13[%get3A_1368] {strides = array<i32>} : memref<1024xf32, #tpu.memory_space<vmem>>, vector<16xf32>,
        %mul3A_1370 = arith.mulf %mul3A_1367, %get3A_1369 : vector<16xf32>
        %get3A_1371 = arith.constant 368 : index
        %get3A_1372 = tpu.vector_load %arg14[%get3A_1371] {strides = array<i32>} : memref<1024xf32, #tpu.memory_space<vmem>>, vector<16xf32>,
        %add3A_1373 = arith.addf %mul3A_1370, %get3A_1372 : vector<16xf32>
        %swap3A_1374 = arith.index_cast %scan3A_92 : i32 to index
        %swap3A_1375 = arith.constant 368 : index
        %swap3A_1376 = tpu.vector_load %arg10[%swap3A_1374, %swap3A_1375] {strides = array<i32>} : memref<16x1024xf32, #tpu.memory_space<vmem>>, vector<16xf32>,
        tpu.vector_store %arg10[%swap3A_1374, %swap3A_1375], %add3A_1373 {strides = array<i32>} : memref<16x1024xf32, #tpu.memory_space<vmem>>, vector<16xf32>,
        %get3A_1377 = arith.index_cast %scan3A_92 : i32 to index
        %get3A_1378 = arith.constant 384 : index
        %get3A_1379 = tpu.vector_load %arg10[%get3A_1377, %get3A_1378] {strides = array<i32>} : memref<16x1024xf32, #tpu.memory_space<vmem>>, vector<16xf32>,
        %sub3A_1380 = arith.subf %get3A_1379, %mul3A_972 : vector<16xf32>
        %mul3A_1381 = arith.mulf %sub3A_1380, %mul3A_1040 : vector<16xf32>
        %get3A_1382 = arith.constant 384 : index
        %get3A_1383 = tpu.vector_load %arg13[%get3A_1382] {strides = array<i32>} : memref<1024xf32, #tpu.memory_space<vmem>>, vector<16xf32>,
        %mul3A_1384 = arith.mulf %mul3A_1381, %get3A_1383 : vector<16xf32>
        %get3A_1385 = arith.constant 384 : index
        %get3A_1386 = tpu.vector_load %arg14[%get3A_1385] {strides = array<i32>} : memref<1024xf32, #tpu.memory_space<vmem>>, vector<16xf32>,
        %add3A_1387 = arith.addf %mul3A_1384, %get3A_1386 : vector<16xf32>
        %swap3A_1388 = arith.index_cast %scan3A_92 : i32 to index
        %swap3A_1389 = arith.constant 384 : index
        %swap3A_1390 = tpu.vector_load %arg10[%swap3A_1388, %swap3A_1389] {strides = array<i32>} : memref<16x1024xf32, #tpu.memory_space<vmem>>, vector<16xf32>,
        tpu.vector_store %arg10[%swap3A_1388, %swap3A_1389], %add3A_1387 {strides = array<i32>} : memref<16x1024xf32, #tpu.memory_space<vmem>>, vector<16xf32>,
        %get3A_1391 = arith.index_cast %scan3A_92 : i32 to index
        %get3A_1392 = arith.constant 400 : index
        %get3A_1393 = tpu.vector_load %arg10[%get3A_1391, %get3A_1392] {strides = array<i32>} : memref<16x1024xf32, #tpu.memory_space<vmem>>, vector<16xf32>,
        %sub3A_1394 = arith.subf %get3A_1393, %mul3A_972 : vector<16xf32>
        %mul3A_1395 = arith.mulf %sub3A_1394, %mul3A_1040 : vector<16xf32>
        %get3A_1396 = arith.constant 400 : index
        %get3A_1397 = tpu.vector_load %arg13[%get3A_1396] {strides = array<i32>} : memref<1024xf32, #tpu.memory_space<vmem>>, vector<16xf32>,
        %mul3A_1398 = arith.mulf %mul3A_1395, %get3A_1397 : vector<16xf32>
        %get3A_1399 = arith.constant 400 : index
        %get3A_1400 = tpu.vector_load %arg14[%get3A_1399] {strides = array<i32>} : memref<1024xf32, #tpu.memory_space<vmem>>, vector<16xf32>,
        %add3A_1401 = arith.addf %mul3A_1398, %get3A_1400 : vector<16xf32>
        %swap3A_1402 = arith.index_cast %scan3A_92 : i32 to index
        %swap3A_1403 = arith.constant 400 : index
        %swap3A_1404 = tpu.vector_load %arg10[%swap3A_1402, %swap3A_1403] {strides = array<i32>} : memref<16x1024xf32, #tpu.memory_space<vmem>>, vector<16xf32>,
        tpu.vector_store %arg10[%swap3A_1402, %swap3A_1403], %add3A_1401 {strides = array<i32>} : memref<16x1024xf32, #tpu.memory_space<vmem>>, vector<16xf32>,
        %get3A_1405 = arith.index_cast %scan3A_92 : i32 to index
        %get3A_1406 = arith.constant 416 : index
        %get3A_1407 = tpu.vector_load %arg10[%get3A_1405, %get3A_1406] {strides = array<i32>} : memref<16x1024xf32, #tpu.memory_space<vmem>>, vector<16xf32>,
        %sub3A_1408 = arith.subf %get3A_1407, %mul3A_972 : vector<16xf32>
        %mul3A_1409 = arith.mulf %sub3A_1408, %mul3A_1040 : vector<16xf32>
        %get3A_1410 = arith.constant 416 : index
        %get3A_1411 = tpu.vector_load %arg13[%get3A_1410] {strides = array<i32>} : memref<1024xf32, #tpu.memory_space<vmem>>, vector<16xf32>,
        %mul3A_1412 = arith.mulf %mul3A_1409, %get3A_1411 : vector<16xf32>
        %get3A_1413 = arith.constant 416 : index
        %get3A_1414 = tpu.vector_load %arg14[%get3A_1413] {strides = array<i32>} : memref<1024xf32, #tpu.memory_space<vmem>>, vector<16xf32>,
        %add3A_1415 = arith.addf %mul3A_1412, %get3A_1414 : vector<16xf32>
        %swap3A_1416 = arith.index_cast %scan3A_92 : i32 to index
        %swap3A_1417 = arith.constant 416 : index
        %swap3A_1418 = tpu.vector_load %arg10[%swap3A_1416, %swap3A_1417] {strides = array<i32>} : memref<16x1024xf32, #tpu.memory_space<vmem>>, vector<16xf32>,
        tpu.vector_store %arg10[%swap3A_1416, %swap3A_1417], %add3A_1415 {strides = array<i32>} : memref<16x1024xf32, #tpu.memory_space<vmem>>, vector<16xf32>,
        %get3A_1419 = arith.index_cast %scan3A_92 : i32 to index
        %get3A_1420 = arith.constant 432 : index
        %get3A_1421 = tpu.vector_load %arg10[%get3A_1419, %get3A_1420] {strides = array<i32>} : memref<16x1024xf32, #tpu.memory_space<vmem>>, vector<16xf32>,
        %sub3A_1422 = arith.subf %get3A_1421, %mul3A_972 : vector<16xf32>
        %mul3A_1423 = arith.mulf %sub3A_1422, %mul3A_1040 : vector<16xf32>
        %get3A_1424 = arith.constant 432 : index
        %get3A_1425 = tpu.vector_load %arg13[%get3A_1424] {strides = array<i32>} : memref<1024xf32, #tpu.memory_space<vmem>>, vector<16xf32>,
        %mul3A_1426 = arith.mulf %mul3A_1423, %get3A_1425 : vector<16xf32>
        %get3A_1427 = arith.constant 432 : index
        %get3A_1428 = tpu.vector_load %arg14[%get3A_1427] {strides = array<i32>} : memref<1024xf32, #tpu.memory_space<vmem>>, vector<16xf32>,
        %add3A_1429 = arith.addf %mul3A_1426, %get3A_1428 : vector<16xf32>
        %swap3A_1430 = arith.index_cast %scan3A_92 : i32 to index
        %swap3A_1431 = arith.constant 432 : index
        %swap3A_1432 = tpu.vector_load %arg10[%swap3A_1430, %swap3A_1431] {strides = array<i32>} : memref<16x1024xf32, #tpu.memory_space<vmem>>, vector<16xf32>,
        tpu.vector_store %arg10[%swap3A_1430, %swap3A_1431], %add3A_1429 {strides = array<i32>} : memref<16x1024xf32, #tpu.memory_space<vmem>>, vector<16xf32>,
        %get3A_1433 = arith.index_cast %scan3A_92 : i32 to index
        %get3A_1434 = arith.constant 448 : index
        %get3A_1435 = tpu.vector_load %arg10[%get3A_1433, %get3A_1434] {strides = array<i32>} : memref<16x1024xf32, #tpu.memory_space<vmem>>, vector<16xf32>,
        %sub3A_1436 = arith.subf %get3A_1435, %mul3A_972 : vector<16xf32>
        %mul3A_1437 = arith.mulf %sub3A_1436, %mul3A_1040 : vector<16xf32>
        %get3A_1438 = arith.constant 448 : index
        %get3A_1439 = tpu.vector_load %arg13[%get3A_1438] {strides = array<i32>} : memref<1024xf32, #tpu.memory_space<vmem>>, vector<16xf32>,
        %mul3A_1440 = arith.mulf %mul3A_1437, %get3A_1439 : vector<16xf32>
        %get3A_1441 = arith.constant 448 : index
        %get3A_1442 = tpu.vector_load %arg14[%get3A_1441] {strides = array<i32>} : memref<1024xf32, #tpu.memory_space<vmem>>, vector<16xf32>,
        %add3A_1443 = arith.addf %mul3A_1440, %get3A_1442 : vector<16xf32>
        %swap3A_1444 = arith.index_cast %scan3A_92 : i32 to index
        %swap3A_1445 = arith.constant 448 : index
        %swap3A_1446 = tpu.vector_load %arg10[%swap3A_1444, %swap3A_1445] {strides = array<i32>} : memref<16x1024xf32, #tpu.memory_space<vmem>>, vector<16xf32>,
        tpu.vector_store %arg10[%swap3A_1444, %swap3A_1445], %add3A_1443 {strides = array<i32>} : memref<16x1024xf32, #tpu.memory_space<vmem>>, vector<16xf32>,
        %get3A_1447 = arith.index_cast %scan3A_92 : i32 to index
        %get3A_1448 = arith.constant 464 : index
        %get3A_1449 = tpu.vector_load %arg10[%get3A_1447, %get3A_1448] {strides = array<i32>} : memref<16x1024xf32, #tpu.memory_space<vmem>>, vector<16xf32>,
        %sub3A_1450 = arith.subf %get3A_1449, %mul3A_972 : vector<16xf32>
        %mul3A_1451 = arith.mulf %sub3A_1450, %mul3A_1040 : vector<16xf32>
        %get3A_1452 = arith.constant 464 : index
        %get3A_1453 = tpu.vector_load %arg13[%get3A_1452] {strides = array<i32>} : memref<1024xf32, #tpu.memory_space<vmem>>, vector<16xf32>,
        %mul3A_1454 = arith.mulf %mul3A_1451, %get3A_1453 : vector<16xf32>
        %get3A_1455 = arith.constant 464 : index
        %get3A_1456 = tpu.vector_load %arg14[%get3A_1455] {strides = array<i32>} : memref<1024xf32, #tpu.memory_space<vmem>>, vector<16xf32>,
        %add3A_1457 = arith.addf %mul3A_1454, %get3A_1456 : vector<16xf32>
        %swap3A_1458 = arith.index_cast %scan3A_92 : i32 to index
        %swap3A_1459 = arith.constant 464 : index
        %swap3A_1460 = tpu.vector_load %arg10[%swap3A_1458, %swap3A_1459] {strides = array<i32>} : memref<16x1024xf32, #tpu.memory_space<vmem>>, vector<16xf32>,
        tpu.vector_store %arg10[%swap3A_1458, %swap3A_1459], %add3A_1457 {strides = array<i32>} : memref<16x1024xf32, #tpu.memory_space<vmem>>, vector<16xf32>,
        %get3A_1461 = arith.index_cast %scan3A_92 : i32 to index
        %get3A_1462 = arith.constant 480 : index
        %get3A_1463 = tpu.vector_load %arg10[%get3A_1461, %get3A_1462] {strides = array<i32>} : memref<16x1024xf32, #tpu.memory_space<vmem>>, vector<16xf32>,
        %sub3A_1464 = arith.subf %get3A_1463, %mul3A_972 : vector<16xf32>
        %mul3A_1465 = arith.mulf %sub3A_1464, %mul3A_1040 : vector<16xf32>
        %get3A_1466 = arith.constant 480 : index
        %get3A_1467 = tpu.vector_load %arg13[%get3A_1466] {strides = array<i32>} : memref<1024xf32, #tpu.memory_space<vmem>>, vector<16xf32>,
        %mul3A_1468 = arith.mulf %mul3A_1465, %get3A_1467 : vector<16xf32>
        %get3A_1469 = arith.constant 480 : index
        %get3A_1470 = tpu.vector_load %arg14[%get3A_1469] {strides = array<i32>} : memref<1024xf32, #tpu.memory_space<vmem>>, vector<16xf32>,
        %add3A_1471 = arith.addf %mul3A_1468, %get3A_1470 : vector<16xf32>
        %swap3A_1472 = arith.index_cast %scan3A_92 : i32 to index
        %swap3A_1473 = arith.constant 480 : index
        %swap3A_1474 = tpu.vector_load %arg10[%swap3A_1472, %swap3A_1473] {strides = array<i32>} : memref<16x1024xf32, #tpu.memory_space<vmem>>, vector<16xf32>,
        tpu.vector_store %arg10[%swap3A_1472, %swap3A_1473], %add3A_1471 {strides = array<i32>} : memref<16x1024xf32, #tpu.memory_space<vmem>>, vector<16xf32>,
        %get3A_1475 = arith.index_cast %scan3A_92 : i32 to index
        %get3A_1476 = arith.constant 496 : index
        %get3A_1477 = tpu.vector_load %arg10[%get3A_1475, %get3A_1476] {strides = array<i32>} : memref<16x1024xf32, #tpu.memory_space<vmem>>, vector<16xf32>,
        %sub3A_1478 = arith.subf %get3A_1477, %mul3A_972 : vector<16xf32>
        %mul3A_1479 = arith.mulf %sub3A_1478, %mul3A_1040 : vector<16xf32>
        %get3A_1480 = arith.constant 496 : index
        %get3A_1481 = tpu.vector_load %arg13[%get3A_1480] {strides = array<i32>} : memref<1024xf32, #tpu.memory_space<vmem>>, vector<16xf32>,
        %mul3A_1482 = arith.mulf %mul3A_1479, %get3A_1481 : vector<16xf32>
        %get3A_1483 = arith.constant 496 : index
        %get3A_1484 = tpu.vector_load %arg14[%get3A_1483] {strides = array<i32>} : memref<1024xf32, #tpu.memory_space<vmem>>, vector<16xf32>,
        %add3A_1485 = arith.addf %mul3A_1482, %get3A_1484 : vector<16xf32>
        %swap3A_1486 = arith.index_cast %scan3A_92 : i32 to index
        %swap3A_1487 = arith.constant 496 : index
        %swap3A_1488 = tpu.vector_load %arg10[%swap3A_1486, %swap3A_1487] {strides = array<i32>} : memref<16x1024xf32, #tpu.memory_space<vmem>>, vector<16xf32>,
        tpu.vector_store %arg10[%swap3A_1486, %swap3A_1487], %add3A_1485 {strides = array<i32>} : memref<16x1024xf32, #tpu.memory_space<vmem>>, vector<16xf32>,
        %get3A_1489 = arith.index_cast %scan3A_92 : i32 to index
        %get3A_1490 = arith.constant 512 : index
        %get3A_1491 = tpu.vector_load %arg10[%get3A_1489, %get3A_1490] {strides = array<i32>} : memref<16x1024xf32, #tpu.memory_space<vmem>>, vector<16xf32>,
        %sub3A_1492 = arith.subf %get3A_1491, %mul3A_972 : vector<16xf32>
        %mul3A_1493 = arith.mulf %sub3A_1492, %mul3A_1040 : vector<16xf32>
        %get3A_1494 = arith.constant 512 : index
        %get3A_1495 = tpu.vector_load %arg13[%get3A_1494] {strides = array<i32>} : memref<1024xf32, #tpu.memory_space<vmem>>, vector<16xf32>,
        %mul3A_1496 = arith.mulf %mul3A_1493, %get3A_1495 : vector<16xf32>
        %get3A_1497 = arith.constant 512 : index
        %get3A_1498 = tpu.vector_load %arg14[%get3A_1497] {strides = array<i32>} : memref<1024xf32, #tpu.memory_space<vmem>>, vector<16xf32>,
        %add3A_1499 = arith.addf %mul3A_1496, %get3A_1498 : vector<16xf32>
        %swap3A_1500 = arith.index_cast %scan3A_92 : i32 to index
        %swap3A_1501 = arith.constant 512 : index
        %swap3A_1502 = tpu.vector_load %arg10[%swap3A_1500, %swap3A_1501] {strides = array<i32>} : memref<16x1024xf32, #tpu.memory_space<vmem>>, vector<16xf32>,
        tpu.vector_store %arg10[%swap3A_1500, %swap3A_1501], %add3A_1499 {strides = array<i32>} : memref<16x1024xf32, #tpu.memory_space<vmem>>, vector<16xf32>,
        %get3A_1503 = arith.index_cast %scan3A_92 : i32 to index
        %get3A_1504 = arith.constant 528 : index
        %get3A_1505 = tpu.vector_load %arg10[%get3A_1503, %get3A_1504] {strides = array<i32>} : memref<16x1024xf32, #tpu.memory_space<vmem>>, vector<16xf32>,
        %sub3A_1506 = arith.subf %get3A_1505, %mul3A_972 : vector<16xf32>
        %mul3A_1507 = arith.mulf %sub3A_1506, %mul3A_1040 : vector<16xf32>
        %get3A_1508 = arith.constant 528 : index
        %get3A_1509 = tpu.vector_load %arg13[%get3A_1508] {strides = array<i32>} : memref<1024xf32, #tpu.memory_space<vmem>>, vector<16xf32>,
        %mul3A_1510 = arith.mulf %mul3A_1507, %get3A_1509 : vector<16xf32>
        %get3A_1511 = arith.constant 528 : index
        %get3A_1512 = tpu.vector_load %arg14[%get3A_1511] {strides = array<i32>} : memref<1024xf32, #tpu.memory_space<vmem>>, vector<16xf32>,
        %add3A_1513 = arith.addf %mul3A_1510, %get3A_1512 : vector<16xf32>
        %swap3A_1514 = arith.index_cast %scan3A_92 : i32 to index
        %swap3A_1515 = arith.constant 528 : index
        %swap3A_1516 = tpu.vector_load %arg10[%swap3A_1514, %swap3A_1515] {strides = array<i32>} : memref<16x1024xf32, #tpu.memory_space<vmem>>, vector<16xf32>,
        tpu.vector_store %arg10[%swap3A_1514, %swap3A_1515], %add3A_1513 {strides = array<i32>} : memref<16x1024xf32, #tpu.memory_space<vmem>>, vector<16xf32>,
        %get3A_1517 = arith.index_cast %scan3A_92 : i32 to index
        %get3A_1518 = arith.constant 544 : index
        %get3A_1519 = tpu.vector_load %arg10[%get3A_1517, %get3A_1518] {strides = array<i32>} : memref<16x1024xf32, #tpu.memory_space<vmem>>, vector<16xf32>,
        %sub3A_1520 = arith.subf %get3A_1519, %mul3A_972 : vector<16xf32>
        %mul3A_1521 = arith.mulf %sub3A_1520, %mul3A_1040 : vector<16xf32>
        %get3A_1522 = arith.constant 544 : index
        %get3A_1523 = tpu.vector_load %arg13[%get3A_1522] {strides = array<i32>} : memref<1024xf32, #tpu.memory_space<vmem>>, vector<16xf32>,
        %mul3A_1524 = arith.mulf %mul3A_1521, %get3A_1523 : vector<16xf32>
        %get3A_1525 = arith.constant 544 : index
        %get3A_1526 = tpu.vector_load %arg14[%get3A_1525] {strides = array<i32>} : memref<1024xf32, #tpu.memory_space<vmem>>, vector<16xf32>,
        %add3A_1527 = arith.addf %mul3A_1524, %get3A_1526 : vector<16xf32>
        %swap3A_1528 = arith.index_cast %scan3A_92 : i32 to index
        %swap3A_1529 = arith.constant 544 : index
        %swap3A_1530 = tpu.vector_load %arg10[%swap3A_1528, %swap3A_1529] {strides = array<i32>} : memref<16x1024xf32, #tpu.memory_space<vmem>>, vector<16xf32>,
        tpu.vector_store %arg10[%swap3A_1528, %swap3A_1529], %add3A_1527 {strides = array<i32>} : memref<16x1024xf32, #tpu.memory_space<vmem>>, vector<16xf32>,
        %get3A_1531 = arith.index_cast %scan3A_92 : i32 to index
        %get3A_1532 = arith.constant 560 : index
        %get3A_1533 = tpu.vector_load %arg10[%get3A_1531, %get3A_1532] {strides = array<i32>} : memref<16x1024xf32, #tpu.memory_space<vmem>>, vector<16xf32>,
        %sub3A_1534 = arith.subf %get3A_1533, %mul3A_972 : vector<16xf32>
        %mul3A_1535 = arith.mulf %sub3A_1534, %mul3A_1040 : vector<16xf32>
        %get3A_1536 = arith.constant 560 : index
        %get3A_1537 = tpu.vector_load %arg13[%get3A_1536] {strides = array<i32>} : memref<1024xf32, #tpu.memory_space<vmem>>, vector<16xf32>,
        %mul3A_1538 = arith.mulf %mul3A_1535, %get3A_1537 : vector<16xf32>
        %get3A_1539 = arith.constant 560 : index
        %get3A_1540 = tpu.vector_load %arg14[%get3A_1539] {strides = array<i32>} : memref<1024xf32, #tpu.memory_space<vmem>>, vector<16xf32>,
        %add3A_1541 = arith.addf %mul3A_1538, %get3A_1540 : vector<16xf32>
        %swap3A_1542 = arith.index_cast %scan3A_92 : i32 to index
        %swap3A_1543 = arith.constant 560 : index
        %swap3A_1544 = tpu.vector_load %arg10[%swap3A_1542, %swap3A_1543] {strides = array<i32>} : memref<16x1024xf32, #tpu.memory_space<vmem>>, vector<16xf32>,
        tpu.vector_store %arg10[%swap3A_1542, %swap3A_1543], %add3A_1541 {strides = array<i32>} : memref<16x1024xf32, #tpu.memory_space<vmem>>, vector<16xf32>,
        %get3A_1545 = arith.index_cast %scan3A_92 : i32 to index
        %get3A_1546 = arith.constant 576 : index
        %get3A_1547 = tpu.vector_load %arg10[%get3A_1545, %get3A_1546] {strides = array<i32>} : memref<16x1024xf32, #tpu.memory_space<vmem>>, vector<16xf32>,
        %sub3A_1548 = arith.subf %get3A_1547, %mul3A_972 : vector<16xf32>
        %mul3A_1549 = arith.mulf %sub3A_1548, %mul3A_1040 : vector<16xf32>
        %get3A_1550 = arith.constant 576 : index
        %get3A_1551 = tpu.vector_load %arg13[%get3A_1550] {strides = array<i32>} : memref<1024xf32, #tpu.memory_space<vmem>>, vector<16xf32>,
        %mul3A_1552 = arith.mulf %mul3A_1549, %get3A_1551 : vector<16xf32>
        %get3A_1553 = arith.constant 576 : index
        %get3A_1554 = tpu.vector_load %arg14[%get3A_1553] {strides = array<i32>} : memref<1024xf32, #tpu.memory_space<vmem>>, vector<16xf32>,
        %add3A_1555 = arith.addf %mul3A_1552, %get3A_1554 : vector<16xf32>
        %swap3A_1556 = arith.index_cast %scan3A_92 : i32 to index
        %swap3A_1557 = arith.constant 576 : index
        %swap3A_1558 = tpu.vector_load %arg10[%swap3A_1556, %swap3A_1557] {strides = array<i32>} : memref<16x1024xf32, #tpu.memory_space<vmem>>, vector<16xf32>,
        tpu.vector_store %arg10[%swap3A_1556, %swap3A_1557], %add3A_1555 {strides = array<i32>} : memref<16x1024xf32, #tpu.memory_space<vmem>>, vector<16xf32>,
        %get3A_1559 = arith.index_cast %scan3A_92 : i32 to index
        %get3A_1560 = arith.constant 592 : index
        %get3A_1561 = tpu.vector_load %arg10[%get3A_1559, %get3A_1560] {strides = array<i32>} : memref<16x1024xf32, #tpu.memory_space<vmem>>, vector<16xf32>,
        %sub3A_1562 = arith.subf %get3A_1561, %mul3A_972 : vector<16xf32>
        %mul3A_1563 = arith.mulf %sub3A_1562, %mul3A_1040 : vector<16xf32>
        %get3A_1564 = arith.constant 592 : index
        %get3A_1565 = tpu.vector_load %arg13[%get3A_1564] {strides = array<i32>} : memref<1024xf32, #tpu.memory_space<vmem>>, vector<16xf32>,
        %mul3A_1566 = arith.mulf %mul3A_1563, %get3A_1565 : vector<16xf32>
        %get3A_1567 = arith.constant 592 : index
        %get3A_1568 = tpu.vector_load %arg14[%get3A_1567] {strides = array<i32>} : memref<1024xf32, #tpu.memory_space<vmem>>, vector<16xf32>,
        %add3A_1569 = arith.addf %mul3A_1566, %get3A_1568 : vector<16xf32>
        %swap3A_1570 = arith.index_cast %scan3A_92 : i32 to index
        %swap3A_1571 = arith.constant 592 : index
        %swap3A_1572 = tpu.vector_load %arg10[%swap3A_1570, %swap3A_1571] {strides = array<i32>} : memref<16x1024xf32, #tpu.memory_space<vmem>>, vector<16xf32>,
        tpu.vector_store %arg10[%swap3A_1570, %swap3A_1571], %add3A_1569 {strides = array<i32>} : memref<16x1024xf32, #tpu.memory_space<vmem>>, vector<16xf32>,
        %get3A_1573 = arith.index_cast %scan3A_92 : i32 to index
        %get3A_1574 = arith.constant 608 : index
        %get3A_1575 = tpu.vector_load %arg10[%get3A_1573, %get3A_1574] {strides = array<i32>} : memref<16x1024xf32, #tpu.memory_space<vmem>>, vector<16xf32>,
        %sub3A_1576 = arith.subf %get3A_1575, %mul3A_972 : vector<16xf32>
        %mul3A_1577 = arith.mulf %sub3A_1576, %mul3A_1040 : vector<16xf32>
        %get3A_1578 = arith.constant 608 : index
        %get3A_1579 = tpu.vector_load %arg13[%get3A_1578] {strides = array<i32>} : memref<1024xf32, #tpu.memory_space<vmem>>, vector<16xf32>,
        %mul3A_1580 = arith.mulf %mul3A_1577, %get3A_1579 : vector<16xf32>
        %get3A_1581 = arith.constant 608 : index
        %get3A_1582 = tpu.vector_load %arg14[%get3A_1581] {strides = array<i32>} : memref<1024xf32, #tpu.memory_space<vmem>>, vector<16xf32>,
        %add3A_1583 = arith.addf %mul3A_1580, %get3A_1582 : vector<16xf32>
        %swap3A_1584 = arith.index_cast %scan3A_92 : i32 to index
        %swap3A_1585 = arith.constant 608 : index
        %swap3A_1586 = tpu.vector_load %arg10[%swap3A_1584, %swap3A_1585] {strides = array<i32>} : memref<16x1024xf32, #tpu.memory_space<vmem>>, vector<16xf32>,
        tpu.vector_store %arg10[%swap3A_1584, %swap3A_1585], %add3A_1583 {strides = array<i32>} : memref<16x1024xf32, #tpu.memory_space<vmem>>, vector<16xf32>,
        %get3A_1587 = arith.index_cast %scan3A_92 : i32 to index
        %get3A_1588 = arith.constant 624 : index
        %get3A_1589 = tpu.vector_load %arg10[%get3A_1587, %get3A_1588] {strides = array<i32>} : memref<16x1024xf32, #tpu.memory_space<vmem>>, vector<16xf32>,
        %sub3A_1590 = arith.subf %get3A_1589, %mul3A_972 : vector<16xf32>
        %mul3A_1591 = arith.mulf %sub3A_1590, %mul3A_1040 : vector<16xf32>
        %get3A_1592 = arith.constant 624 : index
        %get3A_1593 = tpu.vector_load %arg13[%get3A_1592] {strides = array<i32>} : memref<1024xf32, #tpu.memory_space<vmem>>, vector<16xf32>,
        %mul3A_1594 = arith.mulf %mul3A_1591, %get3A_1593 : vector<16xf32>
        %get3A_1595 = arith.constant 624 : index
        %get3A_1596 = tpu.vector_load %arg14[%get3A_1595] {strides = array<i32>} : memref<1024xf32, #tpu.memory_space<vmem>>, vector<16xf32>,
        %add3A_1597 = arith.addf %mul3A_1594, %get3A_1596 : vector<16xf32>
        %swap3A_1598 = arith.index_cast %scan3A_92 : i32 to index
        %swap3A_1599 = arith.constant 624 : index
        %swap3A_1600 = tpu.vector_load %arg10[%swap3A_1598, %swap3A_1599] {strides = array<i32>} : memref<16x1024xf32, #tpu.memory_space<vmem>>, vector<16xf32>,
        tpu.vector_store %arg10[%swap3A_1598, %swap3A_1599], %add3A_1597 {strides = array<i32>} : memref<16x1024xf32, #tpu.memory_space<vmem>>, vector<16xf32>,
        %get3A_1601 = arith.index_cast %scan3A_92 : i32 to index
        %get3A_1602 = arith.constant 640 : index
        %get3A_1603 = tpu.vector_load %arg10[%get3A_1601, %get3A_1602] {strides = array<i32>} : memref<16x1024xf32, #tpu.memory_space<vmem>>, vector<16xf32>,
        %sub3A_1604 = arith.subf %get3A_1603, %mul3A_972 : vector<16xf32>
        %mul3A_1605 = arith.mulf %sub3A_1604, %mul3A_1040 : vector<16xf32>
        %get3A_1606 = arith.constant 640 : index
        %get3A_1607 = tpu.vector_load %arg13[%get3A_1606] {strides = array<i32>} : memref<1024xf32, #tpu.memory_space<vmem>>, vector<16xf32>,
        %mul3A_1608 = arith.mulf %mul3A_1605, %get3A_1607 : vector<16xf32>
        %get3A_1609 = arith.constant 640 : index
        %get3A_1610 = tpu.vector_load %arg14[%get3A_1609] {strides = array<i32>} : memref<1024xf32, #tpu.memory_space<vmem>>, vector<16xf32>,
        %add3A_1611 = arith.addf %mul3A_1608, %get3A_1610 : vector<16xf32>
        %swap3A_1612 = arith.index_cast %scan3A_92 : i32 to index
        %swap3A_1613 = arith.constant 640 : index
        %swap3A_1614 = tpu.vector_load %arg10[%swap3A_1612, %swap3A_1613] {strides = array<i32>} : memref<16x1024xf32, #tpu.memory_space<vmem>>, vector<16xf32>,
        tpu.vector_store %arg10[%swap3A_1612, %swap3A_1613], %add3A_1611 {strides = array<i32>} : memref<16x1024xf32, #tpu.memory_space<vmem>>, vector<16xf32>,
        %get3A_1615 = arith.index_cast %scan3A_92 : i32 to index
        %get3A_1616 = arith.constant 656 : index
        %get3A_1617 = tpu.vector_load %arg10[%get3A_1615, %get3A_1616] {strides = array<i32>} : memref<16x1024xf32, #tpu.memory_space<vmem>>, vector<16xf32>,
        %sub3A_1618 = arith.subf %get3A_1617, %mul3A_972 : vector<16xf32>
        %mul3A_1619 = arith.mulf %sub3A_1618, %mul3A_1040 : vector<16xf32>
        %get3A_1620 = arith.constant 656 : index
        %get3A_1621 = tpu.vector_load %arg13[%get3A_1620] {strides = array<i32>} : memref<1024xf32, #tpu.memory_space<vmem>>, vector<16xf32>,
        %mul3A_1622 = arith.mulf %mul3A_1619, %get3A_1621 : vector<16xf32>
        %get3A_1623 = arith.constant 656 : index
        %get3A_1624 = tpu.vector_load %arg14[%get3A_1623] {strides = array<i32>} : memref<1024xf32, #tpu.memory_space<vmem>>, vector<16xf32>,
        %add3A_1625 = arith.addf %mul3A_1622, %get3A_1624 : vector<16xf32>
        %swap3A_1626 = arith.index_cast %scan3A_92 : i32 to index
        %swap3A_1627 = arith.constant 656 : index
        %swap3A_1628 = tpu.vector_load %arg10[%swap3A_1626, %swap3A_1627] {strides = array<i32>} : memref<16x1024xf32, #tpu.memory_space<vmem>>, vector<16xf32>,
        tpu.vector_store %arg10[%swap3A_1626, %swap3A_1627], %add3A_1625 {strides = array<i32>} : memref<16x1024xf32, #tpu.memory_space<vmem>>, vector<16xf32>,
        %get3A_1629 = arith.index_cast %scan3A_92 : i32 to index
        %get3A_1630 = arith.constant 672 : index
        %get3A_1631 = tpu.vector_load %arg10[%get3A_1629, %get3A_1630] {strides = array<i32>} : memref<16x1024xf32, #tpu.memory_space<vmem>>, vector<16xf32>,
        %sub3A_1632 = arith.subf %get3A_1631, %mul3A_972 : vector<16xf32>
        %mul3A_1633 = arith.mulf %sub3A_1632, %mul3A_1040 : vector<16xf32>
        %get3A_1634 = arith.constant 672 : index
        %get3A_1635 = tpu.vector_load %arg13[%get3A_1634] {strides = array<i32>} : memref<1024xf32, #tpu.memory_space<vmem>>, vector<16xf32>,
        %mul3A_1636 = arith.mulf %mul3A_1633, %get3A_1635 : vector<16xf32>
        %get3A_1637 = arith.constant 672 : index
        %get3A_1638 = tpu.vector_load %arg14[%get3A_1637] {strides = array<i32>} : memref<1024xf32, #tpu.memory_space<vmem>>, vector<16xf32>,
        %add3A_1639 = arith.addf %mul3A_1636, %get3A_1638 : vector<16xf32>
        %swap3A_1640 = arith.index_cast %scan3A_92 : i32 to index
        %swap3A_1641 = arith.constant 672 : index
        %swap3A_1642 = tpu.vector_load %arg10[%swap3A_1640, %swap3A_1641] {strides = array<i32>} : memref<16x1024xf32, #tpu.memory_space<vmem>>, vector<16xf32>,
        tpu.vector_store %arg10[%swap3A_1640, %swap3A_1641], %add3A_1639 {strides = array<i32>} : memref<16x1024xf32, #tpu.memory_space<vmem>>, vector<16xf32>,
        %get3A_1643 = arith.index_cast %scan3A_92 : i32 to index
        %get3A_1644 = arith.constant 688 : index
        %get3A_1645 = tpu.vector_load %arg10[%get3A_1643, %get3A_1644] {strides = array<i32>} : memref<16x1024xf32, #tpu.memory_space<vmem>>, vector<16xf32>,
        %sub3A_1646 = arith.subf %get3A_1645, %mul3A_972 : vector<16xf32>
        %mul3A_1647 = arith.mulf %sub3A_1646, %mul3A_1040 : vector<16xf32>
        %get3A_1648 = arith.constant 688 : index
        %get3A_1649 = tpu.vector_load %arg13[%get3A_1648] {strides = array<i32>} : memref<1024xf32, #tpu.memory_space<vmem>>, vector<16xf32>,
        %mul3A_1650 = arith.mulf %mul3A_1647, %get3A_1649 : vector<16xf32>
        %get3A_1651 = arith.constant 688 : index
        %get3A_1652 = tpu.vector_load %arg14[%get3A_1651] {strides = array<i32>} : memref<1024xf32, #tpu.memory_space<vmem>>, vector<16xf32>,
        %add3A_1653 = arith.addf %mul3A_1650, %get3A_1652 : vector<16xf32>
        %swap3A_1654 = arith.index_cast %scan3A_92 : i32 to index
        %swap3A_1655 = arith.constant 688 : index
        %swap3A_1656 = tpu.vector_load %arg10[%swap3A_1654, %swap3A_1655] {strides = array<i32>} : memref<16x1024xf32, #tpu.memory_space<vmem>>, vector<16xf32>,
        tpu.vector_store %arg10[%swap3A_1654, %swap3A_1655], %add3A_1653 {strides = array<i32>} : memref<16x1024xf32, #tpu.memory_space<vmem>>, vector<16xf32>,
        %get3A_1657 = arith.index_cast %scan3A_92 : i32 to index
        %get3A_1658 = arith.constant 704 : index
        %get3A_1659 = tpu.vector_load %arg10[%get3A_1657, %get3A_1658] {strides = array<i32>} : memref<16x1024xf32, #tpu.memory_space<vmem>>, vector<16xf32>,
        %sub3A_1660 = arith.subf %get3A_1659, %mul3A_972 : vector<16xf32>
        %mul3A_1661 = arith.mulf %sub3A_1660, %mul3A_1040 : vector<16xf32>
        %get3A_1662 = arith.constant 704 : index
        %get3A_1663 = tpu.vector_load %arg13[%get3A_1662] {strides = array<i32>} : memref<1024xf32, #tpu.memory_space<vmem>>, vector<16xf32>,
        %mul3A_1664 = arith.mulf %mul3A_1661, %get3A_1663 : vector<16xf32>
        %get3A_1665 = arith.constant 704 : index
        %get3A_1666 = tpu.vector_load %arg14[%get3A_1665] {strides = array<i32>} : memref<1024xf32, #tpu.memory_space<vmem>>, vector<16xf32>,
        %add3A_1667 = arith.addf %mul3A_1664, %get3A_1666 : vector<16xf32>
        %swap3A_1668 = arith.index_cast %scan3A_92 : i32 to index
        %swap3A_1669 = arith.constant 704 : index
        %swap3A_1670 = tpu.vector_load %arg10[%swap3A_1668, %swap3A_1669] {strides = array<i32>} : memref<16x1024xf32, #tpu.memory_space<vmem>>, vector<16xf32>,
        tpu.vector_store %arg10[%swap3A_1668, %swap3A_1669], %add3A_1667 {strides = array<i32>} : memref<16x1024xf32, #tpu.memory_space<vmem>>, vector<16xf32>,
        %get3A_1671 = arith.index_cast %scan3A_92 : i32 to index
        %get3A_1672 = arith.constant 720 : index
        %get3A_1673 = tpu.vector_load %arg10[%get3A_1671, %get3A_1672] {strides = array<i32>} : memref<16x1024xf32, #tpu.memory_space<vmem>>, vector<16xf32>,
        %sub3A_1674 = arith.subf %get3A_1673, %mul3A_972 : vector<16xf32>
        %mul3A_1675 = arith.mulf %sub3A_1674, %mul3A_1040 : vector<16xf32>
        %get3A_1676 = arith.constant 720 : index
        %get3A_1677 = tpu.vector_load %arg13[%get3A_1676] {strides = array<i32>} : memref<1024xf32, #tpu.memory_space<vmem>>, vector<16xf32>,
        %mul3A_1678 = arith.mulf %mul3A_1675, %get3A_1677 : vector<16xf32>
        %get3A_1679 = arith.constant 720 : index
        %get3A_1680 = tpu.vector_load %arg14[%get3A_1679] {strides = array<i32>} : memref<1024xf32, #tpu.memory_space<vmem>>, vector<16xf32>,
        %add3A_1681 = arith.addf %mul3A_1678, %get3A_1680 : vector<16xf32>
        %swap3A_1682 = arith.index_cast %scan3A_92 : i32 to index
        %swap3A_1683 = arith.constant 720 : index
        %swap3A_1684 = tpu.vector_load %arg10[%swap3A_1682, %swap3A_1683] {strides = array<i32>} : memref<16x1024xf32, #tpu.memory_space<vmem>>, vector<16xf32>,
        tpu.vector_store %arg10[%swap3A_1682, %swap3A_1683], %add3A_1681 {strides = array<i32>} : memref<16x1024xf32, #tpu.memory_space<vmem>>, vector<16xf32>,
        %get3A_1685 = arith.index_cast %scan3A_92 : i32 to index
        %get3A_1686 = arith.constant 736 : index
        %get3A_1687 = tpu.vector_load %arg10[%get3A_1685, %get3A_1686] {strides = array<i32>} : memref<16x1024xf32, #tpu.memory_space<vmem>>, vector<16xf32>,
        %sub3A_1688 = arith.subf %get3A_1687, %mul3A_972 : vector<16xf32>
        %mul3A_1689 = arith.mulf %sub3A_1688, %mul3A_1040 : vector<16xf32>
        %get3A_1690 = arith.constant 736 : index
        %get3A_1691 = tpu.vector_load %arg13[%get3A_1690] {strides = array<i32>} : memref<1024xf32, #tpu.memory_space<vmem>>, vector<16xf32>,
        %mul3A_1692 = arith.mulf %mul3A_1689, %get3A_1691 : vector<16xf32>
        %get3A_1693 = arith.constant 736 : index
        %get3A_1694 = tpu.vector_load %arg14[%get3A_1693] {strides = array<i32>} : memref<1024xf32, #tpu.memory_space<vmem>>, vector<16xf32>,
        %add3A_1695 = arith.addf %mul3A_1692, %get3A_1694 : vector<16xf32>
        %swap3A_1696 = arith.index_cast %scan3A_92 : i32 to index
        %swap3A_1697 = arith.constant 736 : index
        %swap3A_1698 = tpu.vector_load %arg10[%swap3A_1696, %swap3A_1697] {strides = array<i32>} : memref<16x1024xf32, #tpu.memory_space<vmem>>, vector<16xf32>,
        tpu.vector_store %arg10[%swap3A_1696, %swap3A_1697], %add3A_1695 {strides = array<i32>} : memref<16x1024xf32, #tpu.memory_space<vmem>>, vector<16xf32>,
        %get3A_1699 = arith.index_cast %scan3A_92 : i32 to index
        %get3A_1700 = arith.constant 752 : index
        %get3A_1701 = tpu.vector_load %arg10[%get3A_1699, %get3A_1700] {strides = array<i32>} : memref<16x1024xf32, #tpu.memory_space<vmem>>, vector<16xf32>,
        %sub3A_1702 = arith.subf %get3A_1701, %mul3A_972 : vector<16xf32>
        %mul3A_1703 = arith.mulf %sub3A_1702, %mul3A_1040 : vector<16xf32>
        %get3A_1704 = arith.constant 752 : index
        %get3A_1705 = tpu.vector_load %arg13[%get3A_1704] {strides = array<i32>} : memref<1024xf32, #tpu.memory_space<vmem>>, vector<16xf32>,
        %mul3A_1706 = arith.mulf %mul3A_1703, %get3A_1705 : vector<16xf32>
        %get3A_1707 = arith.constant 752 : index
        %get3A_1708 = tpu.vector_load %arg14[%get3A_1707] {strides = array<i32>} : memref<1024xf32, #tpu.memory_space<vmem>>, vector<16xf32>,
        %add3A_1709 = arith.addf %mul3A_1706, %get3A_1708 : vector<16xf32>
        %swap3A_1710 = arith.index_cast %scan3A_92 : i32 to index
        %swap3A_1711 = arith.constant 752 : index
        %swap3A_1712 = tpu.vector_load %arg10[%swap3A_1710, %swap3A_1711] {strides = array<i32>} : memref<16x1024xf32, #tpu.memory_space<vmem>>, vector<16xf32>,
        tpu.vector_store %arg10[%swap3A_1710, %swap3A_1711], %add3A_1709 {strides = array<i32>} : memref<16x1024xf32, #tpu.memory_space<vmem>>, vector<16xf32>,
        %get3A_1713 = arith.index_cast %scan3A_92 : i32 to index
        %get3A_1714 = arith.constant 768 : index
        %get3A_1715 = tpu.vector_load %arg10[%get3A_1713, %get3A_1714] {strides = array<i32>} : memref<16x1024xf32, #tpu.memory_space<vmem>>, vector<16xf32>,
        %sub3A_1716 = arith.subf %get3A_1715, %mul3A_972 : vector<16xf32>
        %mul3A_1717 = arith.mulf %sub3A_1716, %mul3A_1040 : vector<16xf32>
        %get3A_1718 = arith.constant 768 : index
        %get3A_1719 = tpu.vector_load %arg13[%get3A_1718] {strides = array<i32>} : memref<1024xf32, #tpu.memory_space<vmem>>, vector<16xf32>,
        %mul3A_1720 = arith.mulf %mul3A_1717, %get3A_1719 : vector<16xf32>
        %get3A_1721 = arith.constant 768 : index
        %get3A_1722 = tpu.vector_load %arg14[%get3A_1721] {strides = array<i32>} : memref<1024xf32, #tpu.memory_space<vmem>>, vector<16xf32>,
        %add3A_1723 = arith.addf %mul3A_1720, %get3A_1722 : vector<16xf32>
        %swap3A_1724 = arith.index_cast %scan3A_92 : i32 to index
        %swap3A_1725 = arith.constant 768 : index
        %swap3A_1726 = tpu.vector_load %arg10[%swap3A_1724, %swap3A_1725] {strides = array<i32>} : memref<16x1024xf32, #tpu.memory_space<vmem>>, vector<16xf32>,
        tpu.vector_store %arg10[%swap3A_1724, %swap3A_1725], %add3A_1723 {strides = array<i32>} : memref<16x1024xf32, #tpu.memory_space<vmem>>, vector<16xf32>,
        %get3A_1727 = arith.index_cast %scan3A_92 : i32 to index
        %get3A_1728 = arith.constant 784 : index
        %get3A_1729 = tpu.vector_load %arg10[%get3A_1727, %get3A_1728] {strides = array<i32>} : memref<16x1024xf32, #tpu.memory_space<vmem>>, vector<16xf32>,
        %sub3A_1730 = arith.subf %get3A_1729, %mul3A_972 : vector<16xf32>
        %mul3A_1731 = arith.mulf %sub3A_1730, %mul3A_1040 : vector<16xf32>
        %get3A_1732 = arith.constant 784 : index
        %get3A_1733 = tpu.vector_load %arg13[%get3A_1732] {strides = array<i32>} : memref<1024xf32, #tpu.memory_space<vmem>>, vector<16xf32>,
        %mul3A_1734 = arith.mulf %mul3A_1731, %get3A_1733 : vector<16xf32>
        %get3A_1735 = arith.constant 784 : index
        %get3A_1736 = tpu.vector_load %arg14[%get3A_1735] {strides = array<i32>} : memref<1024xf32, #tpu.memory_space<vmem>>, vector<16xf32>,
        %add3A_1737 = arith.addf %mul3A_1734, %get3A_1736 : vector<16xf32>
        %swap3A_1738 = arith.index_cast %scan3A_92 : i32 to index
        %swap3A_1739 = arith.constant 784 : index
        %swap3A_1740 = tpu.vector_load %arg10[%swap3A_1738, %swap3A_1739] {strides = array<i32>} : memref<16x1024xf32, #tpu.memory_space<vmem>>, vector<16xf32>,
        tpu.vector_store %arg10[%swap3A_1738, %swap3A_1739], %add3A_1737 {strides = array<i32>} : memref<16x1024xf32, #tpu.memory_space<vmem>>, vector<16xf32>,
        %get3A_1741 = arith.index_cast %scan3A_92 : i32 to index
        %get3A_1742 = arith.constant 800 : index
        %get3A_1743 = tpu.vector_load %arg10[%get3A_1741, %get3A_1742] {strides = array<i32>} : memref<16x1024xf32, #tpu.memory_space<vmem>>, vector<16xf32>,
        %sub3A_1744 = arith.subf %get3A_1743, %mul3A_972 : vector<16xf32>
        %mul3A_1745 = arith.mulf %sub3A_1744, %mul3A_1040 : vector<16xf32>
        %get3A_1746 = arith.constant 800 : index
        %get3A_1747 = tpu.vector_load %arg13[%get3A_1746] {strides = array<i32>} : memref<1024xf32, #tpu.memory_space<vmem>>, vector<16xf32>,
        %mul3A_1748 = arith.mulf %mul3A_1745, %get3A_1747 : vector<16xf32>
        %get3A_1749 = arith.constant 800 : index
        %get3A_1750 = tpu.vector_load %arg14[%get3A_1749] {strides = array<i32>} : memref<1024xf32, #tpu.memory_space<vmem>>, vector<16xf32>,
        %add3A_1751 = arith.addf %mul3A_1748, %get3A_1750 : vector<16xf32>
        %swap3A_1752 = arith.index_cast %scan3A_92 : i32 to index
        %swap3A_1753 = arith.constant 800 : index
        %swap3A_1754 = tpu.vector_load %arg10[%swap3A_1752, %swap3A_1753] {strides = array<i32>} : memref<16x1024xf32, #tpu.memory_space<vmem>>, vector<16xf32>,
        tpu.vector_store %arg10[%swap3A_1752, %swap3A_1753], %add3A_1751 {strides = array<i32>} : memref<16x1024xf32, #tpu.memory_space<vmem>>, vector<16xf32>,
        %get3A_1755 = arith.index_cast %scan3A_92 : i32 to index
        %get3A_1756 = arith.constant 816 : index
        %get3A_1757 = tpu.vector_load %arg10[%get3A_1755, %get3A_1756] {strides = array<i32>} : memref<16x1024xf32, #tpu.memory_space<vmem>>, vector<16xf32>,
        %sub3A_1758 = arith.subf %get3A_1757, %mul3A_972 : vector<16xf32>
        %mul3A_1759 = arith.mulf %sub3A_1758, %mul3A_1040 : vector<16xf32>
        %get3A_1760 = arith.constant 816 : index
        %get3A_1761 = tpu.vector_load %arg13[%get3A_1760] {strides = array<i32>} : memref<1024xf32, #tpu.memory_space<vmem>>, vector<16xf32>,
        %mul3A_1762 = arith.mulf %mul3A_1759, %get3A_1761 : vector<16xf32>
        %get3A_1763 = arith.constant 816 : index
        %get3A_1764 = tpu.vector_load %arg14[%get3A_1763] {strides = array<i32>} : memref<1024xf32, #tpu.memory_space<vmem>>, vector<16xf32>,
        %add3A_1765 = arith.addf %mul3A_1762, %get3A_1764 : vector<16xf32>
        %swap3A_1766 = arith.index_cast %scan3A_92 : i32 to index
        %swap3A_1767 = arith.constant 816 : index
        %swap3A_1768 = tpu.vector_load %arg10[%swap3A_1766, %swap3A_1767] {strides = array<i32>} : memref<16x1024xf32, #tpu.memory_space<vmem>>, vector<16xf32>,
        tpu.vector_store %arg10[%swap3A_1766, %swap3A_1767], %add3A_1765 {strides = array<i32>} : memref<16x1024xf32, #tpu.memory_space<vmem>>, vector<16xf32>,
        %get3A_1769 = arith.index_cast %scan3A_92 : i32 to index
        %get3A_1770 = arith.constant 832 : index
        %get3A_1771 = tpu.vector_load %arg10[%get3A_1769, %get3A_1770] {strides = array<i32>} : memref<16x1024xf32, #tpu.memory_space<vmem>>, vector<16xf32>,
        %sub3A_1772 = arith.subf %get3A_1771, %mul3A_972 : vector<16xf32>
        %mul3A_1773 = arith.mulf %sub3A_1772, %mul3A_1040 : vector<16xf32>
        %get3A_1774 = arith.constant 832 : index
        %get3A_1775 = tpu.vector_load %arg13[%get3A_1774] {strides = array<i32>} : memref<1024xf32, #tpu.memory_space<vmem>>, vector<16xf32>,
        %mul3A_1776 = arith.mulf %mul3A_1773, %get3A_1775 : vector<16xf32>
        %get3A_1777 = arith.constant 832 : index
        %get3A_1778 = tpu.vector_load %arg14[%get3A_1777] {strides = array<i32>} : memref<1024xf32, #tpu.memory_space<vmem>>, vector<16xf32>,
        %add3A_1779 = arith.addf %mul3A_1776, %get3A_1778 : vector<16xf32>
        %swap3A_1780 = arith.index_cast %scan3A_92 : i32 to index
        %swap3A_1781 = arith.constant 832 : index
        %swap3A_1782 = tpu.vector_load %arg10[%swap3A_1780, %swap3A_1781] {strides = array<i32>} : memref<16x1024xf32, #tpu.memory_space<vmem>>, vector<16xf32>,
        tpu.vector_store %arg10[%swap3A_1780, %swap3A_1781], %add3A_1779 {strides = array<i32>} : memref<16x1024xf32, #tpu.memory_space<vmem>>, vector<16xf32>,
        %get3A_1783 = arith.index_cast %scan3A_92 : i32 to index
        %get3A_1784 = arith.constant 848 : index
        %get3A_1785 = tpu.vector_load %arg10[%get3A_1783, %get3A_1784] {strides = array<i32>} : memref<16x1024xf32, #tpu.memory_space<vmem>>, vector<16xf32>,
        %sub3A_1786 = arith.subf %get3A_1785, %mul3A_972 : vector<16xf32>
        %mul3A_1787 = arith.mulf %sub3A_1786, %mul3A_1040 : vector<16xf32>
        %get3A_1788 = arith.constant 848 : index
        %get3A_1789 = tpu.vector_load %arg13[%get3A_1788] {strides = array<i32>} : memref<1024xf32, #tpu.memory_space<vmem>>, vector<16xf32>,
        %mul3A_1790 = arith.mulf %mul3A_1787, %get3A_1789 : vector<16xf32>
        %get3A_1791 = arith.constant 848 : index
        %get3A_1792 = tpu.vector_load %arg14[%get3A_1791] {strides = array<i32>} : memref<1024xf32, #tpu.memory_space<vmem>>, vector<16xf32>,
        %add3A_1793 = arith.addf %mul3A_1790, %get3A_1792 : vector<16xf32>
        %swap3A_1794 = arith.index_cast %scan3A_92 : i32 to index
        %swap3A_1795 = arith.constant 848 : index
        %swap3A_1796 = tpu.vector_load %arg10[%swap3A_1794, %swap3A_1795] {strides = array<i32>} : memref<16x1024xf32, #tpu.memory_space<vmem>>, vector<16xf32>,
        tpu.vector_store %arg10[%swap3A_1794, %swap3A_1795], %add3A_1793 {strides = array<i32>} : memref<16x1024xf32, #tpu.memory_space<vmem>>, vector<16xf32>,
        %get3A_1797 = arith.index_cast %scan3A_92 : i32 to index
        %get3A_1798 = arith.constant 864 : index
        %get3A_1799 = tpu.vector_load %arg10[%get3A_1797, %get3A_1798] {strides = array<i32>} : memref<16x1024xf32, #tpu.memory_space<vmem>>, vector<16xf32>,
        %sub3A_1800 = arith.subf %get3A_1799, %mul3A_972 : vector<16xf32>
        %mul3A_1801 = arith.mulf %sub3A_1800, %mul3A_1040 : vector<16xf32>
        %get3A_1802 = arith.constant 864 : index
        %get3A_1803 = tpu.vector_load %arg13[%get3A_1802] {strides = array<i32>} : memref<1024xf32, #tpu.memory_space<vmem>>, vector<16xf32>,
        %mul3A_1804 = arith.mulf %mul3A_1801, %get3A_1803 : vector<16xf32>
        %get3A_1805 = arith.constant 864 : index
        %get3A_1806 = tpu.vector_load %arg14[%get3A_1805] {strides = array<i32>} : memref<1024xf32, #tpu.memory_space<vmem>>, vector<16xf32>,
        %add3A_1807 = arith.addf %mul3A_1804, %get3A_1806 : vector<16xf32>
        %swap3A_1808 = arith.index_cast %scan3A_92 : i32 to index
        %swap3A_1809 = arith.constant 864 : index
        %swap3A_1810 = tpu.vector_load %arg10[%swap3A_1808, %swap3A_1809] {strides = array<i32>} : memref<16x1024xf32, #tpu.memory_space<vmem>>, vector<16xf32>,
        tpu.vector_store %arg10[%swap3A_1808, %swap3A_1809], %add3A_1807 {strides = array<i32>} : memref<16x1024xf32, #tpu.memory_space<vmem>>, vector<16xf32>,
        %get3A_1811 = arith.index_cast %scan3A_92 : i32 to index
        %get3A_1812 = arith.constant 880 : index
        %get3A_1813 = tpu.vector_load %arg10[%get3A_1811, %get3A_1812] {strides = array<i32>} : memref<16x1024xf32, #tpu.memory_space<vmem>>, vector<16xf32>,
        %sub3A_1814 = arith.subf %get3A_1813, %mul3A_972 : vector<16xf32>
        %mul3A_1815 = arith.mulf %sub3A_1814, %mul3A_1040 : vector<16xf32>
        %get3A_1816 = arith.constant 880 : index
        %get3A_1817 = tpu.vector_load %arg13[%get3A_1816] {strides = array<i32>} : memref<1024xf32, #tpu.memory_space<vmem>>, vector<16xf32>,
        %mul3A_1818 = arith.mulf %mul3A_1815, %get3A_1817 : vector<16xf32>
        %get3A_1819 = arith.constant 880 : index
        %get3A_1820 = tpu.vector_load %arg14[%get3A_1819] {strides = array<i32>} : memref<1024xf32, #tpu.memory_space<vmem>>, vector<16xf32>,
        %add3A_1821 = arith.addf %mul3A_1818, %get3A_1820 : vector<16xf32>
        %swap3A_1822 = arith.index_cast %scan3A_92 : i32 to index
        %swap3A_1823 = arith.constant 880 : index
        %swap3A_1824 = tpu.vector_load %arg10[%swap3A_1822, %swap3A_1823] {strides = array<i32>} : memref<16x1024xf32, #tpu.memory_space<vmem>>, vector<16xf32>,
        tpu.vector_store %arg10[%swap3A_1822, %swap3A_1823], %add3A_1821 {strides = array<i32>} : memref<16x1024xf32, #tpu.memory_space<vmem>>, vector<16xf32>,
        %get3A_1825 = arith.index_cast %scan3A_92 : i32 to index
        %get3A_1826 = arith.constant 896 : index
        %get3A_1827 = tpu.vector_load %arg10[%get3A_1825, %get3A_1826] {strides = array<i32>} : memref<16x1024xf32, #tpu.memory_space<vmem>>, vector<16xf32>,
        %sub3A_1828 = arith.subf %get3A_1827, %mul3A_972 : vector<16xf32>
        %mul3A_1829 = arith.mulf %sub3A_1828, %mul3A_1040 : vector<16xf32>
        %get3A_1830 = arith.constant 896 : index
        %get3A_1831 = tpu.vector_load %arg13[%get3A_1830] {strides = array<i32>} : memref<1024xf32, #tpu.memory_space<vmem>>, vector<16xf32>,
        %mul3A_1832 = arith.mulf %mul3A_1829, %get3A_1831 : vector<16xf32>
        %get3A_1833 = arith.constant 896 : index
        %get3A_1834 = tpu.vector_load %arg14[%get3A_1833] {strides = array<i32>} : memref<1024xf32, #tpu.memory_space<vmem>>, vector<16xf32>,
        %add3A_1835 = arith.addf %mul3A_1832, %get3A_1834 : vector<16xf32>
        %swap3A_1836 = arith.index_cast %scan3A_92 : i32 to index
        %swap3A_1837 = arith.constant 896 : index
        %swap3A_1838 = tpu.vector_load %arg10[%swap3A_1836, %swap3A_1837] {strides = array<i32>} : memref<16x1024xf32, #tpu.memory_space<vmem>>, vector<16xf32>,
        tpu.vector_store %arg10[%swap3A_1836, %swap3A_1837], %add3A_1835 {strides = array<i32>} : memref<16x1024xf32, #tpu.memory_space<vmem>>, vector<16xf32>,
        %get3A_1839 = arith.index_cast %scan3A_92 : i32 to index
        %get3A_1840 = arith.constant 912 : index
        %get3A_1841 = tpu.vector_load %arg10[%get3A_1839, %get3A_1840] {strides = array<i32>} : memref<16x1024xf32, #tpu.memory_space<vmem>>, vector<16xf32>,
        %sub3A_1842 = arith.subf %get3A_1841, %mul3A_972 : vector<16xf32>
        %mul3A_1843 = arith.mulf %sub3A_1842, %mul3A_1040 : vector<16xf32>
        %get3A_1844 = arith.constant 912 : index
        %get3A_1845 = tpu.vector_load %arg13[%get3A_1844] {strides = array<i32>} : memref<1024xf32, #tpu.memory_space<vmem>>, vector<16xf32>,
        %mul3A_1846 = arith.mulf %mul3A_1843, %get3A_1845 : vector<16xf32>
        %get3A_1847 = arith.constant 912 : index
        %get3A_1848 = tpu.vector_load %arg14[%get3A_1847] {strides = array<i32>} : memref<1024xf32, #tpu.memory_space<vmem>>, vector<16xf32>,
        %add3A_1849 = arith.addf %mul3A_1846, %get3A_1848 : vector<16xf32>
        %swap3A_1850 = arith.index_cast %scan3A_92 : i32 to index
        %swap3A_1851 = arith.constant 912 : index
        %swap3A_1852 = tpu.vector_load %arg10[%swap3A_1850, %swap3A_1851] {strides = array<i32>} : memref<16x1024xf32, #tpu.memory_space<vmem>>, vector<16xf32>,
        tpu.vector_store %arg10[%swap3A_1850, %swap3A_1851], %add3A_1849 {strides = array<i32>} : memref<16x1024xf32, #tpu.memory_space<vmem>>, vector<16xf32>,
        %get3A_1853 = arith.index_cast %scan3A_92 : i32 to index
        %get3A_1854 = arith.constant 928 : index
        %get3A_1855 = tpu.vector_load %arg10[%get3A_1853, %get3A_1854] {strides = array<i32>} : memref<16x1024xf32, #tpu.memory_space<vmem>>, vector<16xf32>,
        %sub3A_1856 = arith.subf %get3A_1855, %mul3A_972 : vector<16xf32>
        %mul3A_1857 = arith.mulf %sub3A_1856, %mul3A_1040 : vector<16xf32>
        %get3A_1858 = arith.constant 928 : index
        %get3A_1859 = tpu.vector_load %arg13[%get3A_1858] {strides = array<i32>} : memref<1024xf32, #tpu.memory_space<vmem>>, vector<16xf32>,
        %mul3A_1860 = arith.mulf %mul3A_1857, %get3A_1859 : vector<16xf32>
        %get3A_1861 = arith.constant 928 : index
        %get3A_1862 = tpu.vector_load %arg14[%get3A_1861] {strides = array<i32>} : memref<1024xf32, #tpu.memory_space<vmem>>, vector<16xf32>,
        %add3A_1863 = arith.addf %mul3A_1860, %get3A_1862 : vector<16xf32>
        %swap3A_1864 = arith.index_cast %scan3A_92 : i32 to index
        %swap3A_1865 = arith.constant 928 : index
        %swap3A_1866 = tpu.vector_load %arg10[%swap3A_1864, %swap3A_1865] {strides = array<i32>} : memref<16x1024xf32, #tpu.memory_space<vmem>>, vector<16xf32>,
        tpu.vector_store %arg10[%swap3A_1864, %swap3A_1865], %add3A_1863 {strides = array<i32>} : memref<16x1024xf32, #tpu.memory_space<vmem>>, vector<16xf32>,
        %get3A_1867 = arith.index_cast %scan3A_92 : i32 to index
        %get3A_1868 = arith.constant 944 : index
        %get3A_1869 = tpu.vector_load %arg10[%get3A_1867, %get3A_1868] {strides = array<i32>} : memref<16x1024xf32, #tpu.memory_space<vmem>>, vector<16xf32>,
        %sub3A_1870 = arith.subf %get3A_1869, %mul3A_972 : vector<16xf32>
        %mul3A_1871 = arith.mulf %sub3A_1870, %mul3A_1040 : vector<16xf32>
        %get3A_1872 = arith.constant 944 : index
        %get3A_1873 = tpu.vector_load %arg13[%get3A_1872] {strides = array<i32>} : memref<1024xf32, #tpu.memory_space<vmem>>, vector<16xf32>,
        %mul3A_1874 = arith.mulf %mul3A_1871, %get3A_1873 : vector<16xf32>
        %get3A_1875 = arith.constant 944 : index
        %get3A_1876 = tpu.vector_load %arg14[%get3A_1875] {strides = array<i32>} : memref<1024xf32, #tpu.memory_space<vmem>>, vector<16xf32>,
        %add3A_1877 = arith.addf %mul3A_1874, %get3A_1876 : vector<16xf32>
        %swap3A_1878 = arith.index_cast %scan3A_92 : i32 to index
        %swap3A_1879 = arith.constant 944 : index
        %swap3A_1880 = tpu.vector_load %arg10[%swap3A_1878, %swap3A_1879] {strides = array<i32>} : memref<16x1024xf32, #tpu.memory_space<vmem>>, vector<16xf32>,
        tpu.vector_store %arg10[%swap3A_1878, %swap3A_1879], %add3A_1877 {strides = array<i32>} : memref<16x1024xf32, #tpu.memory_space<vmem>>, vector<16xf32>,
        %get3A_1881 = arith.index_cast %scan3A_92 : i32 to index
        %get3A_1882 = arith.constant 960 : index
        %get3A_1883 = tpu.vector_load %arg10[%get3A_1881, %get3A_1882] {strides = array<i32>} : memref<16x1024xf32, #tpu.memory_space<vmem>>, vector<16xf32>,
        %sub3A_1884 = arith.subf %get3A_1883, %mul3A_972 : vector<16xf32>
        %mul3A_1885 = arith.mulf %sub3A_1884, %mul3A_1040 : vector<16xf32>
        %get3A_1886 = arith.constant 960 : index
        %get3A_1887 = tpu.vector_load %arg13[%get3A_1886] {strides = array<i32>} : memref<1024xf32, #tpu.memory_space<vmem>>, vector<16xf32>,
        %mul3A_1888 = arith.mulf %mul3A_1885, %get3A_1887 : vector<16xf32>
        %get3A_1889 = arith.constant 960 : index
        %get3A_1890 = tpu.vector_load %arg14[%get3A_1889] {strides = array<i32>} : memref<1024xf32, #tpu.memory_space<vmem>>, vector<16xf32>,
        %add3A_1891 = arith.addf %mul3A_1888, %get3A_1890 : vector<16xf32>
        %swap3A_1892 = arith.index_cast %scan3A_92 : i32 to index
        %swap3A_1893 = arith.constant 960 : index
        %swap3A_1894 = tpu.vector_load %arg10[%swap3A_1892, %swap3A_1893] {strides = array<i32>} : memref<16x1024xf32, #tpu.memory_space<vmem>>, vector<16xf32>,
        tpu.vector_store %arg10[%swap3A_1892, %swap3A_1893], %add3A_1891 {strides = array<i32>} : memref<16x1024xf32, #tpu.memory_space<vmem>>, vector<16xf32>,
        %get3A_1895 = arith.index_cast %scan3A_92 : i32 to index
        %get3A_1896 = arith.constant 976 : index
        %get3A_1897 = tpu.vector_load %arg10[%get3A_1895, %get3A_1896] {strides = array<i32>} : memref<16x1024xf32, #tpu.memory_space<vmem>>, vector<16xf32>,
        %sub3A_1898 = arith.subf %get3A_1897, %mul3A_972 : vector<16xf32>
        %mul3A_1899 = arith.mulf %sub3A_1898, %mul3A_1040 : vector<16xf32>
        %get3A_1900 = arith.constant 976 : index
        %get3A_1901 = tpu.vector_load %arg13[%get3A_1900] {strides = array<i32>} : memref<1024xf32, #tpu.memory_space<vmem>>, vector<16xf32>,
        %mul3A_1902 = arith.mulf %mul3A_1899, %get3A_1901 : vector<16xf32>
        %get3A_1903 = arith.constant 976 : index
        %get3A_1904 = tpu.vector_load %arg14[%get3A_1903] {strides = array<i32>} : memref<1024xf32, #tpu.memory_space<vmem>>, vector<16xf32>,
        %add3A_1905 = arith.addf %mul3A_1902, %get3A_1904 : vector<16xf32>
        %swap3A_1906 = arith.index_cast %scan3A_92 : i32 to index
        %swap3A_1907 = arith.constant 976 : index
        %swap3A_1908 = tpu.vector_load %arg10[%swap3A_1906, %swap3A_1907] {strides = array<i32>} : memref<16x1024xf32, #tpu.memory_space<vmem>>, vector<16xf32>,
        tpu.vector_store %arg10[%swap3A_1906, %swap3A_1907], %add3A_1905 {strides = array<i32>} : memref<16x1024xf32, #tpu.memory_space<vmem>>, vector<16xf32>,
        %get3A_1909 = arith.index_cast %scan3A_92 : i32 to index
        %get3A_1910 = arith.constant 992 : index
        %get3A_1911 = tpu.vector_load %arg10[%get3A_1909, %get3A_1910] {strides = array<i32>} : memref<16x1024xf32, #tpu.memory_space<vmem>>, vector<16xf32>,
        %sub3A_1912 = arith.subf %get3A_1911, %mul3A_972 : vector<16xf32>
        %mul3A_1913 = arith.mulf %sub3A_1912, %mul3A_1040 : vector<16xf32>
        %get3A_1914 = arith.constant 992 : index
        %get3A_1915 = tpu.vector_load %arg13[%get3A_1914] {strides = array<i32>} : memref<1024xf32, #tpu.memory_space<vmem>>, vector<16xf32>,
        %mul3A_1916 = arith.mulf %mul3A_1913, %get3A_1915 : vector<16xf32>
        %get3A_1917 = arith.constant 992 : index
        %get3A_1918 = tpu.vector_load %arg14[%get3A_1917] {strides = array<i32>} : memref<1024xf32, #tpu.memory_space<vmem>>, vector<16xf32>,
        %add3A_1919 = arith.addf %mul3A_1916, %get3A_1918 : vector<16xf32>
        %swap3A_1920 = arith.index_cast %scan3A_92 : i32 to index
        %swap3A_1921 = arith.constant 992 : index
        %swap3A_1922 = tpu.vector_load %arg10[%swap3A_1920, %swap3A_1921] {strides = array<i32>} : memref<16x1024xf32, #tpu.memory_space<vmem>>, vector<16xf32>,
        tpu.vector_store %arg10[%swap3A_1920, %swap3A_1921], %add3A_1919 {strides = array<i32>} : memref<16x1024xf32, #tpu.memory_space<vmem>>, vector<16xf32>,
        %get3A_1923 = arith.index_cast %scan3A_92 : i32 to index
        %get3A_1924 = arith.constant 1008 : index
        %get3A_1925 = tpu.vector_load %arg10[%get3A_1923, %get3A_1924] {strides = array<i32>} : memref<16x1024xf32, #tpu.memory_space<vmem>>, vector<16xf32>,
        %sub3A_1926 = arith.subf %get3A_1925, %mul3A_972 : vector<16xf32>
        %mul3A_1927 = arith.mulf %sub3A_1926, %mul3A_1040 : vector<16xf32>
        %get3A_1928 = arith.constant 1008 : index
        %get3A_1929 = tpu.vector_load %arg13[%get3A_1928] {strides = array<i32>} : memref<1024xf32, #tpu.memory_space<vmem>>, vector<16xf32>,
        %mul3A_1930 = arith.mulf %mul3A_1927, %get3A_1929 : vector<16xf32>
        %get3A_1931 = arith.constant 1008 : index
        %get3A_1932 = tpu.vector_load %arg14[%get3A_1931] {strides = array<i32>} : memref<1024xf32, #tpu.memory_space<vmem>>, vector<16xf32>,
        %add3A_1933 = arith.addf %mul3A_1930, %get3A_1932 : vector<16xf32>
        %swap3A_1934 = arith.index_cast %scan3A_92 : i32 to index
        %swap3A_1935 = arith.constant 1008 : index
        %swap3A_1936 = tpu.vector_load %arg10[%swap3A_1934, %swap3A_1935] {strides = array<i32>} : memref<16x1024xf32, #tpu.memory_space<vmem>>, vector<16xf32>,
        tpu.vector_store %arg10[%swap3A_1934, %swap3A_1935], %add3A_1933 {strides = array<i32>} : memref<16x1024xf32, #tpu.memory_space<vmem>>, vector<16xf32>,
      }
      %scan3A_87 = arith.constant 16 : i32
      %dma_start3A_88 = arith.constant 0 : i32
      %dma_start3A_89 = tpu.memref_slice %arg7[%add3A_63, %dma_start3A_88] : memref<32768x1024xf32, #tpu.memory_space<hbm>> -> memref<16x1024xf32, #tpu.memory_space<hbm>>
      %dma_start3A_90 = arith.constant 0 : i32
      %dma_start3A_91 = tpu.memref_slice %arg7[%add3A_63, %dma_start3A_90] : memref<32768x1024xf32, #tpu.memory_space<hbm>> -> memref<16x1024xf32, #tpu.memory_space<hbm>>
      tpu.enqueue_dma source(%arg10 : memref<16x1024xf32, #tpu.memory_space<vmem>>) target(%dma_start3A_91 : memref<16x1024xf32, #tpu.memory_space<hbm>>) target_semaphore(%arg20 : memref<!tpu.dma_semaphore, #tpu.memory_space<semaphore_mem>>)
    }
    %scan3A_17 = arith.constant 32 : i32
    %dma_wait3A = arith.constant 0 : i32
    %dma_wait3A_18 = tpu.memref_slice %arg7[%mul3A_2, %dma_wait3A] : memref<32768x1024xf32, #tpu.memory_space<hbm>> -> memref<16x1024xf32, #tpu.memory_space<hbm>>
    %dma_wait3A_19 = arith.constant 0 : i32
    %dma_wait3A_20 = tpu.memref_slice %arg7[%mul3A_2, %dma_wait3A_19] : memref<32768x1024xf32, #tpu.memory_space<hbm>> -> memref<16x1024xf32, #tpu.memory_space<hbm>>
    tpu.wait_dma2 semaphore(%arg19 : memref<!tpu.dma_semaphore, #tpu.memory_space<semaphore_mem>>) src(%arg9 : memref<16x1024xf32, #tpu.memory_space<vmem>>) dst(%dma_wait3A_20 : memref<16x1024xf32, #tpu.memory_space<hbm>>)
    %dma_wait3A_21 = arith.constant 0 : i32
    %dma_wait3A_22 = tpu.memref_slice %arg7[%mul3A_2, %dma_wait3A_21] : memref<32768x1024xf32, #tpu.memory_space<hbm>> -> memref<16x1024xf32, #tpu.memory_space<hbm>>
    %dma_wait3A_23 = arith.constant 0 : i32
    %dma_wait3A_24 = tpu.memref_slice %arg7[%mul3A_2, %dma_wait3A_23] : memref<32768x1024xf32, #tpu.memory_space<hbm>> -> memref<16x1024xf32, #tpu.memory_space<hbm>>
    tpu.wait_dma2 semaphore(%arg20 : memref<!tpu.dma_semaphore, #tpu.memory_space<semaphore_mem>>) src(%arg10 : memref<16x1024xf32, #tpu.memory_space<vmem>>) dst(%dma_wait3A_24 : memref<16x1024xf32, #tpu.memory_space<hbm>>)
    return
  }
}

</mosaic_0001>

<sc_bundles>
// kernel: kernel.3.cloned.1.call-start
scs
__scs_entry_jumppad:
0x0: {  	(pc) =	sbr.rel $0x88, $3  }
0x1: {  	(tag) =	ssettag $0x0;
	lr =	simm.s32 $0x1  }
0x2: {  	[smem:$0x3F9C] =	sst lr;
	_ =	strace $0xD0000000  }
0x3: {  	_ = 	snop  }
0x4: {  	_ = 	snop  }
0x5: {  	_ = 	snop  }
0x6: {  	_ = 	snop  }
0x7: {  	_ = 	snop  }
__scs_overlays_trampoline_lowered:
0x8: {  	[smem:$0x3FAB] =	sst s0  }
0x9: {  	[smem:$0x3FAC] =	sst s1  }
0xa: {  	[smem:$0x3FAD] =	sst s2  }
0xb: {  	[smem:$0x3FAE] =	sst s3  }
0xc: {  	[smem:$0x3FAF] =	sst s4  }
0xd: {  	[smem:$0x3FB0] =	sst s5  }
0xe: {  	[smem:$0x3FB1] =	sst s6  }
0xf: {  	[smem:$0x3FB2] =	sst s7  }
0x10: {  	[smem:$0x3FB3] =	sst s8  }
0x11: {  	[smem:$0x3FB4] =	sst s9;
	s0 =	simm.s32 @!p0 $0x0  }
0x12: {  	s1 =	sld [smem:$0x3F9A];
	s0 =	simm.s32 @p0 $0x1  }
0x13: {  	[smem:$0x3FB5] =	sst s0;
	s0 =	simm.s32 @!p1 $0x0  }
0x14: {  	s2 =	sld [smem:$0x3F99];
	s0 =	simm.s32 @p1 $0x1  }
0x15: {  	[smem:$0x3FB6] =	sst s0;
	s0 =	simm.s32 @!p2 $0x0  }
0x16: {  	s3 =	sld [smem:$0x3FDB];
	s0 =	simm.s32 @p2 $0x1  }
0x17: {  	s4 =	simm.s32 $0x1BF5;
	[smem:$0x3FB8] =	sst s0  }
0x18: {  	s0 =	sld [smem:$0x3F9B];
	_ =	swait.ge [sflag:s4], $0x0  }
0x19: {  	s7 =	sld [smem:$0x3F9C]  }
0x1a: {  	s8 =	sadd.s32 $0xFFFFE003, lr  }
0x1b: {  	s9 =	sadd.s32 $0xFFFFFEF7, lr;
	s5 =	simm.s32 $0xFFFFFFFF;
	p2 =	slt.u32 s8, $0xFFFFF086  }
0x1c: {  	p1 =	slt.u32 s9, $0xF7A;
	s5 =	simm.s32 @!p2 $0x0  }
0x1d: {  	s5 =	simm.s32 @p1 $0x1;
	p0 =	seq.s32 s7, s2  }
0x1e: {  	s7 =	smul.u32 @!p0 $0xF7A, s2;
	p2 =	seq.s32 @!p0 s5, $0x0  }
0x1f: {  	s9 =	smul.u32 $0xF7A, s1;
	s8 =	simm.s32 @!p0 $0x1BF5;
	p2 =	por !p2, p0  }
0x20: {  	[sflag:s8] =	ssyncset.s32 @!p0 $0xFFFFF086;
	s6 =	sadd.s32 @!p0 s3, s7;
	s7 =	simm.s32 @!p0 $0x108  }
0x21: {  	s3 =	sadd.s32 s3, s9;
	s6 =	sadd.s32 @!p0 $0x88, s6;
	s7 =	simm.s32 @p2 $0x1082  }
0x22: {  	[simem:s7], [sflag:s8] =	dma.local @!p0 [hbm:s6], $0xF7A  }
0x23: {  	s9 =	sor.u32 $0xD0000000, s2;
	s6 =	simm.s32 $0x108;
	_ =	swait.ge @!p0 [sflag:s8], $0x0  }
0x24: {  	s3 =	sadd.s32 $0x88, s3;
	s6 =	simm.s32 @!p1 $0x1082;
	[sflag:s4] =	ssyncset.s32 $0xFFFFF086  }
0x25: {  	[simem:s6], [sflag:s4] =	dma.local [hbm:s3], $0xF7A  }
0x26: {  	[smem:$0x3F9C] =	sst s1;
	(tag) =	ssettag s2;
	_ =	strace s9  }
0x27: {  	s1 =	sld [smem:$0x3FAC]  }
0x28: {  	s2 =	sld [smem:$0x3FAD]  }
0x29: {  	s4 =	sld [smem:$0x3FAF]  }
0x2a: {  	p0 =	seq.s32 s5, $0x0;
	s5 =	sld [smem:$0x3FB0]  }
0x2b: {  	s6 =	sld [smem:$0x3FB1]  }
0x2c: {  	s7 =	sld [smem:$0x3FB2]  }
0x2d: {  	s3 =	simm.s32 $0x108;
	s8 =	sld [smem:$0x3FB3]  }
0x2e: {  	s3 =	simm.s32 @!p0 $0x1082;
	s9 =	sld [smem:$0x3FB4]  }
0x2f: {  	lr =	sadd.s32 s0, s3;
	s0 =	sld [smem:$0x3FAB]  }
0x30: {  	s3 =	sld [smem:$0x3FAE]  }
0x31: {  	[smem:$0x3FB7] =	sst s10  }
0x32: {  	s10 =	sld [smem:$0x3FB5];
	_ =	sdelay $0x3  }
0x33: {  	p0 =	seq.s32 s10, $0x1;
	s10 =	sld [smem:$0x3FB7];
	_ =	sdelay $0x3  }
0x34: {  	[smem:$0x3FB7] =	sst s10  }
0x35: {  	s10 =	sld [smem:$0x3FB6];
	_ =	sdelay $0x3  }
0x36: {  	p1 =	seq.s32 s10, $0x1;
	s10 =	sld [smem:$0x3FB7];
	_ =	sdelay $0x3  }
0x37: {  	[smem:$0x3FB7] =	sst s10  }
0x38: {  	s10 =	sld [smem:$0x3FB8]  }
0x39: {  	_ = 	snop;
	(pc) =	sbr.ind lr, $3  }
0x3a: {  	_ = 	snop  }
0x3b: {  	_ = 	snop  }
0x3c: {  	p2 =	seq.s32 s10, $0x1;
	s10 =	sld [smem:$0x3FB7]  }
0x3d: {  	_ =	shalt  }
0x3e: {  	_ =	shalt  }
0x3f: {  	_ =	shalt  }
0x40: {  	_ =	shalt  }
0x41: {  	_ =	shalt  }
0x42: {  	_ =	shalt  }
0x43: {  	_ =	shalt  }
0x44: {  	_ =	shalt  }
0x45: {  	_ =	shalt  }
0x46: {  	_ =	shalt  }
0x47: {  	_ =	shalt  }
0x48: {  	_ =	shalt  }
0x49: {  	_ =	shalt  }
0x4a: {  	_ =	shalt  }
0x4b: {  	_ =	shalt  }
0x4c: {  	_ =	shalt  }
0x4d: {  	_ =	shalt  }
0x4e: {  	_ =	shalt  }
0x4f: {  	_ =	shalt  }
0x50: {  	_ =	shalt  }
0x51: {  	_ =	shalt  }
0x52: {  	_ =	shalt  }
0x53: {  	_ =	shalt  }
0x54: {  	_ =	shalt  }
0x55: {  	_ =	shalt  }
0x56: {  	_ =	shalt  }
0x57: {  	_ =	shalt  }
0x58: {  	_ =	shalt  }
0x59: {  	_ =	shalt  }
0x5a: {  	_ =	shalt  }
0x5b: {  	_ =	shalt  }
0x5c: {  	_ =	shalt  }
0x5d: {  	_ =	shalt  }
0x5e: {  	_ =	shalt  }
0x5f: {  	_ =	shalt  }
0x60: {  	_ =	shalt  }
0x61: {  	_ =	shalt  }
0x62: {  	_ =	shalt  }
0x63: {  	_ =	shalt  }
0x64: {  	_ =	shalt  }
0x65: {  	_ =	shalt  }
0x66: {  	_ =	shalt  }
0x67: {  	_ =	shalt  }
0x68: {  	_ =	shalt  }
0x69: {  	_ =	shalt  }
0x6a: {  	_ =	shalt  }
0x6b: {  	_ =	shalt  }
0x6c: {  	_ =	shalt  }
0x6d: {  	_ =	shalt  }
0x6e: {  	_ =	shalt  }
0x6f: {  	_ =	shalt  }
0x70: {  	_ =	shalt  }
0x71: {  	_ =	shalt  }
0x72: {  	_ =	shalt  }
0x73: {  	_ =	shalt  }
0x74: {  	_ =	shalt  }
0x75: {  	_ =	shalt  }
0x76: {  	_ =	shalt  }
0x77: {  	_ =	shalt  }
0x78: {  	_ =	shalt  }
0x79: {  	_ =	shalt  }
0x7a: {  	_ =	shalt  }
0x7b: {  	_ =	shalt  }
0x7c: {  	_ =	shalt  }
0x7d: {  	_ =	shalt  }
0x7e: {  	_ =	shalt  }
0x7f: {  	_ =	shalt  }
0x80: {  	_ =	shalt  }
0x81: {  	_ =	shalt  }
0x82: {  	_ =	shalt  }
0x83: {  	_ =	shalt  }
0x84: {  	_ =	shalt  }
0x85: {  	_ =	shalt  }
0x86: {  	_ =	shalt  }
0x87: {  	_ =	shalt  }
.Lfunc_end0:
.L_simem_size_0:
called_computation_lowered:
.L_overlay_start_0:
0x88: {  	s2 =	sld [smem:$0x3FD9]  }
0x89: {  	s3 =	sld [smem:$0x3FFE];
	_ =	sdelay $0x1  }
0x8a: {  	s1 =	srdreg.scid  }
0x8b: {  	s0 =	sand.u32 $0x1, s1  }
0x8c: {  	s18 =	sshll.u32 s0, $0xA;
	s2 =	sadd.s32 s3, s2  }
0x8d: {  	s2 =	sadd.s32 s2, s18  }
0x8e: {  	[smem:$0x3FC3] =	sst s2  }
0x8f: {  	_ = 	snop  }
0x90: {  	s2 =	sld [smem:$0x3FC9]  }
0x91: {  	s19 =	sld [smem:$0x3FC8]  }
0x92: {  	s4 =	sld [smem:$0x3FC7]  }
0x93: {  	s5 =	sld [smem:$0x3FC6]  }
0x94: {  	s6 =	sld [smem:$0x3FC5]  }
0x95: {  	s7 =	sld [smem:$0x3FD0];
	(tm) =	ssettm $0x1  }
0x96: {  	s8 =	sld [smem:$0x3FFB];
	_ =	sdelay $0x3  }
0x97: {  	_ =	strace s8  }
0x98: {  	s8 =	sld [smem:$0x3FFC];
	_ =	sdelay $0x3  }
0x99: {  	_ =	strace s8  }
0x9a: {  	s8 =	sld [smem:$0x3FFD];
	_ =	sdelay $0x3  }
0x9b: {  	_ =	strace s8  }
0x9c: {  	_ =	strace $0x8FFFFFFF  }
0x9d: {  	s20 =	sld [smem:$0x3FDB];
	_ =	sdelay $0x1  }
0x9e: {  	s9 =	simm.s32 $_scs_section_size  }
0x9f: {  	s10 =	simm.s32 $_size__tile_overlayer_lowered;
	s11 =	simm.s32 $_tile_overlayer_lowered  }
0xa0: {  	s23 =	simm.s32 $0x1BFF;
	s22 =	sshll.u32 s11, $0x1;
	s8 =	sadd.s32 s9, s20  }
0xa1: {  	s12 =	simm.s32 $0x0;
	s21 =	sshll.u32 s10, $0x1;
	s10 =	sadd.s32 s22, s8  }
0xa2: {  	[timem:s12], [sflag:s23] =	dma.local [hbm:s10], s21  }
0xa3: {  	_ =	swait.ge [sflag:s23], s21  }
0xa4: {  	s9 =	ssub.s32 $0x0, s21;
	[sflag:s23] =	ssyncset.done $0x0  }
0xa5: {  	[sflag:s23] =	ssyncadd.s32 s9;
	_ =	sdelay $0x1  }
0xa6: {  	s24 =	simm.s32 $0x1B8B  }
0xa7: {  	_ =	swait.ge [sflag:s24], $0x1  }
0xa8: {  	[sflag:s24] =	ssyncset.done $0x0  }
0xa9: {  	s25 =	simm.s32 $0x1B8E;
	[sflag:s24] =	ssyncadd.s32 $0xFFFFFFFF  }
0xaa: {  	s26 =	simm.s32 $execute0_lowered;
	[smem:$0x3FD2] =	sst s25  }
0xab: {  	s9 =	sshll.u32 s26, $0x1;
	_ =	strace $0x80000046;
	[dreg:$0x1] =	wrdreg $0xFFFFFFFF  }
0xac: {  	s28 =	simm.s32 $_size_execute0_lowered;
	s8 =	sadd.s32 s8, s9;
	[dreg:$0x0] =	wrdreg $0x0  }
0xad: {  	s9 =	sshll.u32 s28, $0x1;
	[dreg:$0x2] =	wrdreg s8  }
0xae: {  	[dreg:$0x3] =	wrdreg s9  }
0xaf: {  	[dreg:$0x4] =	wrdreg $0xC0  }
0xb0: {  	_ =	task [dreg:s12], $0x5FFFF  }
0xb1: {  	[dreg:$0x1] =	wrdreg $0xFFFFFFFF  }
0xb2: {  	[dreg:$0x0] =	wrdreg $0x60  }
0xb3: {  	[dreg:$0x2] =	wrdreg s2  }
0xb4: {  	[dreg:$0x3] =	wrdreg s19  }
0xb5: {  	[dreg:$0x4] =	wrdreg s4  }
0xb6: {  	[dreg:$0x5] =	wrdreg s5  }
0xb7: {  	[dreg:$0x6] =	wrdreg s6  }
0xb8: {  	[dreg:$0x7] =	wrdreg s7  }
0xb9: {  	[dreg:$0x8] =	wrdreg $0x9  }
0xba: {  	_ =	task.clear_ibuf [dreg:s12], $0x9FFFF;
	_ =	strace $0x90000046  }
0xbb: {  	s29 =	simm.s32 $0x9;
	_ =	strace $0x80000048  }
0xbc: {  	_ =	swait.ge [sflag:s29], $0x1  }
0xbd: {  	[sflag:s29] =	ssyncadd.s32 $0xFFFFFFFF  }
0xbe: {  	_ =	strace $0x90000048  }
0xbf: {  	_ =	sfence  }
0xc0: {  	s30 =	sld [smem:$0x0];
	_ =	sdelay $0x2  }
0xc1: {  	s31 =	sshll.u32 s1, $0xD;
	s1 =	sshrl.u32 s1, $0x2  }
0xc2: {  	s3 =	sand.u32 $0x4000, s31;
	s1 =	sadd.s32 s1, s30  }
0xc3: {  	s0 =	sor.u32 s3, s0;
	s1 =	sshll.u32 s1, $0x11  }
0xc4: {  	s0 =	sor.u32 s1, s0  }
0xc5: {  	s0 =	sadd.s32 $0x8F2B, s0  }
0xc6: {  	[sflag:s0] =	ssyncadd.remote.s32 $0x1  }
0xc7: {  	_ =	sfence.sel $0xFFFF  }
0xc8: {  	[dreg:$0x0] =	wrdreg $0xFFFFFFFF;
	(pc) =	sbr.abs _section_cstart, $3  }
0xc9: {  	[dreg:$0x1] =	wrdreg $0xFFFFFFFF  }
0xca: {  	_ =	task.clear_ibuf [dreg:s12], $0x2FFFF;
	_ =	strace $0x9FFFFFFF  }
0xcb: {  	(tm) =	ssettm $0x7FFFFFFF  }
tec
execute0_lowered:
.L_overlay_start_1:
0x0: {  	(tag) =	ssettag $0x1  }
0x1: {  	v0 =	vimm.s32 $0xBA98FEDC;
	v1 =	vimm.s32 $0x76543210  }
0x2: {  	s1 =	rddreg [dreg:$0x0];
	v2 =	vimm.s32 $0xFEDCBA98;
	v3 =	vimm.s32 $0x32107654;
	v4 =	vimm.s32 $0xDCFE98BA  }
0x3: {  	s2 =	rddreg [dreg:$0x1];
	v5 =	vimm.s32 $0x54761032;
	v6 =	vimm.s32 $0xEFCDAB89;
	v7 =	vimm.s32 $0x67452301  }
0x4: {  	s0 =	rddreg [dreg:$0x4];
	v55 =	vlaneseq.u32;
	v0 =	vunpack.c.l.s4.s8 v0;
	v1 =	vunpack.c.l.s4.s8 v1  }
0x5: {  	s3 =	rddreg [dreg:$0x5];
	v3 =	vunpack.c.l.s4.s8 v3;
	v4 =	vunpack.c.l.s4.s8 v4;
	v5 =	vunpack.c.l.s4.s8 v5  }
0x6: {  	s4 =	srdreg.scid;
	s6 =	simm.s32 $0x0;
	s5 =	stileid.u32;
	v6 =	vunpack.c.l.s4.s8 v6;
	v7 =	vunpack.c.l.s4.s8 v7;
	v2 =	vunpack.c.l.s4.s8 v2  }
0x7: {  	s18 =	simm.s32 $0x400;
	s28 =	simm.s32 $0x4400;
	s15 =	simm.s32 $0xFC00;
	v56 =	vshrl.u32 v55, $0x3;
	v58 =	vand.u32 $0x7, v55;
	v61 =	vor.u32 $0x8, v55  }
0x8: {  	s17 =	simm.s32 $0x1;
	s19 =	simm.s32 $0x3;
	s20 =	simm.s32 $0x2;
	v59 =	vmul.u32 $0x4, v56;
	v0 =	vunpack.c.0.s8.s32 v0;
	v2 =	vunpack.c.0.s8.s32 v2  }
0x9: {  	s21 =	simm.s32 $0x4;
	s4 =	sand.u32 $0x1, s4;
	[smem:$0x7FF] =	sst s6;
	v3 =	vunpack.c.0.s8.s32 v3;
	v4 =	vunpack.c.0.s8.s32 v4;
	v57 =	vunpack.c.0.s8.s32 v1  }
0xa: {  	s5 =	sshll.u32 s5, $0xB;
	s7 =	sshll.u32 s4, $0xA;
	_ =	strace $0x80000047;
	[tilespmem:$0x1FF90] =	vst v58;
	v5 =	vunpack.c.0.s8.s32 v5;
	v53 =	vunpack.c.0.s8.s32 v6;
	v60 =	vand.u32 $0xF, v2  }
0xb: {  	s10 =	sadd.s32 $0x80, s2;
	s11 =	sadd.s32 $0x100, s2;
	[tilespmem:$0x1FFB0] =	vst v61;
	s7 =	sor.u32 s7, s5;
	v54 =	vunpack.c.0.s8.s32 v7;
	v8 =	vcombine.low v3, v0;
	v62 =	vcombine.low v60, v57  }
0xc: {  	s12 =	sadd.s32 $0x180, s2;
	s4 =	ssub.s32 $0x2, s4;
	s8 =	sshrl.u32 s7, $0x3;
	[tilespmem:$0x1FFA0] =	vst v59;
	v5 =	vcombine.low v5, v4  }
0xd: {  	s29 =	sshrl.u32 s4, $0x1;
	s9 =	sshll.u32 s7, $0x7;
	s0 =	sadd.s32 s0, s8;
	v9 =	vcombine.low v54, v53;
	v63 =	vand.u32 $0xF, v8;
	[tilespmem:$0x1FFC0] =	vst v62  }
0xe: {  	s4 =	ssub.s32 s4, s29;
	s30 =	sadd.s32 s1, s9;
	[dreg:$0x7] =	wrdreg s0;
	v5 =	vand.u32 $0xF, v5;
	[tilespmem:$0x1FFD0] =	vst v63  }
0xf: {  	s5 =	simm.s32 $0x0;
	s31 =	smax.u32 s4, $0x1;
	[dreg:$0x8] =	wrdreg s30;
	v10 =	vand.u32 $0xF, v9;
	[tilespmem:$0x1FFE0] =	vst v5  }
0x10: {  	vm0 =	vmmov $0xffff;
	s13 =	sadd.s32 s3, s9;
	s4 =	simm.s32 $0xF400;
	[dreg:$0x9] =	wrdreg s31;
	[tilespmem:$0x1FFF0] =	vst v10  }
.LBB2_1:
0x11: {  	[dreg:$0xa] =	wrdreg s5  }
0x12: {  	s0 =	rddreg [dreg:$0x2];
	s3 =	simm.s32 $0x10400;
	s31 =	simm.s32 $0x7  }
0x13: {  	[tilespmem:s3], [sflag:$0x7] =	stream.linear.gather [hbm4b:s0+s6], $0x400, $0x38;
	[tilespmem:$0x10C00] =	vst v63  }
0x14: {  	_ =	swait.ge [sflag:s31], $0x400  }
0x15: {  	[sflag:s31] =	ssyncset.done $0x0  }
0x16: {  	[sflag:s31] =	ssyncadd.s32 $0xFFFFFC00  }
0x17: {  	s9 =	simm.s32 $0x10800;
	s8 =	rddreg [dreg:$0x3]  }
0x18: {  	[tilespmem:s9], [sflag:$0x7] =	stream.linear.gather [hbm4b:s8+s6], $0x400, $0x38;
	[tilespmem:$0x10C00] =	vst v63  }
0x19: {  	_ =	swait.ge [sflag:s31], $0x400  }
0x1a: {  	[sflag:s31] =	ssyncset.done $0x0  }
0x1b: {  	s14 =	rddreg [dreg:$0x7];
	[sflag:s31] =	ssyncadd.s32 $0xFFFFFC00  }
0x1c: {  	[tilespmem:s6], [sflag:$0x7] =	stream.linear.gather [hbm4b:s14+s6], $0x400, $0x38;
	[tilespmem:$0x10C00] =	vst v63  }
0x1d: {  	_ =	swait.ge [sflag:s31], $0x400  }
0x1e: {  	[sflag:s31] =	ssyncset.done $0x0  }
0x1f: {  	s16 =	rddreg [dreg:$0x8];
	[sflag:s31] =	ssyncadd.s32 $0xFFFFFC00  }
0x20: {  	[tilespmem:s18], [sflag:$0x1] =	stream.linear.gather [hbm4b:s16+s6], $0x4000, $0x38;
	[tilespmem:$0x10C00] =	vst v63  }
0x21: {  	v7 =	vld [tilespmem:$0x0];
	_ =	sdelay $0x2  }
0x22: {  	v0 =	vld [tilespmem:$0x1FF90];
	_ =	sdelay $0x1  }
0x23: {  	v63 =	vld [tilespmem:$0x1FFA0];
	v8 =	vshll.u32 v7, $0x3  }
0x24: {  	v7 =	vand.u32 $0x3, v7;
	v8 =	vand.u32 $0xFFFFFFE0, v8  }
0x25: {  	v7 =	vor.u32 v7, v8  }
0x26: {  	v8 =	vperm.xlane v7, v0;
	_ =	sdelay $0x1  }
0x27: {  	v8 =	vadd.s32 v63, v8  }
0x28: {  	v1 =	vld [tilespmem:$0x1FFB0];
	_ =	sdelay $0x2  }
0x29: {  	s22 =	simm.s32 $0x8400  }
0x2a: {  	[tilespmem:s22], [sflag:$0x3] =	stream.indirect_vreg.gather [hbm4b:s2+s6], $0x80, v8, vm0, $0xb8;
	[tilespmem:$0x10C00] =	vst v63  }
0x2b: {  	s23 =	simm.s32 $0x8C00;
	v7 =	vperm.xlane v7, v1  }
0x2c: {  	[tilespmem:s23], [sflag:$0x3] =	stream.indirect_vreg.gather [hbm4b:s10+s6], $0x80, v8, vm0, $0xb8;
	[tilespmem:$0x10C00] =	vst v63  }
0x2d: {  	s24 =	simm.s32 $0x9400;
	v7 =	vadd.s32 v63, v7  }
0x2e: {  	[tilespmem:s24], [sflag:$0x3] =	stream.indirect_vreg.gather [hbm4b:s11+s6], $0x80, v8, vm0, $0xb8;
	[tilespmem:$0x10C00] =	vst v63  }
0x2f: {  	s25 =	simm.s32 $0x9C00  }
0x30: {  	[tilespmem:s25], [sflag:$0x3] =	stream.indirect_vreg.gather [hbm4b:s12+s6], $0x80, v8, vm0, $0xb8;
	[tilespmem:$0x10C00] =	vst v63  }
0x31: {  	s26 =	simm.s32 $0xA400  }
0x32: {  	[tilespmem:s26], [sflag:$0x3] =	stream.indirect_vreg.gather [hbm4b:s2+s6], $0x80, v7, vm0, $0xb8;
	[tilespmem:$0x10C00] =	vst v63  }
0x33: {  	s29 =	simm.s32 $0xAC00  }
0x34: {  	[tilespmem:s29], [sflag:$0x3] =	stream.indirect_vreg.gather [hbm4b:s10+s6], $0x80, v7, vm0, $0xb8;
	[tilespmem:$0x10C00] =	vst v63  }
0x35: {  	s30 =	simm.s32 $0xB400  }
0x36: {  	[tilespmem:s30], [sflag:$0x3] =	stream.indirect_vreg.gather [hbm4b:s11+s6], $0x80, v7, vm0, $0xb8;
	[tilespmem:$0x10C00] =	vst v63  }
0x37: {  	s31 =	simm.s32 $0xBC00;
	s25 =	simm.s32 $0x0  }
0x38: {  	[tilespmem:s31], [sflag:$0x3] =	stream.indirect_vreg.gather [hbm4b:s12+s6], $0x80, v7, vm0, $0xb8;
	[tilespmem:$0x10C00] =	vst v63  }
.LBB2_2:
0x39: {  	s26 =	sshllo.u32 s25, $0x1;
	p0 =	seq.s32 s25, $0x0  }
0x3a: {  	s0 =	simm.s32 @!p0 $0x6;
	s3 =	sshll.u32 s26, $0x4  }
0x3b: {  	_ =	swait.ge @!p0 [sflag:s0], $0x4000;
	s5 =	sadd.s32 s7, s3  }
0x3c: {  	[sflag:s0] =	ssyncset.done @!p0 $0x0;
	s5 =	sshll.u32 s5, $0x7  }
0x3d: {  	s8 =	simm.s32 $0x0;
	[sflag:s0] =	ssyncadd.s32 @!p0 $0xFFFFC000;
	s16 =	sadd.s32 s1, s5  }
0x3e: {  	[tilespmem:s28], [sflag:$0x2] =	stream.linear.gather [hbm4b:s16+s8], $0x4000, $0x38;
	[tilespmem:$0x10C00] =	vst v63  }
0x3f: {  	v7 =	vld [tilespmem:s3+$0x0];
	_ =	sdelay $0x2  }
0x40: {  	v0 =	vld [tilespmem:$0x1FF90];
	_ =	sdelay $0x1  }
0x41: {  	v63 =	vld [tilespmem:$0x1FFA0];
	v8 =	vshll.u32 v7, $0x3  }
0x42: {  	v7 =	vand.u32 $0x3, v7;
	v8 =	vand.u32 $0xFFFFFFE0, v8  }
0x43: {  	v7 =	vor.u32 v7, v8  }
0x44: {  	v8 =	vperm.xlane v7, v0;
	_ =	sdelay $0x1  }
0x45: {  	v8 =	vadd.s32 v63, v8  }
0x46: {  	v1 =	vld [tilespmem:$0x1FFB0];
	_ =	sdelay $0x2  }
0x47: {  	s22 =	simm.s32 $0xC400  }
0x48: {  	[tilespmem:s22], [sflag:$0x4] =	stream.indirect_vreg.gather [hbm4b:s2+s8], $0x80, v8, vm0, $0xb8;
	[tilespmem:$0x10C00] =	vst v63  }
0x49: {  	s23 =	simm.s32 $0xCC00;
	v7 =	vperm.xlane v7, v1  }
0x4a: {  	[tilespmem:s23], [sflag:$0x4] =	stream.indirect_vreg.gather [hbm4b:s10+s8], $0x80, v8, vm0, $0xb8;
	[tilespmem:$0x10C00] =	vst v63  }
0x4b: {  	s24 =	simm.s32 $0xD400;
	v7 =	vadd.s32 v63, v7  }
0x4c: {  	[tilespmem:s24], [sflag:$0x4] =	stream.indirect_vreg.gather [hbm4b:s11+s8], $0x80, v8, vm0, $0xb8;
	[tilespmem:$0x10C00] =	vst v63  }
0x4d: {  	s29 =	simm.s32 $0xDC00  }
0x4e: {  	[tilespmem:s29], [sflag:$0x4] =	stream.indirect_vreg.gather [hbm4b:s12+s8], $0x80, v8, vm0, $0xb8;
	[tilespmem:$0x10C00] =	vst v63  }
0x4f: {  	s30 =	simm.s32 $0xE400  }
0x50: {  	[tilespmem:s30], [sflag:$0x4] =	stream.indirect_vreg.gather [hbm4b:s2+s8], $0x80, v7, vm0, $0xb8;
	[tilespmem:$0x10C00] =	vst v63  }
0x51: {  	s31 =	simm.s32 $0xEC00  }
0x52: {  	[tilespmem:s31], [sflag:$0x4] =	stream.indirect_vreg.gather [hbm4b:s10+s8], $0x80, v7, vm0, $0xb8;
	[tilespmem:$0x10C00] =	vst v63  }
0x53: {  	_ = 	snop  }
0x54: {  	[tilespmem:s4], [sflag:$0x4] =	stream.indirect_vreg.gather [hbm4b:s11+s8], $0x80, v7, vm0, $0xb8;
	[tilespmem:$0x10C00] =	vst v63  }
0x55: {  	_ = 	snop  }
0x56: {  	[tilespmem:s15], [sflag:$0x4] =	stream.indirect_vreg.gather [hbm4b:s12+s8], $0x80, v7, vm0, $0xb8;
	[tilespmem:$0x10C00] =	vst v63  }
0x57: {  	_ =	swait.ge [sflag:s17], $0x4000  }
0x58: {  	[sflag:s17] =	ssyncset.done $0x0  }
0x59: {  	[sflag:s17] =	ssyncadd.s32 $0xFFFFC000  }
0x5a: {  	_ =	swait.ge [sflag:s19], $0x4000  }
0x5b: {  	s9 =	simm.s32 $0xFFFFC000;
	[sflag:s19] =	ssyncset.done $0x0  }
0x5c: {  	s14 =	simm.s32 $0x0;
	s22 =	simm.s32 $0x0;
	[sflag:s19] =	ssyncadd.s32 $0xFFFFC000  }
.LBB2_3:
0x5d: {  	s0 =	sadd.s32 $0x4000, s9  }
0x5e: {  	s3 =	sand.u32 $0x380, s22;
	s0 =	sand.u32 $0x2000, s0  }
0x5f: {  	s23 =	sor.u32 s3, s0  }
0x60: {  	v7 =	vld [tilespmem:s23+$0x400]  }
0x61: {  	v8 =	vld [tilespmem:s23+$0x8400]  }
0x62: {  	v9 =	vld [tilespmem:s23+$0x410]  }
0x63: {  	v10 =	vld [tilespmem:s23+$0x8410]  }
0x64: {  	v11 =	vld [tilespmem:s23+$0x420]  }
0x65: {  	v12 =	vld [tilespmem:s23+$0x8420]  }
0x66: {  	v13 =	vld [tilespmem:s23+$0x430]  }
0x67: {  	v14 =	vld [tilespmem:s23+$0x8430]  }
0x68: {  	v15 =	vld [tilespmem:s23+$0x440]  }
0x69: {  	v16 =	vld [tilespmem:s23+$0x8440]  }
0x6a: {  	v17 =	vld [tilespmem:s23+$0x450]  }
0x6b: {  	v18 =	vld [tilespmem:s23+$0x8450]  }
0x6c: {  	v19 =	vld [tilespmem:s23+$0x460]  }
0x6d: {  	v20 =	vld [tilespmem:s23+$0x8460]  }
0x6e: {  	v21 =	vld [tilespmem:s23+$0x470]  }
0x6f: {  	v22 =	vld [tilespmem:s23+$0x8470]  }
0x70: {  	v23 =	vld [tilespmem:s23+$0x800]  }
0x71: {  	v24 =	vld [tilespmem:s23+$0x8800]  }
0x72: {  	v25 =	vld [tilespmem:s23+$0x810]  }
0x73: {  	v26 =	vld [tilespmem:s23+$0x8810]  }
0x74: {  	v27 =	vld [tilespmem:s23+$0x820]  }
0x75: {  	v28 =	vld [tilespmem:s23+$0x8820]  }
0x76: {  	v29 =	vld [tilespmem:s23+$0x830]  }
0x77: {  	v30 =	vld [tilespmem:s23+$0x8830]  }
0x78: {  	v31 =	vld [tilespmem:s23+$0x840]  }
0x79: {  	v32 =	vld [tilespmem:s23+$0x8840]  }
0x7a: {  	v33 =	vld [tilespmem:s23+$0x850]  }
0x7b: {  	v34 =	vld [tilespmem:s23+$0x8850]  }
0x7c: {  	v35 =	vld [tilespmem:s23+$0x860]  }
0x7d: {  	v36 =	vld [tilespmem:s23+$0x8860]  }
0x7e: {  	v37 =	vld [tilespmem:s23+$0x870]  }
0x7f: {  	v38 =	vld [tilespmem:s23+$0x8870]  }
0x80: {  	v39 =	vld [tilespmem:s23+$0xC00]  }
0x81: {  	v40 =	vld [tilespmem:s23+$0x8C00]  }
0x82: {  	v41 =	vld [tilespmem:s23+$0xC10]  }
0x83: {  	v42 =	vld [tilespmem:s23+$0x8C10]  }
0x84: {  	v43 =	vld [tilespmem:s23+$0xC20]  }
0x85: {  	v45 =	vld [tilespmem:s23+$0x8C20]  }
0x86: {  	v46 =	vld [tilespmem:s23+$0xC30]  }
0x87: {  	v0 =	vld [tilespmem:s23+$0x8C30]  }
0x88: {  	v2 =	vld [tilespmem:s23+$0xC40]  }
0x89: {  	v1 =	vld [tilespmem:s23+$0x8C40]  }
0x8a: {  	v3 =	vld [tilespmem:s23+$0xC50]  }
0x8b: {  	v4 =	vld [tilespmem:s23+$0x8C50]  }
0x8c: {  	v5 =	vld [tilespmem:s23+$0xC60]  }
0x8d: {  	v6 =	vld [tilespmem:s23+$0x8C60]  }
0x8e: {  	v44 =	vld [tilespmem:s23+$0xC70]  }
0x8f: {  	v49 =	vld [tilespmem:s23+$0x8C70]  }
0x90: {  	v50 =	vld [tilespmem:s23+$0x1000]  }
0x91: {  	v51 =	vld [tilespmem:s23+$0x9000]  }
0x92: {  	v52 =	vld [tilespmem:s23+$0x1010]  }
0x93: {  	v53 =	vld [tilespmem:s23+$0x9010]  }
0x94: {  	v54 =	vld [tilespmem:s23+$0x1020]  }
0x95: {  	v55 =	vld [tilespmem:s23+$0x9020]  }
0x96: {  	v56 =	vld [tilespmem:s23+$0x1030]  }
0x97: {  	v57 =	vld [tilespmem:s23+$0x9030]  }
0x98: {  	v58 =	vld [tilespmem:s23+$0x1040]  }
0x99: {  	v60 =	vld [tilespmem:s23+$0x1050]  }
0x9a: {  	v61 =	vld [tilespmem:s23+$0x9050]  }
0x9b: {  	v59 =	vld [tilespmem:s23+$0x9040]  }
0x9c: {  	v62 =	vld [tilespmem:s23+$0x1060]  }
0x9d: {  	v63 =	vld [tilespmem:s23+$0x9060]  }
0x9e: {  	[tilespmem:$0x1FF20] =	vst v60;
	v60 =	vadd.f32 v10, v9;
	v10 =	vld [tilespmem:s23+$0x1070]  }
0x9f: {  	[tilespmem:$0x1FF30] =	vst v61;
	v61 =	vadd.f32 v12, v11;
	v12 =	vld [tilespmem:s23+$0x9070]  }
0xa0: {  	[tilespmem:$0x1FE60] =	vst v44;
	v44 =	vadd.f32 v14, v13;
	v14 =	vld [tilespmem:s23+$0x1400]  }
0xa1: {  	v11 =	vld [tilespmem:s23+$0x9400]  }
0xa2: {  	[tilespmem:$0x1FE70] =	vst v49;
	v13 =	vld [tilespmem:s23+$0x9410]  }
0xa3: {  	[tilespmem:$0x1FF50] =	vst v63;
	v63 =	vadd.f32 v16, v15;
	v15 =	vld [tilespmem:s23+$0x9420]  }
0xa4: {  	[tilespmem:$0x1FF00] =	vst v58;
	v58 =	vadd.f32 v26, v25;
	v26 =	vld [tilespmem:s23+$0x1430]  }
0xa5: {  	[tilespmem:$0x1FF40] =	vst v62;
	v62 =	vadd.f32 v18, v17;
	v17 =	vld [tilespmem:s23+$0x9430]  }
0xa6: {  	[tilespmem:$0x1FED0] =	vst v55;
	v55 =	vadd.f32 v28, v27;
	v28 =	vld [tilespmem:s23+$0x1440]  }
0xa7: {  	[tilespmem:$0x1FEB0] =	vst v53;
	v53 =	vadd.f32 v20, v19;
	v19 =	vld [tilespmem:s23+$0x9440]  }
0xa8: {  	[tilespmem:$0x1FE80] =	vst v50;
	v20 =	vld [tilespmem:s23+$0x1450]  }
0xa9: {  	[tilespmem:$0x1FEC0] =	vst v54;
	v54 =	vadd.f32 v22, v21;
	v21 =	vld [tilespmem:s23+$0x9450]  }
0xaa: {  	[tilespmem:$0x1FE90] =	vst v51;
	v22 =	vld [tilespmem:s23+$0x1460]  }
0xab: {  	[tilespmem:$0x1FEF0] =	vst v57;
	v57 =	vadd.f32 v24, v23;
	v23 =	vld [tilespmem:s23+$0x9460]  }
0xac: {  	[tilespmem:$0x1FEA0] =	vst v52;
	v24 =	vld [tilespmem:s23+$0x1470]  }
0xad: {  	[tilespmem:$0x1FF10] =	vst v59;
	v59 =	vadd.f32 v8, v7;
	v25 =	vld [tilespmem:s23+$0x9470]  }
0xae: {  	[tilespmem:$0x1FEE0] =	vst v56;
	v9 =	vld [tilespmem:s23+$0x9800]  }
0xaf: {  	v8 =	vld [tilespmem:s23+$0x1810];
	[tilespmem:s23+$0x400] =	vst v59  }
0xb0: {  	v7 =	vld [tilespmem:s23+$0x9810];
	[tilespmem:s23+$0x410] =	vst v60  }
0xb1: {  	v49 =	vadd.f32 v40, v39;
	v40 =	vadd.f32 v4, v3;
	v4 =	vld [tilespmem:s23+$0x1820];
	[tilespmem:s23+$0x420] =	vst v61  }
0xb2: {  	v45 =	vadd.f32 v45, v43;
	v43 =	vadd.f32 v1, v2;
	v2 =	vld [tilespmem:s23+$0x9840];
	[tilespmem:s23+$0x430] =	vst v44  }
0xb3: {  	v3 =	vld [tilespmem:s23+$0x1850];
	[tilespmem:s23+$0x440] =	vst v63  }
0xb4: {  	v46 =	vadd.f32 v0, v46;
	v0 =	vld [tilespmem:s23+$0x9850];
	[tilespmem:s23+$0x450] =	vst v62  }
0xb5: {  	v1 =	vld [tilespmem:s23+$0x1860];
	[tilespmem:s23+$0x460] =	vst v53  }
0xb6: {  	v39 =	vld [tilespmem:$0x1FE60];
	[tilespmem:s23+$0x470] =	vst v54  }
0xb7: {  	v50 =	vadd.f32 v42, v41;
	v41 =	vld [tilespmem:$0x1FE70];
	[tilespmem:s23+$0x800] =	vst v57  }
0xb8: {  	v56 =	vadd.f32 v30, v29;
	v52 =	vadd.f32 v32, v31;
	v42 =	vld [tilespmem:$0x1FE80];
	[tilespmem:s23+$0x810] =	vst v58  }
0xb9: {  	v47 =	vadd.f32 v36, v35;
	v35 =	vadd.f32 v6, v5;
	v5 =	vld [tilespmem:$0x1FE90];
	[tilespmem:s23+$0x820] =	vst v55  }
0xba: {  	v51 =	vadd.f32 v34, v33;
	v6 =	vld [tilespmem:$0x1FEA0];
	[tilespmem:s23+$0x830] =	vst v56  }
0xbb: {  	v16 =	vld [tilespmem:$0x1FEB0];
	[tilespmem:s23+$0x840] =	vst v52  }
0xbc: {  	v48 =	vadd.f32 v38, v37;
	v18 =	vld [tilespmem:$0x1FEC0];
	[tilespmem:s23+$0x850] =	vst v51  }
0xbd: {  	v27 =	vld [tilespmem:$0x1FED0];
	[tilespmem:s23+$0x860] =	vst v47  }
0xbe: {  	v29 =	vld [tilespmem:$0x1FEE0];
	[tilespmem:s23+$0x870] =	vst v48  }
0xbf: {  	v30 =	vld [tilespmem:$0x1FEF0];
	[tilespmem:s23+$0xC00] =	vst v49  }
0xc0: {  	v31 =	vld [tilespmem:$0x1FF00];
	[tilespmem:s23+$0xC10] =	vst v50  }
0xc1: {  	v32 =	vld [tilespmem:$0x1FF10];
	[tilespmem:s23+$0xC20] =	vst v45  }
0xc2: {  	v33 =	vld [tilespmem:$0x1FF20];
	[tilespmem:s23+$0xC30] =	vst v46  }
0xc3: {  	v34 =	vld [tilespmem:$0x1FF30];
	[tilespmem:s23+$0xC40] =	vst v43  }
0xc4: {  	[tilespmem:$0x1FF70] =	vst v12;
	v12 =	vld [tilespmem:s23+$0x1410]  }
0xc5: {  	[tilespmem:$0x1FF80] =	vst v14;
	v14 =	vld [tilespmem:s23+$0x1420]  }
0xc6: {  	[tilespmem:$0x1FF60] =	vst v10;
	v10 =	vld [tilespmem:s23+$0x1800]  }
0xc7: {  	[tilespmem:s23+$0xC50] =	vst v40;
	v28 =	vadd.f32 v19, v28;
	v19 =	vld [tilespmem:s23+$0x1C10]  }
0xc8: {  	[tilespmem:s23+$0xC60] =	vst v35;
	v22 =	vadd.f32 v23, v22;
	v7 =	vadd.f32 v7, v8;
	v8 =	vld [tilespmem:s23+$0x1C30]  }
0xc9: {  	v37 =	vadd.f32 v5, v42;
	v5 =	vld [tilespmem:s23+$0x9820];
	[tilespmem:s23+$0x1440] =	vst v28  }
0xca: {  	v36 =	vadd.f32 v41, v39;
	v42 =	vadd.f32 v27, v18;
	v27 =	vld [tilespmem:$0x1FF40];
	[tilespmem:s23+$0x1460] =	vst v22  }
0xcb: {  	v38 =	vadd.f32 v30, v29;
	v29 =	vld [tilespmem:$0x1FF50];
	[tilespmem:s23+$0x1810] =	vst v7  }
0xcc: {  	v41 =	vadd.f32 v16, v6;
	v30 =	vld [tilespmem:$0x1FF60];
	[tilespmem:s23+$0xC70] =	vst v36  }
0xcd: {  	v39 =	vadd.f32 v32, v31;
	v31 =	vld [tilespmem:$0x1FF70];
	[tilespmem:s23+$0x1000] =	vst v37  }
0xce: {  	v32 =	vld [tilespmem:$0x1FF80];
	[tilespmem:s23+$0x1010] =	vst v41  }
0xcf: {  	v6 =	vld [tilespmem:s23+$0x1830];
	[tilespmem:s23+$0x1020] =	vst v42  }
0xd0: {  	v16 =	vld [tilespmem:s23+$0x9830];
	v34 =	vadd.f32 v34, v33;
	[tilespmem:s23+$0x1030] =	vst v38  }
0xd1: {  	v18 =	vld [tilespmem:s23+$0x1840];
	[tilespmem:s23+$0x1040] =	vst v39;
	v9 =	vadd.f32 v9, v10  }
0xd2: {  	[tilespmem:s23+$0x1050] =	vst v34;
	v10 =	vld [tilespmem:s23+$0x9C20];
	v33 =	vadd.f32 v29, v27  }
0xd3: {  	v29 =	vadd.f32 v31, v30;
	v30 =	vadd.f32 v11, v32;
	v11 =	vld [tilespmem:s23+$0x9860];
	[tilespmem:s23+$0x1800] =	vst v9  }
0xd4: {  	v31 =	vadd.f32 v13, v12;
	v12 =	vld [tilespmem:s23+$0x1870];
	[tilespmem:s23+$0x1060] =	vst v33  }
0xd5: {  	v13 =	vld [tilespmem:s23+$0x9870];
	[tilespmem:s23+$0x1070] =	vst v29  }
0xd6: {  	v32 =	vadd.f32 v15, v14;
	v14 =	vld [tilespmem:s23+$0x1C00];
	[tilespmem:s23+$0x1400] =	vst v30  }
0xd7: {  	v27 =	vadd.f32 v17, v26;
	v15 =	vld [tilespmem:s23+$0x9C00];
	[tilespmem:s23+$0x1410] =	vst v31  }
0xd8: {  	v26 =	vadd.f32 v21, v20;
	v20 =	vld [tilespmem:s23+$0x9C10];
	[tilespmem:s23+$0x1420] =	vst v32  }
0xd9: {  	v17 =	vadd.f32 v25, v24;
	v25 =	vld [tilespmem:s23+$0x1C20];
	[tilespmem:s23+$0x1430] =	vst v27  }
0xda: {  	v23 =	vadd.f32 v5, v4;
	v5 =	vld [tilespmem:s23+$0x9C30];
	[tilespmem:s23+$0x1450] =	vst v26  }
0xdb: {  	v24 =	vadd.f32 v16, v6;
	v6 =	vld [tilespmem:s23+$0x1C40];
	[tilespmem:s23+$0x1470] =	vst v17  }
0xdc: {  	v4 =	vadd.f32 v2, v18;
	v18 =	vld [tilespmem:s23+$0x1C50];
	[tilespmem:s23+$0x1820] =	vst v23  }
0xdd: {  	v21 =	vadd.f32 v0, v3;
	v0 =	vld [tilespmem:s23+$0x9C50];
	[tilespmem:s23+$0x1830] =	vst v24  }
0xde: {  	v3 =	vld [tilespmem:s23+$0x1C60];
	[tilespmem:s23+$0x1840] =	vst v4;
	v16 =	vadd.f32 v11, v1  }
0xdf: {  	[tilespmem:s23+$0x1850] =	vst v21;
	v2 =	vadd.f32 v13, v12;
	v1 =	vld [tilespmem:s23+$0x9C60]  }
0xe0: {  	v11 =	vadd.f32 v15, v14;
	v15 =	vld [tilespmem:s23+$0x1C70];
	[tilespmem:s23+$0x1860] =	vst v16  }
0xe1: {  	v12 =	vadd.f32 v20, v19;
	v19 =	vld [tilespmem:s23+$0x9C70];
	[tilespmem:s23+$0x1870] =	vst v2  }
0xe2: {  	v13 =	vadd.f32 v10, v25;
	v25 =	vld [tilespmem:s23+$0x9C40];
	[tilespmem:s23+$0x1C00] =	vst v11  }
0xe3: {  	v14 =	vadd.f32 v5, v8;
	[tilespmem:s23+$0x1C10] =	vst v12  }
0xe4: {  	v5 =	vadd.f32 v0, v18;
	[tilespmem:s23+$0x1C20] =	vst v13  }
0xe5: {  	s31 =	sand.u32 $0x7, s8;
	[tilespmem:s23+$0x1C30] =	vst v14;
	v8 =	vadd.f32 v1, v3  }
0xe6: {  	s0 =	sshll.u32 s31, $0x7;
	[tilespmem:s23+$0x1C50] =	vst v5;
	v0 =	vadd.f32 v19, v15  }
0xe7: {  	s3 =	sadd.s32 s0, s14;
	v25 =	vadd.f32 v25, v6;
	[tilespmem:s23+$0x1C60] =	vst v8  }
0xe8: {  	s16 =	sor.u32 $0x1C00, s3;
	[tilespmem:s23+$0x1C70] =	vst v0  }
0xe9: {  	[tilespmem:s23+$0x1C40] =	vst v25;
	v19 =	vld [tilespmem:s16+$0x400]  }
0xea: {  	v20 =	vld [tilespmem:s16+$0x8400];
	_ =	sdelay $0x1  }
0xeb: {  	v18 =	vadd.f32 $0.0e+00, v61;
	_ =	sdelay $0x1  }
0xec: {  	v18 =	vadd.f32 v53, v18  }
0xed: {  	v10 =	vadd.f32 v20, v19  }
0xee: {  	v18 =	vadd.f32 v55, v18;
	v6 =	vadd.f32 $0.0e+00, v59  }
0xef: {  	s24 =	sor.u32 $0x1C10, s3;
	v1 =	vmul.f32 v59, v59;
	v3 =	vadd.f32 $0.0e+00, v60;
	v15 =	vmul.f32 v60, v60;
	[tilespmem:s16+$0x400] =	vst v10  }
0xf0: {  	v18 =	vadd.f32 v47, v18;
	v6 =	vadd.f32 v63, v6;
	v19 =	vmul.f32 v61, v61;
	v61 =	vld [tilespmem:s24+$0x400]  }
0xf1: {  	v59 =	vadd.f32 $0.0e+00, v44;
	v60 =	vmul.f32 v62, v62;
	v3 =	vadd.f32 v62, v3;
	v62 =	vld [tilespmem:s24+$0x8400]  }
0xf2: {  	v44 =	vmul.f32 v44, v44;
	v18 =	vadd.f32 v45, v18;
	v6 =	vadd.f32 v57, v6  }
0xf3: {  	v15 =	vadd.f32 v60, v15;
	v3 =	vadd.f32 v58, v3;
	v20 =	vmul.f32 v63, v63  }
0xf4: {  	v60 =	vmul.f32 v54, v54;
	v18 =	vadd.f32 v35, v18;
	v6 =	vadd.f32 v52, v6  }
0xf5: {  	v1 =	vadd.f32 v20, v1;
	v20 =	vmul.f32 v53, v53;
	v53 =	vadd.f32 v54, v59  }
0xf6: {  	v54 =	vadd.f32 v60, v44;
	v44 =	vadd.f32 v62, v61  }
0xf7: {  	v3 =	vadd.f32 v51, v3;
	v18 =	vadd.f32 v42, v18  }
0xf8: {  	s29 =	sor.u32 $0x1C20, s3;
	v63 =	vmul.f32 v57, v57;
	v57 =	vmul.f32 v52, v52;
	v6 =	vadd.f32 v49, v6;
	[tilespmem:s24+$0x400] =	vst v44  }
0xf9: {  	v3 =	vadd.f32 v50, v3;
	v52 =	vmul.f32 v38, v38;
	v18 =	vadd.f32 v33, v18;
	v59 =	vld [tilespmem:s29+$0x400]  }
0xfa: {  	v60 =	vmul.f32 v58, v58;
	v58 =	vmul.f32 v51, v51;
	v6 =	vadd.f32 v43, v6;
	v61 =	vld [tilespmem:s29+$0x8400]  }
0xfb: {  	v3 =	vadd.f32 v40, v3;
	v51 =	vmul.f32 v42, v42;
	v18 =	vadd.f32 v32, v18  }
0xfc: {  	v42 =	vmul.f32 v9, v9;
	v19 =	vadd.f32 v20, v19;
	v1 =	vadd.f32 v63, v1  }
0xfd: {  	v15 =	vadd.f32 v60, v15;
	v63 =	vmul.f32 v56, v56;
	v53 =	vadd.f32 v56, v53  }
0xfe: {  	v60 =	vmul.f32 v47, v47;
	v6 =	vadd.f32 v37, v6;
	v3 =	vadd.f32 v41, v3  }
0xff: {  	v56 =	vmul.f32 v45, v45;
	v18 =	vadd.f32 v22, v18;
	v47 =	vadd.f32 v61, v59  }
0x100: {  	v20 =	vadd.f32 v63, v54;
	v1 =	vadd.f32 v57, v1;
	v63 =	vmul.f32 v49, v49  }
0x101: {  	s30 =	sor.u32 $0x1C30, s3;
	v45 =	vmul.f32 v7, v7;
	v6 =	vadd.f32 v39, v6;
	v3 =	vadd.f32 v34, v3;
	[tilespmem:s29+$0x400] =	vst v47  }
0x102: {  	v15 =	vadd.f32 v58, v15;
	v62 =	vmul.f32 v55, v55;
	v1 =	vadd.f32 v63, v1;
	v61 =	vld [tilespmem:s30+$0x400]  }
0x103: {  	v58 =	vmul.f32 v43, v43;
	v6 =	vadd.f32 v30, v6;
	v3 =	vadd.f32 v31, v3;
	v63 =	vld [tilespmem:s30+$0x8400]  }
0x104: {  	v19 =	vadd.f32 v62, v19;
	v62 =	vmul.f32 v48, v48;
	v48 =	vadd.f32 v48, v53  }
0x105: {  	v53 =	vmul.f32 v50, v50;
	v1 =	vadd.f32 v58, v1;
	v6 =	vadd.f32 v28, v6  }
0x106: {  	v57 =	vmul.f32 v46, v46;
	v3 =	vadd.f32 v26, v3;
	v19 =	vadd.f32 v60, v19  }
0x107: {  	v49 =	vmul.f32 v37, v37;
	v20 =	vadd.f32 v62, v20;
	v15 =	vadd.f32 v53, v15  }
0x108: {  	v54 =	vmul.f32 v39, v39;
	v46 =	vadd.f32 v46, v48;
	v37 =	vadd.f32 v63, v61  }
0x109: {  	v39 =	vmul.f32 v22, v22;
	v1 =	vadd.f32 v49, v1;
	v6 =	vadd.f32 v9, v6  }
0x10a: {  	s31 =	sor.u32 $0x1C40, s3;
	v3 =	vadd.f32 v7, v3;
	v49 =	vadd.f32 v23, v18;
	v59 =	vmul.f32 v40, v40;
	[tilespmem:s30+$0x400] =	vst v37  }
0x10b: {  	v60 =	vmul.f32 v35, v35;
	v19 =	vadd.f32 v56, v19;
	v20 =	vadd.f32 v57, v20;
	v57 =	vld [tilespmem:s31+$0x400]  }
0x10c: {  	v62 =	vmul.f32 v36, v36;
	v36 =	vadd.f32 v36, v46;
	v15 =	vadd.f32 v59, v15;
	v59 =	vld [tilespmem:s31+$0x8400]  }
0x10d: {  	v50 =	vmul.f32 v41, v41;
	v1 =	vadd.f32 v54, v1;
	v3 =	vadd.f32 v21, v3  }
0x10e: {  	v58 =	vmul.f32 v29, v29;
	v19 =	vadd.f32 v60, v19;
	v20 =	vadd.f32 v62, v20  }
0x10f: {  	v56 =	vmul.f32 v33, v33;
	v53 =	vadd.f32 v38, v36;
	v3 =	vadd.f32 v12, v3  }
0x110: {  	v60 =	vmul.f32 v30, v30;
	v19 =	vadd.f32 v51, v19;
	v20 =	vadd.f32 v52, v20  }
0x111: {  	v29 =	vadd.f32 v29, v53;
	v61 =	vmul.f32 v31, v31;
	v31 =	vadd.f32 v59, v57  }
0x112: {  	v1 =	vadd.f32 v60, v1;
	v52 =	vmul.f32 v4, v4;
	v4 =	vadd.f32 v4, v6  }
0x113: {  	s0 =	sor.u32 $0x1C50, s3;
	v36 =	vmul.f32 v28, v28;
	v3 =	vadd.f32 v5, v3;
	v15 =	vadd.f32 v50, v15;
	[tilespmem:s31+$0x400] =	vst v31  }
0x114: {  	v55 =	vmul.f32 v34, v34;
	v19 =	vadd.f32 v56, v19;
	v20 =	vadd.f32 v58, v20;
	v41 =	vld [tilespmem:s0+$0x400]  }
0x115: {  	v62 =	vmul.f32 v32, v32;
	v1 =	vadd.f32 v36, v1;
	v4 =	vadd.f32 v11, v4;
	v43 =	vld [tilespmem:s0+$0x8400]  }
0x116: {  	v22 =	vmul.f32 v0, v0;
	v3 =	vadd.f32 v44, v3;
	v15 =	vadd.f32 v55, v15  }
0x117: {  	v46 =	vmul.f32 v23, v23;
	v19 =	vadd.f32 v62, v19;
	v1 =	vadd.f32 v42, v1  }
0x118: {  	v54 =	vmul.f32 v16, v16;
	v55 =	vadd.f32 v16, v49;
	v4 =	vadd.f32 v25, v4  }
0x119: {  	v63 =	vmul.f32 v27, v27;
	v27 =	vadd.f32 v27, v29;
	v19 =	vadd.f32 v39, v19  }
0x11a: {  	v38 =	vmul.f32 v26, v26;
	v1 =	vadd.f32 v52, v1;
	v51 =	vadd.f32 v43, v41  }
0x11b: {  	v40 =	vmul.f32 v17, v17;
	v7 =	vadd.f32 v13, v55;
	v4 =	vadd.f32 v10, v4  }
0x11c: {  	s5 =	sor.u32 $0x1C60, s3;
	v58 =	vmul.f32 v11, v11;
	v15 =	vadd.f32 v61, v15;
	v20 =	vadd.f32 v63, v20;
	[tilespmem:s0+$0x400] =	vst v51  }
0x11d: {  	v53 =	vmul.f32 v21, v21;
	v17 =	vadd.f32 v17, v27;
	v9 =	vadd.f32 v46, v19;
	v57 =	vld [tilespmem:s5+$0x400]  }
0x11e: {  	v60 =	vmul.f32 v12, v12;
	v1 =	vadd.f32 v58, v1;
	v7 =	vadd.f32 v8, v7;
	v59 =	vld [tilespmem:s5+$0x8400]  }
0x11f: {  	v63 =	vmul.f32 v25, v25;
	v15 =	vadd.f32 v38, v15;
	v20 =	vadd.f32 v40, v20  }
0x120: {  	v50 =	vmul.f32 v24, v24;
	v17 =	vadd.f32 v24, v17;
	v9 =	vadd.f32 v54, v9  }
0x121: {  	v61 =	vmul.f32 v13, v13;
	v1 =	vadd.f32 v63, v1;
	v7 =	vadd.f32 v47, v7  }
0x122: {  	v24 =	vmul.f32 v10, v10;
	v48 =	vadd.f32 v45, v15;
	v18 =	vadd.f32 v50, v20  }
0x123: {  	v56 =	vmul.f32 v2, v2;
	v2 =	vadd.f32 v2, v17;
	v17 =	vadd.f32 v59, v57  }
0x124: {  	v9 =	vadd.f32 v61, v9;
	v20 =	vmul.f32 v8, v8;
	v1 =	vadd.f32 v24, v1  }
0x125: {  	s3 =	sor.u32 $0x1C70, s3;
	v62 =	vmul.f32 v14, v14;
	v6 =	vadd.f32 v53, v48;
	v15 =	vadd.f32 v56, v18;
	[tilespmem:s5+$0x400] =	vst v17  }
0x126: {  	v29 =	vmul.f32 v47, v47;
	v2 =	vadd.f32 v14, v2;
	v23 =	vadd.f32 v20, v9;
	v25 =	vld [tilespmem:s3+$0x400]  }
0x127: {  	v18 =	vmul.f32 v5, v5;
	v6 =	vadd.f32 v60, v6;
	v11 =	vadd.f32 v62, v15;
	v28 =	vld [tilespmem:s3+$0x8400]  }
0x128: {  	v27 =	vmul.f32 v44, v44;
	v0 =	vadd.f32 v0, v2;
	v8 =	vadd.f32 v29, v23  }
0x129: {  	v32 =	vmul.f32 v31, v31;
	v4 =	vadd.f32 v31, v4;
	v21 =	vadd.f32 v18, v6  }
0x12a: {  	v30 =	vmul.f32 v37, v37;
	v26 =	vadd.f32 v22, v11;
	v0 =	vadd.f32 v37, v0  }
0x12b: {  	v1 =	vadd.f32 v32, v1;
	v5 =	vadd.f32 v27, v21;
	v34 =	vmul.f32 v51, v51  }
0x12c: {  	v2 =	vadd.f32 v30, v26;
	v33 =	vadd.f32 v28, v25  }
0x12d: {  	v3 =	vadd.f32 v51, v3;
	v5 =	vadd.f32 v34, v5;
	v35 =	vmul.f32 v17, v17  }
0x12e: {  	v7 =	vadd.f32 v17, v7;
	v0 =	vadd.f32 v33, v0;
	v36 =	vmul.f32 v33, v33  }
0x12f: {  	v41 =	vld [tilespmem:$0x1FFC0];
	v3 =	vadd.f32 v3, v4;
	v37 =	vadd.f32 v35, v8  }
0x130: {  	v0 =	vadd.f32 v0, v7;
	v2 =	vadd.f32 v36, v2  }
0x131: {  	v1 =	vadd.f32 v5, v1  }
0x132: {  	v0 =	vadd.f32 v0, v3;
	v2 =	vadd.f32 v2, v37  }
0x133: {  	v38 =	vld [tilespmem:$0x1FFD0]  }
0x134: {  	v1 =	vadd.f32 v2, v1;
	v42 =	vperm.xlane v0, v41;
	_ =	sdelay $0x1  }
0x135: {  	v0 =	vadd.f32 v0, v42;
	v43 =	vperm.xlane v1, v41  }
0x136: {  	v40 =	vld [tilespmem:$0x1FFE0]  }
0x137: {  	v44 =	vperm.xlane v0, v38;
	v1 =	vadd.f32 v43, v1;
	_ =	sdelay $0x1  }
0x138: {  	v0 =	vadd.f32 v0, v44;
	v2 =	vperm.xlane v1, v38  }
0x139: {  	v39 =	vld [tilespmem:$0x1FFF0]  }
0x13a: {  	v3 =	vperm.xlane v0, v40;
	v1 =	vadd.f32 v2, v1;
	_ =	sdelay $0x1  }
0x13b: {  	v0 =	vadd.f32 v0, v3;
	v2 =	vperm.xlane v1, v40;
	_ =	sdelay $0x1  }
0x13c: {  	v3 =	vperm.xlane v0, v39;
	v1 =	vadd.f32 v2, v1;
	_ =	sdelay $0x1  }
0x13d: {  	v0 =	vadd.f32 v0, v3;
	v2 =	vperm.xlane v1, v39;
	_ =	sdelay $0x1  }
0x13e: {  	v7 =	vmul.f32 $9.765625000e-04, v0;
	v45 =	vadd.f32 v2, v1;
	_ =	sdelay $0x1  }
0x13f: {  	v0 =	vmul.f32 $9.765625000e-04, v45;
	v46 =	vmul.f32 v7, v7;
	_ =	sdelay $0x1  }
0x140: {  	v0 =	vsub.f32 v0, v46;
	_ =	sdelay $0x1  }
0x141: {  	v0 =	vadd.f32 $9.999999960e-13, v0;
	_ =	sdelay $0x1  }
0x142: {  	v47 =	vshra.s32 v0, $0x1;
	v0 =	vmul.f32 $5.000000000e-01, v0  }
0x143: {  	v1 =	vsub.s32 $0x5F3759DF, v47  }
0x144: {  	v48 =	vmul.f32 v1, v0;
	_ =	sdelay $0x1  }
0x145: {  	v2 =	vmul.f32 v1, v48;
	_ =	sdelay $0x1  }
0x146: {  	v2 =	vsub.f32 $1.500000000e+00, v2;
	_ =	sdelay $0x1  }
0x147: {  	v1 =	vmul.f32 v1, v2;
	_ =	sdelay $0x1  }
0x148: {  	v2 =	vmul.f32 v1, v0;
	_ =	sdelay $0x1  }
0x149: {  	v2 =	vmul.f32 v2, v1;
	_ =	sdelay $0x1  }
0x14a: {  	v2 =	vsub.f32 $1.500000000e+00, v2;
	_ =	sdelay $0x1  }
0x14b: {  	v1 =	vmul.f32 v2, v1;
	_ =	sdelay $0x1  }
0x14c: {  	[tilespmem:s3+$0x400] =	vst v33;
	v0 =	vmul.f32 v1, v0  }
0x14d: {  	v49 =	vld [tilespmem:s23+$0x400]  }
0x14e: {  	v0 =	vmul.f32 v0, v1;
	_ =	sdelay $0x1  }
0x14f: {  	v0 =	vsub.f32 $1.500000000e+00, v0  }
0x150: {  	v50 =	vld [tilespmem:$0x10400]  }
0x151: {  	v51 =	vsub.f32 v49, v7;
	v8 =	vmul.f32 v0, v1  }
0x152: {  	v52 =	vld [tilespmem:$0x10800]  }
0x153: {  	v0 =	vmul.f32 v8, v51;
	_ =	sdelay $0x1  }
0x154: {  	v0 =	vmul.f32 v0, v50  }
0x155: {  	v53 =	vld [tilespmem:s23+$0x410]  }
0x156: {  	v0 =	vadd.f32 v0, v52;
	_ =	sdelay $0x1  }
0x157: {  	[tilespmem:s23+$0x400] =	vst v0  }
0x158: {  	v0 =	vld [tilespmem:$0x10410]  }
0x159: {  	v54 =	vsub.f32 v53, v7  }
0x15a: {  	v55 =	vld [tilespmem:$0x10810]  }
0x15b: {  	v1 =	vmul.f32 v8, v54;
	_ =	sdelay $0x1  }
0x15c: {  	v0 =	vmul.f32 v1, v0  }
0x15d: {  	v56 =	vld [tilespmem:s23+$0x420]  }
0x15e: {  	v0 =	vadd.f32 v0, v55;
	_ =	sdelay $0x1  }
0x15f: {  	[tilespmem:s23+$0x410] =	vst v0  }
0x160: {  	v0 =	vld [tilespmem:$0x10420]  }
0x161: {  	v1 =	vsub.f32 v56, v7  }
0x162: {  	v57 =	vld [tilespmem:$0x10820]  }
0x163: {  	v1 =	vmul.f32 v8, v1;
	_ =	sdelay $0x1  }
0x164: {  	v0 =	vmul.f32 v1, v0  }
0x165: {  	v58 =	vld [tilespmem:s23+$0x430]  }
0x166: {  	v0 =	vadd.f32 v0, v57;
	_ =	sdelay $0x1  }
0x167: {  	[tilespmem:s23+$0x420] =	vst v0  }
0x168: {  	v0 =	vld [tilespmem:$0x10430]  }
0x169: {  	v1 =	vsub.f32 v58, v7  }
0x16a: {  	v59 =	vld [tilespmem:$0x10830]  }
0x16b: {  	v1 =	vmul.f32 v8, v1;
	_ =	sdelay $0x1  }
0x16c: {  	v0 =	vmul.f32 v1, v0  }
0x16d: {  	v60 =	vld [tilespmem:s23+$0x440]  }
0x16e: {  	v0 =	vadd.f32 v0, v59;
	_ =	sdelay $0x1  }
0x16f: {  	[tilespmem:s23+$0x430] =	vst v0  }
0x170: {  	v0 =	vld [tilespmem:$0x10440]  }
0x171: {  	v1 =	vsub.f32 v60, v7  }
0x172: {  	v61 =	vld [tilespmem:$0x10840]  }
0x173: {  	v1 =	vmul.f32 v8, v1;
	_ =	sdelay $0x1  }
0x174: {  	v0 =	vmul.f32 v1, v0  }
0x175: {  	v62 =	vld [tilespmem:s23+$0x450]  }
0x176: {  	v0 =	vadd.f32 v0, v61;
	_ =	sdelay $0x1  }
0x177: {  	[tilespmem:s23+$0x440] =	vst v0  }
0x178: {  	v0 =	vld [tilespmem:$0x10450]  }
0x179: {  	v1 =	vsub.f32 v62, v7  }
0x17a: {  	v63 =	vld [tilespmem:$0x10850]  }
0x17b: {  	v1 =	vmul.f32 v1, v8;
	_ =	sdelay $0x1  }
0x17c: {  	v0 =	vmul.f32 v1, v0  }
0x17d: {  	v4 =	vld [tilespmem:s23+$0x460]  }
0x17e: {  	v0 =	vadd.f32 v0, v63;
	_ =	sdelay $0x1  }
0x17f: {  	[tilespmem:s23+$0x450] =	vst v0  }
0x180: {  	v0 =	vld [tilespmem:$0x10460]  }
0x181: {  	v1 =	vsub.f32 v4, v7  }
0x182: {  	v5 =	vld [tilespmem:$0x10860]  }
0x183: {  	v1 =	vmul.f32 v1, v8;
	_ =	sdelay $0x1  }
0x184: {  	v0 =	vmul.f32 v1, v0  }
0x185: {  	v6 =	vld [tilespmem:s23+$0x470]  }
0x186: {  	v0 =	vadd.f32 v0, v5;
	_ =	sdelay $0x1  }
0x187: {  	[tilespmem:s23+$0x460] =	vst v0  }
0x188: {  	v0 =	vld [tilespmem:$0x10470]  }
0x189: {  	v1 =	vsub.f32 v6, v7  }
0x18a: {  	v9 =	vld [tilespmem:$0x10870]  }
0x18b: {  	v1 =	vmul.f32 v1, v8;
	_ =	sdelay $0x1  }
0x18c: {  	v0 =	vmul.f32 v1, v0  }
0x18d: {  	v10 =	vld [tilespmem:s23+$0x800]  }
0x18e: {  	v0 =	vadd.f32 v0, v9;
	_ =	sdelay $0x1  }
0x18f: {  	[tilespmem:s23+$0x470] =	vst v0  }
0x190: {  	v0 =	vld [tilespmem:$0x10480]  }
0x191: {  	v1 =	vsub.f32 v10, v7  }
0x192: {  	v11 =	vld [tilespmem:$0x10880]  }
0x193: {  	v1 =	vmul.f32 v1, v8;
	_ =	sdelay $0x1  }
0x194: {  	v0 =	vmul.f32 v1, v0  }
0x195: {  	v12 =	vld [tilespmem:s23+$0x810]  }
0x196: {  	v0 =	vadd.f32 v0, v11;
	_ =	sdelay $0x1  }
0x197: {  	[tilespmem:s23+$0x800] =	vst v0  }
0x198: {  	v0 =	vld [tilespmem:$0x10490]  }
0x199: {  	v1 =	vsub.f32 v12, v7  }
0x19a: {  	v13 =	vld [tilespmem:$0x10890]  }
0x19b: {  	v1 =	vmul.f32 v1, v8;
	_ =	sdelay $0x1  }
0x19c: {  	v0 =	vmul.f32 v1, v0  }
0x19d: {  	v14 =	vld [tilespmem:s23+$0x820]  }
0x19e: {  	v0 =	vadd.f32 v0, v13;
	_ =	sdelay $0x1  }
0x19f: {  	[tilespmem:s23+$0x810] =	vst v0  }
0x1a0: {  	v0 =	vld [tilespmem:$0x104A0]  }
0x1a1: {  	v1 =	vsub.f32 v14, v7  }
0x1a2: {  	v15 =	vld [tilespmem:$0x108A0]  }
0x1a3: {  	v1 =	vmul.f32 v1, v8;
	_ =	sdelay $0x1  }
0x1a4: {  	v0 =	vmul.f32 v1, v0  }
0x1a5: {  	v16 =	vld [tilespmem:s23+$0x830]  }
0x1a6: {  	v0 =	vadd.f32 v0, v15;
	_ =	sdelay $0x1  }
0x1a7: {  	[tilespmem:s23+$0x820] =	vst v0  }
0x1a8: {  	v0 =	vld [tilespmem:$0x104B0]  }
0x1a9: {  	v1 =	vsub.f32 v16, v7  }
0x1aa: {  	v17 =	vld [tilespmem:$0x108B0]  }
0x1ab: {  	v1 =	vmul.f32 v1, v8;
	_ =	sdelay $0x1  }
0x1ac: {  	v0 =	vmul.f32 v1, v0  }
0x1ad: {  	v18 =	vld [tilespmem:s23+$0x840]  }
0x1ae: {  	v0 =	vadd.f32 v0, v17;
	_ =	sdelay $0x1  }
0x1af: {  	[tilespmem:s23+$0x830] =	vst v0  }
0x1b0: {  	v0 =	vld [tilespmem:$0x104C0]  }
0x1b1: {  	v1 =	vsub.f32 v18, v7  }
0x1b2: {  	v19 =	vld [tilespmem:$0x108C0]  }
0x1b3: {  	v1 =	vmul.f32 v1, v8;
	_ =	sdelay $0x1  }
0x1b4: {  	v0 =	vmul.f32 v1, v0  }
0x1b5: {  	v20 =	vld [tilespmem:s23+$0x850]  }
0x1b6: {  	v0 =	vadd.f32 v0, v19;
	_ =	sdelay $0x1  }
0x1b7: {  	[tilespmem:s23+$0x840] =	vst v0  }
0x1b8: {  	v0 =	vld [tilespmem:$0x104D0]  }
0x1b9: {  	v1 =	vsub.f32 v20, v7  }
0x1ba: {  	v21 =	vld [tilespmem:$0x108D0]  }
0x1bb: {  	v1 =	vmul.f32 v1, v8;
	_ =	sdelay $0x1  }
0x1bc: {  	v0 =	vmul.f32 v1, v0  }
0x1bd: {  	v22 =	vld [tilespmem:s23+$0x860]  }
0x1be: {  	v0 =	vadd.f32 v0, v21;
	_ =	sdelay $0x1  }
0x1bf: {  	[tilespmem:s23+$0x850] =	vst v0  }
0x1c0: {  	v0 =	vld [tilespmem:$0x104E0]  }
0x1c1: {  	v1 =	vsub.f32 v22, v7  }
0x1c2: {  	v23 =	vld [tilespmem:$0x108E0]  }
0x1c3: {  	v1 =	vmul.f32 v1, v8;
	_ =	sdelay $0x1  }
0x1c4: {  	v0 =	vmul.f32 v1, v0  }
0x1c5: {  	v24 =	vld [tilespmem:s23+$0x870]  }
0x1c6: {  	v0 =	vadd.f32 v0, v23;
	_ =	sdelay $0x1  }
0x1c7: {  	[tilespmem:s23+$0x860] =	vst v0  }
0x1c8: {  	v0 =	vld [tilespmem:$0x104F0]  }
0x1c9: {  	v1 =	vsub.f32 v24, v7  }
0x1ca: {  	v25 =	vld [tilespmem:$0x108F0]  }
0x1cb: {  	v1 =	vmul.f32 v1, v8;
	_ =	sdelay $0x1  }
0x1cc: {  	v0 =	vmul.f32 v1, v0  }
0x1cd: {  	v26 =	vld [tilespmem:s23+$0xC00]  }
0x1ce: {  	v0 =	vadd.f32 v0, v25;
	_ =	sdelay $0x1  }
0x1cf: {  	[tilespmem:s23+$0x870] =	vst v0  }
0x1d0: {  	v0 =	vld [tilespmem:$0x10500]  }
0x1d1: {  	v1 =	vsub.f32 v26, v7  }
0x1d2: {  	v27 =	vld [tilespmem:$0x10900]  }
0x1d3: {  	v1 =	vmul.f32 v1, v8;
	_ =	sdelay $0x1  }
0x1d4: {  	v0 =	vmul.f32 v1, v0  }
0x1d5: {  	v28 =	vld [tilespmem:s23+$0xC10]  }
0x1d6: {  	v0 =	vadd.f32 v0, v27;
	_ =	sdelay $0x1  }
0x1d7: {  	[tilespmem:s23+$0xC00] =	vst v0  }
0x1d8: {  	v0 =	vld [tilespmem:$0x10510]  }
0x1d9: {  	v1 =	vsub.f32 v28, v7  }
0x1da: {  	v29 =	vld [tilespmem:$0x10910]  }
0x1db: {  	v1 =	vmul.f32 v1, v8;
	_ =	sdelay $0x1  }
0x1dc: {  	v0 =	vmul.f32 v1, v0  }
0x1dd: {  	v30 =	vld [tilespmem:s23+$0xC20]  }
0x1de: {  	v0 =	vadd.f32 v0, v29;
	_ =	sdelay $0x1  }
0x1df: {  	[tilespmem:s23+$0xC10] =	vst v0  }
0x1e0: {  	v0 =	vld [tilespmem:$0x10520]  }
0x1e1: {  	v1 =	vsub.f32 v30, v7  }
0x1e2: {  	v31 =	vld [tilespmem:$0x10920]  }
0x1e3: {  	v1 =	vmul.f32 v1, v8;
	_ =	sdelay $0x1  }
0x1e4: {  	v0 =	vmul.f32 v1, v0  }
0x1e5: {  	v32 =	vld [tilespmem:s23+$0xC30]  }
0x1e6: {  	v0 =	vadd.f32 v0, v31;
	_ =	sdelay $0x1  }
0x1e7: {  	[tilespmem:s23+$0xC20] =	vst v0  }
0x1e8: {  	v0 =	vld [tilespmem:$0x10530]  }
0x1e9: {  	v1 =	vsub.f32 v32, v7  }
0x1ea: {  	v33 =	vld [tilespmem:$0x10930]  }
0x1eb: {  	v1 =	vmul.f32 v1, v8;
	_ =	sdelay $0x1  }
0x1ec: {  	v0 =	vmul.f32 v1, v0  }
0x1ed: {  	v34 =	vld [tilespmem:s23+$0xC40]  }
0x1ee: {  	v0 =	vadd.f32 v0, v33;
	_ =	sdelay $0x1  }
0x1ef: {  	[tilespmem:s23+$0xC30] =	vst v0  }
0x1f0: {  	v0 =	vld [tilespmem:$0x10540]  }
0x1f1: {  	v1 =	vsub.f32 v34, v7  }
0x1f2: {  	v35 =	vld [tilespmem:$0x10940]  }
0x1f3: {  	v1 =	vmul.f32 v1, v8;
	_ =	sdelay $0x1  }
0x1f4: {  	v0 =	vmul.f32 v1, v0  }
0x1f5: {  	v36 =	vld [tilespmem:s23+$0xC50]  }
0x1f6: {  	v0 =	vadd.f32 v0, v35;
	_ =	sdelay $0x1  }
0x1f7: {  	[tilespmem:s23+$0xC40] =	vst v0  }
0x1f8: {  	v0 =	vld [tilespmem:$0x10550]  }
0x1f9: {  	v1 =	vsub.f32 v36, v7  }
0x1fa: {  	v37 =	vld [tilespmem:$0x10950]  }
0x1fb: {  	v1 =	vmul.f32 v1, v8;
	_ =	sdelay $0x1  }
0x1fc: {  	v0 =	vmul.f32 v1, v0  }
0x1fd: {  	v38 =	vld [tilespmem:s23+$0xC60]  }
0x1fe: {  	v0 =	vadd.f32 v0, v37;
	_ =	sdelay $0x1  }
0x1ff: {  	[tilespmem:s23+$0xC50] =	vst v0  }
0x200: {  	v0 =	vld [tilespmem:$0x10560]  }
0x201: {  	v1 =	vsub.f32 v38, v7  }
0x202: {  	v39 =	vld [tilespmem:$0x10960]  }
0x203: {  	v1 =	vmul.f32 v1, v8;
	_ =	sdelay $0x1  }
0x204: {  	v0 =	vmul.f32 v1, v0  }
0x205: {  	v40 =	vld [tilespmem:s23+$0xC70]  }
0x206: {  	v0 =	vadd.f32 v0, v39;
	_ =	sdelay $0x1  }
0x207: {  	[tilespmem:s23+$0xC60] =	vst v0  }
0x208: {  	v0 =	vld [tilespmem:$0x10570]  }
0x209: {  	v1 =	vsub.f32 v40, v7  }
0x20a: {  	v41 =	vld [tilespmem:$0x10970]  }
0x20b: {  	v1 =	vmul.f32 v1, v8;
	_ =	sdelay $0x1  }
0x20c: {  	v0 =	vmul.f32 v1, v0  }
0x20d: {  	v42 =	vld [tilespmem:s23+$0x1000]  }
0x20e: {  	v0 =	vadd.f32 v0, v41;
	_ =	sdelay $0x1  }
0x20f: {  	[tilespmem:s23+$0xC70] =	vst v0  }
0x210: {  	v0 =	vld [tilespmem:$0x10580]  }
0x211: {  	v1 =	vsub.f32 v42, v7  }
0x212: {  	v43 =	vld [tilespmem:$0x10980]  }
0x213: {  	v1 =	vmul.f32 v1, v8;
	_ =	sdelay $0x1  }
0x214: {  	v0 =	vmul.f32 v1, v0  }
0x215: {  	v44 =	vld [tilespmem:s23+$0x1010]  }
0x216: {  	v0 =	vadd.f32 v0, v43;
	_ =	sdelay $0x1  }
0x217: {  	[tilespmem:s23+$0x1000] =	vst v0  }
0x218: {  	v0 =	vld [tilespmem:$0x10590]  }
0x219: {  	v1 =	vsub.f32 v44, v7  }
0x21a: {  	v45 =	vld [tilespmem:$0x10990]  }
0x21b: {  	v1 =	vmul.f32 v1, v8;
	_ =	sdelay $0x1  }
0x21c: {  	v0 =	vmul.f32 v1, v0  }
0x21d: {  	v46 =	vld [tilespmem:s23+$0x1020]  }
0x21e: {  	v0 =	vadd.f32 v0, v45;
	_ =	sdelay $0x1  }
0x21f: {  	[tilespmem:s23+$0x1010] =	vst v0  }
0x220: {  	v0 =	vld [tilespmem:$0x105A0]  }
0x221: {  	v1 =	vsub.f32 v46, v7  }
0x222: {  	v47 =	vld [tilespmem:$0x109A0]  }
0x223: {  	v1 =	vmul.f32 v1, v8;
	_ =	sdelay $0x1  }
0x224: {  	v0 =	vmul.f32 v1, v0  }
0x225: {  	v48 =	vld [tilespmem:s23+$0x1030]  }
0x226: {  	v0 =	vadd.f32 v0, v47;
	_ =	sdelay $0x1  }
0x227: {  	[tilespmem:s23+$0x1020] =	vst v0  }
0x228: {  	v0 =	vld [tilespmem:$0x105B0]  }
0x229: {  	v1 =	vsub.f32 v48, v7  }
0x22a: {  	v49 =	vld [tilespmem:$0x109B0]  }
0x22b: {  	v1 =	vmul.f32 v1, v8;
	_ =	sdelay $0x1  }
0x22c: {  	v0 =	vmul.f32 v1, v0  }
0x22d: {  	v50 =	vld [tilespmem:s23+$0x1040]  }
0x22e: {  	v0 =	vadd.f32 v0, v49;
	_ =	sdelay $0x1  }
0x22f: {  	[tilespmem:s23+$0x1030] =	vst v0  }
0x230: {  	v0 =	vld [tilespmem:$0x105C0]  }
0x231: {  	v1 =	vsub.f32 v50, v7  }
0x232: {  	v51 =	vld [tilespmem:$0x109C0]  }
0x233: {  	v1 =	vmul.f32 v1, v8;
	_ =	sdelay $0x1  }
0x234: {  	v0 =	vmul.f32 v1, v0  }
0x235: {  	v52 =	vld [tilespmem:s23+$0x1050]  }
0x236: {  	v0 =	vadd.f32 v0, v51;
	_ =	sdelay $0x1  }
0x237: {  	[tilespmem:s23+$0x1040] =	vst v0  }
0x238: {  	v0 =	vld [tilespmem:$0x105D0]  }
0x239: {  	v1 =	vsub.f32 v52, v7  }
0x23a: {  	v53 =	vld [tilespmem:$0x109D0]  }
0x23b: {  	v1 =	vmul.f32 v1, v8;
	_ =	sdelay $0x1  }
0x23c: {  	v0 =	vmul.f32 v1, v0  }
0x23d: {  	v54 =	vld [tilespmem:s23+$0x1060]  }
0x23e: {  	v0 =	vadd.f32 v0, v53;
	_ =	sdelay $0x1  }
0x23f: {  	[tilespmem:s23+$0x1050] =	vst v0  }
0x240: {  	v0 =	vld [tilespmem:$0x105E0]  }
0x241: {  	v1 =	vsub.f32 v54, v7  }
0x242: {  	v55 =	vld [tilespmem:$0x109E0]  }
0x243: {  	v1 =	vmul.f32 v1, v8;
	_ =	sdelay $0x1  }
0x244: {  	v0 =	vmul.f32 v1, v0  }
0x245: {  	v56 =	vld [tilespmem:s23+$0x1070]  }
0x246: {  	v0 =	vadd.f32 v0, v55;
	_ =	sdelay $0x1  }
0x247: {  	[tilespmem:s23+$0x1060] =	vst v0  }
0x248: {  	v0 =	vld [tilespmem:$0x105F0]  }
0x249: {  	v1 =	vsub.f32 v56, v7  }
0x24a: {  	v57 =	vld [tilespmem:$0x109F0]  }
0x24b: {  	v1 =	vmul.f32 v1, v8;
	_ =	sdelay $0x1  }
0x24c: {  	v0 =	vmul.f32 v1, v0  }
0x24d: {  	v58 =	vld [tilespmem:s23+$0x1400]  }
0x24e: {  	v0 =	vadd.f32 v0, v57;
	_ =	sdelay $0x1  }
0x24f: {  	[tilespmem:s23+$0x1070] =	vst v0  }
0x250: {  	v0 =	vld [tilespmem:$0x10600]  }
0x251: {  	v1 =	vsub.f32 v58, v7  }
0x252: {  	v59 =	vld [tilespmem:$0x10A00]  }
0x253: {  	v1 =	vmul.f32 v1, v8;
	_ =	sdelay $0x1  }
0x254: {  	v0 =	vmul.f32 v1, v0  }
0x255: {  	v60 =	vld [tilespmem:s23+$0x1410]  }
0x256: {  	v0 =	vadd.f32 v0, v59;
	_ =	sdelay $0x1  }
0x257: {  	[tilespmem:s23+$0x1400] =	vst v0  }
0x258: {  	v0 =	vld [tilespmem:$0x10610]  }
0x259: {  	v1 =	vsub.f32 v60, v7  }
0x25a: {  	v61 =	vld [tilespmem:$0x10A10]  }
0x25b: {  	v1 =	vmul.f32 v1, v8;
	_ =	sdelay $0x1  }
0x25c: {  	v0 =	vmul.f32 v1, v0  }
0x25d: {  	v62 =	vld [tilespmem:s23+$0x1420]  }
0x25e: {  	v0 =	vadd.f32 v0, v61;
	_ =	sdelay $0x1  }
0x25f: {  	[tilespmem:s23+$0x1410] =	vst v0  }
0x260: {  	v0 =	vld [tilespmem:$0x10620]  }
0x261: {  	v1 =	vsub.f32 v62, v7  }
0x262: {  	v63 =	vld [tilespmem:$0x10A20]  }
0x263: {  	v1 =	vmul.f32 v1, v8;
	_ =	sdelay $0x1  }
0x264: {  	v0 =	vmul.f32 v1, v0  }
0x265: {  	v4 =	vld [tilespmem:s23+$0x1430]  }
0x266: {  	v0 =	vadd.f32 v0, v63;
	_ =	sdelay $0x1  }
0x267: {  	[tilespmem:s23+$0x1420] =	vst v0  }
0x268: {  	v0 =	vld [tilespmem:$0x10630]  }
0x269: {  	v1 =	vsub.f32 v4, v7  }
0x26a: {  	v5 =	vld [tilespmem:$0x10A30]  }
0x26b: {  	v1 =	vmul.f32 v1, v8;
	_ =	sdelay $0x1  }
0x26c: {  	v0 =	vmul.f32 v1, v0  }
0x26d: {  	v6 =	vld [tilespmem:s23+$0x1440]  }
0x26e: {  	v0 =	vadd.f32 v0, v5;
	_ =	sdelay $0x1  }
0x26f: {  	[tilespmem:s23+$0x1430] =	vst v0  }
0x270: {  	v0 =	vld [tilespmem:$0x10640]  }
0x271: {  	v1 =	vsub.f32 v6, v7  }
0x272: {  	v9 =	vld [tilespmem:$0x10A40]  }
0x273: {  	v1 =	vmul.f32 v1, v8;
	_ =	sdelay $0x1  }
0x274: {  	v0 =	vmul.f32 v1, v0  }
0x275: {  	v10 =	vld [tilespmem:s23+$0x1450]  }
0x276: {  	v0 =	vadd.f32 v0, v9;
	_ =	sdelay $0x1  }
0x277: {  	[tilespmem:s23+$0x1440] =	vst v0  }
0x278: {  	v0 =	vld [tilespmem:$0x10650]  }
0x279: {  	v1 =	vsub.f32 v10, v7  }
0x27a: {  	v11 =	vld [tilespmem:$0x10A50]  }
0x27b: {  	v1 =	vmul.f32 v1, v8;
	_ =	sdelay $0x1  }
0x27c: {  	v0 =	vmul.f32 v1, v0  }
0x27d: {  	v12 =	vld [tilespmem:s23+$0x1460]  }
0x27e: {  	v0 =	vadd.f32 v0, v11;
	_ =	sdelay $0x1  }
0x27f: {  	[tilespmem:s23+$0x1450] =	vst v0  }
0x280: {  	v0 =	vld [tilespmem:$0x10660]  }
0x281: {  	v1 =	vsub.f32 v12, v7  }
0x282: {  	v13 =	vld [tilespmem:$0x10A60]  }
0x283: {  	v1 =	vmul.f32 v1, v8;
	_ =	sdelay $0x1  }
0x284: {  	v0 =	vmul.f32 v1, v0  }
0x285: {  	v14 =	vld [tilespmem:s23+$0x1470]  }
0x286: {  	v0 =	vadd.f32 v0, v13;
	_ =	sdelay $0x1  }
0x287: {  	[tilespmem:s23+$0x1460] =	vst v0  }
0x288: {  	v0 =	vld [tilespmem:$0x10670]  }
0x289: {  	v1 =	vsub.f32 v14, v7  }
0x28a: {  	v15 =	vld [tilespmem:$0x10A70]  }
0x28b: {  	v1 =	vmul.f32 v1, v8;
	_ =	sdelay $0x1  }
0x28c: {  	v0 =	vmul.f32 v1, v0  }
0x28d: {  	v16 =	vld [tilespmem:s23+$0x1800]  }
0x28e: {  	v0 =	vadd.f32 v0, v15;
	_ =	sdelay $0x1  }
0x28f: {  	[tilespmem:s23+$0x1470] =	vst v0  }
0x290: {  	v0 =	vld [tilespmem:$0x10680]  }
0x291: {  	v1 =	vsub.f32 v16, v7  }
0x292: {  	v17 =	vld [tilespmem:$0x10A80]  }
0x293: {  	v1 =	vmul.f32 v1, v8;
	_ =	sdelay $0x1  }
0x294: {  	v0 =	vmul.f32 v1, v0  }
0x295: {  	v18 =	vld [tilespmem:s23+$0x1810]  }
0x296: {  	v0 =	vadd.f32 v0, v17;
	_ =	sdelay $0x1  }
0x297: {  	[tilespmem:s23+$0x1800] =	vst v0  }
0x298: {  	v0 =	vld [tilespmem:$0x10690]  }
0x299: {  	v1 =	vsub.f32 v18, v7  }
0x29a: {  	v19 =	vld [tilespmem:$0x10A90]  }
0x29b: {  	v1 =	vmul.f32 v1, v8;
	_ =	sdelay $0x1  }
0x29c: {  	v0 =	vmul.f32 v1, v0  }
0x29d: {  	v20 =	vld [tilespmem:s23+$0x1820]  }
0x29e: {  	v0 =	vadd.f32 v0, v19;
	_ =	sdelay $0x1  }
0x29f: {  	[tilespmem:s23+$0x1810] =	vst v0  }
0x2a0: {  	v0 =	vld [tilespmem:$0x106A0]  }
0x2a1: {  	v1 =	vsub.f32 v20, v7  }
0x2a2: {  	v21 =	vld [tilespmem:$0x10AA0]  }
0x2a3: {  	v1 =	vmul.f32 v1, v8;
	_ =	sdelay $0x1  }
0x2a4: {  	v0 =	vmul.f32 v1, v0  }
0x2a5: {  	v22 =	vld [tilespmem:s23+$0x1830]  }
0x2a6: {  	v0 =	vadd.f32 v0, v21;
	_ =	sdelay $0x1  }
0x2a7: {  	[tilespmem:s23+$0x1820] =	vst v0  }
0x2a8: {  	v0 =	vld [tilespmem:$0x106B0]  }
0x2a9: {  	v1 =	vsub.f32 v22, v7  }
0x2aa: {  	v23 =	vld [tilespmem:$0x10AB0]  }
0x2ab: {  	v1 =	vmul.f32 v1, v8;
	_ =	sdelay $0x1  }
0x2ac: {  	v0 =	vmul.f32 v1, v0  }
0x2ad: {  	v24 =	vld [tilespmem:s23+$0x1840]  }
0x2ae: {  	v0 =	vadd.f32 v0, v23;
	_ =	sdelay $0x1  }
0x2af: {  	[tilespmem:s23+$0x1830] =	vst v0  }
0x2b0: {  	v0 =	vld [tilespmem:$0x106C0]  }
0x2b1: {  	v1 =	vsub.f32 v24, v7  }
0x2b2: {  	v25 =	vld [tilespmem:$0x10AC0]  }
0x2b3: {  	v1 =	vmul.f32 v1, v8;
	_ =	sdelay $0x1  }
0x2b4: {  	v0 =	vmul.f32 v1, v0  }
0x2b5: {  	v26 =	vld [tilespmem:s23+$0x1850]  }
0x2b6: {  	v0 =	vadd.f32 v0, v25;
	_ =	sdelay $0x1  }
0x2b7: {  	[tilespmem:s23+$0x1840] =	vst v0  }
0x2b8: {  	v0 =	vld [tilespmem:$0x106D0]  }
0x2b9: {  	v1 =	vsub.f32 v26, v7  }
0x2ba: {  	v27 =	vld [tilespmem:$0x10AD0]  }
0x2bb: {  	v1 =	vmul.f32 v1, v8;
	_ =	sdelay $0x1  }
0x2bc: {  	v0 =	vmul.f32 v1, v0  }
0x2bd: {  	v28 =	vld [tilespmem:s23+$0x1860]  }
0x2be: {  	v0 =	vadd.f32 v0, v27;
	_ =	sdelay $0x1  }
0x2bf: {  	[tilespmem:s23+$0x1850] =	vst v0  }
0x2c0: {  	v0 =	vld [tilespmem:$0x106E0]  }
0x2c1: {  	v1 =	vsub.f32 v28, v7  }
0x2c2: {  	v29 =	vld [tilespmem:$0x10AE0]  }
0x2c3: {  	v1 =	vmul.f32 v1, v8;
	_ =	sdelay $0x1  }
0x2c4: {  	v0 =	vmul.f32 v1, v0  }
0x2c5: {  	v30 =	vld [tilespmem:s23+$0x1870]  }
0x2c6: {  	v0 =	vadd.f32 v0, v29;
	_ =	sdelay $0x1  }
0x2c7: {  	[tilespmem:s23+$0x1860] =	vst v0  }
0x2c8: {  	v0 =	vld [tilespmem:$0x106F0]  }
0x2c9: {  	v1 =	vsub.f32 v30, v7  }
0x2ca: {  	v31 =	vld [tilespmem:$0x10AF0]  }
0x2cb: {  	v1 =	vmul.f32 v1, v8;
	_ =	sdelay $0x1  }
0x2cc: {  	v0 =	vmul.f32 v1, v0  }
0x2cd: {  	v32 =	vld [tilespmem:s23+$0x1C00]  }
0x2ce: {  	v0 =	vadd.f32 v0, v31;
	_ =	sdelay $0x1  }
0x2cf: {  	[tilespmem:s23+$0x1870] =	vst v0  }
0x2d0: {  	v0 =	vld [tilespmem:$0x10700]  }
0x2d1: {  	v1 =	vsub.f32 v32, v7  }
0x2d2: {  	v33 =	vld [tilespmem:$0x10B00]  }
0x2d3: {  	v1 =	vmul.f32 v1, v8;
	_ =	sdelay $0x1  }
0x2d4: {  	v0 =	vmul.f32 v1, v0  }
0x2d5: {  	v34 =	vld [tilespmem:s23+$0x1C10]  }
0x2d6: {  	v0 =	vadd.f32 v0, v33;
	_ =	sdelay $0x1  }
0x2d7: {  	[tilespmem:s23+$0x1C00] =	vst v0  }
0x2d8: {  	v0 =	vld [tilespmem:$0x10710]  }
0x2d9: {  	v1 =	vsub.f32 v34, v7  }
0x2da: {  	v35 =	vld [tilespmem:$0x10B10]  }
0x2db: {  	v1 =	vmul.f32 v1, v8;
	_ =	sdelay $0x1  }
0x2dc: {  	v0 =	vmul.f32 v1, v0  }
0x2dd: {  	v36 =	vld [tilespmem:s23+$0x1C20]  }
0x2de: {  	v0 =	vadd.f32 v0, v35;
	_ =	sdelay $0x1  }
0x2df: {  	[tilespmem:s23+$0x1C10] =	vst v0  }
0x2e0: {  	v0 =	vld [tilespmem:$0x10720]  }
0x2e1: {  	v1 =	vsub.f32 v36, v7  }
0x2e2: {  	v37 =	vld [tilespmem:$0x10B20]  }
0x2e3: {  	v1 =	vmul.f32 v1, v8;
	_ =	sdelay $0x1  }
0x2e4: {  	v0 =	vmul.f32 v1, v0  }
0x2e5: {  	v38 =	vld [tilespmem:s23+$0x1C30]  }
0x2e6: {  	v0 =	vadd.f32 v0, v37;
	_ =	sdelay $0x1  }
0x2e7: {  	[tilespmem:s23+$0x1C20] =	vst v0  }
0x2e8: {  	v0 =	vld [tilespmem:$0x10730]  }
0x2e9: {  	v1 =	vsub.f32 v38, v7  }
0x2ea: {  	v39 =	vld [tilespmem:$0x10B30]  }
0x2eb: {  	v1 =	vmul.f32 v1, v8;
	_ =	sdelay $0x1  }
0x2ec: {  	v0 =	vmul.f32 v1, v0  }
0x2ed: {  	v40 =	vld [tilespmem:s23+$0x1C40]  }
0x2ee: {  	v0 =	vadd.f32 v0, v39;
	_ =	sdelay $0x1  }
0x2ef: {  	[tilespmem:s23+$0x1C30] =	vst v0  }
0x2f0: {  	v0 =	vld [tilespmem:$0x10740]  }
0x2f1: {  	v1 =	vsub.f32 v40, v7  }
0x2f2: {  	v41 =	vld [tilespmem:$0x10B40]  }
0x2f3: {  	v1 =	vmul.f32 v1, v8;
	_ =	sdelay $0x1  }
0x2f4: {  	v0 =	vmul.f32 v1, v0  }
0x2f5: {  	v42 =	vld [tilespmem:s23+$0x1C50]  }
0x2f6: {  	v0 =	vadd.f32 v0, v41;
	_ =	sdelay $0x1  }
0x2f7: {  	[tilespmem:s23+$0x1C40] =	vst v0  }
0x2f8: {  	v0 =	vld [tilespmem:$0x10750]  }
0x2f9: {  	v1 =	vsub.f32 v42, v7  }
0x2fa: {  	v43 =	vld [tilespmem:$0x10B50]  }
0x2fb: {  	v1 =	vmul.f32 v1, v8;
	_ =	sdelay $0x1  }
0x2fc: {  	v0 =	vmul.f32 v1, v0  }
0x2fd: {  	v44 =	vld [tilespmem:s23+$0x1C60]  }
0x2fe: {  	v0 =	vadd.f32 v0, v43;
	_ =	sdelay $0x1  }
0x2ff: {  	[tilespmem:s23+$0x1C50] =	vst v0  }
0x300: {  	v0 =	vld [tilespmem:$0x10760]  }
0x301: {  	v1 =	vsub.f32 v44, v7  }
0x302: {  	v45 =	vld [tilespmem:$0x10B60]  }
0x303: {  	v1 =	vmul.f32 v1, v8;
	_ =	sdelay $0x1  }
0x304: {  	v0 =	vmul.f32 v1, v0  }
0x305: {  	v46 =	vld [tilespmem:s23+$0x1C70]  }
0x306: {  	v0 =	vadd.f32 v0, v45;
	_ =	sdelay $0x1  }
0x307: {  	[tilespmem:s23+$0x1C60] =	vst v0  }
0x308: {  	v0 =	vld [tilespmem:$0x10770]  }
0x309: {  	v1 =	vsub.f32 v46, v7  }
0x30a: {  	v47 =	vld [tilespmem:$0x10B70]  }
0x30b: {  	v1 =	vmul.f32 v1, v8;
	_ =	sdelay $0x1  }
0x30c: {  	v0 =	vmul.f32 v1, v0;
	_ =	sdelay $0x1  }
0x30d: {  	v0 =	vadd.f32 v0, v47;
	_ =	sdelay $0x1  }
0x30e: {  	[tilespmem:s23+$0x1C70] =	vst v0  }
0x30f: {  	v0 =	vld [tilespmem:s16+$0x400];
	_ =	sdelay $0x3  }
0x310: {  	v48 =	vld [tilespmem:$0x10780]  }
0x311: {  	v0 =	vsub.f32 v0, v7  }
0x312: {  	v49 =	vld [tilespmem:$0x10B80]  }
0x313: {  	v0 =	vmul.f32 v0, v8;
	_ =	sdelay $0x1  }
0x314: {  	v0 =	vmul.f32 v0, v48;
	_ =	sdelay $0x1  }
0x315: {  	v0 =	vadd.f32 v0, v49;
	_ =	sdelay $0x1  }
0x316: {  	[tilespmem:s16+$0x400] =	vst v0  }
0x317: {  	v0 =	vld [tilespmem:s24+$0x400];
	_ =	sdelay $0x3  }
0x318: {  	v50 =	vld [tilespmem:$0x10790]  }
0x319: {  	v0 =	vsub.f32 v0, v7  }
0x31a: {  	v51 =	vld [tilespmem:$0x10B90]  }
0x31b: {  	v0 =	vmul.f32 v0, v8;
	_ =	sdelay $0x1  }
0x31c: {  	v0 =	vmul.f32 v0, v50;
	_ =	sdelay $0x1  }
0x31d: {  	v0 =	vadd.f32 v0, v51;
	_ =	sdelay $0x1  }
0x31e: {  	[tilespmem:s24+$0x400] =	vst v0  }
0x31f: {  	v0 =	vld [tilespmem:s29+$0x400];
	_ =	sdelay $0x3  }
0x320: {  	v52 =	vld [tilespmem:$0x107A0]  }
0x321: {  	v0 =	vsub.f32 v0, v7  }
0x322: {  	v53 =	vld [tilespmem:$0x10BA0]  }
0x323: {  	v0 =	vmul.f32 v0, v8;
	_ =	sdelay $0x1  }
0x324: {  	v0 =	vmul.f32 v0, v52;
	_ =	sdelay $0x1  }
0x325: {  	v0 =	vadd.f32 v0, v53;
	_ =	sdelay $0x1  }
0x326: {  	[tilespmem:s29+$0x400] =	vst v0  }
0x327: {  	v0 =	vld [tilespmem:s30+$0x400];
	_ =	sdelay $0x3  }
0x328: {  	v54 =	vld [tilespmem:$0x107B0]  }
0x329: {  	v0 =	vsub.f32 v0, v7  }
0x32a: {  	v55 =	vld [tilespmem:$0x10BB0]  }
0x32b: {  	v0 =	vmul.f32 v0, v8;
	_ =	sdelay $0x1  }
0x32c: {  	v0 =	vmul.f32 v0, v54;
	_ =	sdelay $0x1  }
0x32d: {  	v0 =	vadd.f32 v0, v55;
	_ =	sdelay $0x1  }
0x32e: {  	[tilespmem:s30+$0x400] =	vst v0  }
0x32f: {  	v0 =	vld [tilespmem:s31+$0x400];
	_ =	sdelay $0x3  }
0x330: {  	v56 =	vld [tilespmem:$0x107C0]  }
0x331: {  	v0 =	vsub.f32 v0, v7  }
0x332: {  	v57 =	vld [tilespmem:$0x10BC0]  }
0x333: {  	v0 =	vmul.f32 v0, v8;
	_ =	sdelay $0x1  }
0x334: {  	v0 =	vmul.f32 v0, v56;
	_ =	sdelay $0x1  }
0x335: {  	v0 =	vadd.f32 v0, v57;
	_ =	sdelay $0x1  }
0x336: {  	[tilespmem:s31+$0x400] =	vst v0  }
0x337: {  	v0 =	vld [tilespmem:s0+$0x400];
	_ =	sdelay $0x3  }
0x338: {  	v58 =	vld [tilespmem:$0x107D0]  }
0x339: {  	v0 =	vsub.f32 v0, v7  }
0x33a: {  	v59 =	vld [tilespmem:$0x10BD0]  }
0x33b: {  	v0 =	vmul.f32 v0, v8;
	_ =	sdelay $0x1  }
0x33c: {  	v0 =	vmul.f32 v0, v58;
	_ =	sdelay $0x1  }
0x33d: {  	v0 =	vadd.f32 v0, v59;
	_ =	sdelay $0x1  }
0x33e: {  	[tilespmem:s0+$0x400] =	vst v0  }
0x33f: {  	v0 =	vld [tilespmem:s5+$0x400];
	_ =	sdelay $0x3  }
0x340: {  	v60 =	vld [tilespmem:$0x107E0]  }
0x341: {  	v0 =	vsub.f32 v0, v7  }
0x342: {  	v61 =	vld [tilespmem:$0x10BE0]  }
0x343: {  	v0 =	vmul.f32 v0, v8;
	_ =	sdelay $0x1  }
0x344: {  	v0 =	vmul.f32 v0, v60;
	_ =	sdelay $0x1  }
0x345: {  	v0 =	vadd.f32 v0, v61;
	_ =	sdelay $0x1  }
0x346: {  	[tilespmem:s5+$0x400] =	vst v0  }
0x347: {  	v0 =	vld [tilespmem:s3+$0x400];
	_ =	sdelay $0x3  }
0x348: {  	v62 =	vld [tilespmem:$0x107F0]  }
0x349: {  	v0 =	vsub.f32 v0, v7  }
0x34a: {  	v63 =	vld [tilespmem:$0x10BF0]  }
0x34b: {  	v0 =	vmul.f32 v0, v8  }
0x34c: {  	p0 =	sne.s32 s22, $0x780  }
.Ltmp0:
0x34d: {  	v0 =	vmul.f32 v0, v62;
	(pc) =	sbr.rel @p0 .LBB2_3-.Ltmp0, $4  }
0x34e: {  	_ = 	snop  }
0x34f: {  	v0 =	vadd.f32 v0, v63  }
0x350: {  	s8 =	sadd.s32 $0x1, s8  }
0x351: {  	s9 =	sadd.s32 $0x400, s9;
	s22 =	sadd.s32 $0x80, s22;
	s14 =	sadd.s32 $0x400, s14;
	[tilespmem:s3+$0x400] =	vst v0  }
0x352: {  	s0 =	sshll.u32 s25, $0xC  }
0x353: {  	p0 =	seq.s32 s25, $0x1F;
	s0 =	sadd.s32 s0, s13  }
0x354: {  	[hbm4b:s0+s6] =	stream.linear.scatter [tilespmem:s18], [sflag:$0x5], $0x4000, $0x38;
	[tilespmem:$0x10C00] =	vst v63  }
0x355: {  	s3 =	sshll.u32 @!p0 s25, $0x5;
	s0 =	simm.s32 @!p0 $0x5  }
0x356: {  	s5 =	sadd.s32 @!p0 $0x20, s3;
	_ =	swait.ge @!p0 [sflag:s0], $0x4000  }
0x357: {  	s5 =	sadd.s32 @!p0 s7, s5;
	[sflag:s0] =	ssyncset.done @!p0 $0x0  }
0x358: {  	[sflag:s0] =	ssyncadd.s32 @!p0 $0xFFFFC000;
	s0 =	sshll.u32 @!p0 s5, $0x7  }
0x359: {  	s8 =	simm.s32 @!p0 $0x400;
	s5 =	simm.s32 @!p0 $0x0;
	s0 =	sadd.s32 @!p0 s1, s0  }
0x35a: {  	[tilespmem:s8], [sflag:$0x1] =	stream.linear.gather @!p0 [hbm4b:s0+s5], $0x4000, $0x38;
	[tilespmem:$0x10C00] =	vst v63  }
0x35b: {  	v0 =	vld @!p0 [tilespmem:s3+$0x20];
	_ =	sdelay $0x4  }
0x35c: {  	v1 =	vshll.u32 @!p0 v0, $0x3  }
0x35d: {  	v2 =	vlaneseq.u32 @!p0;
	v0 =	vand.u32 @!p0 $0x3, v0;
	v1 =	vand.u32 @!p0 $0xFFFFFFE0, v1  }
0x35e: {  	v3 =	vshrl.u32 @!p0 v2, $0x3;
	v0 =	vor.u32 @!p0 v0, v1;
	v1 =	vand.u32 @!p0 $0x7, v2  }
0x35f: {  	v3 =	vmul.u32 @!p0 $0x4, v3;
	v1 =	vperm.xlane @!p0 v0, v1;
	_ =	sdelay $0x1  }
0x360: {  	v1 =	vadd.s32 @!p0 v3, v1;
	_ =	sdelay $0x3  }
0x361: {  	vm1 =	vmmov @!p0 $0xffff;
	s0 =	simm.s32 @!p0 $0x8400  }
0x362: {  	v2 =	vor.u32 @!p0 $0x8, v2;
	[tilespmem:s0], [sflag:$0x3] =	stream.indirect_vreg.gather @!p0 [hbm4b:s2+s5], $0x80, v1, vm1, $0xb8;
	[tilespmem:$0x10C00] =	vst v63  }
0x363: {  	v0 =	vperm.xlane @!p0 v0, v2;
	s0 =	simm.s32 @!p0 $0x8C00  }
0x364: {  	[tilespmem:s0], [sflag:$0x3] =	stream.indirect_vreg.gather @!p0 [hbm4b:s10+s5], $0x80, v1, vm1, $0xb8;
	[tilespmem:$0x10C00] =	vst v63  }
0x365: {  	v0 =	vadd.s32 @!p0 v3, v0;
	s0 =	simm.s32 @!p0 $0x9400  }
0x366: {  	[tilespmem:s0], [sflag:$0x3] =	stream.indirect_vreg.gather @!p0 [hbm4b:s11+s5], $0x80, v1, vm1, $0xb8;
	[tilespmem:$0x10C00] =	vst v63  }
0x367: {  	s0 =	simm.s32 @!p0 $0x9C00  }
0x368: {  	[tilespmem:s0], [sflag:$0x3] =	stream.indirect_vreg.gather @!p0 [hbm4b:s12+s5], $0x80, v1, vm1, $0xb8;
	[tilespmem:$0x10C00] =	vst v63  }
0x369: {  	s0 =	simm.s32 @!p0 $0xA400  }
0x36a: {  	[tilespmem:s0], [sflag:$0x3] =	stream.indirect_vreg.gather @!p0 [hbm4b:s2+s5], $0x80, v0, vm1, $0xb8;
	[tilespmem:$0x10C00] =	vst v63  }
0x36b: {  	s0 =	simm.s32 @!p0 $0xAC00  }
0x36c: {  	[tilespmem:s0], [sflag:$0x3] =	stream.indirect_vreg.gather @!p0 [hbm4b:s10+s5], $0x80, v0, vm1, $0xb8;
	[tilespmem:$0x10C00] =	vst v63  }
0x36d: {  	s0 =	simm.s32 @!p0 $0xB400  }
0x36e: {  	[tilespmem:s0], [sflag:$0x3] =	stream.indirect_vreg.gather @!p0 [hbm4b:s11+s5], $0x80, v0, vm1, $0xb8;
	[tilespmem:$0x10C00] =	vst v63  }
0x36f: {  	s0 =	simm.s32 @!p0 $0xBC00  }
0x370: {  	[tilespmem:s0], [sflag:$0x3] =	stream.indirect_vreg.gather @!p0 [hbm4b:s12+s5], $0x80, v0, vm1, $0xb8;
	[tilespmem:$0x10C00] =	vst v63  }
0x371: {  	_ =	swait.ge [sflag:s20], $0x4000  }
0x372: {  	[sflag:s20] =	ssyncset.done $0x0  }
0x373: {  	[sflag:s20] =	ssyncadd.s32 $0xFFFFC000  }
0x374: {  	_ =	swait.ge [sflag:s21], $0x4000  }
0x375: {  	s9 =	simm.s32 $0xFFFFC000;
	s14 =	simm.s32 $0x0;
	[sflag:s21] =	ssyncset.done $0x0  }
0x376: {  	s22 =	simm.s32 $0x0;
	s8 =	simm.s32 $0x0;
	[sflag:s21] =	ssyncadd.s32 $0xFFFFC000  }
.LBB2_5:
0x377: {  	s0 =	sadd.s32 $0x4000, s9  }
0x378: {  	s3 =	sand.u32 $0x380, s22;
	s0 =	sand.u32 $0x2000, s0  }
0x379: {  	s23 =	sor.u32 s3, s0  }
0x37a: {  	v0 =	vld [tilespmem:s23+$0x4400]  }
0x37b: {  	v1 =	vld [tilespmem:s23+$0xC400]  }
0x37c: {  	v2 =	vld [tilespmem:s23+$0x4410]  }
0x37d: {  	v3 =	vld [tilespmem:s23+$0xC410]  }
0x37e: {  	v4 =	vld [tilespmem:s23+$0x4420]  }
0x37f: {  	v5 =	vld [tilespmem:s23+$0xC420]  }
0x380: {  	v6 =	vld [tilespmem:s23+$0x4430]  }
0x381: {  	v7 =	vld [tilespmem:s23+$0xC430]  }
0x382: {  	v8 =	vld [tilespmem:s23+$0x4440]  }
0x383: {  	v9 =	vld [tilespmem:s23+$0xC440]  }
0x384: {  	v10 =	vld [tilespmem:s23+$0x4450]  }
0x385: {  	v11 =	vld [tilespmem:s23+$0xC450]  }
0x386: {  	v12 =	vld [tilespmem:s23+$0x4460]  }
0x387: {  	v13 =	vld [tilespmem:s23+$0xC460]  }
0x388: {  	v14 =	vld [tilespmem:s23+$0x4470]  }
0x389: {  	v15 =	vld [tilespmem:s23+$0xC470]  }
0x38a: {  	v16 =	vld [tilespmem:s23+$0x4800]  }
0x38b: {  	v17 =	vld [tilespmem:s23+$0xC800]  }
0x38c: {  	v18 =	vld [tilespmem:s23+$0x4810]  }
0x38d: {  	v19 =	vld [tilespmem:s23+$0xC810]  }
0x38e: {  	v20 =	vld [tilespmem:s23+$0x4820]  }
0x38f: {  	v21 =	vld [tilespmem:s23+$0xC820]  }
0x390: {  	v22 =	vld [tilespmem:s23+$0x4830]  }
0x391: {  	v23 =	vld [tilespmem:s23+$0xC830]  }
0x392: {  	v24 =	vld [tilespmem:s23+$0x4840]  }
0x393: {  	v25 =	vld [tilespmem:s23+$0xC840]  }
0x394: {  	v26 =	vld [tilespmem:s23+$0x4850]  }
0x395: {  	v27 =	vld [tilespmem:s23+$0xC850]  }
0x396: {  	v28 =	vld [tilespmem:s23+$0x4860]  }
0x397: {  	v29 =	vld [tilespmem:s23+$0xC860]  }
0x398: {  	v30 =	vld [tilespmem:s23+$0x4870]  }
0x399: {  	v31 =	vld [tilespmem:s23+$0xC870]  }
0x39a: {  	v32 =	vld [tilespmem:s23+$0x4C00]  }
0x39b: {  	v33 =	vld [tilespmem:s23+$0xCC00]  }
0x39c: {  	v34 =	vld [tilespmem:s23+$0x4C10]  }
0x39d: {  	v35 =	vld [tilespmem:s23+$0xCC10]  }
0x39e: {  	v36 =	vld [tilespmem:s23+$0x4C20]  }
0x39f: {  	v37 =	vld [tilespmem:s23+$0xCC20]  }
0x3a0: {  	v38 =	vld [tilespmem:s23+$0x4C30]  }
0x3a1: {  	v39 =	vld [tilespmem:s23+$0xCC30]  }
0x3a2: {  	v40 =	vld [tilespmem:s23+$0x4C40]  }
0x3a3: {  	v41 =	vld [tilespmem:s23+$0xCC40]  }
0x3a4: {  	v42 =	vld [tilespmem:s23+$0x4C50]  }
0x3a5: {  	v43 =	vld [tilespmem:s23+$0x4C60]  }
0x3a6: {  	v46 =	vld [tilespmem:s23+$0xCC60]  }
0x3a7: {  	v47 =	vld [tilespmem:s23+$0x4C70]  }
0x3a8: {  	v48 =	vld [tilespmem:s23+$0xCC70]  }
0x3a9: {  	v49 =	vld [tilespmem:s23+$0x5000]  }
0x3aa: {  	v50 =	vld [tilespmem:s23+$0xD000]  }
0x3ab: {  	v51 =	vld [tilespmem:s23+$0x5010]  }
0x3ac: {  	v52 =	vld [tilespmem:s23+$0xD010]  }
0x3ad: {  	v53 =	vld [tilespmem:s23+$0x5020]  }
0x3ae: {  	v54 =	vld [tilespmem:s23+$0xD020]  }
0x3af: {  	v55 =	vld [tilespmem:s23+$0x5030]  }
0x3b0: {  	v56 =	vld [tilespmem:s23+$0xD030]  }
0x3b1: {  	v57 =	vld [tilespmem:s23+$0x5040]  }
0x3b2: {  	v58 =	vld [tilespmem:s23+$0xD040]  }
0x3b3: {  	v59 =	vld [tilespmem:s23+$0x5050]  }
0x3b4: {  	v60 =	vld [tilespmem:s23+$0xD050]  }
0x3b5: {  	v61 =	vld [tilespmem:s23+$0x5060]  }
0x3b6: {  	v62 =	vld [tilespmem:s23+$0xD060]  }
0x3b7: {  	v63 =	vld [tilespmem:s23+$0x5070]  }
0x3b8: {  	[tilespmem:$0x1FD10] =	vst v42;
	v42 =	vld [tilespmem:s23+$0xCC50]  }
0x3b9: {  	[tilespmem:$0x1FE10] =	vst v60;
	v60 =	vadd.f32 v3, v2;
	v2 =	vld [tilespmem:s23+$0xD070]  }
0x3ba: {  	v44 =	vadd.f32 v7, v6;
	v7 =	vld [tilespmem:s23+$0x5400]  }
0x3bb: {  	[tilespmem:$0x1FE00] =	vst v59;
	v59 =	vadd.f32 v1, v0;
	v0 =	vld [tilespmem:s23+$0xD400]  }
0x3bc: {  	[tilespmem:$0x1FD20] =	vst v43;
	v1 =	vld [tilespmem:s23+$0x5410]  }
0x3bd: {  	[tilespmem:$0x1FD30] =	vst v46;
	v6 =	vld [tilespmem:s23+$0xD410]  }
0x3be: {  	[tilespmem:$0x1FE40] =	vst v63;
	v63 =	vadd.f32 v9, v8;
	v8 =	vld [tilespmem:s23+$0xD420]  }
0x3bf: {  	[tilespmem:$0x1FD40] =	vst v47;
	v9 =	vld [tilespmem:s23+$0x5430]  }
0x3c0: {  	[tilespmem:$0x1FE30] =	vst v62;
	v62 =	vadd.f32 v11, v10;
	v10 =	vld [tilespmem:s23+$0xD430]  }
0x3c1: {  	[tilespmem:$0x1FD50] =	vst v48;
	v11 =	vld [tilespmem:s23+$0x5440]  }
0x3c2: {  	[tilespmem:$0x1FDA0] =	vst v53;
	v53 =	vadd.f32 v13, v12;
	v12 =	vld [tilespmem:s23+$0xD440]  }
0x3c3: {  	[tilespmem:$0x1FD60] =	vst v49;
	v13 =	vld [tilespmem:s23+$0x5450]  }
0x3c4: {  	[tilespmem:$0x1FDB0] =	vst v54;
	v54 =	vadd.f32 v15, v14;
	v14 =	vld [tilespmem:s23+$0xD450]  }
0x3c5: {  	[tilespmem:$0x1FD70] =	vst v50;
	v15 =	vld [tilespmem:s23+$0x5460]  }
0x3c6: {  	[tilespmem:$0x1FDE0] =	vst v57;
	v57 =	vadd.f32 v17, v16;
	v16 =	vld [tilespmem:s23+$0xD460]  }
0x3c7: {  	[tilespmem:$0x1FD80] =	vst v51;
	v17 =	vld [tilespmem:s23+$0x5470]  }
0x3c8: {  	[tilespmem:$0x1FDF0] =	vst v58;
	v58 =	vadd.f32 v19, v18;
	v18 =	vld [tilespmem:s23+$0xD470]  }
0x3c9: {  	[tilespmem:$0x1FD90] =	vst v52;
	v19 =	vld [tilespmem:s23+$0x5800]  }
0x3ca: {  	[tilespmem:$0x1FDC0] =	vst v55;
	v55 =	vadd.f32 v21, v20;
	v20 =	vld [tilespmem:s23+$0xD800]  }
0x3cb: {  	[tilespmem:$0x1FDD0] =	vst v56;
	v21 =	vld [tilespmem:s23+$0x5810]  }
0x3cc: {  	[tilespmem:$0x1FE20] =	vst v61;
	v56 =	vadd.f32 v23, v22;
	v23 =	vld [tilespmem:s23+$0xD810]  }
0x3cd: {  	v61 =	vadd.f32 v5, v4;
	v52 =	vadd.f32 v25, v24;
	v24 =	vld [tilespmem:s23+$0x5820];
	[tilespmem:s23+$0x4400] =	vst v59  }
0x3ce: {  	v5 =	vld [tilespmem:s23+$0x5830];
	[tilespmem:s23+$0x4410] =	vst v60  }
0x3cf: {  	v3 =	vld [tilespmem:s23+$0xD850];
	[tilespmem:s23+$0x4420] =	vst v61  }
0x3d0: {  	v4 =	vld [tilespmem:s23+$0x5860];
	[tilespmem:s23+$0x4430] =	vst v44  }
0x3d1: {  	v45 =	vadd.f32 v37, v36;
	v37 =	vld [tilespmem:$0x1FD10];
	[tilespmem:s23+$0x4440] =	vst v63  }
0x3d2: {  	v46 =	vadd.f32 v39, v38;
	v38 =	vld [tilespmem:$0x1FD20];
	[tilespmem:s23+$0x4450] =	vst v62  }
0x3d3: {  	v39 =	vld [tilespmem:$0x1FD30];
	[tilespmem:s23+$0x4460] =	vst v53  }
0x3d4: {  	v43 =	vadd.f32 v41, v40;
	v41 =	vld [tilespmem:$0x1FD40];
	[tilespmem:s23+$0x4470] =	vst v54  }
0x3d5: {  	v22 =	vld [tilespmem:$0x1FD60];
	[tilespmem:s23+$0x4800] =	vst v57  }
0x3d6: {  	v25 =	vld [tilespmem:$0x1FD70];
	[tilespmem:s23+$0x4810] =	vst v58  }
0x3d7: {  	v51 =	vadd.f32 v27, v26;
	v26 =	vld [tilespmem:$0x1FD80];
	[tilespmem:s23+$0x4820] =	vst v55  }
0x3d8: {  	v27 =	vld [tilespmem:$0x1FD90];
	[tilespmem:s23+$0x4830] =	vst v56  }
0x3d9: {  	v47 =	vadd.f32 v29, v28;
	v28 =	vld [tilespmem:$0x1FDA0];
	[tilespmem:s23+$0x4840] =	vst v52  }
0x3da: {  	v48 =	vadd.f32 v31, v30;
	v29 =	vld [tilespmem:$0x1FDB0];
	[tilespmem:s23+$0x4850] =	vst v51  }
0x3db: {  	v49 =	vadd.f32 v33, v32;
	v30 =	vld [tilespmem:$0x1FDC0];
	[tilespmem:s23+$0x4860] =	vst v47  }
0x3dc: {  	v50 =	vadd.f32 v35, v34;
	v31 =	vld [tilespmem:$0x1FDD0];
	[tilespmem:s23+$0x4870] =	vst v48  }
0x3dd: {  	v32 =	vld [tilespmem:$0x1FDE0];
	[tilespmem:s23+$0x4C00] =	vst v49  }
0x3de: {  	v33 =	vld [tilespmem:$0x1FDF0];
	[tilespmem:s23+$0x4C10] =	vst v50  }
0x3df: {  	v34 =	vld [tilespmem:$0x1FE00];
	[tilespmem:s23+$0x4C20] =	vst v45  }
0x3e0: {  	[tilespmem:$0x1FE50] =	vst v7;
	v7 =	vld [tilespmem:s23+$0x5420]  }
0x3e1: {  	[tilespmem:s23+$0x4C30] =	vst v46;
	v17 =	vadd.f32 v18, v17;
	v40 =	vadd.f32 v42, v37;
	v42 =	vld [tilespmem:$0x1FD50]  }
0x3e2: {  	[tilespmem:s23+$0x4C40] =	vst v43;
	v18 =	vadd.f32 v20, v19;
	v37 =	vadd.f32 v25, v22;
	v25 =	vld [tilespmem:s23+$0xD820]  }
0x3e3: {  	v19 =	vadd.f32 v23, v21;
	v22 =	vld [tilespmem:s23+$0xD830];
	[tilespmem:s23+$0x5470] =	vst v17  }
0x3e4: {  	v35 =	vadd.f32 v39, v38;
	v38 =	vadd.f32 v31, v30;
	v30 =	vld [tilespmem:$0x1FE30];
	[tilespmem:s23+$0x5800] =	vst v18  }
0x3e5: {  	v31 =	vld [tilespmem:$0x1FE40];
	[tilespmem:s23+$0x5810] =	vst v19  }
0x3e6: {  	v39 =	vadd.f32 v33, v32;
	v32 =	vld [tilespmem:$0x1FE50];
	[tilespmem:s23+$0x4C50] =	vst v40  }
0x3e7: {  	[tilespmem:s23+$0x4C60] =	vst v35;
	v36 =	vadd.f32 v42, v41;
	v41 =	vadd.f32 v27, v26;
	v26 =	vld [tilespmem:s23+$0x5840]  }
0x3e8: {  	[tilespmem:s23+$0x5000] =	vst v37;
	v27 =	vld [tilespmem:s23+$0xD840]  }
0x3e9: {  	[tilespmem:s23+$0x5030] =	vst v38;
	v42 =	vadd.f32 v29, v28;
	v28 =	vld [tilespmem:$0x1FE10]  }
0x3ea: {  	[tilespmem:s23+$0x5040] =	vst v39;
	v29 =	vld [tilespmem:$0x1FE20]  }
0x3eb: {  	v23 =	vadd.f32 v25, v24;
	v25 =	vld [tilespmem:s23+$0xDC30];
	[tilespmem:s23+$0x4C70] =	vst v36  }
0x3ec: {  	v24 =	vadd.f32 v22, v5;
	v5 =	vld [tilespmem:s23+$0x5C40];
	[tilespmem:s23+$0x5010] =	vst v41  }
0x3ed: {  	v22 =	vld [tilespmem:s23+$0x5C50];
	[tilespmem:s23+$0x5020] =	vst v42  }
0x3ee: {  	[tilespmem:s23+$0x5820] =	vst v23;
	v34 =	vadd.f32 v28, v34;
	v28 =	vld [tilespmem:s23+$0x5850]  }
0x3ef: {  	[tilespmem:s23+$0x5830] =	vst v24;
	v33 =	vadd.f32 v30, v29;
	v29 =	vadd.f32 v2, v31;
	v2 =	vld [tilespmem:s23+$0xD860]  }
0x3f0: {  	v31 =	vadd.f32 v6, v1;
	v1 =	vld [tilespmem:s23+$0x5870];
	[tilespmem:s23+$0x5050] =	vst v34  }
0x3f1: {  	v30 =	vadd.f32 v0, v32;
	v0 =	vld [tilespmem:s23+$0xD870];
	[tilespmem:s23+$0x5060] =	vst v33  }
0x3f2: {  	v32 =	vadd.f32 v8, v7;
	v7 =	vadd.f32 v10, v9;
	v10 =	vld [tilespmem:s23+$0x5C00];
	[tilespmem:s23+$0x5070] =	vst v29  }
0x3f3: {  	v8 =	vadd.f32 v12, v11;
	v11 =	vld [tilespmem:s23+$0xDC00];
	[tilespmem:s23+$0x5400] =	vst v30  }
0x3f4: {  	v12 =	vld [tilespmem:s23+$0x5C10];
	[tilespmem:s23+$0x5410] =	vst v31  }
0x3f5: {  	v6 =	vadd.f32 v14, v13;
	v13 =	vld [tilespmem:s23+$0xDC10];
	[tilespmem:s23+$0x5420] =	vst v32  }
0x3f6: {  	v14 =	vld [tilespmem:s23+$0x5C20];
	[tilespmem:s23+$0x5430] =	vst v7  }
0x3f7: {  	v9 =	vadd.f32 v16, v15;
	v15 =	vld [tilespmem:s23+$0xDC20];
	[tilespmem:s23+$0x5440] =	vst v8  }
0x3f8: {  	v16 =	vld [tilespmem:s23+$0x5C30];
	v20 =	vadd.f32 v27, v26;
	[tilespmem:s23+$0x5450] =	vst v6  }
0x3f9: {  	v26 =	vld [tilespmem:s23+$0xDC50];
	[tilespmem:s23+$0x5460] =	vst v9;
	v21 =	vadd.f32 v3, v28  }
0x3fa: {  	v27 =	vld [tilespmem:s23+$0x5C60];
	[tilespmem:s23+$0x5840] =	vst v20;
	v4 =	vadd.f32 v2, v4  }
0x3fb: {  	v3 =	vadd.f32 v0, v1;
	v0 =	vld [tilespmem:s23+$0xDC60];
	[tilespmem:s23+$0x5850] =	vst v21  }
0x3fc: {  	v11 =	vadd.f32 v11, v10;
	v10 =	vld [tilespmem:s23+$0x5C70];
	[tilespmem:s23+$0x5860] =	vst v4  }
0x3fd: {  	v12 =	vadd.f32 v13, v12;
	v28 =	vld [tilespmem:s23+$0xDC70];
	[tilespmem:s23+$0x5870] =	vst v3  }
0x3fe: {  	v13 =	vadd.f32 v15, v14;
	v15 =	vld [tilespmem:s23+$0xDC40];
	[tilespmem:s23+$0x5C00] =	vst v11  }
0x3ff: {  	v14 =	vadd.f32 v25, v16;
	[tilespmem:s23+$0x5C10] =	vst v12  }
0x400: {  	v2 =	vadd.f32 v26, v22;
	[tilespmem:s23+$0x5C20] =	vst v13  }
0x401: {  	s31 =	sand.u32 $0x7, s8;
	[tilespmem:s23+$0x5C30] =	vst v14;
	v1 =	vadd.f32 v0, v27  }
0x402: {  	s0 =	sshll.u32 s31, $0x7;
	[tilespmem:s23+$0x5C50] =	vst v2;
	v0 =	vadd.f32 v28, v10  }
0x403: {  	s3 =	sadd.s32 s0, s14;
	v25 =	vadd.f32 v15, v5;
	[tilespmem:s23+$0x5C60] =	vst v1  }
0x404: {  	s16 =	sor.u32 $0x1C00, s3;
	[tilespmem:s23+$0x5C70] =	vst v0  }
0x405: {  	[tilespmem:s23+$0x5C40] =	vst v25;
	v27 =	vld [tilespmem:s16+$0x4400]  }
0x406: {  	v28 =	vld [tilespmem:s16+$0xC400];
	_ =	sdelay $0x1  }
0x407: {  	v16 =	vadd.f32 $0.0e+00, v60;
	v26 =	vadd.f32 $0.0e+00, v61;
	_ =	sdelay $0x1  }
0x408: {  	v16 =	vadd.f32 v62, v16;
	v26 =	vadd.f32 v53, v26  }
0x409: {  	v10 =	vadd.f32 v28, v27  }
0x40a: {  	v16 =	vadd.f32 v58, v16;
	v26 =	vadd.f32 v55, v26  }
0x40b: {  	s24 =	sor.u32 $0x1C10, s3;
	v22 =	vmul.f32 v60, v60;
	v60 =	vmul.f32 v62, v62;
	v15 =	vadd.f32 $0.0e+00, v59;
	[tilespmem:s16+$0x4400] =	vst v10  }
0x40c: {  	v16 =	vadd.f32 v51, v16;
	v26 =	vadd.f32 v47, v26;
	v27 =	vmul.f32 v61, v61;
	v61 =	vld [tilespmem:s24+$0x4400]  }
0x40d: {  	v22 =	vadd.f32 v60, v22;
	v60 =	vmul.f32 v54, v54;
	v15 =	vadd.f32 v63, v15;
	v62 =	vld [tilespmem:s24+$0xC400]  }
0x40e: {  	v5 =	vmul.f32 v59, v59;
	v16 =	vadd.f32 v50, v16;
	v26 =	vadd.f32 v45, v26  }
0x40f: {  	v59 =	vadd.f32 $0.0e+00, v44;
	v15 =	vadd.f32 v57, v15;
	v28 =	vmul.f32 v63, v63  }
0x410: {  	v44 =	vmul.f32 v44, v44;
	v16 =	vadd.f32 v40, v16;
	v26 =	vadd.f32 v35, v26  }
0x411: {  	v5 =	vadd.f32 v28, v5;
	v28 =	vmul.f32 v53, v53;
	v53 =	vadd.f32 v54, v59  }
0x412: {  	v54 =	vadd.f32 v60, v44;
	v44 =	vadd.f32 v62, v61  }
0x413: {  	v15 =	vadd.f32 v52, v15;
	v16 =	vadd.f32 v41, v16  }
0x414: {  	s29 =	sor.u32 $0x1C20, s3;
	v26 =	vadd.f32 v42, v26;
	v63 =	vmul.f32 v57, v57;
	[tilespmem:s24+$0x4400] =	vst v44  }
0x415: {  	v57 =	vmul.f32 v52, v52;
	v15 =	vadd.f32 v49, v15;
	v16 =	vadd.f32 v34, v16;
	v59 =	vld [tilespmem:s29+$0x4400]  }
0x416: {  	v52 =	vmul.f32 v38, v38;
	v26 =	vadd.f32 v33, v26;
	v60 =	vmul.f32 v58, v58;
	v61 =	vld [tilespmem:s29+$0xC400]  }
0x417: {  	v58 =	vmul.f32 v51, v51;
	v15 =	vadd.f32 v43, v15;
	v16 =	vadd.f32 v31, v16  }
0x418: {  	v51 =	vmul.f32 v42, v42;
	v26 =	vadd.f32 v32, v26;
	v27 =	vadd.f32 v28, v27  }
0x419: {  	v5 =	vadd.f32 v63, v5;
	v22 =	vadd.f32 v60, v22;
	v63 =	vmul.f32 v56, v56  }
0x41a: {  	v53 =	vadd.f32 v56, v53;
	v60 =	vmul.f32 v47, v47;
	v15 =	vadd.f32 v37, v15  }
0x41b: {  	v56 =	vmul.f32 v45, v45;
	v28 =	vadd.f32 v63, v54;
	v47 =	vadd.f32 v61, v59  }
0x41c: {  	v5 =	vadd.f32 v57, v5;
	v63 =	vmul.f32 v49, v49;
	v54 =	vmul.f32 v39, v39  }
0x41d: {  	s30 =	sor.u32 $0x1C30, s3;
	v15 =	vadd.f32 v39, v15;
	v39 =	vmul.f32 v6, v6;
	v6 =	vadd.f32 v6, v16;
	[tilespmem:s29+$0x4400] =	vst v47  }
0x41e: {  	v22 =	vadd.f32 v58, v22;
	v62 =	vmul.f32 v55, v55;
	v5 =	vadd.f32 v63, v5;
	v61 =	vld [tilespmem:s30+$0x4400]  }
0x41f: {  	v58 =	vmul.f32 v43, v43;
	v15 =	vadd.f32 v30, v15;
	v6 =	vadd.f32 v19, v6;
	v63 =	vld [tilespmem:s30+$0xC400]  }
0x420: {  	v27 =	vadd.f32 v62, v27;
	v62 =	vmul.f32 v48, v48;
	v48 =	vadd.f32 v48, v53  }
0x421: {  	v53 =	vmul.f32 v50, v50;
	v5 =	vadd.f32 v58, v5;
	v6 =	vadd.f32 v21, v6  }
0x422: {  	v49 =	vmul.f32 v37, v37;
	v27 =	vadd.f32 v60, v27;
	v28 =	vadd.f32 v62, v28  }
0x423: {  	v57 =	vmul.f32 v46, v46;
	v22 =	vadd.f32 v53, v22;
	v46 =	vadd.f32 v46, v48  }
0x424: {  	v60 =	vmul.f32 v35, v35;
	v5 =	vadd.f32 v49, v5;
	v37 =	vadd.f32 v63, v61  }
0x425: {  	v62 =	vmul.f32 v36, v36;
	v6 =	vadd.f32 v12, v6;
	v27 =	vadd.f32 v56, v27  }
0x426: {  	s31 =	sor.u32 $0x1C40, s3;
	v28 =	vadd.f32 v57, v28;
	v36 =	vadd.f32 v36, v46;
	v59 =	vmul.f32 v40, v40;
	[tilespmem:s30+$0x4400] =	vst v37  }
0x427: {  	v42 =	vmul.f32 v17, v17;
	v5 =	vadd.f32 v54, v5;
	v27 =	vadd.f32 v60, v27;
	v57 =	vld [tilespmem:s31+$0x4400]  }
0x428: {  	v45 =	vmul.f32 v18, v18;
	v28 =	vadd.f32 v62, v28;
	v22 =	vadd.f32 v59, v22;
	v59 =	vld [tilespmem:s31+$0xC400]  }
0x429: {  	v53 =	vadd.f32 v38, v36;
	v60 =	vmul.f32 v30, v30;
	v38 =	vmul.f32 v8, v8  }
0x42a: {  	v8 =	vadd.f32 v8, v15;
	v40 =	vmul.f32 v9, v9;
	v9 =	vadd.f32 v9, v26  }
0x42b: {  	v50 =	vmul.f32 v41, v41;
	v27 =	vadd.f32 v51, v27;
	v28 =	vadd.f32 v52, v28  }
0x42c: {  	v58 =	vmul.f32 v29, v29;
	v29 =	vadd.f32 v29, v53;
	v5 =	vadd.f32 v60, v5  }
0x42d: {  	v56 =	vmul.f32 v33, v33;
	v8 =	vadd.f32 v18, v8;
	v36 =	vadd.f32 v59, v57  }
0x42e: {  	v55 =	vmul.f32 v34, v34;
	v9 =	vadd.f32 v23, v9;
	v22 =	vadd.f32 v50, v22  }
0x42f: {  	s0 =	sor.u32 $0x1C50, s3;
	v62 =	vmul.f32 v32, v32;
	v27 =	vadd.f32 v56, v27;
	v28 =	vadd.f32 v58, v28;
	[tilespmem:s31+$0x4400] =	vst v36  }
0x430: {  	v49 =	vmul.f32 v19, v19;
	v5 =	vadd.f32 v38, v5;
	v8 =	vadd.f32 v20, v8;
	v43 =	vld [tilespmem:s0+$0x4400]  }
0x431: {  	v53 =	vmul.f32 v20, v20;
	v22 =	vadd.f32 v55, v22;
	v27 =	vadd.f32 v62, v27;
	v46 =	vld [tilespmem:s0+$0xC400]  }
0x432: {  	v5 =	vadd.f32 v45, v5;
	v55 =	vmul.f32 v4, v4;
	v4 =	vadd.f32 v4, v9  }
0x433: {  	v8 =	vadd.f32 v11, v8;
	v63 =	vmul.f32 v7, v7;
	v7 =	vadd.f32 v7, v29  }
0x434: {  	v61 =	vmul.f32 v31, v31;
	v15 =	vadd.f32 v40, v27;
	v5 =	vadd.f32 v53, v5  }
0x435: {  	v50 =	vmul.f32 v23, v23;
	v4 =	vadd.f32 v13, v4;
	v8 =	vadd.f32 v25, v8  }
0x436: {  	v58 =	vmul.f32 v11, v11;
	v22 =	vadd.f32 v61, v22;
	v52 =	vadd.f32 v46, v43  }
0x437: {  	v54 =	vmul.f32 v21, v21;
	v28 =	vadd.f32 v63, v28;
	v7 =	vadd.f32 v17, v7  }
0x438: {  	s5 =	sor.u32 $0x1C60, s3;
	v51 =	vmul.f32 v24, v24;
	v15 =	vadd.f32 v50, v15;
	v5 =	vadd.f32 v58, v5;
	[tilespmem:s0+$0x4400] =	vst v52  }
0x439: {  	v18 =	vmul.f32 v1, v1;
	v1 =	vadd.f32 v1, v4;
	v41 =	vadd.f32 v39, v22;
	v57 =	vld [tilespmem:s5+$0x4400]  }
0x43a: {  	v63 =	vmul.f32 v25, v25;
	v8 =	vadd.f32 v10, v8;
	v48 =	vadd.f32 v42, v28;
	v59 =	vld [tilespmem:s5+$0xC400]  }
0x43b: {  	v60 =	vmul.f32 v12, v12;
	v7 =	vadd.f32 v24, v7;
	v16 =	vadd.f32 v49, v41  }
0x43c: {  	v56 =	vmul.f32 v3, v3;
	v15 =	vadd.f32 v55, v15;
	v5 =	vadd.f32 v63, v5  }
0x43d: {  	v23 =	vmul.f32 v10, v10;
	v1 =	vadd.f32 v47, v1;
	v16 =	vadd.f32 v54, v16  }
0x43e: {  	v61 =	vmul.f32 v13, v13;
	v17 =	vadd.f32 v51, v48;
	v3 =	vadd.f32 v3, v7  }
0x43f: {  	v11 =	vadd.f32 v60, v16;
	v16 =	vadd.f32 v59, v57  }
0x440: {  	v62 =	vmul.f32 v14, v14;
	v7 =	vadd.f32 v61, v15;
	v5 =	vadd.f32 v23, v5  }
0x441: {  	s3 =	sor.u32 $0x1C70, s3;
	v28 =	vmul.f32 v47, v47;
	v9 =	vadd.f32 v56, v17;
	v3 =	vadd.f32 v14, v3;
	[tilespmem:s5+$0x4400] =	vst v16  }
0x442: {  	v17 =	vmul.f32 v2, v2;
	v2 =	vadd.f32 v2, v6;
	v22 =	vadd.f32 v18, v7;
	v24 =	vld [tilespmem:s3+$0x4400]  }
0x443: {  	v21 =	vmul.f32 v0, v0;
	v9 =	vadd.f32 v62, v9;
	v0 =	vadd.f32 v0, v3;
	v27 =	vld [tilespmem:s3+$0xC400]  }
0x444: {  	v26 =	vmul.f32 v44, v44;
	v2 =	vadd.f32 v44, v2;
	v4 =	vadd.f32 v28, v22  }
0x445: {  	v30 =	vmul.f32 v36, v36;
	v8 =	vadd.f32 v36, v8;
	v20 =	vadd.f32 v17, v11  }
0x446: {  	v29 =	vmul.f32 v37, v37;
	v25 =	vadd.f32 v21, v9;
	v0 =	vadd.f32 v37, v0  }
0x447: {  	v5 =	vadd.f32 v30, v5;
	v6 =	vadd.f32 v26, v20;
	v33 =	vmul.f32 v52, v52  }
0x448: {  	v3 =	vadd.f32 v29, v25;
	v32 =	vadd.f32 v27, v24  }
0x449: {  	v2 =	vadd.f32 v52, v2;
	v6 =	vadd.f32 v33, v6;
	v34 =	vmul.f32 v16, v16  }
0x44a: {  	v1 =	vadd.f32 v16, v1;
	v0 =	vadd.f32 v32, v0;
	v35 =	vmul.f32 v32, v32  }
0x44b: {  	v37 =	vld [tilespmem:$0x1FFC0];
	v2 =	vadd.f32 v2, v8;
	v36 =	vadd.f32 v34, v4  }
0x44c: {  	v0 =	vadd.f32 v0, v1;
	v3 =	vadd.f32 v35, v3  }
0x44d: {  	v39 =	vadd.f32 v6, v5  }
0x44e: {  	v0 =	vadd.f32 v0, v2;
	v1 =	vadd.f32 v3, v36  }
0x44f: {  	v41 =	vld [tilespmem:$0x1FFD0]  }
0x450: {  	v1 =	vadd.f32 v1, v39;
	v42 =	vperm.xlane v0, v37;
	_ =	sdelay $0x1  }
0x451: {  	v0 =	vadd.f32 v0, v42;
	v43 =	vperm.xlane v1, v37  }
0x452: {  	v40 =	vld [tilespmem:$0x1FFE0]  }
0x453: {  	v44 =	vperm.xlane v0, v41;
	v1 =	vadd.f32 v43, v1;
	_ =	sdelay $0x1  }
0x454: {  	v0 =	vadd.f32 v0, v44;
	v2 =	vperm.xlane v1, v41  }
0x455: {  	v38 =	vld [tilespmem:$0x1FFF0]  }
0x456: {  	v3 =	vperm.xlane v0, v40;
	v1 =	vadd.f32 v2, v1;
	_ =	sdelay $0x1  }
0x457: {  	v0 =	vadd.f32 v0, v3;
	v2 =	vperm.xlane v1, v40;
	_ =	sdelay $0x1  }
0x458: {  	v3 =	vperm.xlane v0, v38;
	v1 =	vadd.f32 v2, v1;
	_ =	sdelay $0x1  }
0x459: {  	v0 =	vadd.f32 v0, v3;
	v2 =	vperm.xlane v1, v38;
	_ =	sdelay $0x1  }
0x45a: {  	v7 =	vmul.f32 $9.765625000e-04, v0;
	v45 =	vadd.f32 v2, v1;
	_ =	sdelay $0x1  }
0x45b: {  	v0 =	vmul.f32 $9.765625000e-04, v45;
	v46 =	vmul.f32 v7, v7;
	_ =	sdelay $0x1  }
0x45c: {  	v0 =	vsub.f32 v0, v46;
	_ =	sdelay $0x1  }
0x45d: {  	v0 =	vadd.f32 $9.999999960e-13, v0;
	_ =	sdelay $0x1  }
0x45e: {  	v47 =	vshra.s32 v0, $0x1;
	v0 =	vmul.f32 $5.000000000e-01, v0  }
0x45f: {  	v1 =	vsub.s32 $0x5F3759DF, v47  }
0x460: {  	v48 =	vmul.f32 v1, v0;
	_ =	sdelay $0x1  }
0x461: {  	v2 =	vmul.f32 v1, v48;
	_ =	sdelay $0x1  }
0x462: {  	v2 =	vsub.f32 $1.500000000e+00, v2;
	_ =	sdelay $0x1  }
0x463: {  	v1 =	vmul.f32 v1, v2;
	_ =	sdelay $0x1  }
0x464: {  	v2 =	vmul.f32 v1, v0;
	_ =	sdelay $0x1  }
0x465: {  	v2 =	vmul.f32 v2, v1;
	_ =	sdelay $0x1  }
0x466: {  	v2 =	vsub.f32 $1.500000000e+00, v2;
	_ =	sdelay $0x1  }
0x467: {  	v1 =	vmul.f32 v2, v1;
	_ =	sdelay $0x1  }
0x468: {  	[tilespmem:s3+$0x4400] =	vst v32;
	v0 =	vmul.f32 v1, v0  }
0x469: {  	v49 =	vld [tilespmem:s23+$0x4400]  }
0x46a: {  	v0 =	vmul.f32 v0, v1;
	_ =	sdelay $0x1  }
0x46b: {  	v0 =	vsub.f32 $1.500000000e+00, v0  }
0x46c: {  	v50 =	vld [tilespmem:$0x10400]  }
0x46d: {  	v51 =	vsub.f32 v49, v7;
	v8 =	vmul.f32 v0, v1  }
0x46e: {  	v52 =	vld [tilespmem:$0x10800]  }
0x46f: {  	v0 =	vmul.f32 v8, v51;
	_ =	sdelay $0x1  }
0x470: {  	v0 =	vmul.f32 v0, v50  }
0x471: {  	v53 =	vld [tilespmem:s23+$0x4410]  }
0x472: {  	v0 =	vadd.f32 v0, v52;
	_ =	sdelay $0x1  }
0x473: {  	[tilespmem:s23+$0x4400] =	vst v0  }
0x474: {  	v0 =	vld [tilespmem:$0x10410]  }
0x475: {  	v54 =	vsub.f32 v53, v7  }
0x476: {  	v55 =	vld [tilespmem:$0x10810]  }
0x477: {  	v1 =	vmul.f32 v8, v54;
	_ =	sdelay $0x1  }
0x478: {  	v0 =	vmul.f32 v1, v0  }
0x479: {  	v56 =	vld [tilespmem:s23+$0x4420]  }
0x47a: {  	v0 =	vadd.f32 v0, v55;
	_ =	sdelay $0x1  }
0x47b: {  	[tilespmem:s23+$0x4410] =	vst v0  }
0x47c: {  	v0 =	vld [tilespmem:$0x10420]  }
0x47d: {  	v1 =	vsub.f32 v56, v7  }
0x47e: {  	v57 =	vld [tilespmem:$0x10820]  }
0x47f: {  	v1 =	vmul.f32 v8, v1;
	_ =	sdelay $0x1  }
0x480: {  	v0 =	vmul.f32 v1, v0  }
0x481: {  	v58 =	vld [tilespmem:s23+$0x4430]  }
0x482: {  	v0 =	vadd.f32 v0, v57;
	_ =	sdelay $0x1  }
0x483: {  	[tilespmem:s23+$0x4420] =	vst v0  }
0x484: {  	v0 =	vld [tilespmem:$0x10430]  }
0x485: {  	v1 =	vsub.f32 v58, v7  }
0x486: {  	v59 =	vld [tilespmem:$0x10830]  }
0x487: {  	v1 =	vmul.f32 v8, v1;
	_ =	sdelay $0x1  }
0x488: {  	v0 =	vmul.f32 v1, v0  }
0x489: {  	v60 =	vld [tilespmem:s23+$0x4440]  }
0x48a: {  	v0 =	vadd.f32 v0, v59;
	_ =	sdelay $0x1  }
0x48b: {  	[tilespmem:s23+$0x4430] =	vst v0  }
0x48c: {  	v0 =	vld [tilespmem:$0x10440]  }
0x48d: {  	v1 =	vsub.f32 v60, v7  }
0x48e: {  	v61 =	vld [tilespmem:$0x10840]  }
0x48f: {  	v1 =	vmul.f32 v8, v1;
	_ =	sdelay $0x1  }
0x490: {  	v0 =	vmul.f32 v1, v0  }
0x491: {  	v62 =	vld [tilespmem:s23+$0x4450]  }
0x492: {  	v0 =	vadd.f32 v0, v61;
	_ =	sdelay $0x1  }
0x493: {  	[tilespmem:s23+$0x4440] =	vst v0  }
0x494: {  	v0 =	vld [tilespmem:$0x10450]  }
0x495: {  	v1 =	vsub.f32 v62, v7  }
0x496: {  	v63 =	vld [tilespmem:$0x10850]  }
0x497: {  	v1 =	vmul.f32 v1, v8;
	_ =	sdelay $0x1  }
0x498: {  	v0 =	vmul.f32 v1, v0  }
0x499: {  	v4 =	vld [tilespmem:s23+$0x4460]  }
0x49a: {  	v0 =	vadd.f32 v0, v63;
	_ =	sdelay $0x1  }
0x49b: {  	[tilespmem:s23+$0x4450] =	vst v0  }
0x49c: {  	v0 =	vld [tilespmem:$0x10460]  }
0x49d: {  	v1 =	vsub.f32 v4, v7  }
0x49e: {  	v5 =	vld [tilespmem:$0x10860]  }
0x49f: {  	v1 =	vmul.f32 v1, v8;
	_ =	sdelay $0x1  }
0x4a0: {  	v0 =	vmul.f32 v1, v0  }
0x4a1: {  	v6 =	vld [tilespmem:s23+$0x4470]  }
0x4a2: {  	v0 =	vadd.f32 v0, v5;
	_ =	sdelay $0x1  }
0x4a3: {  	[tilespmem:s23+$0x4460] =	vst v0  }
0x4a4: {  	v0 =	vld [tilespmem:$0x10470]  }
0x4a5: {  	v1 =	vsub.f32 v6, v7  }
0x4a6: {  	v9 =	vld [tilespmem:$0x10870]  }
0x4a7: {  	v1 =	vmul.f32 v1, v8;
	_ =	sdelay $0x1  }
0x4a8: {  	v0 =	vmul.f32 v1, v0  }
0x4a9: {  	v10 =	vld [tilespmem:s23+$0x4800]  }
0x4aa: {  	v0 =	vadd.f32 v0, v9;
	_ =	sdelay $0x1  }
0x4ab: {  	[tilespmem:s23+$0x4470] =	vst v0  }
0x4ac: {  	v0 =	vld [tilespmem:$0x10480]  }
0x4ad: {  	v1 =	vsub.f32 v10, v7  }
0x4ae: {  	v11 =	vld [tilespmem:$0x10880]  }
0x4af: {  	v1 =	vmul.f32 v1, v8;
	_ =	sdelay $0x1  }
0x4b0: {  	v0 =	vmul.f32 v1, v0  }
0x4b1: {  	v12 =	vld [tilespmem:s23+$0x4810]  }
0x4b2: {  	v0 =	vadd.f32 v0, v11;
	_ =	sdelay $0x1  }
0x4b3: {  	[tilespmem:s23+$0x4800] =	vst v0  }
0x4b4: {  	v0 =	vld [tilespmem:$0x10490]  }
0x4b5: {  	v1 =	vsub.f32 v12, v7  }
0x4b6: {  	v13 =	vld [tilespmem:$0x10890]  }
0x4b7: {  	v1 =	vmul.f32 v1, v8;
	_ =	sdelay $0x1  }
0x4b8: {  	v0 =	vmul.f32 v1, v0  }
0x4b9: {  	v14 =	vld [tilespmem:s23+$0x4820]  }
0x4ba: {  	v0 =	vadd.f32 v0, v13;
	_ =	sdelay $0x1  }
0x4bb: {  	[tilespmem:s23+$0x4810] =	vst v0  }
0x4bc: {  	v0 =	vld [tilespmem:$0x104A0]  }
0x4bd: {  	v1 =	vsub.f32 v14, v7  }
0x4be: {  	v15 =	vld [tilespmem:$0x108A0]  }
0x4bf: {  	v1 =	vmul.f32 v1, v8;
	_ =	sdelay $0x1  }
0x4c0: {  	v0 =	vmul.f32 v1, v0  }
0x4c1: {  	v16 =	vld [tilespmem:s23+$0x4830]  }
0x4c2: {  	v0 =	vadd.f32 v0, v15;
	_ =	sdelay $0x1  }
0x4c3: {  	[tilespmem:s23+$0x4820] =	vst v0  }
0x4c4: {  	v0 =	vld [tilespmem:$0x104B0]  }
0x4c5: {  	v1 =	vsub.f32 v16, v7  }
0x4c6: {  	v17 =	vld [tilespmem:$0x108B0]  }
0x4c7: {  	v1 =	vmul.f32 v1, v8;
	_ =	sdelay $0x1  }
0x4c8: {  	v0 =	vmul.f32 v1, v0  }
0x4c9: {  	v18 =	vld [tilespmem:s23+$0x4840]  }
0x4ca: {  	v0 =	vadd.f32 v0, v17;
	_ =	sdelay $0x1  }
0x4cb: {  	[tilespmem:s23+$0x4830] =	vst v0  }
0x4cc: {  	v0 =	vld [tilespmem:$0x104C0]  }
0x4cd: {  	v1 =	vsub.f32 v18, v7  }
0x4ce: {  	v19 =	vld [tilespmem:$0x108C0]  }
0x4cf: {  	v1 =	vmul.f32 v1, v8;
	_ =	sdelay $0x1  }
0x4d0: {  	v0 =	vmul.f32 v1, v0  }
0x4d1: {  	v20 =	vld [tilespmem:s23+$0x4850]  }
0x4d2: {  	v0 =	vadd.f32 v0, v19;
	_ =	sdelay $0x1  }
0x4d3: {  	[tilespmem:s23+$0x4840] =	vst v0  }
0x4d4: {  	v0 =	vld [tilespmem:$0x104D0]  }
0x4d5: {  	v1 =	vsub.f32 v20, v7  }
0x4d6: {  	v21 =	vld [tilespmem:$0x108D0]  }
0x4d7: {  	v1 =	vmul.f32 v1, v8;
	_ =	sdelay $0x1  }
0x4d8: {  	v0 =	vmul.f32 v1, v0  }
0x4d9: {  	v22 =	vld [tilespmem:s23+$0x4860]  }
0x4da: {  	v0 =	vadd.f32 v0, v21;
	_ =	sdelay $0x1  }
0x4db: {  	[tilespmem:s23+$0x4850] =	vst v0  }
0x4dc: {  	v0 =	vld [tilespmem:$0x104E0]  }
0x4dd: {  	v1 =	vsub.f32 v22, v7  }
0x4de: {  	v23 =	vld [tilespmem:$0x108E0]  }
0x4df: {  	v1 =	vmul.f32 v1, v8;
	_ =	sdelay $0x1  }
0x4e0: {  	v0 =	vmul.f32 v1, v0  }
0x4e1: {  	v24 =	vld [tilespmem:s23+$0x4870]  }
0x4e2: {  	v0 =	vadd.f32 v0, v23;
	_ =	sdelay $0x1  }
0x4e3: {  	[tilespmem:s23+$0x4860] =	vst v0  }
0x4e4: {  	v0 =	vld [tilespmem:$0x104F0]  }
0x4e5: {  	v1 =	vsub.f32 v24, v7  }
0x4e6: {  	v25 =	vld [tilespmem:$0x108F0]  }
0x4e7: {  	v1 =	vmul.f32 v1, v8;
	_ =	sdelay $0x1  }
0x4e8: {  	v0 =	vmul.f32 v1, v0  }
0x4e9: {  	v26 =	vld [tilespmem:s23+$0x4C00]  }
0x4ea: {  	v0 =	vadd.f32 v0, v25;
	_ =	sdelay $0x1  }
0x4eb: {  	[tilespmem:s23+$0x4870] =	vst v0  }
0x4ec: {  	v0 =	vld [tilespmem:$0x10500]  }
0x4ed: {  	v1 =	vsub.f32 v26, v7  }
0x4ee: {  	v27 =	vld [tilespmem:$0x10900]  }
0x4ef: {  	v1 =	vmul.f32 v1, v8;
	_ =	sdelay $0x1  }
0x4f0: {  	v0 =	vmul.f32 v1, v0  }
0x4f1: {  	v28 =	vld [tilespmem:s23+$0x4C10]  }
0x4f2: {  	v0 =	vadd.f32 v0, v27;
	_ =	sdelay $0x1  }
0x4f3: {  	[tilespmem:s23+$0x4C00] =	vst v0  }
0x4f4: {  	v0 =	vld [tilespmem:$0x10510]  }
0x4f5: {  	v1 =	vsub.f32 v28, v7  }
0x4f6: {  	v29 =	vld [tilespmem:$0x10910]  }
0x4f7: {  	v1 =	vmul.f32 v1, v8;
	_ =	sdelay $0x1  }
0x4f8: {  	v0 =	vmul.f32 v1, v0  }
0x4f9: {  	v30 =	vld [tilespmem:s23+$0x4C20]  }
0x4fa: {  	v0 =	vadd.f32 v0, v29;
	_ =	sdelay $0x1  }
0x4fb: {  	[tilespmem:s23+$0x4C10] =	vst v0  }
0x4fc: {  	v0 =	vld [tilespmem:$0x10520]  }
0x4fd: {  	v1 =	vsub.f32 v30, v7  }
0x4fe: {  	v31 =	vld [tilespmem:$0x10920]  }
0x4ff: {  	v1 =	vmul.f32 v1, v8;
	_ =	sdelay $0x1  }
0x500: {  	v0 =	vmul.f32 v1, v0  }
0x501: {  	v32 =	vld [tilespmem:s23+$0x4C30]  }
0x502: {  	v0 =	vadd.f32 v0, v31;
	_ =	sdelay $0x1  }
0x503: {  	[tilespmem:s23+$0x4C20] =	vst v0  }
0x504: {  	v0 =	vld [tilespmem:$0x10530]  }
0x505: {  	v1 =	vsub.f32 v32, v7  }
0x506: {  	v33 =	vld [tilespmem:$0x10930]  }
0x507: {  	v1 =	vmul.f32 v1, v8;
	_ =	sdelay $0x1  }
0x508: {  	v0 =	vmul.f32 v1, v0  }
0x509: {  	v34 =	vld [tilespmem:s23+$0x4C40]  }
0x50a: {  	v0 =	vadd.f32 v0, v33;
	_ =	sdelay $0x1  }
0x50b: {  	[tilespmem:s23+$0x4C30] =	vst v0  }
0x50c: {  	v0 =	vld [tilespmem:$0x10540]  }
0x50d: {  	v1 =	vsub.f32 v34, v7  }
0x50e: {  	v35 =	vld [tilespmem:$0x10940]  }
0x50f: {  	v1 =	vmul.f32 v1, v8;
	_ =	sdelay $0x1  }
0x510: {  	v0 =	vmul.f32 v1, v0  }
0x511: {  	v36 =	vld [tilespmem:s23+$0x4C50]  }
0x512: {  	v0 =	vadd.f32 v0, v35;
	_ =	sdelay $0x1  }
0x513: {  	[tilespmem:s23+$0x4C40] =	vst v0  }
0x514: {  	v0 =	vld [tilespmem:$0x10550]  }
0x515: {  	v1 =	vsub.f32 v36, v7  }
0x516: {  	v37 =	vld [tilespmem:$0x10950]  }
0x517: {  	v1 =	vmul.f32 v1, v8;
	_ =	sdelay $0x1  }
0x518: {  	v0 =	vmul.f32 v1, v0  }
0x519: {  	v38 =	vld [tilespmem:s23+$0x4C60]  }
0x51a: {  	v0 =	vadd.f32 v0, v37;
	_ =	sdelay $0x1  }
0x51b: {  	[tilespmem:s23+$0x4C50] =	vst v0  }
0x51c: {  	v0 =	vld [tilespmem:$0x10560]  }
0x51d: {  	v1 =	vsub.f32 v38, v7  }
0x51e: {  	v39 =	vld [tilespmem:$0x10960]  }
0x51f: {  	v1 =	vmul.f32 v1, v8;
	_ =	sdelay $0x1  }
0x520: {  	v0 =	vmul.f32 v1, v0  }
0x521: {  	v40 =	vld [tilespmem:s23+$0x4C70]  }
0x522: {  	v0 =	vadd.f32 v0, v39;
	_ =	sdelay $0x1  }
0x523: {  	[tilespmem:s23+$0x4C60] =	vst v0  }
0x524: {  	v0 =	vld [tilespmem:$0x10570]  }
0x525: {  	v1 =	vsub.f32 v40, v7  }
0x526: {  	v41 =	vld [tilespmem:$0x10970]  }
0x527: {  	v1 =	vmul.f32 v1, v8;
	_ =	sdelay $0x1  }
0x528: {  	v0 =	vmul.f32 v1, v0  }
0x529: {  	v42 =	vld [tilespmem:s23+$0x5000]  }
0x52a: {  	v0 =	vadd.f32 v0, v41;
	_ =	sdelay $0x1  }
0x52b: {  	[tilespmem:s23+$0x4C70] =	vst v0  }
0x52c: {  	v0 =	vld [tilespmem:$0x10580]  }
0x52d: {  	v1 =	vsub.f32 v42, v7  }
0x52e: {  	v43 =	vld [tilespmem:$0x10980]  }
0x52f: {  	v1 =	vmul.f32 v1, v8;
	_ =	sdelay $0x1  }
0x530: {  	v0 =	vmul.f32 v1, v0  }
0x531: {  	v44 =	vld [tilespmem:s23+$0x5010]  }
0x532: {  	v0 =	vadd.f32 v0, v43;
	_ =	sdelay $0x1  }
0x533: {  	[tilespmem:s23+$0x5000] =	vst v0  }
0x534: {  	v0 =	vld [tilespmem:$0x10590]  }
0x535: {  	v1 =	vsub.f32 v44, v7  }
0x536: {  	v45 =	vld [tilespmem:$0x10990]  }
0x537: {  	v1 =	vmul.f32 v1, v8;
	_ =	sdelay $0x1  }
0x538: {  	v0 =	vmul.f32 v1, v0  }
0x539: {  	v46 =	vld [tilespmem:s23+$0x5020]  }
0x53a: {  	v0 =	vadd.f32 v0, v45;
	_ =	sdelay $0x1  }
0x53b: {  	[tilespmem:s23+$0x5010] =	vst v0  }
0x53c: {  	v0 =	vld [tilespmem:$0x105A0]  }
0x53d: {  	v1 =	vsub.f32 v46, v7  }
0x53e: {  	v47 =	vld [tilespmem:$0x109A0]  }
0x53f: {  	v1 =	vmul.f32 v1, v8;
	_ =	sdelay $0x1  }
0x540: {  	v0 =	vmul.f32 v1, v0  }
0x541: {  	v48 =	vld [tilespmem:s23+$0x5030]  }
0x542: {  	v0 =	vadd.f32 v0, v47;
	_ =	sdelay $0x1  }
0x543: {  	[tilespmem:s23+$0x5020] =	vst v0  }
0x544: {  	v0 =	vld [tilespmem:$0x105B0]  }
0x545: {  	v1 =	vsub.f32 v48, v7  }
0x546: {  	v49 =	vld [tilespmem:$0x109B0]  }
0x547: {  	v1 =	vmul.f32 v1, v8;
	_ =	sdelay $0x1  }
0x548: {  	v0 =	vmul.f32 v1, v0  }
0x549: {  	v50 =	vld [tilespmem:s23+$0x5040]  }
0x54a: {  	v0 =	vadd.f32 v0, v49;
	_ =	sdelay $0x1  }
0x54b: {  	[tilespmem:s23+$0x5030] =	vst v0  }
0x54c: {  	v0 =	vld [tilespmem:$0x105C0]  }
0x54d: {  	v1 =	vsub.f32 v50, v7  }
0x54e: {  	v51 =	vld [tilespmem:$0x109C0]  }
0x54f: {  	v1 =	vmul.f32 v1, v8;
	_ =	sdelay $0x1  }
0x550: {  	v0 =	vmul.f32 v1, v0  }
0x551: {  	v52 =	vld [tilespmem:s23+$0x5050]  }
0x552: {  	v0 =	vadd.f32 v0, v51;
	_ =	sdelay $0x1  }
0x553: {  	[tilespmem:s23+$0x5040] =	vst v0  }
0x554: {  	v0 =	vld [tilespmem:$0x105D0]  }
0x555: {  	v1 =	vsub.f32 v52, v7  }
0x556: {  	v53 =	vld [tilespmem:$0x109D0]  }
0x557: {  	v1 =	vmul.f32 v1, v8;
	_ =	sdelay $0x1  }
0x558: {  	v0 =	vmul.f32 v1, v0  }
0x559: {  	v54 =	vld [tilespmem:s23+$0x5060]  }
0x55a: {  	v0 =	vadd.f32 v0, v53;
	_ =	sdelay $0x1  }
0x55b: {  	[tilespmem:s23+$0x5050] =	vst v0  }
0x55c: {  	v0 =	vld [tilespmem:$0x105E0]  }
0x55d: {  	v1 =	vsub.f32 v54, v7  }
0x55e: {  	v55 =	vld [tilespmem:$0x109E0]  }
0x55f: {  	v1 =	vmul.f32 v1, v8;
	_ =	sdelay $0x1  }
0x560: {  	v0 =	vmul.f32 v1, v0  }
0x561: {  	v56 =	vld [tilespmem:s23+$0x5070]  }
0x562: {  	v0 =	vadd.f32 v0, v55;
	_ =	sdelay $0x1  }
0x563: {  	[tilespmem:s23+$0x5060] =	vst v0  }
0x564: {  	v0 =	vld [tilespmem:$0x105F0]  }
0x565: {  	v1 =	vsub.f32 v56, v7  }
0x566: {  	v57 =	vld [tilespmem:$0x109F0]  }
0x567: {  	v1 =	vmul.f32 v1, v8;
	_ =	sdelay $0x1  }
0x568: {  	v0 =	vmul.f32 v1, v0  }
0x569: {  	v58 =	vld [tilespmem:s23+$0x5400]  }
0x56a: {  	v0 =	vadd.f32 v0, v57;
	_ =	sdelay $0x1  }
0x56b: {  	[tilespmem:s23+$0x5070] =	vst v0  }
0x56c: {  	v0 =	vld [tilespmem:$0x10600]  }
0x56d: {  	v1 =	vsub.f32 v58, v7  }
0x56e: {  	v59 =	vld [tilespmem:$0x10A00]  }
0x56f: {  	v1 =	vmul.f32 v1, v8;
	_ =	sdelay $0x1  }
0x570: {  	v0 =	vmul.f32 v1, v0  }
0x571: {  	v60 =	vld [tilespmem:s23+$0x5410]  }
0x572: {  	v0 =	vadd.f32 v0, v59;
	_ =	sdelay $0x1  }
0x573: {  	[tilespmem:s23+$0x5400] =	vst v0  }
0x574: {  	v0 =	vld [tilespmem:$0x10610]  }
0x575: {  	v1 =	vsub.f32 v60, v7  }
0x576: {  	v61 =	vld [tilespmem:$0x10A10]  }
0x577: {  	v1 =	vmul.f32 v1, v8;
	_ =	sdelay $0x1  }
0x578: {  	v0 =	vmul.f32 v1, v0  }
0x579: {  	v62 =	vld [tilespmem:s23+$0x5420]  }
0x57a: {  	v0 =	vadd.f32 v0, v61;
	_ =	sdelay $0x1  }
0x57b: {  	[tilespmem:s23+$0x5410] =	vst v0  }
0x57c: {  	v0 =	vld [tilespmem:$0x10620]  }
0x57d: {  	v1 =	vsub.f32 v62, v7  }
0x57e: {  	v63 =	vld [tilespmem:$0x10A20]  }
0x57f: {  	v1 =	vmul.f32 v1, v8;
	_ =	sdelay $0x1  }
0x580: {  	v0 =	vmul.f32 v1, v0  }
0x581: {  	v4 =	vld [tilespmem:s23+$0x5430]  }
0x582: {  	v0 =	vadd.f32 v0, v63;
	_ =	sdelay $0x1  }
0x583: {  	[tilespmem:s23+$0x5420] =	vst v0  }
0x584: {  	v0 =	vld [tilespmem:$0x10630]  }
0x585: {  	v1 =	vsub.f32 v4, v7  }
0x586: {  	v5 =	vld [tilespmem:$0x10A30]  }
0x587: {  	v1 =	vmul.f32 v1, v8;
	_ =	sdelay $0x1  }
0x588: {  	v0 =	vmul.f32 v1, v0  }
0x589: {  	v6 =	vld [tilespmem:s23+$0x5440]  }
0x58a: {  	v0 =	vadd.f32 v0, v5;
	_ =	sdelay $0x1  }
0x58b: {  	[tilespmem:s23+$0x5430] =	vst v0  }
0x58c: {  	v0 =	vld [tilespmem:$0x10640]  }
0x58d: {  	v1 =	vsub.f32 v6, v7  }
0x58e: {  	v9 =	vld [tilespmem:$0x10A40]  }
0x58f: {  	v1 =	vmul.f32 v1, v8;
	_ =	sdelay $0x1  }
0x590: {  	v0 =	vmul.f32 v1, v0  }
0x591: {  	v10 =	vld [tilespmem:s23+$0x5450]  }
0x592: {  	v0 =	vadd.f32 v0, v9;
	_ =	sdelay $0x1  }
0x593: {  	[tilespmem:s23+$0x5440] =	vst v0  }
0x594: {  	v0 =	vld [tilespmem:$0x10650]  }
0x595: {  	v1 =	vsub.f32 v10, v7  }
0x596: {  	v11 =	vld [tilespmem:$0x10A50]  }
0x597: {  	v1 =	vmul.f32 v1, v8;
	_ =	sdelay $0x1  }
0x598: {  	v0 =	vmul.f32 v1, v0  }
0x599: {  	v12 =	vld [tilespmem:s23+$0x5460]  }
0x59a: {  	v0 =	vadd.f32 v0, v11;
	_ =	sdelay $0x1  }
0x59b: {  	[tilespmem:s23+$0x5450] =	vst v0  }
0x59c: {  	v0 =	vld [tilespmem:$0x10660]  }
0x59d: {  	v1 =	vsub.f32 v12, v7  }
0x59e: {  	v13 =	vld [tilespmem:$0x10A60]  }
0x59f: {  	v1 =	vmul.f32 v1, v8;
	_ =	sdelay $0x1  }
0x5a0: {  	v0 =	vmul.f32 v1, v0  }
0x5a1: {  	v14 =	vld [tilespmem:s23+$0x5470]  }
0x5a2: {  	v0 =	vadd.f32 v0, v13;
	_ =	sdelay $0x1  }
0x5a3: {  	[tilespmem:s23+$0x5460] =	vst v0  }
0x5a4: {  	v0 =	vld [tilespmem:$0x10670]  }
0x5a5: {  	v1 =	vsub.f32 v14, v7  }
0x5a6: {  	v15 =	vld [tilespmem:$0x10A70]  }
0x5a7: {  	v1 =	vmul.f32 v1, v8;
	_ =	sdelay $0x1  }
0x5a8: {  	v0 =	vmul.f32 v1, v0  }
0x5a9: {  	v16 =	vld [tilespmem:s23+$0x5800]  }
0x5aa: {  	v0 =	vadd.f32 v0, v15;
	_ =	sdelay $0x1  }
0x5ab: {  	[tilespmem:s23+$0x5470] =	vst v0  }
0x5ac: {  	v0 =	vld [tilespmem:$0x10680]  }
0x5ad: {  	v1 =	vsub.f32 v16, v7  }
0x5ae: {  	v17 =	vld [tilespmem:$0x10A80]  }
0x5af: {  	v1 =	vmul.f32 v1, v8;
	_ =	sdelay $0x1  }
0x5b0: {  	v0 =	vmul.f32 v1, v0  }
0x5b1: {  	v18 =	vld [tilespmem:s23+$0x5810]  }
0x5b2: {  	v0 =	vadd.f32 v0, v17;
	_ =	sdelay $0x1  }
0x5b3: {  	[tilespmem:s23+$0x5800] =	vst v0  }
0x5b4: {  	v0 =	vld [tilespmem:$0x10690]  }
0x5b5: {  	v1 =	vsub.f32 v18, v7  }
0x5b6: {  	v19 =	vld [tilespmem:$0x10A90]  }
0x5b7: {  	v1 =	vmul.f32 v1, v8;
	_ =	sdelay $0x1  }
0x5b8: {  	v0 =	vmul.f32 v1, v0  }
0x5b9: {  	v20 =	vld [tilespmem:s23+$0x5820]  }
0x5ba: {  	v0 =	vadd.f32 v0, v19;
	_ =	sdelay $0x1  }
0x5bb: {  	[tilespmem:s23+$0x5810] =	vst v0  }
0x5bc: {  	v0 =	vld [tilespmem:$0x106A0]  }
0x5bd: {  	v1 =	vsub.f32 v20, v7  }
0x5be: {  	v21 =	vld [tilespmem:$0x10AA0]  }
0x5bf: {  	v1 =	vmul.f32 v1, v8;
	_ =	sdelay $0x1  }
0x5c0: {  	v0 =	vmul.f32 v1, v0  }
0x5c1: {  	v22 =	vld [tilespmem:s23+$0x5830]  }
0x5c2: {  	v0 =	vadd.f32 v0, v21;
	_ =	sdelay $0x1  }
0x5c3: {  	[tilespmem:s23+$0x5820] =	vst v0  }
0x5c4: {  	v0 =	vld [tilespmem:$0x106B0]  }
0x5c5: {  	v1 =	vsub.f32 v22, v7  }
0x5c6: {  	v23 =	vld [tilespmem:$0x10AB0]  }
0x5c7: {  	v1 =	vmul.f32 v1, v8;
	_ =	sdelay $0x1  }
0x5c8: {  	v0 =	vmul.f32 v1, v0  }
0x5c9: {  	v24 =	vld [tilespmem:s23+$0x5840]  }
0x5ca: {  	v0 =	vadd.f32 v0, v23;
	_ =	sdelay $0x1  }
0x5cb: {  	[tilespmem:s23+$0x5830] =	vst v0  }
0x5cc: {  	v0 =	vld [tilespmem:$0x106C0]  }
0x5cd: {  	v1 =	vsub.f32 v24, v7  }
0x5ce: {  	v25 =	vld [tilespmem:$0x10AC0]  }
0x5cf: {  	v1 =	vmul.f32 v1, v8;
	_ =	sdelay $0x1  }
0x5d0: {  	v0 =	vmul.f32 v1, v0  }
0x5d1: {  	v26 =	vld [tilespmem:s23+$0x5850]  }
0x5d2: {  	v0 =	vadd.f32 v0, v25;
	_ =	sdelay $0x1  }
0x5d3: {  	[tilespmem:s23+$0x5840] =	vst v0  }
0x5d4: {  	v0 =	vld [tilespmem:$0x106D0]  }
0x5d5: {  	v1 =	vsub.f32 v26, v7  }
0x5d6: {  	v27 =	vld [tilespmem:$0x10AD0]  }
0x5d7: {  	v1 =	vmul.f32 v1, v8;
	_ =	sdelay $0x1  }
0x5d8: {  	v0 =	vmul.f32 v1, v0  }
0x5d9: {  	v28 =	vld [tilespmem:s23+$0x5860]  }
0x5da: {  	v0 =	vadd.f32 v0, v27;
	_ =	sdelay $0x1  }
0x5db: {  	[tilespmem:s23+$0x5850] =	vst v0  }
0x5dc: {  	v0 =	vld [tilespmem:$0x106E0]  }
0x5dd: {  	v1 =	vsub.f32 v28, v7  }
0x5de: {  	v29 =	vld [tilespmem:$0x10AE0]  }
0x5df: {  	v1 =	vmul.f32 v1, v8;
	_ =	sdelay $0x1  }
0x5e0: {  	v0 =	vmul.f32 v1, v0  }
0x5e1: {  	v30 =	vld [tilespmem:s23+$0x5870]  }
0x5e2: {  	v0 =	vadd.f32 v0, v29;
	_ =	sdelay $0x1  }
0x5e3: {  	[tilespmem:s23+$0x5860] =	vst v0  }
0x5e4: {  	v0 =	vld [tilespmem:$0x106F0]  }
0x5e5: {  	v1 =	vsub.f32 v30, v7  }
0x5e6: {  	v31 =	vld [tilespmem:$0x10AF0]  }
0x5e7: {  	v1 =	vmul.f32 v1, v8;
	_ =	sdelay $0x1  }
0x5e8: {  	v0 =	vmul.f32 v1, v0  }
0x5e9: {  	v32 =	vld [tilespmem:s23+$0x5C00]  }
0x5ea: {  	v0 =	vadd.f32 v0, v31;
	_ =	sdelay $0x1  }
0x5eb: {  	[tilespmem:s23+$0x5870] =	vst v0  }
0x5ec: {  	v0 =	vld [tilespmem:$0x10700]  }
0x5ed: {  	v1 =	vsub.f32 v32, v7  }
0x5ee: {  	v33 =	vld [tilespmem:$0x10B00]  }
0x5ef: {  	v1 =	vmul.f32 v1, v8;
	_ =	sdelay $0x1  }
0x5f0: {  	v0 =	vmul.f32 v1, v0  }
0x5f1: {  	v34 =	vld [tilespmem:s23+$0x5C10]  }
0x5f2: {  	v0 =	vadd.f32 v0, v33;
	_ =	sdelay $0x1  }
0x5f3: {  	[tilespmem:s23+$0x5C00] =	vst v0  }
0x5f4: {  	v0 =	vld [tilespmem:$0x10710]  }
0x5f5: {  	v1 =	vsub.f32 v34, v7  }
0x5f6: {  	v35 =	vld [tilespmem:$0x10B10]  }
0x5f7: {  	v1 =	vmul.f32 v1, v8;
	_ =	sdelay $0x1  }
0x5f8: {  	v0 =	vmul.f32 v1, v0  }
0x5f9: {  	v36 =	vld [tilespmem:s23+$0x5C20]  }
0x5fa: {  	v0 =	vadd.f32 v0, v35;
	_ =	sdelay $0x1  }
0x5fb: {  	[tilespmem:s23+$0x5C10] =	vst v0  }
0x5fc: {  	v0 =	vld [tilespmem:$0x10720]  }
0x5fd: {  	v1 =	vsub.f32 v36, v7  }
0x5fe: {  	v37 =	vld [tilespmem:$0x10B20]  }
0x5ff: {  	v1 =	vmul.f32 v1, v8;
	_ =	sdelay $0x1  }
0x600: {  	v0 =	vmul.f32 v1, v0  }
0x601: {  	v38 =	vld [tilespmem:s23+$0x5C30]  }
0x602: {  	v0 =	vadd.f32 v0, v37;
	_ =	sdelay $0x1  }
0x603: {  	[tilespmem:s23+$0x5C20] =	vst v0  }
0x604: {  	v0 =	vld [tilespmem:$0x10730]  }
0x605: {  	v1 =	vsub.f32 v38, v7  }
0x606: {  	v39 =	vld [tilespmem:$0x10B30]  }
0x607: {  	v1 =	vmul.f32 v1, v8;
	_ =	sdelay $0x1  }
0x608: {  	v0 =	vmul.f32 v1, v0  }
0x609: {  	v40 =	vld [tilespmem:s23+$0x5C40]  }
0x60a: {  	v0 =	vadd.f32 v0, v39;
	_ =	sdelay $0x1  }
0x60b: {  	[tilespmem:s23+$0x5C30] =	vst v0  }
0x60c: {  	v0 =	vld [tilespmem:$0x10740]  }
0x60d: {  	v1 =	vsub.f32 v40, v7  }
0x60e: {  	v41 =	vld [tilespmem:$0x10B40]  }
0x60f: {  	v1 =	vmul.f32 v1, v8;
	_ =	sdelay $0x1  }
0x610: {  	v0 =	vmul.f32 v1, v0  }
0x611: {  	v42 =	vld [tilespmem:s23+$0x5C50]  }
0x612: {  	v0 =	vadd.f32 v0, v41;
	_ =	sdelay $0x1  }
0x613: {  	[tilespmem:s23+$0x5C40] =	vst v0  }
0x614: {  	v0 =	vld [tilespmem:$0x10750]  }
0x615: {  	v1 =	vsub.f32 v42, v7  }
0x616: {  	v43 =	vld [tilespmem:$0x10B50]  }
0x617: {  	v1 =	vmul.f32 v1, v8;
	_ =	sdelay $0x1  }
0x618: {  	v0 =	vmul.f32 v1, v0  }
0x619: {  	v44 =	vld [tilespmem:s23+$0x5C60]  }
0x61a: {  	v0 =	vadd.f32 v0, v43;
	_ =	sdelay $0x1  }
0x61b: {  	[tilespmem:s23+$0x5C50] =	vst v0  }
0x61c: {  	v0 =	vld [tilespmem:$0x10760]  }
0x61d: {  	v1 =	vsub.f32 v44, v7  }
0x61e: {  	v45 =	vld [tilespmem:$0x10B60]  }
0x61f: {  	v1 =	vmul.f32 v1, v8;
	_ =	sdelay $0x1  }
0x620: {  	v0 =	vmul.f32 v1, v0  }
0x621: {  	v46 =	vld [tilespmem:s23+$0x5C70]  }
0x622: {  	v0 =	vadd.f32 v0, v45;
	_ =	sdelay $0x1  }
0x623: {  	[tilespmem:s23+$0x5C60] =	vst v0  }
0x624: {  	v0 =	vld [tilespmem:$0x10770]  }
0x625: {  	v1 =	vsub.f32 v46, v7  }
0x626: {  	v47 =	vld [tilespmem:$0x10B70]  }
0x627: {  	v1 =	vmul.f32 v1, v8;
	_ =	sdelay $0x1  }
0x628: {  	v0 =	vmul.f32 v1, v0;
	_ =	sdelay $0x1  }
0x629: {  	v0 =	vadd.f32 v0, v47;
	_ =	sdelay $0x1  }
0x62a: {  	[tilespmem:s23+$0x5C70] =	vst v0  }
0x62b: {  	v0 =	vld [tilespmem:s16+$0x4400];
	_ =	sdelay $0x3  }
0x62c: {  	v48 =	vld [tilespmem:$0x10780]  }
0x62d: {  	v0 =	vsub.f32 v0, v7  }
0x62e: {  	v49 =	vld [tilespmem:$0x10B80]  }
0x62f: {  	v0 =	vmul.f32 v0, v8;
	_ =	sdelay $0x1  }
0x630: {  	v0 =	vmul.f32 v0, v48;
	_ =	sdelay $0x1  }
0x631: {  	v0 =	vadd.f32 v0, v49;
	_ =	sdelay $0x1  }
0x632: {  	[tilespmem:s16+$0x4400] =	vst v0  }
0x633: {  	v0 =	vld [tilespmem:s24+$0x4400];
	_ =	sdelay $0x3  }
0x634: {  	v50 =	vld [tilespmem:$0x10790]  }
0x635: {  	v0 =	vsub.f32 v0, v7  }
0x636: {  	v51 =	vld [tilespmem:$0x10B90]  }
0x637: {  	v0 =	vmul.f32 v0, v8;
	_ =	sdelay $0x1  }
0x638: {  	v0 =	vmul.f32 v0, v50;
	_ =	sdelay $0x1  }
0x639: {  	v0 =	vadd.f32 v0, v51;
	_ =	sdelay $0x1  }
0x63a: {  	[tilespmem:s24+$0x4400] =	vst v0  }
0x63b: {  	v0 =	vld [tilespmem:s29+$0x4400];
	_ =	sdelay $0x3  }
0x63c: {  	v52 =	vld [tilespmem:$0x107A0]  }
0x63d: {  	v0 =	vsub.f32 v0, v7  }
0x63e: {  	v53 =	vld [tilespmem:$0x10BA0]  }
0x63f: {  	v0 =	vmul.f32 v0, v8;
	_ =	sdelay $0x1  }
0x640: {  	v0 =	vmul.f32 v0, v52;
	_ =	sdelay $0x1  }
0x641: {  	v0 =	vadd.f32 v0, v53;
	_ =	sdelay $0x1  }
0x642: {  	[tilespmem:s29+$0x4400] =	vst v0  }
0x643: {  	v0 =	vld [tilespmem:s30+$0x4400];
	_ =	sdelay $0x3  }
0x644: {  	v54 =	vld [tilespmem:$0x107B0]  }
0x645: {  	v0 =	vsub.f32 v0, v7  }
0x646: {  	v55 =	vld [tilespmem:$0x10BB0]  }
0x647: {  	v0 =	vmul.f32 v0, v8;
	_ =	sdelay $0x1  }
0x648: {  	v0 =	vmul.f32 v0, v54;
	_ =	sdelay $0x1  }
0x649: {  	v0 =	vadd.f32 v0, v55;
	_ =	sdelay $0x1  }
0x64a: {  	[tilespmem:s30+$0x4400] =	vst v0  }
0x64b: {  	v0 =	vld [tilespmem:s31+$0x4400];
	_ =	sdelay $0x3  }
0x64c: {  	v56 =	vld [tilespmem:$0x107C0]  }
0x64d: {  	v0 =	vsub.f32 v0, v7  }
0x64e: {  	v57 =	vld [tilespmem:$0x10BC0]  }
0x64f: {  	v0 =	vmul.f32 v0, v8;
	_ =	sdelay $0x1  }
0x650: {  	v0 =	vmul.f32 v0, v56;
	_ =	sdelay $0x1  }
0x651: {  	v0 =	vadd.f32 v0, v57;
	_ =	sdelay $0x1  }
0x652: {  	[tilespmem:s31+$0x4400] =	vst v0  }
0x653: {  	v0 =	vld [tilespmem:s0+$0x4400];
	_ =	sdelay $0x3  }
0x654: {  	v58 =	vld [tilespmem:$0x107D0]  }
0x655: {  	v0 =	vsub.f32 v0, v7  }
0x656: {  	v59 =	vld [tilespmem:$0x10BD0]  }
0x657: {  	v0 =	vmul.f32 v0, v8;
	_ =	sdelay $0x1  }
0x658: {  	v0 =	vmul.f32 v0, v58;
	_ =	sdelay $0x1  }
0x659: {  	v0 =	vadd.f32 v0, v59;
	_ =	sdelay $0x1  }
0x65a: {  	[tilespmem:s0+$0x4400] =	vst v0  }
0x65b: {  	v0 =	vld [tilespmem:s5+$0x4400];
	_ =	sdelay $0x3  }
0x65c: {  	v60 =	vld [tilespmem:$0x107E0]  }
0x65d: {  	v0 =	vsub.f32 v0, v7  }
0x65e: {  	v61 =	vld [tilespmem:$0x10BE0]  }
0x65f: {  	v0 =	vmul.f32 v0, v8;
	_ =	sdelay $0x1  }
0x660: {  	v0 =	vmul.f32 v0, v60;
	_ =	sdelay $0x1  }
0x661: {  	v0 =	vadd.f32 v0, v61;
	_ =	sdelay $0x1  }
0x662: {  	[tilespmem:s5+$0x4400] =	vst v0  }
0x663: {  	v0 =	vld [tilespmem:s3+$0x4400];
	_ =	sdelay $0x3  }
0x664: {  	v62 =	vld [tilespmem:$0x107F0]  }
0x665: {  	v0 =	vsub.f32 v0, v7  }
0x666: {  	v63 =	vld [tilespmem:$0x10BF0]  }
0x667: {  	v0 =	vmul.f32 v0, v8  }
0x668: {  	p0 =	sne.s32 s22, $0x780  }
.Ltmp1:
0x669: {  	v0 =	vmul.f32 v0, v62;
	(pc) =	sbr.rel @p0 .LBB2_5-.Ltmp1, $4  }
0x66a: {  	_ = 	snop  }
0x66b: {  	v0 =	vadd.f32 v0, v63  }
0x66c: {  	s8 =	sadd.s32 $0x1, s8  }
0x66d: {  	s9 =	sadd.s32 $0x400, s9;
	s22 =	sadd.s32 $0x80, s22;
	s14 =	sadd.s32 $0x400, s14;
	[tilespmem:s3+$0x4400] =	vst v0  }
0x66e: {  	s25 =	sadd.s32 $0x1, s25  }
0x66f: {  	p0 =	sne.s32 s25, $0x20  }
.Ltmp2:
0x670: {  	_ = 	snop;
	(pc) =	sbr.rel @p0 .LBB2_2-.Ltmp2, $4  }
0x671: {  	_ = 	snop  }
0x672: {  	s0 =	sshll.u32 s26, $0xB  }
0x673: {  	s0 =	sadd.s32 s0, s13  }
0x674: {  	[hbm4b:s0+s6] =	stream.linear.scatter [tilespmem:s28], [sflag:$0x6], $0x4000, $0x38;
	[tilespmem:$0x10C00] =	vst v63  }
0x675: {  	s0 =	simm.s32 $0x5  }
0x676: {  	_ =	swait.ge [sflag:s0], $0x4000  }
0x677: {  	[sflag:s0] =	ssyncset.done $0x0  }
0x678: {  	s3 =	simm.s32 $0x6;
	[sflag:s0] =	ssyncadd.s32 $0xFFFFC000  }
0x679: {  	_ =	swait.ge [sflag:s3], $0x4000  }
0x67a: {  	s5 =	rddreg [dreg:$0xa]  }
0x67b: {  	s31 =	rddreg [dreg:$0x9];
	s5 =	sadd.s32 $0x1, s5  }
0x67c: {  	p0 =	sne.s32 s5, s31  }
.Ltmp3:
0x67d: {  	_ = 	snop;
	(pc) =	sbr.rel @p0 .LBB2_1-.Ltmp3, $3  }
0x67e: {  	_ =	sdelay $0x1  }
0x67f: {  	[sflag:s3] =	ssyncset.done $0x0  }
0x680: {  	[sflag:s3] =	ssyncadd.s32 $0xFFFFC000  }
0x681: {  	_ =	sfence.sel $0x180000  }
0x682: {  	[bflag:$0x0] =	sbarrier.arrive $0xFFFF  }
0x683: {  	_ =	strace $0x90000047  }
0x684: {  	s0 =	stileid.u32;
	[bflag:$0x2] =	sbarrier.arrive $0xFFFF  }
0x685: {  	p0 =	sne.s32 s0, $0x0;
	s0 =	rddreg [dreg:$0x6]  }
0x686: {  	s0 =	sadd.s32 @!p0 $0x100000, s0  }
0x687: {  	[sflag:s0] =	ssyncadd.tile.s32 @!p0 $0x1;
	_ =	shalt  }
.Lfunc_end2:
_tile_overlayer_lowered:
.L_overlay_start_2:
0x688: {  	(tag) =	ssettag $0x2  }
0x689: {  	s0 =	rddreg [dreg:$0x0];
	s2 =	stileid.u32  }
0x68a: {  	s1 =	rddreg [dreg:$0x1];
	p0 =	sne.s32 s2, $0x0  }
0x68b: {  	s3 =	rddreg [dreg:$0x2];
	[bflag:$0x3] =	sbarrier.arrive $0xFFFF;
	s2 =	simm.s32 @!p0 $0x1C07  }
0x68c: {  	[timem:s3], [sflag:s2] =	dma.local @!p0 [hbm:s0], s1  }
0x68d: {  	s0 =	simm.s32 @!p0 $0x7  }
0x68e: {  	_ =	swait.ge @!p0 [sflag:s0], s1  }
0x68f: {  	s1 =	ssub.s32 @!p0 $0x0, s1;
	[sflag:s0] =	ssyncset.done @!p0 $0x0  }
0x690: {  	[sflag:s0] =	ssyncadd.s32 @!p0 s1  }
0x691: {  	[bflag:$0x3] =	sbarrier.arrive $0xFFFF  }
0x692: {  	_ =	shalt  }

</sc_bundles>
